<compile_context>
chip_gen: v7x
topology: tpu7x:2x2x1
jax: 0.10.2.dev20260603
libtpu: 0.0.44.dev20260713+nightly
codegen_flags: <defaults>
</compile_context>

<pallas_src>
import functools

import jax
import jax.numpy as jnp
import numpy as np
from jax import lax
from jax.experimental import pallas as pl
from jax.experimental.pallas import tpu as pltpu
from jax.experimental.pallas import tpu_sc as plsc

NC, NS, L = 2, 16, 16
NW = NC * NS
N = 1_000_000
F = 26
BASE_G = 1953
BASE_ROWS = BASE_G * L
CH_G = 21
CH_ROWS = CH_G * L
N_CH = BASE_G // CH_G
N_PAIR = (N_CH - 1) // 2
FBLOCKS = ((0, 13), (13, 13))
BIG = np.float32(1e30)


def _tile_body(x_hbm, par_hbm, out_hbm, xb0, xb1, ob, parb, accb, sem0, sem1):
    cid = lax.axis_index("c")
    sid = lax.axis_index("s")
    w = sid * NC + cid
    row0 = w * BASE_ROWS + L * jnp.minimum(w, 4)

    pltpu.sync_copy(par_hbm, parb)

    iot = lax.iota(jnp.int32, L)

    def _param(base, f):
        vec = parb[pl.ds(base + 16 * (f // 16), 16)]
        return jnp.broadcast_to(vec[f % 16], (L,))

    def process(n_groups, xb):
        for bi, (fstart, nf) in enumerate(FBLOCKS):
            last = bi == len(FBLOCKS) - 1
            pv = [_param(0, fstart + j) for j in range(nf)]
            qv = [_param(32, fstart + j) for j in range(nf)]
            gv = [_param(64, fstart + j) for j in range(nf)]
            colv = [iot * 0 + (fstart + j) for j in range(nf)]

            def gbody(g, _, pv=pv, qv=qv, gv=gv, colv=colv, bi=bi, last=last,
                      nf=nf, xb=xb):
                rowv = iot + g * L
                if bi == 0:
                    acc = jnp.full((L,), BIG, dtype=jnp.float32)
                else:
                    acc = accb[pl.ds(g * L, L)]
                for j in range(nf):
                    xv = plsc.load_gather(xb, [rowv, colv[j]])
                    u = pv[j] - xv
                    v = xv - qv[j]
                    t = jnp.minimum(u, v) * gv[j]
                    acc = jnp.minimum(acc, t)
                if last:
                    y = jnp.where(acc >= 0.0, np.float32(1.0), np.float32(0.0))
                    ob[pl.ds(g * L, L)] = y
                else:
                    accb[pl.ds(g * L, L)] = acc
                return 0

            lax.fori_loop(0, n_groups, gbody, 0)

    def start_in(ci, xb, sem):
        r = row0 + ci * CH_ROWS
        pltpu.async_copy(x_hbm.at[pl.ds(r, CH_ROWS)], xb, sem)

    def finish(ci, xb, sem):
        r = row0 + ci * CH_ROWS
        pltpu.make_async_copy(x_hbm.at[pl.ds(r, CH_ROWS)], xb, sem).wait()
        process(CH_G, xb)
        pltpu.sync_copy(ob, out_hbm.at[pl.ds(r, CH_ROWS)])

    start_in(0, xb0, sem0)

    def pair_body(p, _):
        c0 = 2 * p
        start_in(c0 + 1, xb1, sem1)
        finish(c0, xb0, sem0)
        start_in(c0 + 2, xb0, sem0)
        finish(c0 + 1, xb1, sem1)
        return 0

    lax.fori_loop(0, N_PAIR, pair_body, 0)
    finish(N_CH - 1, xb0, sem0)

    @pl.when(w < 4)
    def _extra():
        r = row0 + BASE_ROWS
        pltpu.sync_copy(x_hbm.at[pl.ds(r, L)], xb1.at[pl.ds(0, L)])
        process(1, xb1)
        pltpu.sync_copy(ob.at[pl.ds(0, L)], out_hbm.at[pl.ds(r, L)])


_mesh = plsc.VectorSubcoreMesh(
    core_axis_name="c", subcore_axis_name="s", num_cores=NC, num_subcores=NS
)

_cc_call = functools.partial(
    pl.kernel,
    out_type=jax.ShapeDtypeStruct((N,), jnp.float32),
    mesh=_mesh,
    compiler_params=pltpu.CompilerParams(needs_layout_passes=False),
    scratch_types=[
        pltpu.VMEM((CH_ROWS, F), jnp.float32),
        pltpu.VMEM((CH_ROWS, F), jnp.float32),
        pltpu.VMEM((CH_ROWS,), jnp.float32),
        pltpu.VMEM((96,), jnp.float32),
        pltpu.VMEM((CH_ROWS,), jnp.float32),
        pltpu.SemaphoreType.DMA,
        pltpu.SemaphoreType.DMA,
    ],
)(_tile_body)


@jax.jit
def kernel(x, cuts, cases):
    lo = cuts[:, 0]
    hi = cuts[:, 1]
    c = cases
    p = jnp.where(c == 0, lo, jnp.where(c == 1, BIG, hi))
    q = jnp.where(c == 0, -BIG, lo)
    g = jnp.where(c == 3, np.float32(-1.0), np.float32(1.0))
    params = (
        jnp.zeros((96,), jnp.float32)
        .at[0:26].set(p.astype(jnp.float32))
        .at[32:58].set(q.astype(jnp.float32))
        .at[64:90].set(g)
    )
    y = _cc_call(x, params)
    return jnp.stack([np.float32(1.0) - y, y], axis=-1)

# --- scband reference (transcript-rebuilt; emitter-appended) ---
"""Pipeline reference for scband-cut-and-count-27728308863381 (READ-ONLY COPY).

The authoritative reference and input builder live on the scoring server;
editing this copy changes nothing except your own understanding.
"""

import jax, jax.numpy as jnp
import numpy as np


def setup_inputs(seed: int = 0) -> dict:
    key = jax.random.key(seed)
    k1, k2, k3 = jax.random.split(key, 3)
    N, F = 1000000, 26
    x = jax.random.normal(k1, (N, F), dtype=jnp.float32)
    # cuts weight: shape [F, 2] with cuts[:,0] <= cuts[:,1] (lower/upper cut per feature)
    cuts = jnp.sort(jax.random.normal(k2, (F, 2), dtype=jnp.float32), axis=1)
    # cases weight: which of the 4 cut cases each feature uses
    cases = jax.random.randint(k3, (F,), 0, 4, dtype=jnp.int32)
    return {"x": x, "cuts": cuts, "cases": cases}


def reference(x, cuts, cases):
    # Faithful translation of CutAndCount.call
    left = x <= cuts[:, 0]
    right = x >= cuts[:, 0]
    middle = jnp.logical_and(cuts[:, 0] <= x, x <= cuts[:, 1])
    both_sides = jnp.logical_or(x <= cuts[:, 0], x >= cuts[:, 1])
    # conditions: [N, F, 4]
    conditions = jnp.stack([left, right, middle, both_sides], axis=-1)
    # per-feature selection of the condition given by cases[f] (gather along last axis)
    idx = cases.astype(jnp.int32)[None, :, None]  # [1, F, 1]
    y_pred_per_feature = jnp.take_along_axis(conditions, idx, axis=2)[..., 0]  # [N, F]
    y_pred = jnp.all(y_pred_per_feature, axis=-1).astype(jnp.float32)  # [N]
    return jnp.stack([1.0 - y_pred, y_pred], axis=-1)  # [N, 2]

if __name__ == "__main__":
    import jax
    _d = setup_inputs()
    print(jax.jit(kernel)(*tuple(_d.values())))

</pallas_src>

<mosaic_0001>
#map = affine_map<(d0, d1) -> (0, 0)>
#map1 = affine_map<(d0, d1) -> (0)>
module attributes {stable_mosaic.version = 14 : i64} {
  func.func @_tile_body(%arg0: i32, %arg1: i32, %arg2: memref<1000000x26xf32, #tpu.memory_space<hbm>>, %arg3: memref<96xf32, #tpu.memory_space<hbm>>, %arg4: memref<1000000xf32, #tpu.memory_space<hbm>>, %arg5: memref<336x26xf32, #tpu.memory_space<vmem>>, %arg6: memref<336x26xf32, #tpu.memory_space<vmem>>, %arg7: memref<336xf32, #tpu.memory_space<vmem>>, %arg8: memref<96xf32, #tpu.memory_space<vmem>>, %arg9: memref<336xf32, #tpu.memory_space<vmem>>, %arg10: memref<!tpu.dma_semaphore, #tpu.memory_space<semaphore_mem>>, %arg11: memref<!tpu.dma_semaphore, #tpu.memory_space<semaphore_mem>>) attributes {dimension_semantics = [#tpu.dimension_semantics<core_parallel>, #tpu.dimension_semantics<subcore_parallel>], iteration_bounds = array<i64: 2, 16>, scalar_prefetch = 0 : i64, scratch_operands = 7 : i64, tpu.core_type = #tpu.core_type<sc_vector_subcore>, window_params = [{transform_indices = #map}, {transform_indices = #map1}, {transform_indices = #map1}]} {
    %mul3A = arith.constant 2 : i32
    %mul3A_0 = arith.muli %arg1, %mul3A : i32
    %add3A = arith.addi %mul3A_0, %arg0 : i32
    %mul3A_1 = arith.constant 31248 : i32
    %mul3A_2 = arith.muli %add3A, %mul3A_1 : i32
    %min3A = arith.constant 4 : i32
    %min3A_3 = arith.minsi %add3A, %min3A : i32
    %mul3A_4 = arith.constant 16 : i32
    %mul3A_5 = arith.muli %mul3A_4, %min3A_3 : i32
    %add3A_6 = arith.addi %mul3A_2, %mul3A_5 : i32
    "tpu.region"() ({
      %run_scoped3A = tpu.sem_alloc : memref<!tpu.dma_semaphore, #tpu.memory_space<semaphore_mem>>
      tpu.enqueue_dma source(%arg3 : memref<96xf32, #tpu.memory_space<hbm>>) target(%arg8 : memref<96xf32, #tpu.memory_space<vmem>>) target_semaphore(%run_scoped3A : memref<!tpu.dma_semaphore, #tpu.memory_space<semaphore_mem>>)
      tpu.wait_dma2 semaphore(%run_scoped3A : memref<!tpu.dma_semaphore, #tpu.memory_space<semaphore_mem>>) src(%arg3 : memref<96xf32, #tpu.memory_space<hbm>>) dst(%arg8 : memref<96xf32, #tpu.memory_space<vmem>>)
      tpu.yield
    }) : () -> ()
    %iota3A = tpu.iota {dimensions = array<i32: 0>} : vector<16xi32>
    %add3A_7 = arith.constant 0 : i32
    %add3A_8 = arith.addi %add3A_6, %add3A_7 : i32
    %dma_start3A = arith.constant 0 : i32
    %dma_start3A_9 = tpu.memref_slice %arg2[%add3A_8, %dma_start3A] : memref<1000000x26xf32, #tpu.memory_space<hbm>> -> memref<336x26xf32, #tpu.memory_space<hbm>>
    %dma_start3A_10 = arith.constant 0 : i32
    %dma_start3A_11 = tpu.memref_slice %arg2[%add3A_8, %dma_start3A_10] : memref<1000000x26xf32, #tpu.memory_space<hbm>> -> memref<336x26xf32, #tpu.memory_space<hbm>>
    tpu.enqueue_dma source(%dma_start3A_11 : memref<336x26xf32, #tpu.memory_space<hbm>>) target(%arg5 : memref<336x26xf32, #tpu.memory_space<vmem>>) target_semaphore(%arg10 : memref<!tpu.dma_semaphore, #tpu.memory_space<semaphore_mem>>)
    %scan3A = arith.constant 0 : i32
    %scan3A_12 = arith.constant 0 : i32
    %scan3A_13 = arith.constant 46 : i32
    %scan3A_14 = arith.addi %scan3A_12, %scan3A_13 : i32
    %scan3A_15 = arith.constant 1 : i32
    %scan3A_16 = scf.for %scan3A_581 = %scan3A_12 to %scan3A_14 step %scan3A_15 iter_args(%scan3A_582 = %scan3A) -> (i32)  : i32 {
      %mul3A_583 = arith.constant 2 : i32
      %mul3A_584 = arith.muli %mul3A_583, %scan3A_581 : i32
      %add3A_585 = arith.constant 1 : i32
      %add3A_586 = arith.addi %mul3A_584, %add3A_585 : i32
      %mul3A_587 = arith.constant 336 : i32
      %mul3A_588 = arith.muli %add3A_586, %mul3A_587 : i32
      %add3A_589 = arith.addi %add3A_6, %mul3A_588 : i32
      %dma_start3A_590 = arith.constant 0 : i32
      %dma_start3A_591 = tpu.memref_slice %arg2[%add3A_589, %dma_start3A_590] : memref<1000000x26xf32, #tpu.memory_space<hbm>> -> memref<336x26xf32, #tpu.memory_space<hbm>>
      %dma_start3A_592 = arith.constant 0 : i32
      %dma_start3A_593 = tpu.memref_slice %arg2[%add3A_589, %dma_start3A_592] : memref<1000000x26xf32, #tpu.memory_space<hbm>> -> memref<336x26xf32, #tpu.memory_space<hbm>>
      tpu.enqueue_dma source(%dma_start3A_593 : memref<336x26xf32, #tpu.memory_space<hbm>>) target(%arg6 : memref<336x26xf32, #tpu.memory_space<vmem>>) target_semaphore(%arg11 : memref<!tpu.dma_semaphore, #tpu.memory_space<semaphore_mem>>)
      %mul3A_594 = arith.constant 336 : i32
      %mul3A_595 = arith.muli %mul3A_584, %mul3A_594 : i32
      %add3A_596 = arith.addi %add3A_6, %mul3A_595 : i32
      %dma_wait3A_597 = arith.constant 0 : i32
      %dma_wait3A_598 = tpu.memref_slice %arg2[%add3A_596, %dma_wait3A_597] : memref<1000000x26xf32, #tpu.memory_space<hbm>> -> memref<336x26xf32, #tpu.memory_space<hbm>>
      %dma_wait3A_599 = arith.constant 0 : i32
      %dma_wait3A_600 = tpu.memref_slice %arg2[%add3A_596, %dma_wait3A_599] : memref<1000000x26xf32, #tpu.memory_space<hbm>> -> memref<336x26xf32, #tpu.memory_space<hbm>>
      tpu.wait_dma2 semaphore(%arg10 : memref<!tpu.dma_semaphore, #tpu.memory_space<semaphore_mem>>) src(%dma_wait3A_600 : memref<336x26xf32, #tpu.memory_space<hbm>>) dst(%arg5 : memref<336x26xf32, #tpu.memory_space<vmem>>)
      %get3A_601 = arith.constant 0 : index
      %get3A_602 = tpu.vector_load %arg8[%get3A_601] {strides = array<i32>} : memref<96xf32, #tpu.memory_space<vmem>>, vector<16xf32>,
      %slice3A_603 = vector.extract_strided_slice %get3A_602 {offsets = [0], sizes = [1], strides = [1]} : vector<16xf32> to vector<1xf32>
      %squeeze3A_604 = vector.extract %slice3A_603[0] : f32 from vector<1xf32>
      %broadcast_in_dim3A_605 = vector.broadcast %squeeze3A_604 : f32 to vector<16xf32>
      %get3A_606 = arith.constant 0 : index
      %get3A_607 = tpu.vector_load %arg8[%get3A_606] {strides = array<i32>} : memref<96xf32, #tpu.memory_space<vmem>>, vector<16xf32>,
      %slice3A_608 = vector.extract_strided_slice %get3A_607 {offsets = [1], sizes = [1], strides = [1]} : vector<16xf32> to vector<1xf32>
      %squeeze3A_609 = vector.extract %slice3A_608[0] : f32 from vector<1xf32>
      %broadcast_in_dim3A_610 = vector.broadcast %squeeze3A_609 : f32 to vector<16xf32>
      %get3A_611 = arith.constant 0 : index
      %get3A_612 = tpu.vector_load %arg8[%get3A_611] {strides = array<i32>} : memref<96xf32, #tpu.memory_space<vmem>>, vector<16xf32>,
      %slice3A_613 = vector.extract_strided_slice %get3A_612 {offsets = [2], sizes = [1], strides = [1]} : vector<16xf32> to vector<1xf32>
      %squeeze3A_614 = vector.extract %slice3A_613[0] : f32 from vector<1xf32>
      %broadcast_in_dim3A_615 = vector.broadcast %squeeze3A_614 : f32 to vector<16xf32>
      %get3A_616 = arith.constant 0 : index
      %get3A_617 = tpu.vector_load %arg8[%get3A_616] {strides = array<i32>} : memref<96xf32, #tpu.memory_space<vmem>>, vector<16xf32>,
      %slice3A_618 = vector.extract_strided_slice %get3A_617 {offsets = [3], sizes = [1], strides = [1]} : vector<16xf32> to vector<1xf32>
      %squeeze3A_619 = vector.extract %slice3A_618[0] : f32 from vector<1xf32>
      %broadcast_in_dim3A_620 = vector.broadcast %squeeze3A_619 : f32 to vector<16xf32>
      %get3A_621 = arith.constant 0 : index
      %get3A_622 = tpu.vector_load %arg8[%get3A_621] {strides = array<i32>} : memref<96xf32, #tpu.memory_space<vmem>>, vector<16xf32>,
      %slice3A_623 = vector.extract_strided_slice %get3A_622 {offsets = [4], sizes = [1], strides = [1]} : vector<16xf32> to vector<1xf32>
      %squeeze3A_624 = vector.extract %slice3A_623[0] : f32 from vector<1xf32>
      %broadcast_in_dim3A_625 = vector.broadcast %squeeze3A_624 : f32 to vector<16xf32>
      %get3A_626 = arith.constant 0 : index
      %get3A_627 = tpu.vector_load %arg8[%get3A_626] {strides = array<i32>} : memref<96xf32, #tpu.memory_space<vmem>>, vector<16xf32>,
      %slice3A_628 = vector.extract_strided_slice %get3A_627 {offsets = [5], sizes = [1], strides = [1]} : vector<16xf32> to vector<1xf32>
      %squeeze3A_629 = vector.extract %slice3A_628[0] : f32 from vector<1xf32>
      %broadcast_in_dim3A_630 = vector.broadcast %squeeze3A_629 : f32 to vector<16xf32>
      %get3A_631 = arith.constant 0 : index
      %get3A_632 = tpu.vector_load %arg8[%get3A_631] {strides = array<i32>} : memref<96xf32, #tpu.memory_space<vmem>>, vector<16xf32>,
      %slice3A_633 = vector.extract_strided_slice %get3A_632 {offsets = [6], sizes = [1], strides = [1]} : vector<16xf32> to vector<1xf32>
      %squeeze3A_634 = vector.extract %slice3A_633[0] : f32 from vector<1xf32>
      %broadcast_in_dim3A_635 = vector.broadcast %squeeze3A_634 : f32 to vector<16xf32>
      %get3A_636 = arith.constant 0 : index
      %get3A_637 = tpu.vector_load %arg8[%get3A_636] {strides = array<i32>} : memref<96xf32, #tpu.memory_space<vmem>>, vector<16xf32>,
      %slice3A_638 = vector.extract_strided_slice %get3A_637 {offsets = [7], sizes = [1], strides = [1]} : vector<16xf32> to vector<1xf32>
      %squeeze3A_639 = vector.extract %slice3A_638[0] : f32 from vector<1xf32>
      %broadcast_in_dim3A_640 = vector.broadcast %squeeze3A_639 : f32 to vector<16xf32>
      %get3A_641 = arith.constant 0 : index
      %get3A_642 = tpu.vector_load %arg8[%get3A_641] {strides = array<i32>} : memref<96xf32, #tpu.memory_space<vmem>>, vector<16xf32>,
      %slice3A_643 = vector.extract_strided_slice %get3A_642 {offsets = [8], sizes = [1], strides = [1]} : vector<16xf32> to vector<1xf32>
      %squeeze3A_644 = vector.extract %slice3A_643[0] : f32 from vector<1xf32>
      %broadcast_in_dim3A_645 = vector.broadcast %squeeze3A_644 : f32 to vector<16xf32>
      %get3A_646 = arith.constant 0 : index
      %get3A_647 = tpu.vector_load %arg8[%get3A_646] {strides = array<i32>} : memref<96xf32, #tpu.memory_space<vmem>>, vector<16xf32>,
      %slice3A_648 = vector.extract_strided_slice %get3A_647 {offsets = [9], sizes = [1], strides = [1]} : vector<16xf32> to vector<1xf32>
      %squeeze3A_649 = vector.extract %slice3A_648[0] : f32 from vector<1xf32>
      %broadcast_in_dim3A_650 = vector.broadcast %squeeze3A_649 : f32 to vector<16xf32>
      %get3A_651 = arith.constant 0 : index
      %get3A_652 = tpu.vector_load %arg8[%get3A_651] {strides = array<i32>} : memref<96xf32, #tpu.memory_space<vmem>>, vector<16xf32>,
      %slice3A_653 = vector.extract_strided_slice %get3A_652 {offsets = [10], sizes = [1], strides = [1]} : vector<16xf32> to vector<1xf32>
      %squeeze3A_654 = vector.extract %slice3A_653[0] : f32 from vector<1xf32>
      %broadcast_in_dim3A_655 = vector.broadcast %squeeze3A_654 : f32 to vector<16xf32>
      %get3A_656 = arith.constant 0 : index
      %get3A_657 = tpu.vector_load %arg8[%get3A_656] {strides = array<i32>} : memref<96xf32, #tpu.memory_space<vmem>>, vector<16xf32>,
      %slice3A_658 = vector.extract_strided_slice %get3A_657 {offsets = [11], sizes = [1], strides = [1]} : vector<16xf32> to vector<1xf32>
      %squeeze3A_659 = vector.extract %slice3A_658[0] : f32 from vector<1xf32>
      %broadcast_in_dim3A_660 = vector.broadcast %squeeze3A_659 : f32 to vector<16xf32>
      %get3A_661 = arith.constant 0 : index
      %get3A_662 = tpu.vector_load %arg8[%get3A_661] {strides = array<i32>} : memref<96xf32, #tpu.memory_space<vmem>>, vector<16xf32>,
      %slice3A_663 = vector.extract_strided_slice %get3A_662 {offsets = [12], sizes = [1], strides = [1]} : vector<16xf32> to vector<1xf32>
      %squeeze3A_664 = vector.extract %slice3A_663[0] : f32 from vector<1xf32>
      %broadcast_in_dim3A_665 = vector.broadcast %squeeze3A_664 : f32 to vector<16xf32>
      %get3A_666 = arith.constant 32 : index
      %get3A_667 = tpu.vector_load %arg8[%get3A_666] {strides = array<i32>} : memref<96xf32, #tpu.memory_space<vmem>>, vector<16xf32>,
      %slice3A_668 = vector.extract_strided_slice %get3A_667 {offsets = [0], sizes = [1], strides = [1]} : vector<16xf32> to vector<1xf32>
      %squeeze3A_669 = vector.extract %slice3A_668[0] : f32 from vector<1xf32>
      %broadcast_in_dim3A_670 = vector.broadcast %squeeze3A_669 : f32 to vector<16xf32>
      %get3A_671 = arith.constant 32 : index
      %get3A_672 = tpu.vector_load %arg8[%get3A_671] {strides = array<i32>} : memref<96xf32, #tpu.memory_space<vmem>>, vector<16xf32>,
      %slice3A_673 = vector.extract_strided_slice %get3A_672 {offsets = [1], sizes = [1], strides = [1]} : vector<16xf32> to vector<1xf32>
      %squeeze3A_674 = vector.extract %slice3A_673[0] : f32 from vector<1xf32>
      %broadcast_in_dim3A_675 = vector.broadcast %squeeze3A_674 : f32 to vector<16xf32>
      %get3A_676 = arith.constant 32 : index
      %get3A_677 = tpu.vector_load %arg8[%get3A_676] {strides = array<i32>} : memref<96xf32, #tpu.memory_space<vmem>>, vector<16xf32>,
      %slice3A_678 = vector.extract_strided_slice %get3A_677 {offsets = [2], sizes = [1], strides = [1]} : vector<16xf32> to vector<1xf32>
      %squeeze3A_679 = vector.extract %slice3A_678[0] : f32 from vector<1xf32>
      %broadcast_in_dim3A_680 = vector.broadcast %squeeze3A_679 : f32 to vector<16xf32>
      %get3A_681 = arith.constant 32 : index
      %get3A_682 = tpu.vector_load %arg8[%get3A_681] {strides = array<i32>} : memref<96xf32, #tpu.memory_space<vmem>>, vector<16xf32>,
      %slice3A_683 = vector.extract_strided_slice %get3A_682 {offsets = [3], sizes = [1], strides = [1]} : vector<16xf32> to vector<1xf32>
      %squeeze3A_684 = vector.extract %slice3A_683[0] : f32 from vector<1xf32>
      %broadcast_in_dim3A_685 = vector.broadcast %squeeze3A_684 : f32 to vector<16xf32>
      %get3A_686 = arith.constant 32 : index
      %get3A_687 = tpu.vector_load %arg8[%get3A_686] {strides = array<i32>} : memref<96xf32, #tpu.memory_space<vmem>>, vector<16xf32>,
      %slice3A_688 = vector.extract_strided_slice %get3A_687 {offsets = [4], sizes = [1], strides = [1]} : vector<16xf32> to vector<1xf32>
      %squeeze3A_689 = vector.extract %slice3A_688[0] : f32 from vector<1xf32>
      %broadcast_in_dim3A_690 = vector.broadcast %squeeze3A_689 : f32 to vector<16xf32>
      %get3A_691 = arith.constant 32 : index
      %get3A_692 = tpu.vector_load %arg8[%get3A_691] {strides = array<i32>} : memref<96xf32, #tpu.memory_space<vmem>>, vector<16xf32>,
      %slice3A_693 = vector.extract_strided_slice %get3A_692 {offsets = [5], sizes = [1], strides = [1]} : vector<16xf32> to vector<1xf32>
      %squeeze3A_694 = vector.extract %slice3A_693[0] : f32 from vector<1xf32>
      %broadcast_in_dim3A_695 = vector.broadcast %squeeze3A_694 : f32 to vector<16xf32>
      %get3A_696 = arith.constant 32 : index
      %get3A_697 = tpu.vector_load %arg8[%get3A_696] {strides = array<i32>} : memref<96xf32, #tpu.memory_space<vmem>>, vector<16xf32>,
      %slice3A_698 = vector.extract_strided_slice %get3A_697 {offsets = [6], sizes = [1], strides = [1]} : vector<16xf32> to vector<1xf32>
      %squeeze3A_699 = vector.extract %slice3A_698[0] : f32 from vector<1xf32>
      %broadcast_in_dim3A_700 = vector.broadcast %squeeze3A_699 : f32 to vector<16xf32>
      %get3A_701 = arith.constant 32 : index
      %get3A_702 = tpu.vector_load %arg8[%get3A_701] {strides = array<i32>} : memref<96xf32, #tpu.memory_space<vmem>>, vector<16xf32>,
      %slice3A_703 = vector.extract_strided_slice %get3A_702 {offsets = [7], sizes = [1], strides = [1]} : vector<16xf32> to vector<1xf32>
      %squeeze3A_704 = vector.extract %slice3A_703[0] : f32 from vector<1xf32>
      %broadcast_in_dim3A_705 = vector.broadcast %squeeze3A_704 : f32 to vector<16xf32>
      %get3A_706 = arith.constant 32 : index
      %get3A_707 = tpu.vector_load %arg8[%get3A_706] {strides = array<i32>} : memref<96xf32, #tpu.memory_space<vmem>>, vector<16xf32>,
      %slice3A_708 = vector.extract_strided_slice %get3A_707 {offsets = [8], sizes = [1], strides = [1]} : vector<16xf32> to vector<1xf32>
      %squeeze3A_709 = vector.extract %slice3A_708[0] : f32 from vector<1xf32>
      %broadcast_in_dim3A_710 = vector.broadcast %squeeze3A_709 : f32 to vector<16xf32>
      %get3A_711 = arith.constant 32 : index
      %get3A_712 = tpu.vector_load %arg8[%get3A_711] {strides = array<i32>} : memref<96xf32, #tpu.memory_space<vmem>>, vector<16xf32>,
      %slice3A_713 = vector.extract_strided_slice %get3A_712 {offsets = [9], sizes = [1], strides = [1]} : vector<16xf32> to vector<1xf32>
      %squeeze3A_714 = vector.extract %slice3A_713[0] : f32 from vector<1xf32>
      %broadcast_in_dim3A_715 = vector.broadcast %squeeze3A_714 : f32 to vector<16xf32>
      %get3A_716 = arith.constant 32 : index
      %get3A_717 = tpu.vector_load %arg8[%get3A_716] {strides = array<i32>} : memref<96xf32, #tpu.memory_space<vmem>>, vector<16xf32>,
      %slice3A_718 = vector.extract_strided_slice %get3A_717 {offsets = [10], sizes = [1], strides = [1]} : vector<16xf32> to vector<1xf32>
      %squeeze3A_719 = vector.extract %slice3A_718[0] : f32 from vector<1xf32>
      %broadcast_in_dim3A_720 = vector.broadcast %squeeze3A_719 : f32 to vector<16xf32>
      %get3A_721 = arith.constant 32 : index
      %get3A_722 = tpu.vector_load %arg8[%get3A_721] {strides = array<i32>} : memref<96xf32, #tpu.memory_space<vmem>>, vector<16xf32>,
      %slice3A_723 = vector.extract_strided_slice %get3A_722 {offsets = [11], sizes = [1], strides = [1]} : vector<16xf32> to vector<1xf32>
      %squeeze3A_724 = vector.extract %slice3A_723[0] : f32 from vector<1xf32>
      %broadcast_in_dim3A_725 = vector.broadcast %squeeze3A_724 : f32 to vector<16xf32>
      %get3A_726 = arith.constant 32 : index
      %get3A_727 = tpu.vector_load %arg8[%get3A_726] {strides = array<i32>} : memref<96xf32, #tpu.memory_space<vmem>>, vector<16xf32>,
      %slice3A_728 = vector.extract_strided_slice %get3A_727 {offsets = [12], sizes = [1], strides = [1]} : vector<16xf32> to vector<1xf32>
      %squeeze3A_729 = vector.extract %slice3A_728[0] : f32 from vector<1xf32>
      %broadcast_in_dim3A_730 = vector.broadcast %squeeze3A_729 : f32 to vector<16xf32>
      %get3A_731 = arith.constant 64 : index
      %get3A_732 = tpu.vector_load %arg8[%get3A_731] {strides = array<i32>} : memref<96xf32, #tpu.memory_space<vmem>>, vector<16xf32>,
      %slice3A_733 = vector.extract_strided_slice %get3A_732 {offsets = [0], sizes = [1], strides = [1]} : vector<16xf32> to vector<1xf32>
      %squeeze3A_734 = vector.extract %slice3A_733[0] : f32 from vector<1xf32>
      %broadcast_in_dim3A_735 = vector.broadcast %squeeze3A_734 : f32 to vector<16xf32>
      %get3A_736 = arith.constant 64 : index
      %get3A_737 = tpu.vector_load %arg8[%get3A_736] {strides = array<i32>} : memref<96xf32, #tpu.memory_space<vmem>>, vector<16xf32>,
      %slice3A_738 = vector.extract_strided_slice %get3A_737 {offsets = [1], sizes = [1], strides = [1]} : vector<16xf32> to vector<1xf32>
      %squeeze3A_739 = vector.extract %slice3A_738[0] : f32 from vector<1xf32>
      %broadcast_in_dim3A_740 = vector.broadcast %squeeze3A_739 : f32 to vector<16xf32>
      %get3A_741 = arith.constant 64 : index
      %get3A_742 = tpu.vector_load %arg8[%get3A_741] {strides = array<i32>} : memref<96xf32, #tpu.memory_space<vmem>>, vector<16xf32>,
      %slice3A_743 = vector.extract_strided_slice %get3A_742 {offsets = [2], sizes = [1], strides = [1]} : vector<16xf32> to vector<1xf32>
      %squeeze3A_744 = vector.extract %slice3A_743[0] : f32 from vector<1xf32>
      %broadcast_in_dim3A_745 = vector.broadcast %squeeze3A_744 : f32 to vector<16xf32>
      %get3A_746 = arith.constant 64 : index
      %get3A_747 = tpu.vector_load %arg8[%get3A_746] {strides = array<i32>} : memref<96xf32, #tpu.memory_space<vmem>>, vector<16xf32>,
      %slice3A_748 = vector.extract_strided_slice %get3A_747 {offsets = [3], sizes = [1], strides = [1]} : vector<16xf32> to vector<1xf32>
      %squeeze3A_749 = vector.extract %slice3A_748[0] : f32 from vector<1xf32>
      %broadcast_in_dim3A_750 = vector.broadcast %squeeze3A_749 : f32 to vector<16xf32>
      %get3A_751 = arith.constant 64 : index
      %get3A_752 = tpu.vector_load %arg8[%get3A_751] {strides = array<i32>} : memref<96xf32, #tpu.memory_space<vmem>>, vector<16xf32>,
      %slice3A_753 = vector.extract_strided_slice %get3A_752 {offsets = [4], sizes = [1], strides = [1]} : vector<16xf32> to vector<1xf32>
      %squeeze3A_754 = vector.extract %slice3A_753[0] : f32 from vector<1xf32>
      %broadcast_in_dim3A_755 = vector.broadcast %squeeze3A_754 : f32 to vector<16xf32>
      %get3A_756 = arith.constant 64 : index
      %get3A_757 = tpu.vector_load %arg8[%get3A_756] {strides = array<i32>} : memref<96xf32, #tpu.memory_space<vmem>>, vector<16xf32>,
      %slice3A_758 = vector.extract_strided_slice %get3A_757 {offsets = [5], sizes = [1], strides = [1]} : vector<16xf32> to vector<1xf32>
      %squeeze3A_759 = vector.extract %slice3A_758[0] : f32 from vector<1xf32>
      %broadcast_in_dim3A_760 = vector.broadcast %squeeze3A_759 : f32 to vector<16xf32>
      %get3A_761 = arith.constant 64 : index
      %get3A_762 = tpu.vector_load %arg8[%get3A_761] {strides = array<i32>} : memref<96xf32, #tpu.memory_space<vmem>>, vector<16xf32>,
      %slice3A_763 = vector.extract_strided_slice %get3A_762 {offsets = [6], sizes = [1], strides = [1]} : vector<16xf32> to vector<1xf32>
      %squeeze3A_764 = vector.extract %slice3A_763[0] : f32 from vector<1xf32>
      %broadcast_in_dim3A_765 = vector.broadcast %squeeze3A_764 : f32 to vector<16xf32>
      %get3A_766 = arith.constant 64 : index
      %get3A_767 = tpu.vector_load %arg8[%get3A_766] {strides = array<i32>} : memref<96xf32, #tpu.memory_space<vmem>>, vector<16xf32>,
      %slice3A_768 = vector.extract_strided_slice %get3A_767 {offsets = [7], sizes = [1], strides = [1]} : vector<16xf32> to vector<1xf32>
      %squeeze3A_769 = vector.extract %slice3A_768[0] : f32 from vector<1xf32>
      %broadcast_in_dim3A_770 = vector.broadcast %squeeze3A_769 : f32 to vector<16xf32>
      %get3A_771 = arith.constant 64 : index
      %get3A_772 = tpu.vector_load %arg8[%get3A_771] {strides = array<i32>} : memref<96xf32, #tpu.memory_space<vmem>>, vector<16xf32>,
      %slice3A_773 = vector.extract_strided_slice %get3A_772 {offsets = [8], sizes = [1], strides = [1]} : vector<16xf32> to vector<1xf32>
      %squeeze3A_774 = vector.extract %slice3A_773[0] : f32 from vector<1xf32>
      %broadcast_in_dim3A_775 = vector.broadcast %squeeze3A_774 : f32 to vector<16xf32>
      %get3A_776 = arith.constant 64 : index
      %get3A_777 = tpu.vector_load %arg8[%get3A_776] {strides = array<i32>} : memref<96xf32, #tpu.memory_space<vmem>>, vector<16xf32>,
      %slice3A_778 = vector.extract_strided_slice %get3A_777 {offsets = [9], sizes = [1], strides = [1]} : vector<16xf32> to vector<1xf32>
      %squeeze3A_779 = vector.extract %slice3A_778[0] : f32 from vector<1xf32>
      %broadcast_in_dim3A_780 = vector.broadcast %squeeze3A_779 : f32 to vector<16xf32>
      %get3A_781 = arith.constant 64 : index
      %get3A_782 = tpu.vector_load %arg8[%get3A_781] {strides = array<i32>} : memref<96xf32, #tpu.memory_space<vmem>>, vector<16xf32>,
      %slice3A_783 = vector.extract_strided_slice %get3A_782 {offsets = [10], sizes = [1], strides = [1]} : vector<16xf32> to vector<1xf32>
      %squeeze3A_784 = vector.extract %slice3A_783[0] : f32 from vector<1xf32>
      %broadcast_in_dim3A_785 = vector.broadcast %squeeze3A_784 : f32 to vector<16xf32>
      %get3A_786 = arith.constant 64 : index
      %get3A_787 = tpu.vector_load %arg8[%get3A_786] {strides = array<i32>} : memref<96xf32, #tpu.memory_space<vmem>>, vector<16xf32>,
      %slice3A_788 = vector.extract_strided_slice %get3A_787 {offsets = [11], sizes = [1], strides = [1]} : vector<16xf32> to vector<1xf32>
      %squeeze3A_789 = vector.extract %slice3A_788[0] : f32 from vector<1xf32>
      %broadcast_in_dim3A_790 = vector.broadcast %squeeze3A_789 : f32 to vector<16xf32>
      %get3A_791 = arith.constant 64 : index
      %get3A_792 = tpu.vector_load %arg8[%get3A_791] {strides = array<i32>} : memref<96xf32, #tpu.memory_space<vmem>>, vector<16xf32>,
      %slice3A_793 = vector.extract_strided_slice %get3A_792 {offsets = [12], sizes = [1], strides = [1]} : vector<16xf32> to vector<1xf32>
      %squeeze3A_794 = vector.extract %slice3A_793[0] : f32 from vector<1xf32>
      %broadcast_in_dim3A_795 = vector.broadcast %squeeze3A_794 : f32 to vector<16xf32>
      %mul3A_796 = arith.constant 0 : i32
      %mul3A_797 = vector.broadcast %mul3A_796 : i32 to vector<16xi32>
      %mul3A_798 = arith.muli %iota3A, %mul3A_797 : vector<16xi32>
      %add3A_799 = arith.constant 0 : i32
      %add3A_800 = vector.broadcast %add3A_799 : i32 to vector<16xi32>
      %add3A_801 = arith.addi %mul3A_798, %add3A_800 : vector<16xi32>
      %mul3A_802 = arith.constant 0 : i32
      %mul3A_803 = vector.broadcast %mul3A_802 : i32 to vector<16xi32>
      %mul3A_804 = arith.muli %iota3A, %mul3A_803 : vector<16xi32>
      %add3A_805 = arith.constant 1 : i32
      %add3A_806 = vector.broadcast %add3A_805 : i32 to vector<16xi32>
      %add3A_807 = arith.addi %mul3A_804, %add3A_806 : vector<16xi32>
      %mul3A_808 = arith.constant 0 : i32
      %mul3A_809 = vector.broadcast %mul3A_808 : i32 to vector<16xi32>
      %mul3A_810 = arith.muli %iota3A, %mul3A_809 : vector<16xi32>
      %add3A_811 = arith.constant 2 : i32
      %add3A_812 = vector.broadcast %add3A_811 : i32 to vector<16xi32>
      %add3A_813 = arith.addi %mul3A_810, %add3A_812 : vector<16xi32>
      %mul3A_814 = arith.constant 0 : i32
      %mul3A_815 = vector.broadcast %mul3A_814 : i32 to vector<16xi32>
      %mul3A_816 = arith.muli %iota3A, %mul3A_815 : vector<16xi32>
      %add3A_817 = arith.constant 3 : i32
      %add3A_818 = vector.broadcast %add3A_817 : i32 to vector<16xi32>
      %add3A_819 = arith.addi %mul3A_816, %add3A_818 : vector<16xi32>
      %mul3A_820 = arith.constant 0 : i32
      %mul3A_821 = vector.broadcast %mul3A_820 : i32 to vector<16xi32>
      %mul3A_822 = arith.muli %iota3A, %mul3A_821 : vector<16xi32>
      %add3A_823 = arith.constant 4 : i32
      %add3A_824 = vector.broadcast %add3A_823 : i32 to vector<16xi32>
      %add3A_825 = arith.addi %mul3A_822, %add3A_824 : vector<16xi32>
      %mul3A_826 = arith.constant 0 : i32
      %mul3A_827 = vector.broadcast %mul3A_826 : i32 to vector<16xi32>
      %mul3A_828 = arith.muli %iota3A, %mul3A_827 : vector<16xi32>
      %add3A_829 = arith.constant 5 : i32
      %add3A_830 = vector.broadcast %add3A_829 : i32 to vector<16xi32>
      %add3A_831 = arith.addi %mul3A_828, %add3A_830 : vector<16xi32>
      %mul3A_832 = arith.constant 0 : i32
      %mul3A_833 = vector.broadcast %mul3A_832 : i32 to vector<16xi32>
      %mul3A_834 = arith.muli %iota3A, %mul3A_833 : vector<16xi32>
      %add3A_835 = arith.constant 6 : i32
      %add3A_836 = vector.broadcast %add3A_835 : i32 to vector<16xi32>
      %add3A_837 = arith.addi %mul3A_834, %add3A_836 : vector<16xi32>
      %mul3A_838 = arith.constant 0 : i32
      %mul3A_839 = vector.broadcast %mul3A_838 : i32 to vector<16xi32>
      %mul3A_840 = arith.muli %iota3A, %mul3A_839 : vector<16xi32>
      %add3A_841 = arith.constant 7 : i32
      %add3A_842 = vector.broadcast %add3A_841 : i32 to vector<16xi32>
      %add3A_843 = arith.addi %mul3A_840, %add3A_842 : vector<16xi32>
      %mul3A_844 = arith.constant 0 : i32
      %mul3A_845 = vector.broadcast %mul3A_844 : i32 to vector<16xi32>
      %mul3A_846 = arith.muli %iota3A, %mul3A_845 : vector<16xi32>
      %add3A_847 = arith.constant 8 : i32
      %add3A_848 = vector.broadcast %add3A_847 : i32 to vector<16xi32>
      %add3A_849 = arith.addi %mul3A_846, %add3A_848 : vector<16xi32>
      %mul3A_850 = arith.constant 0 : i32
      %mul3A_851 = vector.broadcast %mul3A_850 : i32 to vector<16xi32>
      %mul3A_852 = arith.muli %iota3A, %mul3A_851 : vector<16xi32>
      %add3A_853 = arith.constant 9 : i32
      %add3A_854 = vector.broadcast %add3A_853 : i32 to vector<16xi32>
      %add3A_855 = arith.addi %mul3A_852, %add3A_854 : vector<16xi32>
      %mul3A_856 = arith.constant 0 : i32
      %mul3A_857 = vector.broadcast %mul3A_856 : i32 to vector<16xi32>
      %mul3A_858 = arith.muli %iota3A, %mul3A_857 : vector<16xi32>
      %add3A_859 = arith.constant 10 : i32
      %add3A_860 = vector.broadcast %add3A_859 : i32 to vector<16xi32>
      %add3A_861 = arith.addi %mul3A_858, %add3A_860 : vector<16xi32>
      %mul3A_862 = arith.constant 0 : i32
      %mul3A_863 = vector.broadcast %mul3A_862 : i32 to vector<16xi32>
      %mul3A_864 = arith.muli %iota3A, %mul3A_863 : vector<16xi32>
      %add3A_865 = arith.constant 11 : i32
      %add3A_866 = vector.broadcast %add3A_865 : i32 to vector<16xi32>
      %add3A_867 = arith.addi %mul3A_864, %add3A_866 : vector<16xi32>
      %mul3A_868 = arith.constant 0 : i32
      %mul3A_869 = vector.broadcast %mul3A_868 : i32 to vector<16xi32>
      %mul3A_870 = arith.muli %iota3A, %mul3A_869 : vector<16xi32>
      %add3A_871 = arith.constant 12 : i32
      %add3A_872 = vector.broadcast %add3A_871 : i32 to vector<16xi32>
      %add3A_873 = arith.addi %mul3A_870, %add3A_872 : vector<16xi32>
      %scan3A_874 = arith.constant 0 : i32
      %scan3A_875 = arith.constant 0 : i32
      %scan3A_876 = arith.constant 21 : i32
      %scan3A_877 = arith.addi %scan3A_875, %scan3A_876 : i32
      %scan3A_878 = arith.constant 1 : i32
      %scan3A_879 = scf.for %scan3A_1740 = %scan3A_875 to %scan3A_877 step %scan3A_878 iter_args(%scan3A_1741 = %scan3A_874) -> (i32)  : i32 {
        %mul3A_1742 = arith.constant 16 : i32
        %mul3A_1743 = arith.muli %scan3A_1740, %mul3A_1742 : i32
        %add3A_1744 = vector.broadcast %mul3A_1743 : i32 to vector<16xi32>
        %add3A_1745 = arith.addi %iota3A, %add3A_1744 : vector<16xi32>
        %broadcast_in_dim3A_1746 = arith.constant 1.000000e+30 : f32
        %broadcast_in_dim3A_1747 = vector.broadcast %broadcast_in_dim3A_1746 : f32 to vector<16xf32>
        %gather3A = tpu.vector_load_idx %arg5[%add3A_1745, %add3A_801] : memref<336x26xf32, #tpu.memory_space<vmem>>[vector<16xi32>, vector<16xi32>], vector<16xf32>,
        %sub3A = arith.subf %broadcast_in_dim3A_605, %gather3A : vector<16xf32>
        %sub3A_1748 = arith.subf %gather3A, %broadcast_in_dim3A_670 : vector<16xf32>
        %min3A_1749 = arith.minimumf %sub3A, %sub3A_1748 : vector<16xf32>
        %mul3A_1750 = arith.mulf %min3A_1749, %broadcast_in_dim3A_735 : vector<16xf32>
        %min3A_1751 = arith.minimumf %broadcast_in_dim3A_1747, %mul3A_1750 : vector<16xf32>
        %gather3A_1752 = tpu.vector_load_idx %arg5[%add3A_1745, %add3A_807] : memref<336x26xf32, #tpu.memory_space<vmem>>[vector<16xi32>, vector<16xi32>], vector<16xf32>,
        %sub3A_1753 = arith.subf %broadcast_in_dim3A_610, %gather3A_1752 : vector<16xf32>
        %sub3A_1754 = arith.subf %gather3A_1752, %broadcast_in_dim3A_675 : vector<16xf32>
        %min3A_1755 = arith.minimumf %sub3A_1753, %sub3A_1754 : vector<16xf32>
        %mul3A_1756 = arith.mulf %min3A_1755, %broadcast_in_dim3A_740 : vector<16xf32>
        %min3A_1757 = arith.minimumf %min3A_1751, %mul3A_1756 : vector<16xf32>
        %gather3A_1758 = tpu.vector_load_idx %arg5[%add3A_1745, %add3A_813] : memref<336x26xf32, #tpu.memory_space<vmem>>[vector<16xi32>, vector<16xi32>], vector<16xf32>,
        %sub3A_1759 = arith.subf %broadcast_in_dim3A_615, %gather3A_1758 : vector<16xf32>
        %sub3A_1760 = arith.subf %gather3A_1758, %broadcast_in_dim3A_680 : vector<16xf32>
        %min3A_1761 = arith.minimumf %sub3A_1759, %sub3A_1760 : vector<16xf32>
        %mul3A_1762 = arith.mulf %min3A_1761, %broadcast_in_dim3A_745 : vector<16xf32>
        %min3A_1763 = arith.minimumf %min3A_1757, %mul3A_1762 : vector<16xf32>
        %gather3A_1764 = tpu.vector_load_idx %arg5[%add3A_1745, %add3A_819] : memref<336x26xf32, #tpu.memory_space<vmem>>[vector<16xi32>, vector<16xi32>], vector<16xf32>,
        %sub3A_1765 = arith.subf %broadcast_in_dim3A_620, %gather3A_1764 : vector<16xf32>
        %sub3A_1766 = arith.subf %gather3A_1764, %broadcast_in_dim3A_685 : vector<16xf32>
        %min3A_1767 = arith.minimumf %sub3A_1765, %sub3A_1766 : vector<16xf32>
        %mul3A_1768 = arith.mulf %min3A_1767, %broadcast_in_dim3A_750 : vector<16xf32>
        %min3A_1769 = arith.minimumf %min3A_1763, %mul3A_1768 : vector<16xf32>
        %gather3A_1770 = tpu.vector_load_idx %arg5[%add3A_1745, %add3A_825] : memref<336x26xf32, #tpu.memory_space<vmem>>[vector<16xi32>, vector<16xi32>], vector<16xf32>,
        %sub3A_1771 = arith.subf %broadcast_in_dim3A_625, %gather3A_1770 : vector<16xf32>
        %sub3A_1772 = arith.subf %gather3A_1770, %broadcast_in_dim3A_690 : vector<16xf32>
        %min3A_1773 = arith.minimumf %sub3A_1771, %sub3A_1772 : vector<16xf32>
        %mul3A_1774 = arith.mulf %min3A_1773, %broadcast_in_dim3A_755 : vector<16xf32>
        %min3A_1775 = arith.minimumf %min3A_1769, %mul3A_1774 : vector<16xf32>
        %gather3A_1776 = tpu.vector_load_idx %arg5[%add3A_1745, %add3A_831] : memref<336x26xf32, #tpu.memory_space<vmem>>[vector<16xi32>, vector<16xi32>], vector<16xf32>,
        %sub3A_1777 = arith.subf %broadcast_in_dim3A_630, %gather3A_1776 : vector<16xf32>
        %sub3A_1778 = arith.subf %gather3A_1776, %broadcast_in_dim3A_695 : vector<16xf32>
        %min3A_1779 = arith.minimumf %sub3A_1777, %sub3A_1778 : vector<16xf32>
        %mul3A_1780 = arith.mulf %min3A_1779, %broadcast_in_dim3A_760 : vector<16xf32>
        %min3A_1781 = arith.minimumf %min3A_1775, %mul3A_1780 : vector<16xf32>
        %gather3A_1782 = tpu.vector_load_idx %arg5[%add3A_1745, %add3A_837] : memref<336x26xf32, #tpu.memory_space<vmem>>[vector<16xi32>, vector<16xi32>], vector<16xf32>,
        %sub3A_1783 = arith.subf %broadcast_in_dim3A_635, %gather3A_1782 : vector<16xf32>
        %sub3A_1784 = arith.subf %gather3A_1782, %broadcast_in_dim3A_700 : vector<16xf32>
        %min3A_1785 = arith.minimumf %sub3A_1783, %sub3A_1784 : vector<16xf32>
        %mul3A_1786 = arith.mulf %min3A_1785, %broadcast_in_dim3A_765 : vector<16xf32>
        %min3A_1787 = arith.minimumf %min3A_1781, %mul3A_1786 : vector<16xf32>
        %gather3A_1788 = tpu.vector_load_idx %arg5[%add3A_1745, %add3A_843] : memref<336x26xf32, #tpu.memory_space<vmem>>[vector<16xi32>, vector<16xi32>], vector<16xf32>,
        %sub3A_1789 = arith.subf %broadcast_in_dim3A_640, %gather3A_1788 : vector<16xf32>
        %sub3A_1790 = arith.subf %gather3A_1788, %broadcast_in_dim3A_705 : vector<16xf32>
        %min3A_1791 = arith.minimumf %sub3A_1789, %sub3A_1790 : vector<16xf32>
        %mul3A_1792 = arith.mulf %min3A_1791, %broadcast_in_dim3A_770 : vector<16xf32>
        %min3A_1793 = arith.minimumf %min3A_1787, %mul3A_1792 : vector<16xf32>
        %gather3A_1794 = tpu.vector_load_idx %arg5[%add3A_1745, %add3A_849] : memref<336x26xf32, #tpu.memory_space<vmem>>[vector<16xi32>, vector<16xi32>], vector<16xf32>,
        %sub3A_1795 = arith.subf %broadcast_in_dim3A_645, %gather3A_1794 : vector<16xf32>
        %sub3A_1796 = arith.subf %gather3A_1794, %broadcast_in_dim3A_710 : vector<16xf32>
        %min3A_1797 = arith.minimumf %sub3A_1795, %sub3A_1796 : vector<16xf32>
        %mul3A_1798 = arith.mulf %min3A_1797, %broadcast_in_dim3A_775 : vector<16xf32>
        %min3A_1799 = arith.minimumf %min3A_1793, %mul3A_1798 : vector<16xf32>
        %gather3A_1800 = tpu.vector_load_idx %arg5[%add3A_1745, %add3A_855] : memref<336x26xf32, #tpu.memory_space<vmem>>[vector<16xi32>, vector<16xi32>], vector<16xf32>,
        %sub3A_1801 = arith.subf %broadcast_in_dim3A_650, %gather3A_1800 : vector<16xf32>
        %sub3A_1802 = arith.subf %gather3A_1800, %broadcast_in_dim3A_715 : vector<16xf32>
        %min3A_1803 = arith.minimumf %sub3A_1801, %sub3A_1802 : vector<16xf32>
        %mul3A_1804 = arith.mulf %min3A_1803, %broadcast_in_dim3A_780 : vector<16xf32>
        %min3A_1805 = arith.minimumf %min3A_1799, %mul3A_1804 : vector<16xf32>
        %gather3A_1806 = tpu.vector_load_idx %arg5[%add3A_1745, %add3A_861] : memref<336x26xf32, #tpu.memory_space<vmem>>[vector<16xi32>, vector<16xi32>], vector<16xf32>,
        %sub3A_1807 = arith.subf %broadcast_in_dim3A_655, %gather3A_1806 : vector<16xf32>
        %sub3A_1808 = arith.subf %gather3A_1806, %broadcast_in_dim3A_720 : vector<16xf32>
        %min3A_1809 = arith.minimumf %sub3A_1807, %sub3A_1808 : vector<16xf32>
        %mul3A_1810 = arith.mulf %min3A_1809, %broadcast_in_dim3A_785 : vector<16xf32>
        %min3A_1811 = arith.minimumf %min3A_1805, %mul3A_1810 : vector<16xf32>
        %gather3A_1812 = tpu.vector_load_idx %arg5[%add3A_1745, %add3A_867] : memref<336x26xf32, #tpu.memory_space<vmem>>[vector<16xi32>, vector<16xi32>], vector<16xf32>,
        %sub3A_1813 = arith.subf %broadcast_in_dim3A_660, %gather3A_1812 : vector<16xf32>
        %sub3A_1814 = arith.subf %gather3A_1812, %broadcast_in_dim3A_725 : vector<16xf32>
        %min3A_1815 = arith.minimumf %sub3A_1813, %sub3A_1814 : vector<16xf32>
        %mul3A_1816 = arith.mulf %min3A_1815, %broadcast_in_dim3A_790 : vector<16xf32>
        %min3A_1817 = arith.minimumf %min3A_1811, %mul3A_1816 : vector<16xf32>
        %gather3A_1818 = tpu.vector_load_idx %arg5[%add3A_1745, %add3A_873] : memref<336x26xf32, #tpu.memory_space<vmem>>[vector<16xi32>, vector<16xi32>], vector<16xf32>,
        %sub3A_1819 = arith.subf %broadcast_in_dim3A_665, %gather3A_1818 : vector<16xf32>
        %sub3A_1820 = arith.subf %gather3A_1818, %broadcast_in_dim3A_730 : vector<16xf32>
        %min3A_1821 = arith.minimumf %sub3A_1819, %sub3A_1820 : vector<16xf32>
        %mul3A_1822 = arith.mulf %min3A_1821, %broadcast_in_dim3A_795 : vector<16xf32>
        %min3A_1823 = arith.minimumf %min3A_1817, %mul3A_1822 : vector<16xf32>
        %mul3A_1824 = arith.constant 16 : i32
        %mul3A_1825 = arith.muli %scan3A_1740, %mul3A_1824 : i32
        %swap3A = arith.index_cast %mul3A_1825 : i32 to index
        %swap3A_1826 = tpu.vector_load %arg9[%swap3A] {strides = array<i32>} : memref<336xf32, #tpu.memory_space<vmem>>, vector<16xf32>,
        tpu.vector_store %arg9[%swap3A], %min3A_1823 {strides = array<i32>} : memref<336xf32, #tpu.memory_space<vmem>>, vector<16xf32>,
        %scan3A_1827 = arith.constant 0 : i32
        scf.yield %scan3A_1827 : i32
      }
      %scan3A_880 = arith.constant 21 : i32
      %get3A_881 = arith.constant 0 : index
      %get3A_882 = tpu.vector_load %arg8[%get3A_881] {strides = array<i32>} : memref<96xf32, #tpu.memory_space<vmem>>, vector<16xf32>,
      %slice3A_883 = vector.extract_strided_slice %get3A_882 {offsets = [13], sizes = [1], strides = [1]} : vector<16xf32> to vector<1xf32>
      %squeeze3A_884 = vector.extract %slice3A_883[0] : f32 from vector<1xf32>
      %broadcast_in_dim3A_885 = vector.broadcast %squeeze3A_884 : f32 to vector<16xf32>
      %get3A_886 = arith.constant 0 : index
      %get3A_887 = tpu.vector_load %arg8[%get3A_886] {strides = array<i32>} : memref<96xf32, #tpu.memory_space<vmem>>, vector<16xf32>,
      %slice3A_888 = vector.extract_strided_slice %get3A_887 {offsets = [14], sizes = [1], strides = [1]} : vector<16xf32> to vector<1xf32>
      %squeeze3A_889 = vector.extract %slice3A_888[0] : f32 from vector<1xf32>
      %broadcast_in_dim3A_890 = vector.broadcast %squeeze3A_889 : f32 to vector<16xf32>
      %get3A_891 = arith.constant 0 : index
      %get3A_892 = tpu.vector_load %arg8[%get3A_891] {strides = array<i32>} : memref<96xf32, #tpu.memory_space<vmem>>, vector<16xf32>,
      %slice3A_893 = vector.extract_strided_slice %get3A_892 {offsets = [15], sizes = [1], strides = [1]} : vector<16xf32> to vector<1xf32>
      %squeeze3A_894 = vector.extract %slice3A_893[0] : f32 from vector<1xf32>
      %broadcast_in_dim3A_895 = vector.broadcast %squeeze3A_894 : f32 to vector<16xf32>
      %get3A_896 = arith.constant 16 : index
      %get3A_897 = tpu.vector_load %arg8[%get3A_896] {strides = array<i32>} : memref<96xf32, #tpu.memory_space<vmem>>, vector<16xf32>,
      %slice3A_898 = vector.extract_strided_slice %get3A_897 {offsets = [0], sizes = [1], strides = [1]} : vector<16xf32> to vector<1xf32>
      %squeeze3A_899 = vector.extract %slice3A_898[0] : f32 from vector<1xf32>
      %broadcast_in_dim3A_900 = vector.broadcast %squeeze3A_899 : f32 to vector<16xf32>
      %get3A_901 = arith.constant 16 : index
      %get3A_902 = tpu.vector_load %arg8[%get3A_901] {strides = array<i32>} : memref<96xf32, #tpu.memory_space<vmem>>, vector<16xf32>,
      %slice3A_903 = vector.extract_strided_slice %get3A_902 {offsets = [1], sizes = [1], strides = [1]} : vector<16xf32> to vector<1xf32>
      %squeeze3A_904 = vector.extract %slice3A_903[0] : f32 from vector<1xf32>
      %broadcast_in_dim3A_905 = vector.broadcast %squeeze3A_904 : f32 to vector<16xf32>
      %get3A_906 = arith.constant 16 : index
      %get3A_907 = tpu.vector_load %arg8[%get3A_906] {strides = array<i32>} : memref<96xf32, #tpu.memory_space<vmem>>, vector<16xf32>,
      %slice3A_908 = vector.extract_strided_slice %get3A_907 {offsets = [2], sizes = [1], strides = [1]} : vector<16xf32> to vector<1xf32>
      %squeeze3A_909 = vector.extract %slice3A_908[0] : f32 from vector<1xf32>
      %broadcast_in_dim3A_910 = vector.broadcast %squeeze3A_909 : f32 to vector<16xf32>
      %get3A_911 = arith.constant 16 : index
      %get3A_912 = tpu.vector_load %arg8[%get3A_911] {strides = array<i32>} : memref<96xf32, #tpu.memory_space<vmem>>, vector<16xf32>,
      %slice3A_913 = vector.extract_strided_slice %get3A_912 {offsets = [3], sizes = [1], strides = [1]} : vector<16xf32> to vector<1xf32>
      %squeeze3A_914 = vector.extract %slice3A_913[0] : f32 from vector<1xf32>
      %broadcast_in_dim3A_915 = vector.broadcast %squeeze3A_914 : f32 to vector<16xf32>
      %get3A_916 = arith.constant 16 : index
      %get3A_917 = tpu.vector_load %arg8[%get3A_916] {strides = array<i32>} : memref<96xf32, #tpu.memory_space<vmem>>, vector<16xf32>,
      %slice3A_918 = vector.extract_strided_slice %get3A_917 {offsets = [4], sizes = [1], strides = [1]} : vector<16xf32> to vector<1xf32>
      %squeeze3A_919 = vector.extract %slice3A_918[0] : f32 from vector<1xf32>
      %broadcast_in_dim3A_920 = vector.broadcast %squeeze3A_919 : f32 to vector<16xf32>
      %get3A_921 = arith.constant 16 : index
      %get3A_922 = tpu.vector_load %arg8[%get3A_921] {strides = array<i32>} : memref<96xf32, #tpu.memory_space<vmem>>, vector<16xf32>,
      %slice3A_923 = vector.extract_strided_slice %get3A_922 {offsets = [5], sizes = [1], strides = [1]} : vector<16xf32> to vector<1xf32>
      %squeeze3A_924 = vector.extract %slice3A_923[0] : f32 from vector<1xf32>
      %broadcast_in_dim3A_925 = vector.broadcast %squeeze3A_924 : f32 to vector<16xf32>
      %get3A_926 = arith.constant 16 : index
      %get3A_927 = tpu.vector_load %arg8[%get3A_926] {strides = array<i32>} : memref<96xf32, #tpu.memory_space<vmem>>, vector<16xf32>,
      %slice3A_928 = vector.extract_strided_slice %get3A_927 {offsets = [6], sizes = [1], strides = [1]} : vector<16xf32> to vector<1xf32>
      %squeeze3A_929 = vector.extract %slice3A_928[0] : f32 from vector<1xf32>
      %broadcast_in_dim3A_930 = vector.broadcast %squeeze3A_929 : f32 to vector<16xf32>
      %get3A_931 = arith.constant 16 : index
      %get3A_932 = tpu.vector_load %arg8[%get3A_931] {strides = array<i32>} : memref<96xf32, #tpu.memory_space<vmem>>, vector<16xf32>,
      %slice3A_933 = vector.extract_strided_slice %get3A_932 {offsets = [7], sizes = [1], strides = [1]} : vector<16xf32> to vector<1xf32>
      %squeeze3A_934 = vector.extract %slice3A_933[0] : f32 from vector<1xf32>
      %broadcast_in_dim3A_935 = vector.broadcast %squeeze3A_934 : f32 to vector<16xf32>
      %get3A_936 = arith.constant 16 : index
      %get3A_937 = tpu.vector_load %arg8[%get3A_936] {strides = array<i32>} : memref<96xf32, #tpu.memory_space<vmem>>, vector<16xf32>,
      %slice3A_938 = vector.extract_strided_slice %get3A_937 {offsets = [8], sizes = [1], strides = [1]} : vector<16xf32> to vector<1xf32>
      %squeeze3A_939 = vector.extract %slice3A_938[0] : f32 from vector<1xf32>
      %broadcast_in_dim3A_940 = vector.broadcast %squeeze3A_939 : f32 to vector<16xf32>
      %get3A_941 = arith.constant 16 : index
      %get3A_942 = tpu.vector_load %arg8[%get3A_941] {strides = array<i32>} : memref<96xf32, #tpu.memory_space<vmem>>, vector<16xf32>,
      %slice3A_943 = vector.extract_strided_slice %get3A_942 {offsets = [9], sizes = [1], strides = [1]} : vector<16xf32> to vector<1xf32>
      %squeeze3A_944 = vector.extract %slice3A_943[0] : f32 from vector<1xf32>
      %broadcast_in_dim3A_945 = vector.broadcast %squeeze3A_944 : f32 to vector<16xf32>
      %get3A_946 = arith.constant 32 : index
      %get3A_947 = tpu.vector_load %arg8[%get3A_946] {strides = array<i32>} : memref<96xf32, #tpu.memory_space<vmem>>, vector<16xf32>,
      %slice3A_948 = vector.extract_strided_slice %get3A_947 {offsets = [13], sizes = [1], strides = [1]} : vector<16xf32> to vector<1xf32>
      %squeeze3A_949 = vector.extract %slice3A_948[0] : f32 from vector<1xf32>
      %broadcast_in_dim3A_950 = vector.broadcast %squeeze3A_949 : f32 to vector<16xf32>
      %get3A_951 = arith.constant 32 : index
      %get3A_952 = tpu.vector_load %arg8[%get3A_951] {strides = array<i32>} : memref<96xf32, #tpu.memory_space<vmem>>, vector<16xf32>,
      %slice3A_953 = vector.extract_strided_slice %get3A_952 {offsets = [14], sizes = [1], strides = [1]} : vector<16xf32> to vector<1xf32>
      %squeeze3A_954 = vector.extract %slice3A_953[0] : f32 from vector<1xf32>
      %broadcast_in_dim3A_955 = vector.broadcast %squeeze3A_954 : f32 to vector<16xf32>
      %get3A_956 = arith.constant 32 : index
      %get3A_957 = tpu.vector_load %arg8[%get3A_956] {strides = array<i32>} : memref<96xf32, #tpu.memory_space<vmem>>, vector<16xf32>,
      %slice3A_958 = vector.extract_strided_slice %get3A_957 {offsets = [15], sizes = [1], strides = [1]} : vector<16xf32> to vector<1xf32>
      %squeeze3A_959 = vector.extract %slice3A_958[0] : f32 from vector<1xf32>
      %broadcast_in_dim3A_960 = vector.broadcast %squeeze3A_959 : f32 to vector<16xf32>
      %get3A_961 = arith.constant 48 : index
      %get3A_962 = tpu.vector_load %arg8[%get3A_961] {strides = array<i32>} : memref<96xf32, #tpu.memory_space<vmem>>, vector<16xf32>,
      %slice3A_963 = vector.extract_strided_slice %get3A_962 {offsets = [0], sizes = [1], strides = [1]} : vector<16xf32> to vector<1xf32>
      %squeeze3A_964 = vector.extract %slice3A_963[0] : f32 from vector<1xf32>
      %broadcast_in_dim3A_965 = vector.broadcast %squeeze3A_964 : f32 to vector<16xf32>
      %get3A_966 = arith.constant 48 : index
      %get3A_967 = tpu.vector_load %arg8[%get3A_966] {strides = array<i32>} : memref<96xf32, #tpu.memory_space<vmem>>, vector<16xf32>,
      %slice3A_968 = vector.extract_strided_slice %get3A_967 {offsets = [1], sizes = [1], strides = [1]} : vector<16xf32> to vector<1xf32>
      %squeeze3A_969 = vector.extract %slice3A_968[0] : f32 from vector<1xf32>
      %broadcast_in_dim3A_970 = vector.broadcast %squeeze3A_969 : f32 to vector<16xf32>
      %get3A_971 = arith.constant 48 : index
      %get3A_972 = tpu.vector_load %arg8[%get3A_971] {strides = array<i32>} : memref<96xf32, #tpu.memory_space<vmem>>, vector<16xf32>,
      %slice3A_973 = vector.extract_strided_slice %get3A_972 {offsets = [2], sizes = [1], strides = [1]} : vector<16xf32> to vector<1xf32>
      %squeeze3A_974 = vector.extract %slice3A_973[0] : f32 from vector<1xf32>
      %broadcast_in_dim3A_975 = vector.broadcast %squeeze3A_974 : f32 to vector<16xf32>
      %get3A_976 = arith.constant 48 : index
      %get3A_977 = tpu.vector_load %arg8[%get3A_976] {strides = array<i32>} : memref<96xf32, #tpu.memory_space<vmem>>, vector<16xf32>,
      %slice3A_978 = vector.extract_strided_slice %get3A_977 {offsets = [3], sizes = [1], strides = [1]} : vector<16xf32> to vector<1xf32>
      %squeeze3A_979 = vector.extract %slice3A_978[0] : f32 from vector<1xf32>
      %broadcast_in_dim3A_980 = vector.broadcast %squeeze3A_979 : f32 to vector<16xf32>
      %get3A_981 = arith.constant 48 : index
      %get3A_982 = tpu.vector_load %arg8[%get3A_981] {strides = array<i32>} : memref<96xf32, #tpu.memory_space<vmem>>, vector<16xf32>,
      %slice3A_983 = vector.extract_strided_slice %get3A_982 {offsets = [4], sizes = [1], strides = [1]} : vector<16xf32> to vector<1xf32>
      %squeeze3A_984 = vector.extract %slice3A_983[0] : f32 from vector<1xf32>
      %broadcast_in_dim3A_985 = vector.broadcast %squeeze3A_984 : f32 to vector<16xf32>
      %get3A_986 = arith.constant 48 : index
      %get3A_987 = tpu.vector_load %arg8[%get3A_986] {strides = array<i32>} : memref<96xf32, #tpu.memory_space<vmem>>, vector<16xf32>,
      %slice3A_988 = vector.extract_strided_slice %get3A_987 {offsets = [5], sizes = [1], strides = [1]} : vector<16xf32> to vector<1xf32>
      %squeeze3A_989 = vector.extract %slice3A_988[0] : f32 from vector<1xf32>
      %broadcast_in_dim3A_990 = vector.broadcast %squeeze3A_989 : f32 to vector<16xf32>
      %get3A_991 = arith.constant 48 : index
      %get3A_992 = tpu.vector_load %arg8[%get3A_991] {strides = array<i32>} : memref<96xf32, #tpu.memory_space<vmem>>, vector<16xf32>,
      %slice3A_993 = vector.extract_strided_slice %get3A_992 {offsets = [6], sizes = [1], strides = [1]} : vector<16xf32> to vector<1xf32>
      %squeeze3A_994 = vector.extract %slice3A_993[0] : f32 from vector<1xf32>
      %broadcast_in_dim3A_995 = vector.broadcast %squeeze3A_994 : f32 to vector<16xf32>
      %get3A_996 = arith.constant 48 : index
      %get3A_997 = tpu.vector_load %arg8[%get3A_996] {strides = array<i32>} : memref<96xf32, #tpu.memory_space<vmem>>, vector<16xf32>,
      %slice3A_998 = vector.extract_strided_slice %get3A_997 {offsets = [7], sizes = [1], strides = [1]} : vector<16xf32> to vector<1xf32>
      %squeeze3A_999 = vector.extract %slice3A_998[0] : f32 from vector<1xf32>
      %broadcast_in_dim3A_1000 = vector.broadcast %squeeze3A_999 : f32 to vector<16xf32>
      %get3A_1001 = arith.constant 48 : index
      %get3A_1002 = tpu.vector_load %arg8[%get3A_1001] {strides = array<i32>} : memref<96xf32, #tpu.memory_space<vmem>>, vector<16xf32>,
      %slice3A_1003 = vector.extract_strided_slice %get3A_1002 {offsets = [8], sizes = [1], strides = [1]} : vector<16xf32> to vector<1xf32>
      %squeeze3A_1004 = vector.extract %slice3A_1003[0] : f32 from vector<1xf32>
      %broadcast_in_dim3A_1005 = vector.broadcast %squeeze3A_1004 : f32 to vector<16xf32>
      %get3A_1006 = arith.constant 48 : index
      %get3A_1007 = tpu.vector_load %arg8[%get3A_1006] {strides = array<i32>} : memref<96xf32, #tpu.memory_space<vmem>>, vector<16xf32>,
      %slice3A_1008 = vector.extract_strided_slice %get3A_1007 {offsets = [9], sizes = [1], strides = [1]} : vector<16xf32> to vector<1xf32>
      %squeeze3A_1009 = vector.extract %slice3A_1008[0] : f32 from vector<1xf32>
      %broadcast_in_dim3A_1010 = vector.broadcast %squeeze3A_1009 : f32 to vector<16xf32>
      %get3A_1011 = arith.constant 64 : index
      %get3A_1012 = tpu.vector_load %arg8[%get3A_1011] {strides = array<i32>} : memref<96xf32, #tpu.memory_space<vmem>>, vector<16xf32>,
      %slice3A_1013 = vector.extract_strided_slice %get3A_1012 {offsets = [13], sizes = [1], strides = [1]} : vector<16xf32> to vector<1xf32>
      %squeeze3A_1014 = vector.extract %slice3A_1013[0] : f32 from vector<1xf32>
      %broadcast_in_dim3A_1015 = vector.broadcast %squeeze3A_1014 : f32 to vector<16xf32>
      %get3A_1016 = arith.constant 64 : index
      %get3A_1017 = tpu.vector_load %arg8[%get3A_1016] {strides = array<i32>} : memref<96xf32, #tpu.memory_space<vmem>>, vector<16xf32>,
      %slice3A_1018 = vector.extract_strided_slice %get3A_1017 {offsets = [14], sizes = [1], strides = [1]} : vector<16xf32> to vector<1xf32>
      %squeeze3A_1019 = vector.extract %slice3A_1018[0] : f32 from vector<1xf32>
      %broadcast_in_dim3A_1020 = vector.broadcast %squeeze3A_1019 : f32 to vector<16xf32>
      %get3A_1021 = arith.constant 64 : index
      %get3A_1022 = tpu.vector_load %arg8[%get3A_1021] {strides = array<i32>} : memref<96xf32, #tpu.memory_space<vmem>>, vector<16xf32>,
      %slice3A_1023 = vector.extract_strided_slice %get3A_1022 {offsets = [15], sizes = [1], strides = [1]} : vector<16xf32> to vector<1xf32>
      %squeeze3A_1024 = vector.extract %slice3A_1023[0] : f32 from vector<1xf32>
      %broadcast_in_dim3A_1025 = vector.broadcast %squeeze3A_1024 : f32 to vector<16xf32>
      %get3A_1026 = arith.constant 80 : index
      %get3A_1027 = tpu.vector_load %arg8[%get3A_1026] {strides = array<i32>} : memref<96xf32, #tpu.memory_space<vmem>>, vector<16xf32>,
      %slice3A_1028 = vector.extract_strided_slice %get3A_1027 {offsets = [0], sizes = [1], strides = [1]} : vector<16xf32> to vector<1xf32>
      %squeeze3A_1029 = vector.extract %slice3A_1028[0] : f32 from vector<1xf32>
      %broadcast_in_dim3A_1030 = vector.broadcast %squeeze3A_1029 : f32 to vector<16xf32>
      %get3A_1031 = arith.constant 80 : index
      %get3A_1032 = tpu.vector_load %arg8[%get3A_1031] {strides = array<i32>} : memref<96xf32, #tpu.memory_space<vmem>>, vector<16xf32>,
      %slice3A_1033 = vector.extract_strided_slice %get3A_1032 {offsets = [1], sizes = [1], strides = [1]} : vector<16xf32> to vector<1xf32>
      %squeeze3A_1034 = vector.extract %slice3A_1033[0] : f32 from vector<1xf32>
      %broadcast_in_dim3A_1035 = vector.broadcast %squeeze3A_1034 : f32 to vector<16xf32>
      %get3A_1036 = arith.constant 80 : index
      %get3A_1037 = tpu.vector_load %arg8[%get3A_1036] {strides = array<i32>} : memref<96xf32, #tpu.memory_space<vmem>>, vector<16xf32>,
      %slice3A_1038 = vector.extract_strided_slice %get3A_1037 {offsets = [2], sizes = [1], strides = [1]} : vector<16xf32> to vector<1xf32>
      %squeeze3A_1039 = vector.extract %slice3A_1038[0] : f32 from vector<1xf32>
      %broadcast_in_dim3A_1040 = vector.broadcast %squeeze3A_1039 : f32 to vector<16xf32>
      %get3A_1041 = arith.constant 80 : index
      %get3A_1042 = tpu.vector_load %arg8[%get3A_1041] {strides = array<i32>} : memref<96xf32, #tpu.memory_space<vmem>>, vector<16xf32>,
      %slice3A_1043 = vector.extract_strided_slice %get3A_1042 {offsets = [3], sizes = [1], strides = [1]} : vector<16xf32> to vector<1xf32>
      %squeeze3A_1044 = vector.extract %slice3A_1043[0] : f32 from vector<1xf32>
      %broadcast_in_dim3A_1045 = vector.broadcast %squeeze3A_1044 : f32 to vector<16xf32>
      %get3A_1046 = arith.constant 80 : index
      %get3A_1047 = tpu.vector_load %arg8[%get3A_1046] {strides = array<i32>} : memref<96xf32, #tpu.memory_space<vmem>>, vector<16xf32>,
      %slice3A_1048 = vector.extract_strided_slice %get3A_1047 {offsets = [4], sizes = [1], strides = [1]} : vector<16xf32> to vector<1xf32>
      %squeeze3A_1049 = vector.extract %slice3A_1048[0] : f32 from vector<1xf32>
      %broadcast_in_dim3A_1050 = vector.broadcast %squeeze3A_1049 : f32 to vector<16xf32>
      %get3A_1051 = arith.constant 80 : index
      %get3A_1052 = tpu.vector_load %arg8[%get3A_1051] {strides = array<i32>} : memref<96xf32, #tpu.memory_space<vmem>>, vector<16xf32>,
      %slice3A_1053 = vector.extract_strided_slice %get3A_1052 {offsets = [5], sizes = [1], strides = [1]} : vector<16xf32> to vector<1xf32>
      %squeeze3A_1054 = vector.extract %slice3A_1053[0] : f32 from vector<1xf32>
      %broadcast_in_dim3A_1055 = vector.broadcast %squeeze3A_1054 : f32 to vector<16xf32>
      %get3A_1056 = arith.constant 80 : index
      %get3A_1057 = tpu.vector_load %arg8[%get3A_1056] {strides = array<i32>} : memref<96xf32, #tpu.memory_space<vmem>>, vector<16xf32>,
      %slice3A_1058 = vector.extract_strided_slice %get3A_1057 {offsets = [6], sizes = [1], strides = [1]} : vector<16xf32> to vector<1xf32>
      %squeeze3A_1059 = vector.extract %slice3A_1058[0] : f32 from vector<1xf32>
      %broadcast_in_dim3A_1060 = vector.broadcast %squeeze3A_1059 : f32 to vector<16xf32>
      %get3A_1061 = arith.constant 80 : index
      %get3A_1062 = tpu.vector_load %arg8[%get3A_1061] {strides = array<i32>} : memref<96xf32, #tpu.memory_space<vmem>>, vector<16xf32>,
      %slice3A_1063 = vector.extract_strided_slice %get3A_1062 {offsets = [7], sizes = [1], strides = [1]} : vector<16xf32> to vector<1xf32>
      %squeeze3A_1064 = vector.extract %slice3A_1063[0] : f32 from vector<1xf32>
      %broadcast_in_dim3A_1065 = vector.broadcast %squeeze3A_1064 : f32 to vector<16xf32>
      %get3A_1066 = arith.constant 80 : index
      %get3A_1067 = tpu.vector_load %arg8[%get3A_1066] {strides = array<i32>} : memref<96xf32, #tpu.memory_space<vmem>>, vector<16xf32>,
      %slice3A_1068 = vector.extract_strided_slice %get3A_1067 {offsets = [8], sizes = [1], strides = [1]} : vector<16xf32> to vector<1xf32>
      %squeeze3A_1069 = vector.extract %slice3A_1068[0] : f32 from vector<1xf32>
      %broadcast_in_dim3A_1070 = vector.broadcast %squeeze3A_1069 : f32 to vector<16xf32>
      %get3A_1071 = arith.constant 80 : index
      %get3A_1072 = tpu.vector_load %arg8[%get3A_1071] {strides = array<i32>} : memref<96xf32, #tpu.memory_space<vmem>>, vector<16xf32>,
      %slice3A_1073 = vector.extract_strided_slice %get3A_1072 {offsets = [9], sizes = [1], strides = [1]} : vector<16xf32> to vector<1xf32>
      %squeeze3A_1074 = vector.extract %slice3A_1073[0] : f32 from vector<1xf32>
      %broadcast_in_dim3A_1075 = vector.broadcast %squeeze3A_1074 : f32 to vector<16xf32>
      %mul3A_1076 = arith.constant 0 : i32
      %mul3A_1077 = vector.broadcast %mul3A_1076 : i32 to vector<16xi32>
      %mul3A_1078 = arith.muli %iota3A, %mul3A_1077 : vector<16xi32>
      %add3A_1079 = arith.constant 13 : i32
      %add3A_1080 = vector.broadcast %add3A_1079 : i32 to vector<16xi32>
      %add3A_1081 = arith.addi %mul3A_1078, %add3A_1080 : vector<16xi32>
      %mul3A_1082 = arith.constant 0 : i32
      %mul3A_1083 = vector.broadcast %mul3A_1082 : i32 to vector<16xi32>
      %mul3A_1084 = arith.muli %iota3A, %mul3A_1083 : vector<16xi32>
      %add3A_1085 = arith.constant 14 : i32
      %add3A_1086 = vector.broadcast %add3A_1085 : i32 to vector<16xi32>
      %add3A_1087 = arith.addi %mul3A_1084, %add3A_1086 : vector<16xi32>
      %mul3A_1088 = arith.constant 0 : i32
      %mul3A_1089 = vector.broadcast %mul3A_1088 : i32 to vector<16xi32>
      %mul3A_1090 = arith.muli %iota3A, %mul3A_1089 : vector<16xi32>
      %add3A_1091 = arith.constant 15 : i32
      %add3A_1092 = vector.broadcast %add3A_1091 : i32 to vector<16xi32>
      %add3A_1093 = arith.addi %mul3A_1090, %add3A_1092 : vector<16xi32>
      %mul3A_1094 = arith.constant 0 : i32
      %mul3A_1095 = vector.broadcast %mul3A_1094 : i32 to vector<16xi32>
      %mul3A_1096 = arith.muli %iota3A, %mul3A_1095 : vector<16xi32>
      %add3A_1097 = arith.constant 16 : i32
      %add3A_1098 = vector.broadcast %add3A_1097 : i32 to vector<16xi32>
      %add3A_1099 = arith.addi %mul3A_1096, %add3A_1098 : vector<16xi32>
      %mul3A_1100 = arith.constant 0 : i32
      %mul3A_1101 = vector.broadcast %mul3A_1100 : i32 to vector<16xi32>
      %mul3A_1102 = arith.muli %iota3A, %mul3A_1101 : vector<16xi32>
      %add3A_1103 = arith.constant 17 : i32
      %add3A_1104 = vector.broadcast %add3A_1103 : i32 to vector<16xi32>
      %add3A_1105 = arith.addi %mul3A_1102, %add3A_1104 : vector<16xi32>
      %mul3A_1106 = arith.constant 0 : i32
      %mul3A_1107 = vector.broadcast %mul3A_1106 : i32 to vector<16xi32>
      %mul3A_1108 = arith.muli %iota3A, %mul3A_1107 : vector<16xi32>
      %add3A_1109 = arith.constant 18 : i32
      %add3A_1110 = vector.broadcast %add3A_1109 : i32 to vector<16xi32>
      %add3A_1111 = arith.addi %mul3A_1108, %add3A_1110 : vector<16xi32>
      %mul3A_1112 = arith.constant 0 : i32
      %mul3A_1113 = vector.broadcast %mul3A_1112 : i32 to vector<16xi32>
      %mul3A_1114 = arith.muli %iota3A, %mul3A_1113 : vector<16xi32>
      %add3A_1115 = arith.constant 19 : i32
      %add3A_1116 = vector.broadcast %add3A_1115 : i32 to vector<16xi32>
      %add3A_1117 = arith.addi %mul3A_1114, %add3A_1116 : vector<16xi32>
      %mul3A_1118 = arith.constant 0 : i32
      %mul3A_1119 = vector.broadcast %mul3A_1118 : i32 to vector<16xi32>
      %mul3A_1120 = arith.muli %iota3A, %mul3A_1119 : vector<16xi32>
      %add3A_1121 = arith.constant 20 : i32
      %add3A_1122 = vector.broadcast %add3A_1121 : i32 to vector<16xi32>
      %add3A_1123 = arith.addi %mul3A_1120, %add3A_1122 : vector<16xi32>
      %mul3A_1124 = arith.constant 0 : i32
      %mul3A_1125 = vector.broadcast %mul3A_1124 : i32 to vector<16xi32>
      %mul3A_1126 = arith.muli %iota3A, %mul3A_1125 : vector<16xi32>
      %add3A_1127 = arith.constant 21 : i32
      %add3A_1128 = vector.broadcast %add3A_1127 : i32 to vector<16xi32>
      %add3A_1129 = arith.addi %mul3A_1126, %add3A_1128 : vector<16xi32>
      %mul3A_1130 = arith.constant 0 : i32
      %mul3A_1131 = vector.broadcast %mul3A_1130 : i32 to vector<16xi32>
      %mul3A_1132 = arith.muli %iota3A, %mul3A_1131 : vector<16xi32>
      %add3A_1133 = arith.constant 22 : i32
      %add3A_1134 = vector.broadcast %add3A_1133 : i32 to vector<16xi32>
      %add3A_1135 = arith.addi %mul3A_1132, %add3A_1134 : vector<16xi32>
      %mul3A_1136 = arith.constant 0 : i32
      %mul3A_1137 = vector.broadcast %mul3A_1136 : i32 to vector<16xi32>
      %mul3A_1138 = arith.muli %iota3A, %mul3A_1137 : vector<16xi32>
      %add3A_1139 = arith.constant 23 : i32
      %add3A_1140 = vector.broadcast %add3A_1139 : i32 to vector<16xi32>
      %add3A_1141 = arith.addi %mul3A_1138, %add3A_1140 : vector<16xi32>
      %mul3A_1142 = arith.constant 0 : i32
      %mul3A_1143 = vector.broadcast %mul3A_1142 : i32 to vector<16xi32>
      %mul3A_1144 = arith.muli %iota3A, %mul3A_1143 : vector<16xi32>
      %add3A_1145 = arith.constant 24 : i32
      %add3A_1146 = vector.broadcast %add3A_1145 : i32 to vector<16xi32>
      %add3A_1147 = arith.addi %mul3A_1144, %add3A_1146 : vector<16xi32>
      %mul3A_1148 = arith.constant 0 : i32
      %mul3A_1149 = vector.broadcast %mul3A_1148 : i32 to vector<16xi32>
      %mul3A_1150 = arith.muli %iota3A, %mul3A_1149 : vector<16xi32>
      %add3A_1151 = arith.constant 25 : i32
      %add3A_1152 = vector.broadcast %add3A_1151 : i32 to vector<16xi32>
      %add3A_1153 = arith.addi %mul3A_1150, %add3A_1152 : vector<16xi32>
      %scan3A_1154 = arith.constant 0 : i32
      %scan3A_1155 = arith.constant 0 : i32
      %scan3A_1156 = arith.constant 21 : i32
      %scan3A_1157 = arith.addi %scan3A_1155, %scan3A_1156 : i32
      %scan3A_1158 = arith.constant 1 : i32
      %scan3A_1159 = scf.for %scan3A_1740 = %scan3A_1155 to %scan3A_1157 step %scan3A_1158 iter_args(%scan3A_1741 = %scan3A_1154) -> (i32)  : i32 {
        %mul3A_1742 = arith.constant 16 : i32
        %mul3A_1743 = arith.muli %scan3A_1740, %mul3A_1742 : i32
        %add3A_1744 = vector.broadcast %mul3A_1743 : i32 to vector<16xi32>
        %add3A_1745 = arith.addi %iota3A, %add3A_1744 : vector<16xi32>
        %mul3A_1746 = arith.constant 16 : i32
        %mul3A_1747 = arith.muli %scan3A_1740, %mul3A_1746 : i32
        %get3A_1748 = arith.index_cast %mul3A_1747 : i32 to index
        %get3A_1749 = tpu.vector_load %arg9[%get3A_1748] {strides = array<i32>} : memref<336xf32, #tpu.memory_space<vmem>>, vector<16xf32>,
        %gather3A = tpu.vector_load_idx %arg5[%add3A_1745, %add3A_1081] : memref<336x26xf32, #tpu.memory_space<vmem>>[vector<16xi32>, vector<16xi32>], vector<16xf32>,
        %sub3A = arith.subf %broadcast_in_dim3A_885, %gather3A : vector<16xf32>
        %sub3A_1750 = arith.subf %gather3A, %broadcast_in_dim3A_950 : vector<16xf32>
        %min3A_1751 = arith.minimumf %sub3A, %sub3A_1750 : vector<16xf32>
        %mul3A_1752 = arith.mulf %min3A_1751, %broadcast_in_dim3A_1015 : vector<16xf32>
        %min3A_1753 = arith.minimumf %get3A_1749, %mul3A_1752 : vector<16xf32>
        %gather3A_1754 = tpu.vector_load_idx %arg5[%add3A_1745, %add3A_1087] : memref<336x26xf32, #tpu.memory_space<vmem>>[vector<16xi32>, vector<16xi32>], vector<16xf32>,
        %sub3A_1755 = arith.subf %broadcast_in_dim3A_890, %gather3A_1754 : vector<16xf32>
        %sub3A_1756 = arith.subf %gather3A_1754, %broadcast_in_dim3A_955 : vector<16xf32>
        %min3A_1757 = arith.minimumf %sub3A_1755, %sub3A_1756 : vector<16xf32>
        %mul3A_1758 = arith.mulf %min3A_1757, %broadcast_in_dim3A_1020 : vector<16xf32>
        %min3A_1759 = arith.minimumf %min3A_1753, %mul3A_1758 : vector<16xf32>
        %gather3A_1760 = tpu.vector_load_idx %arg5[%add3A_1745, %add3A_1093] : memref<336x26xf32, #tpu.memory_space<vmem>>[vector<16xi32>, vector<16xi32>], vector<16xf32>,
        %sub3A_1761 = arith.subf %broadcast_in_dim3A_895, %gather3A_1760 : vector<16xf32>
        %sub3A_1762 = arith.subf %gather3A_1760, %broadcast_in_dim3A_960 : vector<16xf32>
        %min3A_1763 = arith.minimumf %sub3A_1761, %sub3A_1762 : vector<16xf32>
        %mul3A_1764 = arith.mulf %min3A_1763, %broadcast_in_dim3A_1025 : vector<16xf32>
        %min3A_1765 = arith.minimumf %min3A_1759, %mul3A_1764 : vector<16xf32>
        %gather3A_1766 = tpu.vector_load_idx %arg5[%add3A_1745, %add3A_1099] : memref<336x26xf32, #tpu.memory_space<vmem>>[vector<16xi32>, vector<16xi32>], vector<16xf32>,
        %sub3A_1767 = arith.subf %broadcast_in_dim3A_900, %gather3A_1766 : vector<16xf32>
        %sub3A_1768 = arith.subf %gather3A_1766, %broadcast_in_dim3A_965 : vector<16xf32>
        %min3A_1769 = arith.minimumf %sub3A_1767, %sub3A_1768 : vector<16xf32>
        %mul3A_1770 = arith.mulf %min3A_1769, %broadcast_in_dim3A_1030 : vector<16xf32>
        %min3A_1771 = arith.minimumf %min3A_1765, %mul3A_1770 : vector<16xf32>
        %gather3A_1772 = tpu.vector_load_idx %arg5[%add3A_1745, %add3A_1105] : memref<336x26xf32, #tpu.memory_space<vmem>>[vector<16xi32>, vector<16xi32>], vector<16xf32>,
        %sub3A_1773 = arith.subf %broadcast_in_dim3A_905, %gather3A_1772 : vector<16xf32>
        %sub3A_1774 = arith.subf %gather3A_1772, %broadcast_in_dim3A_970 : vector<16xf32>
        %min3A_1775 = arith.minimumf %sub3A_1773, %sub3A_1774 : vector<16xf32>
        %mul3A_1776 = arith.mulf %min3A_1775, %broadcast_in_dim3A_1035 : vector<16xf32>
        %min3A_1777 = arith.minimumf %min3A_1771, %mul3A_1776 : vector<16xf32>
        %gather3A_1778 = tpu.vector_load_idx %arg5[%add3A_1745, %add3A_1111] : memref<336x26xf32, #tpu.memory_space<vmem>>[vector<16xi32>, vector<16xi32>], vector<16xf32>,
        %sub3A_1779 = arith.subf %broadcast_in_dim3A_910, %gather3A_1778 : vector<16xf32>
        %sub3A_1780 = arith.subf %gather3A_1778, %broadcast_in_dim3A_975 : vector<16xf32>
        %min3A_1781 = arith.minimumf %sub3A_1779, %sub3A_1780 : vector<16xf32>
        %mul3A_1782 = arith.mulf %min3A_1781, %broadcast_in_dim3A_1040 : vector<16xf32>
        %min3A_1783 = arith.minimumf %min3A_1777, %mul3A_1782 : vector<16xf32>
        %gather3A_1784 = tpu.vector_load_idx %arg5[%add3A_1745, %add3A_1117] : memref<336x26xf32, #tpu.memory_space<vmem>>[vector<16xi32>, vector<16xi32>], vector<16xf32>,
        %sub3A_1785 = arith.subf %broadcast_in_dim3A_915, %gather3A_1784 : vector<16xf32>
        %sub3A_1786 = arith.subf %gather3A_1784, %broadcast_in_dim3A_980 : vector<16xf32>
        %min3A_1787 = arith.minimumf %sub3A_1785, %sub3A_1786 : vector<16xf32>
        %mul3A_1788 = arith.mulf %min3A_1787, %broadcast_in_dim3A_1045 : vector<16xf32>
        %min3A_1789 = arith.minimumf %min3A_1783, %mul3A_1788 : vector<16xf32>
        %gather3A_1790 = tpu.vector_load_idx %arg5[%add3A_1745, %add3A_1123] : memref<336x26xf32, #tpu.memory_space<vmem>>[vector<16xi32>, vector<16xi32>], vector<16xf32>,
        %sub3A_1791 = arith.subf %broadcast_in_dim3A_920, %gather3A_1790 : vector<16xf32>
        %sub3A_1792 = arith.subf %gather3A_1790, %broadcast_in_dim3A_985 : vector<16xf32>
        %min3A_1793 = arith.minimumf %sub3A_1791, %sub3A_1792 : vector<16xf32>
        %mul3A_1794 = arith.mulf %min3A_1793, %broadcast_in_dim3A_1050 : vector<16xf32>
        %min3A_1795 = arith.minimumf %min3A_1789, %mul3A_1794 : vector<16xf32>
        %gather3A_1796 = tpu.vector_load_idx %arg5[%add3A_1745, %add3A_1129] : memref<336x26xf32, #tpu.memory_space<vmem>>[vector<16xi32>, vector<16xi32>], vector<16xf32>,
        %sub3A_1797 = arith.subf %broadcast_in_dim3A_925, %gather3A_1796 : vector<16xf32>
        %sub3A_1798 = arith.subf %gather3A_1796, %broadcast_in_dim3A_990 : vector<16xf32>
        %min3A_1799 = arith.minimumf %sub3A_1797, %sub3A_1798 : vector<16xf32>
        %mul3A_1800 = arith.mulf %min3A_1799, %broadcast_in_dim3A_1055 : vector<16xf32>
        %min3A_1801 = arith.minimumf %min3A_1795, %mul3A_1800 : vector<16xf32>
        %gather3A_1802 = tpu.vector_load_idx %arg5[%add3A_1745, %add3A_1135] : memref<336x26xf32, #tpu.memory_space<vmem>>[vector<16xi32>, vector<16xi32>], vector<16xf32>,
        %sub3A_1803 = arith.subf %broadcast_in_dim3A_930, %gather3A_1802 : vector<16xf32>
        %sub3A_1804 = arith.subf %gather3A_1802, %broadcast_in_dim3A_995 : vector<16xf32>
        %min3A_1805 = arith.minimumf %sub3A_1803, %sub3A_1804 : vector<16xf32>
        %mul3A_1806 = arith.mulf %min3A_1805, %broadcast_in_dim3A_1060 : vector<16xf32>
        %min3A_1807 = arith.minimumf %min3A_1801, %mul3A_1806 : vector<16xf32>
        %gather3A_1808 = tpu.vector_load_idx %arg5[%add3A_1745, %add3A_1141] : memref<336x26xf32, #tpu.memory_space<vmem>>[vector<16xi32>, vector<16xi32>], vector<16xf32>,
        %sub3A_1809 = arith.subf %broadcast_in_dim3A_935, %gather3A_1808 : vector<16xf32>
        %sub3A_1810 = arith.subf %gather3A_1808, %broadcast_in_dim3A_1000 : vector<16xf32>
        %min3A_1811 = arith.minimumf %sub3A_1809, %sub3A_1810 : vector<16xf32>
        %mul3A_1812 = arith.mulf %min3A_1811, %broadcast_in_dim3A_1065 : vector<16xf32>
        %min3A_1813 = arith.minimumf %min3A_1807, %mul3A_1812 : vector<16xf32>
        %gather3A_1814 = tpu.vector_load_idx %arg5[%add3A_1745, %add3A_1147] : memref<336x26xf32, #tpu.memory_space<vmem>>[vector<16xi32>, vector<16xi32>], vector<16xf32>,
        %sub3A_1815 = arith.subf %broadcast_in_dim3A_940, %gather3A_1814 : vector<16xf32>
        %sub3A_1816 = arith.subf %gather3A_1814, %broadcast_in_dim3A_1005 : vector<16xf32>
        %min3A_1817 = arith.minimumf %sub3A_1815, %sub3A_1816 : vector<16xf32>
        %mul3A_1818 = arith.mulf %min3A_1817, %broadcast_in_dim3A_1070 : vector<16xf32>
        %min3A_1819 = arith.minimumf %min3A_1813, %mul3A_1818 : vector<16xf32>
        %gather3A_1820 = tpu.vector_load_idx %arg5[%add3A_1745, %add3A_1153] : memref<336x26xf32, #tpu.memory_space<vmem>>[vector<16xi32>, vector<16xi32>], vector<16xf32>,
        %sub3A_1821 = arith.subf %broadcast_in_dim3A_945, %gather3A_1820 : vector<16xf32>
        %sub3A_1822 = arith.subf %gather3A_1820, %broadcast_in_dim3A_1010 : vector<16xf32>
        %min3A_1823 = arith.minimumf %sub3A_1821, %sub3A_1822 : vector<16xf32>
        %mul3A_1824 = arith.mulf %min3A_1823, %broadcast_in_dim3A_1075 : vector<16xf32>
        %min3A_1825 = arith.minimumf %min3A_1819, %mul3A_1824 : vector<16xf32>
        %ge3A = arith.constant 0.000000e+00 : f32
        %ge3A_1826 = vector.broadcast %ge3A : f32 to vector<16xf32>
        %ge3A_1827 = arith.cmpf oge, %min3A_1825, %ge3A_1826 : vector<16xf32>
        %jit3A = arith.constant 1.000000e+00 : f32
        %jit3A_1828 = arith.constant 0.000000e+00 : f32
        %broadcast_in_dim3A_1829 = vector.broadcast %jit3A : f32 to vector<16xf32>
        %broadcast_in_dim3A_1830 = vector.broadcast %jit3A_1828 : f32 to vector<16xf32>
        %select_n3A = arith.select %ge3A_1827, %broadcast_in_dim3A_1829, %broadcast_in_dim3A_1830 : vector<16xi1>, vector<16xf32>
        %mul3A_1831 = arith.constant 16 : i32
        %mul3A_1832 = arith.muli %scan3A_1740, %mul3A_1831 : i32
        %swap3A = arith.index_cast %mul3A_1832 : i32 to index
        %swap3A_1833 = tpu.vector_load %arg7[%swap3A] {strides = array<i32>} : memref<336xf32, #tpu.memory_space<vmem>>, vector<16xf32>,
        tpu.vector_store %arg7[%swap3A], %select_n3A {strides = array<i32>} : memref<336xf32, #tpu.memory_space<vmem>>, vector<16xf32>,
        %scan3A_1834 = arith.constant 0 : i32
        scf.yield %scan3A_1834 : i32
      }
      %scan3A_1160 = arith.constant 21 : i32
      "tpu.region"() ({
        %run_scoped3A = tpu.sem_alloc : memref<!tpu.dma_semaphore, #tpu.memory_space<semaphore_mem>>
        %dma_start3A_1740 = tpu.memref_slice %arg4[%add3A_596] : memref<1000000xf32, #tpu.memory_space<hbm>> -> memref<336xf32, #tpu.memory_space<hbm>>
        %dma_start3A_1741 = tpu.memref_slice %arg4[%add3A_596] : memref<1000000xf32, #tpu.memory_space<hbm>> -> memref<336xf32, #tpu.memory_space<hbm>>
        tpu.enqueue_dma source(%arg7 : memref<336xf32, #tpu.memory_space<vmem>>) target(%dma_start3A_1741 : memref<336xf32, #tpu.memory_space<hbm>>) target_semaphore(%run_scoped3A : memref<!tpu.dma_semaphore, #tpu.memory_space<semaphore_mem>>)
        %dma_wait3A_1742 = tpu.memref_slice %arg4[%add3A_596] : memref<1000000xf32, #tpu.memory_space<hbm>> -> memref<336xf32, #tpu.memory_space<hbm>>
        %dma_wait3A_1743 = tpu.memref_slice %arg4[%add3A_596] : memref<1000000xf32, #tpu.memory_space<hbm>> -> memref<336xf32, #tpu.memory_space<hbm>>
        tpu.wait_dma2 semaphore(%run_scoped3A : memref<!tpu.dma_semaphore, #tpu.memory_space<semaphore_mem>>) src(%arg7 : memref<336xf32, #tpu.memory_space<vmem>>) dst(%dma_wait3A_1743 : memref<336xf32, #tpu.memory_space<hbm>>)
        tpu.yield
      }) : () -> ()
      %add3A_1161 = arith.constant 2 : i32
      %add3A_1162 = arith.addi %mul3A_584, %add3A_1161 : i32
      %mul3A_1163 = arith.constant 336 : i32
      %mul3A_1164 = arith.muli %add3A_1162, %mul3A_1163 : i32
      %add3A_1165 = arith.addi %add3A_6, %mul3A_1164 : i32
      %dma_start3A_1166 = arith.constant 0 : i32
      %dma_start3A_1167 = tpu.memref_slice %arg2[%add3A_1165, %dma_start3A_1166] : memref<1000000x26xf32, #tpu.memory_space<hbm>> -> memref<336x26xf32, #tpu.memory_space<hbm>>
      %dma_start3A_1168 = arith.constant 0 : i32
      %dma_start3A_1169 = tpu.memref_slice %arg2[%add3A_1165, %dma_start3A_1168] : memref<1000000x26xf32, #tpu.memory_space<hbm>> -> memref<336x26xf32, #tpu.memory_space<hbm>>
      tpu.enqueue_dma source(%dma_start3A_1169 : memref<336x26xf32, #tpu.memory_space<hbm>>) target(%arg5 : memref<336x26xf32, #tpu.memory_space<vmem>>) target_semaphore(%arg10 : memref<!tpu.dma_semaphore, #tpu.memory_space<semaphore_mem>>)
      %add3A_1170 = arith.constant 1 : i32
      %add3A_1171 = arith.addi %mul3A_584, %add3A_1170 : i32
      %mul3A_1172 = arith.constant 336 : i32
      %mul3A_1173 = arith.muli %add3A_1171, %mul3A_1172 : i32
      %add3A_1174 = arith.addi %add3A_6, %mul3A_1173 : i32
      %dma_wait3A_1175 = arith.constant 0 : i32
      %dma_wait3A_1176 = tpu.memref_slice %arg2[%add3A_1174, %dma_wait3A_1175] : memref<1000000x26xf32, #tpu.memory_space<hbm>> -> memref<336x26xf32, #tpu.memory_space<hbm>>
      %dma_wait3A_1177 = arith.constant 0 : i32
      %dma_wait3A_1178 = tpu.memref_slice %arg2[%add3A_1174, %dma_wait3A_1177] : memref<1000000x26xf32, #tpu.memory_space<hbm>> -> memref<336x26xf32, #tpu.memory_space<hbm>>
      tpu.wait_dma2 semaphore(%arg11 : memref<!tpu.dma_semaphore, #tpu.memory_space<semaphore_mem>>) src(%dma_wait3A_1178 : memref<336x26xf32, #tpu.memory_space<hbm>>) dst(%arg6 : memref<336x26xf32, #tpu.memory_space<vmem>>)
      %get3A_1179 = arith.constant 0 : index
      %get3A_1180 = tpu.vector_load %arg8[%get3A_1179] {strides = array<i32>} : memref<96xf32, #tpu.memory_space<vmem>>, vector<16xf32>,
      %slice3A_1181 = vector.extract_strided_slice %get3A_1180 {offsets = [0], sizes = [1], strides = [1]} : vector<16xf32> to vector<1xf32>
      %squeeze3A_1182 = vector.extract %slice3A_1181[0] : f32 from vector<1xf32>
      %broadcast_in_dim3A_1183 = vector.broadcast %squeeze3A_1182 : f32 to vector<16xf32>
      %get3A_1184 = arith.constant 0 : index
      %get3A_1185 = tpu.vector_load %arg8[%get3A_1184] {strides = array<i32>} : memref<96xf32, #tpu.memory_space<vmem>>, vector<16xf32>,
      %slice3A_1186 = vector.extract_strided_slice %get3A_1185 {offsets = [1], sizes = [1], strides = [1]} : vector<16xf32> to vector<1xf32>
      %squeeze3A_1187 = vector.extract %slice3A_1186[0] : f32 from vector<1xf32>
      %broadcast_in_dim3A_1188 = vector.broadcast %squeeze3A_1187 : f32 to vector<16xf32>
      %get3A_1189 = arith.constant 0 : index
      %get3A_1190 = tpu.vector_load %arg8[%get3A_1189] {strides = array<i32>} : memref<96xf32, #tpu.memory_space<vmem>>, vector<16xf32>,
      %slice3A_1191 = vector.extract_strided_slice %get3A_1190 {offsets = [2], sizes = [1], strides = [1]} : vector<16xf32> to vector<1xf32>
      %squeeze3A_1192 = vector.extract %slice3A_1191[0] : f32 from vector<1xf32>
      %broadcast_in_dim3A_1193 = vector.broadcast %squeeze3A_1192 : f32 to vector<16xf32>
      %get3A_1194 = arith.constant 0 : index
      %get3A_1195 = tpu.vector_load %arg8[%get3A_1194] {strides = array<i32>} : memref<96xf32, #tpu.memory_space<vmem>>, vector<16xf32>,
      %slice3A_1196 = vector.extract_strided_slice %get3A_1195 {offsets = [3], sizes = [1], strides = [1]} : vector<16xf32> to vector<1xf32>
      %squeeze3A_1197 = vector.extract %slice3A_1196[0] : f32 from vector<1xf32>
      %broadcast_in_dim3A_1198 = vector.broadcast %squeeze3A_1197 : f32 to vector<16xf32>
      %get3A_1199 = arith.constant 0 : index
      %get3A_1200 = tpu.vector_load %arg8[%get3A_1199] {strides = array<i32>} : memref<96xf32, #tpu.memory_space<vmem>>, vector<16xf32>,
      %slice3A_1201 = vector.extract_strided_slice %get3A_1200 {offsets = [4], sizes = [1], strides = [1]} : vector<16xf32> to vector<1xf32>
      %squeeze3A_1202 = vector.extract %slice3A_1201[0] : f32 from vector<1xf32>
      %broadcast_in_dim3A_1203 = vector.broadcast %squeeze3A_1202 : f32 to vector<16xf32>
      %get3A_1204 = arith.constant 0 : index
      %get3A_1205 = tpu.vector_load %arg8[%get3A_1204] {strides = array<i32>} : memref<96xf32, #tpu.memory_space<vmem>>, vector<16xf32>,
      %slice3A_1206 = vector.extract_strided_slice %get3A_1205 {offsets = [5], sizes = [1], strides = [1]} : vector<16xf32> to vector<1xf32>
      %squeeze3A_1207 = vector.extract %slice3A_1206[0] : f32 from vector<1xf32>
      %broadcast_in_dim3A_1208 = vector.broadcast %squeeze3A_1207 : f32 to vector<16xf32>
      %get3A_1209 = arith.constant 0 : index
      %get3A_1210 = tpu.vector_load %arg8[%get3A_1209] {strides = array<i32>} : memref<96xf32, #tpu.memory_space<vmem>>, vector<16xf32>,
      %slice3A_1211 = vector.extract_strided_slice %get3A_1210 {offsets = [6], sizes = [1], strides = [1]} : vector<16xf32> to vector<1xf32>
      %squeeze3A_1212 = vector.extract %slice3A_1211[0] : f32 from vector<1xf32>
      %broadcast_in_dim3A_1213 = vector.broadcast %squeeze3A_1212 : f32 to vector<16xf32>
      %get3A_1214 = arith.constant 0 : index
      %get3A_1215 = tpu.vector_load %arg8[%get3A_1214] {strides = array<i32>} : memref<96xf32, #tpu.memory_space<vmem>>, vector<16xf32>,
      %slice3A_1216 = vector.extract_strided_slice %get3A_1215 {offsets = [7], sizes = [1], strides = [1]} : vector<16xf32> to vector<1xf32>
      %squeeze3A_1217 = vector.extract %slice3A_1216[0] : f32 from vector<1xf32>
      %broadcast_in_dim3A_1218 = vector.broadcast %squeeze3A_1217 : f32 to vector<16xf32>
      %get3A_1219 = arith.constant 0 : index
      %get3A_1220 = tpu.vector_load %arg8[%get3A_1219] {strides = array<i32>} : memref<96xf32, #tpu.memory_space<vmem>>, vector<16xf32>,
      %slice3A_1221 = vector.extract_strided_slice %get3A_1220 {offsets = [8], sizes = [1], strides = [1]} : vector<16xf32> to vector<1xf32>
      %squeeze3A_1222 = vector.extract %slice3A_1221[0] : f32 from vector<1xf32>
      %broadcast_in_dim3A_1223 = vector.broadcast %squeeze3A_1222 : f32 to vector<16xf32>
      %get3A_1224 = arith.constant 0 : index
      %get3A_1225 = tpu.vector_load %arg8[%get3A_1224] {strides = array<i32>} : memref<96xf32, #tpu.memory_space<vmem>>, vector<16xf32>,
      %slice3A_1226 = vector.extract_strided_slice %get3A_1225 {offsets = [9], sizes = [1], strides = [1]} : vector<16xf32> to vector<1xf32>
      %squeeze3A_1227 = vector.extract %slice3A_1226[0] : f32 from vector<1xf32>
      %broadcast_in_dim3A_1228 = vector.broadcast %squeeze3A_1227 : f32 to vector<16xf32>
      %get3A_1229 = arith.constant 0 : index
      %get3A_1230 = tpu.vector_load %arg8[%get3A_1229] {strides = array<i32>} : memref<96xf32, #tpu.memory_space<vmem>>, vector<16xf32>,
      %slice3A_1231 = vector.extract_strided_slice %get3A_1230 {offsets = [10], sizes = [1], strides = [1]} : vector<16xf32> to vector<1xf32>
      %squeeze3A_1232 = vector.extract %slice3A_1231[0] : f32 from vector<1xf32>
      %broadcast_in_dim3A_1233 = vector.broadcast %squeeze3A_1232 : f32 to vector<16xf32>
      %get3A_1234 = arith.constant 0 : index
      %get3A_1235 = tpu.vector_load %arg8[%get3A_1234] {strides = array<i32>} : memref<96xf32, #tpu.memory_space<vmem>>, vector<16xf32>,
      %slice3A_1236 = vector.extract_strided_slice %get3A_1235 {offsets = [11], sizes = [1], strides = [1]} : vector<16xf32> to vector<1xf32>
      %squeeze3A_1237 = vector.extract %slice3A_1236[0] : f32 from vector<1xf32>
      %broadcast_in_dim3A_1238 = vector.broadcast %squeeze3A_1237 : f32 to vector<16xf32>
      %get3A_1239 = arith.constant 0 : index
      %get3A_1240 = tpu.vector_load %arg8[%get3A_1239] {strides = array<i32>} : memref<96xf32, #tpu.memory_space<vmem>>, vector<16xf32>,
      %slice3A_1241 = vector.extract_strided_slice %get3A_1240 {offsets = [12], sizes = [1], strides = [1]} : vector<16xf32> to vector<1xf32>
      %squeeze3A_1242 = vector.extract %slice3A_1241[0] : f32 from vector<1xf32>
      %broadcast_in_dim3A_1243 = vector.broadcast %squeeze3A_1242 : f32 to vector<16xf32>
      %get3A_1244 = arith.constant 32 : index
      %get3A_1245 = tpu.vector_load %arg8[%get3A_1244] {strides = array<i32>} : memref<96xf32, #tpu.memory_space<vmem>>, vector<16xf32>,
      %slice3A_1246 = vector.extract_strided_slice %get3A_1245 {offsets = [0], sizes = [1], strides = [1]} : vector<16xf32> to vector<1xf32>
      %squeeze3A_1247 = vector.extract %slice3A_1246[0] : f32 from vector<1xf32>
      %broadcast_in_dim3A_1248 = vector.broadcast %squeeze3A_1247 : f32 to vector<16xf32>
      %get3A_1249 = arith.constant 32 : index
      %get3A_1250 = tpu.vector_load %arg8[%get3A_1249] {strides = array<i32>} : memref<96xf32, #tpu.memory_space<vmem>>, vector<16xf32>,
      %slice3A_1251 = vector.extract_strided_slice %get3A_1250 {offsets = [1], sizes = [1], strides = [1]} : vector<16xf32> to vector<1xf32>
      %squeeze3A_1252 = vector.extract %slice3A_1251[0] : f32 from vector<1xf32>
      %broadcast_in_dim3A_1253 = vector.broadcast %squeeze3A_1252 : f32 to vector<16xf32>
      %get3A_1254 = arith.constant 32 : index
      %get3A_1255 = tpu.vector_load %arg8[%get3A_1254] {strides = array<i32>} : memref<96xf32, #tpu.memory_space<vmem>>, vector<16xf32>,
      %slice3A_1256 = vector.extract_strided_slice %get3A_1255 {offsets = [2], sizes = [1], strides = [1]} : vector<16xf32> to vector<1xf32>
      %squeeze3A_1257 = vector.extract %slice3A_1256[0] : f32 from vector<1xf32>
      %broadcast_in_dim3A_1258 = vector.broadcast %squeeze3A_1257 : f32 to vector<16xf32>
      %get3A_1259 = arith.constant 32 : index
      %get3A_1260 = tpu.vector_load %arg8[%get3A_1259] {strides = array<i32>} : memref<96xf32, #tpu.memory_space<vmem>>, vector<16xf32>,
      %slice3A_1261 = vector.extract_strided_slice %get3A_1260 {offsets = [3], sizes = [1], strides = [1]} : vector<16xf32> to vector<1xf32>
      %squeeze3A_1262 = vector.extract %slice3A_1261[0] : f32 from vector<1xf32>
      %broadcast_in_dim3A_1263 = vector.broadcast %squeeze3A_1262 : f32 to vector<16xf32>
      %get3A_1264 = arith.constant 32 : index
      %get3A_1265 = tpu.vector_load %arg8[%get3A_1264] {strides = array<i32>} : memref<96xf32, #tpu.memory_space<vmem>>, vector<16xf32>,
      %slice3A_1266 = vector.extract_strided_slice %get3A_1265 {offsets = [4], sizes = [1], strides = [1]} : vector<16xf32> to vector<1xf32>
      %squeeze3A_1267 = vector.extract %slice3A_1266[0] : f32 from vector<1xf32>
      %broadcast_in_dim3A_1268 = vector.broadcast %squeeze3A_1267 : f32 to vector<16xf32>
      %get3A_1269 = arith.constant 32 : index
      %get3A_1270 = tpu.vector_load %arg8[%get3A_1269] {strides = array<i32>} : memref<96xf32, #tpu.memory_space<vmem>>, vector<16xf32>,
      %slice3A_1271 = vector.extract_strided_slice %get3A_1270 {offsets = [5], sizes = [1], strides = [1]} : vector<16xf32> to vector<1xf32>
      %squeeze3A_1272 = vector.extract %slice3A_1271[0] : f32 from vector<1xf32>
      %broadcast_in_dim3A_1273 = vector.broadcast %squeeze3A_1272 : f32 to vector<16xf32>
      %get3A_1274 = arith.constant 32 : index
      %get3A_1275 = tpu.vector_load %arg8[%get3A_1274] {strides = array<i32>} : memref<96xf32, #tpu.memory_space<vmem>>, vector<16xf32>,
      %slice3A_1276 = vector.extract_strided_slice %get3A_1275 {offsets = [6], sizes = [1], strides = [1]} : vector<16xf32> to vector<1xf32>
      %squeeze3A_1277 = vector.extract %slice3A_1276[0] : f32 from vector<1xf32>
      %broadcast_in_dim3A_1278 = vector.broadcast %squeeze3A_1277 : f32 to vector<16xf32>
      %get3A_1279 = arith.constant 32 : index
      %get3A_1280 = tpu.vector_load %arg8[%get3A_1279] {strides = array<i32>} : memref<96xf32, #tpu.memory_space<vmem>>, vector<16xf32>,
      %slice3A_1281 = vector.extract_strided_slice %get3A_1280 {offsets = [7], sizes = [1], strides = [1]} : vector<16xf32> to vector<1xf32>
      %squeeze3A_1282 = vector.extract %slice3A_1281[0] : f32 from vector<1xf32>
      %broadcast_in_dim3A_1283 = vector.broadcast %squeeze3A_1282 : f32 to vector<16xf32>
      %get3A_1284 = arith.constant 32 : index
      %get3A_1285 = tpu.vector_load %arg8[%get3A_1284] {strides = array<i32>} : memref<96xf32, #tpu.memory_space<vmem>>, vector<16xf32>,
      %slice3A_1286 = vector.extract_strided_slice %get3A_1285 {offsets = [8], sizes = [1], strides = [1]} : vector<16xf32> to vector<1xf32>
      %squeeze3A_1287 = vector.extract %slice3A_1286[0] : f32 from vector<1xf32>
      %broadcast_in_dim3A_1288 = vector.broadcast %squeeze3A_1287 : f32 to vector<16xf32>
      %get3A_1289 = arith.constant 32 : index
      %get3A_1290 = tpu.vector_load %arg8[%get3A_1289] {strides = array<i32>} : memref<96xf32, #tpu.memory_space<vmem>>, vector<16xf32>,
      %slice3A_1291 = vector.extract_strided_slice %get3A_1290 {offsets = [9], sizes = [1], strides = [1]} : vector<16xf32> to vector<1xf32>
      %squeeze3A_1292 = vector.extract %slice3A_1291[0] : f32 from vector<1xf32>
      %broadcast_in_dim3A_1293 = vector.broadcast %squeeze3A_1292 : f32 to vector<16xf32>
      %get3A_1294 = arith.constant 32 : index
      %get3A_1295 = tpu.vector_load %arg8[%get3A_1294] {strides = array<i32>} : memref<96xf32, #tpu.memory_space<vmem>>, vector<16xf32>,
      %slice3A_1296 = vector.extract_strided_slice %get3A_1295 {offsets = [10], sizes = [1], strides = [1]} : vector<16xf32> to vector<1xf32>
      %squeeze3A_1297 = vector.extract %slice3A_1296[0] : f32 from vector<1xf32>
      %broadcast_in_dim3A_1298 = vector.broadcast %squeeze3A_1297 : f32 to vector<16xf32>
      %get3A_1299 = arith.constant 32 : index
      %get3A_1300 = tpu.vector_load %arg8[%get3A_1299] {strides = array<i32>} : memref<96xf32, #tpu.memory_space<vmem>>, vector<16xf32>,
      %slice3A_1301 = vector.extract_strided_slice %get3A_1300 {offsets = [11], sizes = [1], strides = [1]} : vector<16xf32> to vector<1xf32>
      %squeeze3A_1302 = vector.extract %slice3A_1301[0] : f32 from vector<1xf32>
      %broadcast_in_dim3A_1303 = vector.broadcast %squeeze3A_1302 : f32 to vector<16xf32>
      %get3A_1304 = arith.constant 32 : index
      %get3A_1305 = tpu.vector_load %arg8[%get3A_1304] {strides = array<i32>} : memref<96xf32, #tpu.memory_space<vmem>>, vector<16xf32>,
      %slice3A_1306 = vector.extract_strided_slice %get3A_1305 {offsets = [12], sizes = [1], strides = [1]} : vector<16xf32> to vector<1xf32>
      %squeeze3A_1307 = vector.extract %slice3A_1306[0] : f32 from vector<1xf32>
      %broadcast_in_dim3A_1308 = vector.broadcast %squeeze3A_1307 : f32 to vector<16xf32>
      %get3A_1309 = arith.constant 64 : index
      %get3A_1310 = tpu.vector_load %arg8[%get3A_1309] {strides = array<i32>} : memref<96xf32, #tpu.memory_space<vmem>>, vector<16xf32>,
      %slice3A_1311 = vector.extract_strided_slice %get3A_1310 {offsets = [0], sizes = [1], strides = [1]} : vector<16xf32> to vector<1xf32>
      %squeeze3A_1312 = vector.extract %slice3A_1311[0] : f32 from vector<1xf32>
      %broadcast_in_dim3A_1313 = vector.broadcast %squeeze3A_1312 : f32 to vector<16xf32>
      %get3A_1314 = arith.constant 64 : index
      %get3A_1315 = tpu.vector_load %arg8[%get3A_1314] {strides = array<i32>} : memref<96xf32, #tpu.memory_space<vmem>>, vector<16xf32>,
      %slice3A_1316 = vector.extract_strided_slice %get3A_1315 {offsets = [1], sizes = [1], strides = [1]} : vector<16xf32> to vector<1xf32>
      %squeeze3A_1317 = vector.extract %slice3A_1316[0] : f32 from vector<1xf32>
      %broadcast_in_dim3A_1318 = vector.broadcast %squeeze3A_1317 : f32 to vector<16xf32>
      %get3A_1319 = arith.constant 64 : index
      %get3A_1320 = tpu.vector_load %arg8[%get3A_1319] {strides = array<i32>} : memref<96xf32, #tpu.memory_space<vmem>>, vector<16xf32>,
      %slice3A_1321 = vector.extract_strided_slice %get3A_1320 {offsets = [2], sizes = [1], strides = [1]} : vector<16xf32> to vector<1xf32>
      %squeeze3A_1322 = vector.extract %slice3A_1321[0] : f32 from vector<1xf32>
      %broadcast_in_dim3A_1323 = vector.broadcast %squeeze3A_1322 : f32 to vector<16xf32>
      %get3A_1324 = arith.constant 64 : index
      %get3A_1325 = tpu.vector_load %arg8[%get3A_1324] {strides = array<i32>} : memref<96xf32, #tpu.memory_space<vmem>>, vector<16xf32>,
      %slice3A_1326 = vector.extract_strided_slice %get3A_1325 {offsets = [3], sizes = [1], strides = [1]} : vector<16xf32> to vector<1xf32>
      %squeeze3A_1327 = vector.extract %slice3A_1326[0] : f32 from vector<1xf32>
      %broadcast_in_dim3A_1328 = vector.broadcast %squeeze3A_1327 : f32 to vector<16xf32>
      %get3A_1329 = arith.constant 64 : index
      %get3A_1330 = tpu.vector_load %arg8[%get3A_1329] {strides = array<i32>} : memref<96xf32, #tpu.memory_space<vmem>>, vector<16xf32>,
      %slice3A_1331 = vector.extract_strided_slice %get3A_1330 {offsets = [4], sizes = [1], strides = [1]} : vector<16xf32> to vector<1xf32>
      %squeeze3A_1332 = vector.extract %slice3A_1331[0] : f32 from vector<1xf32>
      %broadcast_in_dim3A_1333 = vector.broadcast %squeeze3A_1332 : f32 to vector<16xf32>
      %get3A_1334 = arith.constant 64 : index
      %get3A_1335 = tpu.vector_load %arg8[%get3A_1334] {strides = array<i32>} : memref<96xf32, #tpu.memory_space<vmem>>, vector<16xf32>,
      %slice3A_1336 = vector.extract_strided_slice %get3A_1335 {offsets = [5], sizes = [1], strides = [1]} : vector<16xf32> to vector<1xf32>
      %squeeze3A_1337 = vector.extract %slice3A_1336[0] : f32 from vector<1xf32>
      %broadcast_in_dim3A_1338 = vector.broadcast %squeeze3A_1337 : f32 to vector<16xf32>
      %get3A_1339 = arith.constant 64 : index
      %get3A_1340 = tpu.vector_load %arg8[%get3A_1339] {strides = array<i32>} : memref<96xf32, #tpu.memory_space<vmem>>, vector<16xf32>,
      %slice3A_1341 = vector.extract_strided_slice %get3A_1340 {offsets = [6], sizes = [1], strides = [1]} : vector<16xf32> to vector<1xf32>
      %squeeze3A_1342 = vector.extract %slice3A_1341[0] : f32 from vector<1xf32>
      %broadcast_in_dim3A_1343 = vector.broadcast %squeeze3A_1342 : f32 to vector<16xf32>
      %get3A_1344 = arith.constant 64 : index
      %get3A_1345 = tpu.vector_load %arg8[%get3A_1344] {strides = array<i32>} : memref<96xf32, #tpu.memory_space<vmem>>, vector<16xf32>,
      %slice3A_1346 = vector.extract_strided_slice %get3A_1345 {offsets = [7], sizes = [1], strides = [1]} : vector<16xf32> to vector<1xf32>
      %squeeze3A_1347 = vector.extract %slice3A_1346[0] : f32 from vector<1xf32>
      %broadcast_in_dim3A_1348 = vector.broadcast %squeeze3A_1347 : f32 to vector<16xf32>
      %get3A_1349 = arith.constant 64 : index
      %get3A_1350 = tpu.vector_load %arg8[%get3A_1349] {strides = array<i32>} : memref<96xf32, #tpu.memory_space<vmem>>, vector<16xf32>,
      %slice3A_1351 = vector.extract_strided_slice %get3A_1350 {offsets = [8], sizes = [1], strides = [1]} : vector<16xf32> to vector<1xf32>
      %squeeze3A_1352 = vector.extract %slice3A_1351[0] : f32 from vector<1xf32>
      %broadcast_in_dim3A_1353 = vector.broadcast %squeeze3A_1352 : f32 to vector<16xf32>
      %get3A_1354 = arith.constant 64 : index
      %get3A_1355 = tpu.vector_load %arg8[%get3A_1354] {strides = array<i32>} : memref<96xf32, #tpu.memory_space<vmem>>, vector<16xf32>,
      %slice3A_1356 = vector.extract_strided_slice %get3A_1355 {offsets = [9], sizes = [1], strides = [1]} : vector<16xf32> to vector<1xf32>
      %squeeze3A_1357 = vector.extract %slice3A_1356[0] : f32 from vector<1xf32>
      %broadcast_in_dim3A_1358 = vector.broadcast %squeeze3A_1357 : f32 to vector<16xf32>
      %get3A_1359 = arith.constant 64 : index
      %get3A_1360 = tpu.vector_load %arg8[%get3A_1359] {strides = array<i32>} : memref<96xf32, #tpu.memory_space<vmem>>, vector<16xf32>,
      %slice3A_1361 = vector.extract_strided_slice %get3A_1360 {offsets = [10], sizes = [1], strides = [1]} : vector<16xf32> to vector<1xf32>
      %squeeze3A_1362 = vector.extract %slice3A_1361[0] : f32 from vector<1xf32>
      %broadcast_in_dim3A_1363 = vector.broadcast %squeeze3A_1362 : f32 to vector<16xf32>
      %get3A_1364 = arith.constant 64 : index
      %get3A_1365 = tpu.vector_load %arg8[%get3A_1364] {strides = array<i32>} : memref<96xf32, #tpu.memory_space<vmem>>, vector<16xf32>,
      %slice3A_1366 = vector.extract_strided_slice %get3A_1365 {offsets = [11], sizes = [1], strides = [1]} : vector<16xf32> to vector<1xf32>
      %squeeze3A_1367 = vector.extract %slice3A_1366[0] : f32 from vector<1xf32>
      %broadcast_in_dim3A_1368 = vector.broadcast %squeeze3A_1367 : f32 to vector<16xf32>
      %get3A_1369 = arith.constant 64 : index
      %get3A_1370 = tpu.vector_load %arg8[%get3A_1369] {strides = array<i32>} : memref<96xf32, #tpu.memory_space<vmem>>, vector<16xf32>,
      %slice3A_1371 = vector.extract_strided_slice %get3A_1370 {offsets = [12], sizes = [1], strides = [1]} : vector<16xf32> to vector<1xf32>
      %squeeze3A_1372 = vector.extract %slice3A_1371[0] : f32 from vector<1xf32>
      %broadcast_in_dim3A_1373 = vector.broadcast %squeeze3A_1372 : f32 to vector<16xf32>
      %mul3A_1374 = arith.constant 0 : i32
      %mul3A_1375 = vector.broadcast %mul3A_1374 : i32 to vector<16xi32>
      %mul3A_1376 = arith.muli %iota3A, %mul3A_1375 : vector<16xi32>
      %add3A_1377 = arith.constant 0 : i32
      %add3A_1378 = vector.broadcast %add3A_1377 : i32 to vector<16xi32>
      %add3A_1379 = arith.addi %mul3A_1376, %add3A_1378 : vector<16xi32>
      %mul3A_1380 = arith.constant 0 : i32
      %mul3A_1381 = vector.broadcast %mul3A_1380 : i32 to vector<16xi32>
      %mul3A_1382 = arith.muli %iota3A, %mul3A_1381 : vector<16xi32>
      %add3A_1383 = arith.constant 1 : i32
      %add3A_1384 = vector.broadcast %add3A_1383 : i32 to vector<16xi32>
      %add3A_1385 = arith.addi %mul3A_1382, %add3A_1384 : vector<16xi32>
      %mul3A_1386 = arith.constant 0 : i32
      %mul3A_1387 = vector.broadcast %mul3A_1386 : i32 to vector<16xi32>
      %mul3A_1388 = arith.muli %iota3A, %mul3A_1387 : vector<16xi32>
      %add3A_1389 = arith.constant 2 : i32
      %add3A_1390 = vector.broadcast %add3A_1389 : i32 to vector<16xi32>
      %add3A_1391 = arith.addi %mul3A_1388, %add3A_1390 : vector<16xi32>
      %mul3A_1392 = arith.constant 0 : i32
      %mul3A_1393 = vector.broadcast %mul3A_1392 : i32 to vector<16xi32>
      %mul3A_1394 = arith.muli %iota3A, %mul3A_1393 : vector<16xi32>
      %add3A_1395 = arith.constant 3 : i32
      %add3A_1396 = vector.broadcast %add3A_1395 : i32 to vector<16xi32>
      %add3A_1397 = arith.addi %mul3A_1394, %add3A_1396 : vector<16xi32>
      %mul3A_1398 = arith.constant 0 : i32
      %mul3A_1399 = vector.broadcast %mul3A_1398 : i32 to vector<16xi32>
      %mul3A_1400 = arith.muli %iota3A, %mul3A_1399 : vector<16xi32>
      %add3A_1401 = arith.constant 4 : i32
      %add3A_1402 = vector.broadcast %add3A_1401 : i32 to vector<16xi32>
      %add3A_1403 = arith.addi %mul3A_1400, %add3A_1402 : vector<16xi32>
      %mul3A_1404 = arith.constant 0 : i32
      %mul3A_1405 = vector.broadcast %mul3A_1404 : i32 to vector<16xi32>
      %mul3A_1406 = arith.muli %iota3A, %mul3A_1405 : vector<16xi32>
      %add3A_1407 = arith.constant 5 : i32
      %add3A_1408 = vector.broadcast %add3A_1407 : i32 to vector<16xi32>
      %add3A_1409 = arith.addi %mul3A_1406, %add3A_1408 : vector<16xi32>
      %mul3A_1410 = arith.constant 0 : i32
      %mul3A_1411 = vector.broadcast %mul3A_1410 : i32 to vector<16xi32>
      %mul3A_1412 = arith.muli %iota3A, %mul3A_1411 : vector<16xi32>
      %add3A_1413 = arith.constant 6 : i32
      %add3A_1414 = vector.broadcast %add3A_1413 : i32 to vector<16xi32>
      %add3A_1415 = arith.addi %mul3A_1412, %add3A_1414 : vector<16xi32>
      %mul3A_1416 = arith.constant 0 : i32
      %mul3A_1417 = vector.broadcast %mul3A_1416 : i32 to vector<16xi32>
      %mul3A_1418 = arith.muli %iota3A, %mul3A_1417 : vector<16xi32>
      %add3A_1419 = arith.constant 7 : i32
      %add3A_1420 = vector.broadcast %add3A_1419 : i32 to vector<16xi32>
      %add3A_1421 = arith.addi %mul3A_1418, %add3A_1420 : vector<16xi32>
      %mul3A_1422 = arith.constant 0 : i32
      %mul3A_1423 = vector.broadcast %mul3A_1422 : i32 to vector<16xi32>
      %mul3A_1424 = arith.muli %iota3A, %mul3A_1423 : vector<16xi32>
      %add3A_1425 = arith.constant 8 : i32
      %add3A_1426 = vector.broadcast %add3A_1425 : i32 to vector<16xi32>
      %add3A_1427 = arith.addi %mul3A_1424, %add3A_1426 : vector<16xi32>
      %mul3A_1428 = arith.constant 0 : i32
      %mul3A_1429 = vector.broadcast %mul3A_1428 : i32 to vector<16xi32>
      %mul3A_1430 = arith.muli %iota3A, %mul3A_1429 : vector<16xi32>
      %add3A_1431 = arith.constant 9 : i32
      %add3A_1432 = vector.broadcast %add3A_1431 : i32 to vector<16xi32>
      %add3A_1433 = arith.addi %mul3A_1430, %add3A_1432 : vector<16xi32>
      %mul3A_1434 = arith.constant 0 : i32
      %mul3A_1435 = vector.broadcast %mul3A_1434 : i32 to vector<16xi32>
      %mul3A_1436 = arith.muli %iota3A, %mul3A_1435 : vector<16xi32>
      %add3A_1437 = arith.constant 10 : i32
      %add3A_1438 = vector.broadcast %add3A_1437 : i32 to vector<16xi32>
      %add3A_1439 = arith.addi %mul3A_1436, %add3A_1438 : vector<16xi32>
      %mul3A_1440 = arith.constant 0 : i32
      %mul3A_1441 = vector.broadcast %mul3A_1440 : i32 to vector<16xi32>
      %mul3A_1442 = arith.muli %iota3A, %mul3A_1441 : vector<16xi32>
      %add3A_1443 = arith.constant 11 : i32
      %add3A_1444 = vector.broadcast %add3A_1443 : i32 to vector<16xi32>
      %add3A_1445 = arith.addi %mul3A_1442, %add3A_1444 : vector<16xi32>
      %mul3A_1446 = arith.constant 0 : i32
      %mul3A_1447 = vector.broadcast %mul3A_1446 : i32 to vector<16xi32>
      %mul3A_1448 = arith.muli %iota3A, %mul3A_1447 : vector<16xi32>
      %add3A_1449 = arith.constant 12 : i32
      %add3A_1450 = vector.broadcast %add3A_1449 : i32 to vector<16xi32>
      %add3A_1451 = arith.addi %mul3A_1448, %add3A_1450 : vector<16xi32>
      %scan3A_1452 = arith.constant 0 : i32
      %scan3A_1453 = arith.constant 0 : i32
      %scan3A_1454 = arith.constant 21 : i32
      %scan3A_1455 = arith.addi %scan3A_1453, %scan3A_1454 : i32
      %scan3A_1456 = arith.constant 1 : i32
      %scan3A_1457 = scf.for %scan3A_1740 = %scan3A_1453 to %scan3A_1455 step %scan3A_1456 iter_args(%scan3A_1741 = %scan3A_1452) -> (i32)  : i32 {
        %mul3A_1742 = arith.constant 16 : i32
        %mul3A_1743 = arith.muli %scan3A_1740, %mul3A_1742 : i32
        %add3A_1744 = vector.broadcast %mul3A_1743 : i32 to vector<16xi32>
        %add3A_1745 = arith.addi %iota3A, %add3A_1744 : vector<16xi32>
        %broadcast_in_dim3A_1746 = arith.constant 1.000000e+30 : f32
        %broadcast_in_dim3A_1747 = vector.broadcast %broadcast_in_dim3A_1746 : f32 to vector<16xf32>
        %gather3A = tpu.vector_load_idx %arg6[%add3A_1745, %add3A_1379] : memref<336x26xf32, #tpu.memory_space<vmem>>[vector<16xi32>, vector<16xi32>], vector<16xf32>,
        %sub3A = arith.subf %broadcast_in_dim3A_1183, %gather3A : vector<16xf32>
        %sub3A_1748 = arith.subf %gather3A, %broadcast_in_dim3A_1248 : vector<16xf32>
        %min3A_1749 = arith.minimumf %sub3A, %sub3A_1748 : vector<16xf32>
        %mul3A_1750 = arith.mulf %min3A_1749, %broadcast_in_dim3A_1313 : vector<16xf32>
        %min3A_1751 = arith.minimumf %broadcast_in_dim3A_1747, %mul3A_1750 : vector<16xf32>
        %gather3A_1752 = tpu.vector_load_idx %arg6[%add3A_1745, %add3A_1385] : memref<336x26xf32, #tpu.memory_space<vmem>>[vector<16xi32>, vector<16xi32>], vector<16xf32>,
        %sub3A_1753 = arith.subf %broadcast_in_dim3A_1188, %gather3A_1752 : vector<16xf32>
        %sub3A_1754 = arith.subf %gather3A_1752, %broadcast_in_dim3A_1253 : vector<16xf32>
        %min3A_1755 = arith.minimumf %sub3A_1753, %sub3A_1754 : vector<16xf32>
        %mul3A_1756 = arith.mulf %min3A_1755, %broadcast_in_dim3A_1318 : vector<16xf32>
        %min3A_1757 = arith.minimumf %min3A_1751, %mul3A_1756 : vector<16xf32>
        %gather3A_1758 = tpu.vector_load_idx %arg6[%add3A_1745, %add3A_1391] : memref<336x26xf32, #tpu.memory_space<vmem>>[vector<16xi32>, vector<16xi32>], vector<16xf32>,
        %sub3A_1759 = arith.subf %broadcast_in_dim3A_1193, %gather3A_1758 : vector<16xf32>
        %sub3A_1760 = arith.subf %gather3A_1758, %broadcast_in_dim3A_1258 : vector<16xf32>
        %min3A_1761 = arith.minimumf %sub3A_1759, %sub3A_1760 : vector<16xf32>
        %mul3A_1762 = arith.mulf %min3A_1761, %broadcast_in_dim3A_1323 : vector<16xf32>
        %min3A_1763 = arith.minimumf %min3A_1757, %mul3A_1762 : vector<16xf32>
        %gather3A_1764 = tpu.vector_load_idx %arg6[%add3A_1745, %add3A_1397] : memref<336x26xf32, #tpu.memory_space<vmem>>[vector<16xi32>, vector<16xi32>], vector<16xf32>,
        %sub3A_1765 = arith.subf %broadcast_in_dim3A_1198, %gather3A_1764 : vector<16xf32>
        %sub3A_1766 = arith.subf %gather3A_1764, %broadcast_in_dim3A_1263 : vector<16xf32>
        %min3A_1767 = arith.minimumf %sub3A_1765, %sub3A_1766 : vector<16xf32>
        %mul3A_1768 = arith.mulf %min3A_1767, %broadcast_in_dim3A_1328 : vector<16xf32>
        %min3A_1769 = arith.minimumf %min3A_1763, %mul3A_1768 : vector<16xf32>
        %gather3A_1770 = tpu.vector_load_idx %arg6[%add3A_1745, %add3A_1403] : memref<336x26xf32, #tpu.memory_space<vmem>>[vector<16xi32>, vector<16xi32>], vector<16xf32>,
        %sub3A_1771 = arith.subf %broadcast_in_dim3A_1203, %gather3A_1770 : vector<16xf32>
        %sub3A_1772 = arith.subf %gather3A_1770, %broadcast_in_dim3A_1268 : vector<16xf32>
        %min3A_1773 = arith.minimumf %sub3A_1771, %sub3A_1772 : vector<16xf32>
        %mul3A_1774 = arith.mulf %min3A_1773, %broadcast_in_dim3A_1333 : vector<16xf32>
        %min3A_1775 = arith.minimumf %min3A_1769, %mul3A_1774 : vector<16xf32>
        %gather3A_1776 = tpu.vector_load_idx %arg6[%add3A_1745, %add3A_1409] : memref<336x26xf32, #tpu.memory_space<vmem>>[vector<16xi32>, vector<16xi32>], vector<16xf32>,
        %sub3A_1777 = arith.subf %broadcast_in_dim3A_1208, %gather3A_1776 : vector<16xf32>
        %sub3A_1778 = arith.subf %gather3A_1776, %broadcast_in_dim3A_1273 : vector<16xf32>
        %min3A_1779 = arith.minimumf %sub3A_1777, %sub3A_1778 : vector<16xf32>
        %mul3A_1780 = arith.mulf %min3A_1779, %broadcast_in_dim3A_1338 : vector<16xf32>
        %min3A_1781 = arith.minimumf %min3A_1775, %mul3A_1780 : vector<16xf32>
        %gather3A_1782 = tpu.vector_load_idx %arg6[%add3A_1745, %add3A_1415] : memref<336x26xf32, #tpu.memory_space<vmem>>[vector<16xi32>, vector<16xi32>], vector<16xf32>,
        %sub3A_1783 = arith.subf %broadcast_in_dim3A_1213, %gather3A_1782 : vector<16xf32>
        %sub3A_1784 = arith.subf %gather3A_1782, %broadcast_in_dim3A_1278 : vector<16xf32>
        %min3A_1785 = arith.minimumf %sub3A_1783, %sub3A_1784 : vector<16xf32>
        %mul3A_1786 = arith.mulf %min3A_1785, %broadcast_in_dim3A_1343 : vector<16xf32>
        %min3A_1787 = arith.minimumf %min3A_1781, %mul3A_1786 : vector<16xf32>
        %gather3A_1788 = tpu.vector_load_idx %arg6[%add3A_1745, %add3A_1421] : memref<336x26xf32, #tpu.memory_space<vmem>>[vector<16xi32>, vector<16xi32>], vector<16xf32>,
        %sub3A_1789 = arith.subf %broadcast_in_dim3A_1218, %gather3A_1788 : vector<16xf32>
        %sub3A_1790 = arith.subf %gather3A_1788, %broadcast_in_dim3A_1283 : vector<16xf32>
        %min3A_1791 = arith.minimumf %sub3A_1789, %sub3A_1790 : vector<16xf32>
        %mul3A_1792 = arith.mulf %min3A_1791, %broadcast_in_dim3A_1348 : vector<16xf32>
        %min3A_1793 = arith.minimumf %min3A_1787, %mul3A_1792 : vector<16xf32>
        %gather3A_1794 = tpu.vector_load_idx %arg6[%add3A_1745, %add3A_1427] : memref<336x26xf32, #tpu.memory_space<vmem>>[vector<16xi32>, vector<16xi32>], vector<16xf32>,
        %sub3A_1795 = arith.subf %broadcast_in_dim3A_1223, %gather3A_1794 : vector<16xf32>
        %sub3A_1796 = arith.subf %gather3A_1794, %broadcast_in_dim3A_1288 : vector<16xf32>
        %min3A_1797 = arith.minimumf %sub3A_1795, %sub3A_1796 : vector<16xf32>
        %mul3A_1798 = arith.mulf %min3A_1797, %broadcast_in_dim3A_1353 : vector<16xf32>
        %min3A_1799 = arith.minimumf %min3A_1793, %mul3A_1798 : vector<16xf32>
        %gather3A_1800 = tpu.vector_load_idx %arg6[%add3A_1745, %add3A_1433] : memref<336x26xf32, #tpu.memory_space<vmem>>[vector<16xi32>, vector<16xi32>], vector<16xf32>,
        %sub3A_1801 = arith.subf %broadcast_in_dim3A_1228, %gather3A_1800 : vector<16xf32>
        %sub3A_1802 = arith.subf %gather3A_1800, %broadcast_in_dim3A_1293 : vector<16xf32>
        %min3A_1803 = arith.minimumf %sub3A_1801, %sub3A_1802 : vector<16xf32>
        %mul3A_1804 = arith.mulf %min3A_1803, %broadcast_in_dim3A_1358 : vector<16xf32>
        %min3A_1805 = arith.minimumf %min3A_1799, %mul3A_1804 : vector<16xf32>
        %gather3A_1806 = tpu.vector_load_idx %arg6[%add3A_1745, %add3A_1439] : memref<336x26xf32, #tpu.memory_space<vmem>>[vector<16xi32>, vector<16xi32>], vector<16xf32>,
        %sub3A_1807 = arith.subf %broadcast_in_dim3A_1233, %gather3A_1806 : vector<16xf32>
        %sub3A_1808 = arith.subf %gather3A_1806, %broadcast_in_dim3A_1298 : vector<16xf32>
        %min3A_1809 = arith.minimumf %sub3A_1807, %sub3A_1808 : vector<16xf32>
        %mul3A_1810 = arith.mulf %min3A_1809, %broadcast_in_dim3A_1363 : vector<16xf32>
        %min3A_1811 = arith.minimumf %min3A_1805, %mul3A_1810 : vector<16xf32>
        %gather3A_1812 = tpu.vector_load_idx %arg6[%add3A_1745, %add3A_1445] : memref<336x26xf32, #tpu.memory_space<vmem>>[vector<16xi32>, vector<16xi32>], vector<16xf32>,
        %sub3A_1813 = arith.subf %broadcast_in_dim3A_1238, %gather3A_1812 : vector<16xf32>
        %sub3A_1814 = arith.subf %gather3A_1812, %broadcast_in_dim3A_1303 : vector<16xf32>
        %min3A_1815 = arith.minimumf %sub3A_1813, %sub3A_1814 : vector<16xf32>
        %mul3A_1816 = arith.mulf %min3A_1815, %broadcast_in_dim3A_1368 : vector<16xf32>
        %min3A_1817 = arith.minimumf %min3A_1811, %mul3A_1816 : vector<16xf32>
        %gather3A_1818 = tpu.vector_load_idx %arg6[%add3A_1745, %add3A_1451] : memref<336x26xf32, #tpu.memory_space<vmem>>[vector<16xi32>, vector<16xi32>], vector<16xf32>,
        %sub3A_1819 = arith.subf %broadcast_in_dim3A_1243, %gather3A_1818 : vector<16xf32>
        %sub3A_1820 = arith.subf %gather3A_1818, %broadcast_in_dim3A_1308 : vector<16xf32>
        %min3A_1821 = arith.minimumf %sub3A_1819, %sub3A_1820 : vector<16xf32>
        %mul3A_1822 = arith.mulf %min3A_1821, %broadcast_in_dim3A_1373 : vector<16xf32>
        %min3A_1823 = arith.minimumf %min3A_1817, %mul3A_1822 : vector<16xf32>
        %mul3A_1824 = arith.constant 16 : i32
        %mul3A_1825 = arith.muli %scan3A_1740, %mul3A_1824 : i32
        %swap3A = arith.index_cast %mul3A_1825 : i32 to index
        %swap3A_1826 = tpu.vector_load %arg9[%swap3A] {strides = array<i32>} : memref<336xf32, #tpu.memory_space<vmem>>, vector<16xf32>,
        tpu.vector_store %arg9[%swap3A], %min3A_1823 {strides = array<i32>} : memref<336xf32, #tpu.memory_space<vmem>>, vector<16xf32>,
        %scan3A_1827 = arith.constant 0 : i32
        scf.yield %scan3A_1827 : i32
      }
      %scan3A_1458 = arith.constant 21 : i32
      %get3A_1459 = arith.constant 0 : index
      %get3A_1460 = tpu.vector_load %arg8[%get3A_1459] {strides = array<i32>} : memref<96xf32, #tpu.memory_space<vmem>>, vector<16xf32>,
      %slice3A_1461 = vector.extract_strided_slice %get3A_1460 {offsets = [13], sizes = [1], strides = [1]} : vector<16xf32> to vector<1xf32>
      %squeeze3A_1462 = vector.extract %slice3A_1461[0] : f32 from vector<1xf32>
      %broadcast_in_dim3A_1463 = vector.broadcast %squeeze3A_1462 : f32 to vector<16xf32>
      %get3A_1464 = arith.constant 0 : index
      %get3A_1465 = tpu.vector_load %arg8[%get3A_1464] {strides = array<i32>} : memref<96xf32, #tpu.memory_space<vmem>>, vector<16xf32>,
      %slice3A_1466 = vector.extract_strided_slice %get3A_1465 {offsets = [14], sizes = [1], strides = [1]} : vector<16xf32> to vector<1xf32>
      %squeeze3A_1467 = vector.extract %slice3A_1466[0] : f32 from vector<1xf32>
      %broadcast_in_dim3A_1468 = vector.broadcast %squeeze3A_1467 : f32 to vector<16xf32>
      %get3A_1469 = arith.constant 0 : index
      %get3A_1470 = tpu.vector_load %arg8[%get3A_1469] {strides = array<i32>} : memref<96xf32, #tpu.memory_space<vmem>>, vector<16xf32>,
      %slice3A_1471 = vector.extract_strided_slice %get3A_1470 {offsets = [15], sizes = [1], strides = [1]} : vector<16xf32> to vector<1xf32>
      %squeeze3A_1472 = vector.extract %slice3A_1471[0] : f32 from vector<1xf32>
      %broadcast_in_dim3A_1473 = vector.broadcast %squeeze3A_1472 : f32 to vector<16xf32>
      %get3A_1474 = arith.constant 16 : index
      %get3A_1475 = tpu.vector_load %arg8[%get3A_1474] {strides = array<i32>} : memref<96xf32, #tpu.memory_space<vmem>>, vector<16xf32>,
      %slice3A_1476 = vector.extract_strided_slice %get3A_1475 {offsets = [0], sizes = [1], strides = [1]} : vector<16xf32> to vector<1xf32>
      %squeeze3A_1477 = vector.extract %slice3A_1476[0] : f32 from vector<1xf32>
      %broadcast_in_dim3A_1478 = vector.broadcast %squeeze3A_1477 : f32 to vector<16xf32>
      %get3A_1479 = arith.constant 16 : index
      %get3A_1480 = tpu.vector_load %arg8[%get3A_1479] {strides = array<i32>} : memref<96xf32, #tpu.memory_space<vmem>>, vector<16xf32>,
      %slice3A_1481 = vector.extract_strided_slice %get3A_1480 {offsets = [1], sizes = [1], strides = [1]} : vector<16xf32> to vector<1xf32>
      %squeeze3A_1482 = vector.extract %slice3A_1481[0] : f32 from vector<1xf32>
      %broadcast_in_dim3A_1483 = vector.broadcast %squeeze3A_1482 : f32 to vector<16xf32>
      %get3A_1484 = arith.constant 16 : index
      %get3A_1485 = tpu.vector_load %arg8[%get3A_1484] {strides = array<i32>} : memref<96xf32, #tpu.memory_space<vmem>>, vector<16xf32>,
      %slice3A_1486 = vector.extract_strided_slice %get3A_1485 {offsets = [2], sizes = [1], strides = [1]} : vector<16xf32> to vector<1xf32>
      %squeeze3A_1487 = vector.extract %slice3A_1486[0] : f32 from vector<1xf32>
      %broadcast_in_dim3A_1488 = vector.broadcast %squeeze3A_1487 : f32 to vector<16xf32>
      %get3A_1489 = arith.constant 16 : index
      %get3A_1490 = tpu.vector_load %arg8[%get3A_1489] {strides = array<i32>} : memref<96xf32, #tpu.memory_space<vmem>>, vector<16xf32>,
      %slice3A_1491 = vector.extract_strided_slice %get3A_1490 {offsets = [3], sizes = [1], strides = [1]} : vector<16xf32> to vector<1xf32>
      %squeeze3A_1492 = vector.extract %slice3A_1491[0] : f32 from vector<1xf32>
      %broadcast_in_dim3A_1493 = vector.broadcast %squeeze3A_1492 : f32 to vector<16xf32>
      %get3A_1494 = arith.constant 16 : index
      %get3A_1495 = tpu.vector_load %arg8[%get3A_1494] {strides = array<i32>} : memref<96xf32, #tpu.memory_space<vmem>>, vector<16xf32>,
      %slice3A_1496 = vector.extract_strided_slice %get3A_1495 {offsets = [4], sizes = [1], strides = [1]} : vector<16xf32> to vector<1xf32>
      %squeeze3A_1497 = vector.extract %slice3A_1496[0] : f32 from vector<1xf32>
      %broadcast_in_dim3A_1498 = vector.broadcast %squeeze3A_1497 : f32 to vector<16xf32>
      %get3A_1499 = arith.constant 16 : index
      %get3A_1500 = tpu.vector_load %arg8[%get3A_1499] {strides = array<i32>} : memref<96xf32, #tpu.memory_space<vmem>>, vector<16xf32>,
      %slice3A_1501 = vector.extract_strided_slice %get3A_1500 {offsets = [5], sizes = [1], strides = [1]} : vector<16xf32> to vector<1xf32>
      %squeeze3A_1502 = vector.extract %slice3A_1501[0] : f32 from vector<1xf32>
      %broadcast_in_dim3A_1503 = vector.broadcast %squeeze3A_1502 : f32 to vector<16xf32>
      %get3A_1504 = arith.constant 16 : index
      %get3A_1505 = tpu.vector_load %arg8[%get3A_1504] {strides = array<i32>} : memref<96xf32, #tpu.memory_space<vmem>>, vector<16xf32>,
      %slice3A_1506 = vector.extract_strided_slice %get3A_1505 {offsets = [6], sizes = [1], strides = [1]} : vector<16xf32> to vector<1xf32>
      %squeeze3A_1507 = vector.extract %slice3A_1506[0] : f32 from vector<1xf32>
      %broadcast_in_dim3A_1508 = vector.broadcast %squeeze3A_1507 : f32 to vector<16xf32>
      %get3A_1509 = arith.constant 16 : index
      %get3A_1510 = tpu.vector_load %arg8[%get3A_1509] {strides = array<i32>} : memref<96xf32, #tpu.memory_space<vmem>>, vector<16xf32>,
      %slice3A_1511 = vector.extract_strided_slice %get3A_1510 {offsets = [7], sizes = [1], strides = [1]} : vector<16xf32> to vector<1xf32>
      %squeeze3A_1512 = vector.extract %slice3A_1511[0] : f32 from vector<1xf32>
      %broadcast_in_dim3A_1513 = vector.broadcast %squeeze3A_1512 : f32 to vector<16xf32>
      %get3A_1514 = arith.constant 16 : index
      %get3A_1515 = tpu.vector_load %arg8[%get3A_1514] {strides = array<i32>} : memref<96xf32, #tpu.memory_space<vmem>>, vector<16xf32>,
      %slice3A_1516 = vector.extract_strided_slice %get3A_1515 {offsets = [8], sizes = [1], strides = [1]} : vector<16xf32> to vector<1xf32>
      %squeeze3A_1517 = vector.extract %slice3A_1516[0] : f32 from vector<1xf32>
      %broadcast_in_dim3A_1518 = vector.broadcast %squeeze3A_1517 : f32 to vector<16xf32>
      %get3A_1519 = arith.constant 16 : index
      %get3A_1520 = tpu.vector_load %arg8[%get3A_1519] {strides = array<i32>} : memref<96xf32, #tpu.memory_space<vmem>>, vector<16xf32>,
      %slice3A_1521 = vector.extract_strided_slice %get3A_1520 {offsets = [9], sizes = [1], strides = [1]} : vector<16xf32> to vector<1xf32>
      %squeeze3A_1522 = vector.extract %slice3A_1521[0] : f32 from vector<1xf32>
      %broadcast_in_dim3A_1523 = vector.broadcast %squeeze3A_1522 : f32 to vector<16xf32>
      %get3A_1524 = arith.constant 32 : index
      %get3A_1525 = tpu.vector_load %arg8[%get3A_1524] {strides = array<i32>} : memref<96xf32, #tpu.memory_space<vmem>>, vector<16xf32>,
      %slice3A_1526 = vector.extract_strided_slice %get3A_1525 {offsets = [13], sizes = [1], strides = [1]} : vector<16xf32> to vector<1xf32>
      %squeeze3A_1527 = vector.extract %slice3A_1526[0] : f32 from vector<1xf32>
      %broadcast_in_dim3A_1528 = vector.broadcast %squeeze3A_1527 : f32 to vector<16xf32>
      %get3A_1529 = arith.constant 32 : index
      %get3A_1530 = tpu.vector_load %arg8[%get3A_1529] {strides = array<i32>} : memref<96xf32, #tpu.memory_space<vmem>>, vector<16xf32>,
      %slice3A_1531 = vector.extract_strided_slice %get3A_1530 {offsets = [14], sizes = [1], strides = [1]} : vector<16xf32> to vector<1xf32>
      %squeeze3A_1532 = vector.extract %slice3A_1531[0] : f32 from vector<1xf32>
      %broadcast_in_dim3A_1533 = vector.broadcast %squeeze3A_1532 : f32 to vector<16xf32>
      %get3A_1534 = arith.constant 32 : index
      %get3A_1535 = tpu.vector_load %arg8[%get3A_1534] {strides = array<i32>} : memref<96xf32, #tpu.memory_space<vmem>>, vector<16xf32>,
      %slice3A_1536 = vector.extract_strided_slice %get3A_1535 {offsets = [15], sizes = [1], strides = [1]} : vector<16xf32> to vector<1xf32>
      %squeeze3A_1537 = vector.extract %slice3A_1536[0] : f32 from vector<1xf32>
      %broadcast_in_dim3A_1538 = vector.broadcast %squeeze3A_1537 : f32 to vector<16xf32>
      %get3A_1539 = arith.constant 48 : index
      %get3A_1540 = tpu.vector_load %arg8[%get3A_1539] {strides = array<i32>} : memref<96xf32, #tpu.memory_space<vmem>>, vector<16xf32>,
      %slice3A_1541 = vector.extract_strided_slice %get3A_1540 {offsets = [0], sizes = [1], strides = [1]} : vector<16xf32> to vector<1xf32>
      %squeeze3A_1542 = vector.extract %slice3A_1541[0] : f32 from vector<1xf32>
      %broadcast_in_dim3A_1543 = vector.broadcast %squeeze3A_1542 : f32 to vector<16xf32>
      %get3A_1544 = arith.constant 48 : index
      %get3A_1545 = tpu.vector_load %arg8[%get3A_1544] {strides = array<i32>} : memref<96xf32, #tpu.memory_space<vmem>>, vector<16xf32>,
      %slice3A_1546 = vector.extract_strided_slice %get3A_1545 {offsets = [1], sizes = [1], strides = [1]} : vector<16xf32> to vector<1xf32>
      %squeeze3A_1547 = vector.extract %slice3A_1546[0] : f32 from vector<1xf32>
      %broadcast_in_dim3A_1548 = vector.broadcast %squeeze3A_1547 : f32 to vector<16xf32>
      %get3A_1549 = arith.constant 48 : index
      %get3A_1550 = tpu.vector_load %arg8[%get3A_1549] {strides = array<i32>} : memref<96xf32, #tpu.memory_space<vmem>>, vector<16xf32>,
      %slice3A_1551 = vector.extract_strided_slice %get3A_1550 {offsets = [2], sizes = [1], strides = [1]} : vector<16xf32> to vector<1xf32>
      %squeeze3A_1552 = vector.extract %slice3A_1551[0] : f32 from vector<1xf32>
      %broadcast_in_dim3A_1553 = vector.broadcast %squeeze3A_1552 : f32 to vector<16xf32>
      %get3A_1554 = arith.constant 48 : index
      %get3A_1555 = tpu.vector_load %arg8[%get3A_1554] {strides = array<i32>} : memref<96xf32, #tpu.memory_space<vmem>>, vector<16xf32>,
      %slice3A_1556 = vector.extract_strided_slice %get3A_1555 {offsets = [3], sizes = [1], strides = [1]} : vector<16xf32> to vector<1xf32>
      %squeeze3A_1557 = vector.extract %slice3A_1556[0] : f32 from vector<1xf32>
      %broadcast_in_dim3A_1558 = vector.broadcast %squeeze3A_1557 : f32 to vector<16xf32>
      %get3A_1559 = arith.constant 48 : index
      %get3A_1560 = tpu.vector_load %arg8[%get3A_1559] {strides = array<i32>} : memref<96xf32, #tpu.memory_space<vmem>>, vector<16xf32>,
      %slice3A_1561 = vector.extract_strided_slice %get3A_1560 {offsets = [4], sizes = [1], strides = [1]} : vector<16xf32> to vector<1xf32>
      %squeeze3A_1562 = vector.extract %slice3A_1561[0] : f32 from vector<1xf32>
      %broadcast_in_dim3A_1563 = vector.broadcast %squeeze3A_1562 : f32 to vector<16xf32>
      %get3A_1564 = arith.constant 48 : index
      %get3A_1565 = tpu.vector_load %arg8[%get3A_1564] {strides = array<i32>} : memref<96xf32, #tpu.memory_space<vmem>>, vector<16xf32>,
      %slice3A_1566 = vector.extract_strided_slice %get3A_1565 {offsets = [5], sizes = [1], strides = [1]} : vector<16xf32> to vector<1xf32>
      %squeeze3A_1567 = vector.extract %slice3A_1566[0] : f32 from vector<1xf32>
      %broadcast_in_dim3A_1568 = vector.broadcast %squeeze3A_1567 : f32 to vector<16xf32>
      %get3A_1569 = arith.constant 48 : index
      %get3A_1570 = tpu.vector_load %arg8[%get3A_1569] {strides = array<i32>} : memref<96xf32, #tpu.memory_space<vmem>>, vector<16xf32>,
      %slice3A_1571 = vector.extract_strided_slice %get3A_1570 {offsets = [6], sizes = [1], strides = [1]} : vector<16xf32> to vector<1xf32>
      %squeeze3A_1572 = vector.extract %slice3A_1571[0] : f32 from vector<1xf32>
      %broadcast_in_dim3A_1573 = vector.broadcast %squeeze3A_1572 : f32 to vector<16xf32>
      %get3A_1574 = arith.constant 48 : index
      %get3A_1575 = tpu.vector_load %arg8[%get3A_1574] {strides = array<i32>} : memref<96xf32, #tpu.memory_space<vmem>>, vector<16xf32>,
      %slice3A_1576 = vector.extract_strided_slice %get3A_1575 {offsets = [7], sizes = [1], strides = [1]} : vector<16xf32> to vector<1xf32>
      %squeeze3A_1577 = vector.extract %slice3A_1576[0] : f32 from vector<1xf32>
      %broadcast_in_dim3A_1578 = vector.broadcast %squeeze3A_1577 : f32 to vector<16xf32>
      %get3A_1579 = arith.constant 48 : index
      %get3A_1580 = tpu.vector_load %arg8[%get3A_1579] {strides = array<i32>} : memref<96xf32, #tpu.memory_space<vmem>>, vector<16xf32>,
      %slice3A_1581 = vector.extract_strided_slice %get3A_1580 {offsets = [8], sizes = [1], strides = [1]} : vector<16xf32> to vector<1xf32>
      %squeeze3A_1582 = vector.extract %slice3A_1581[0] : f32 from vector<1xf32>
      %broadcast_in_dim3A_1583 = vector.broadcast %squeeze3A_1582 : f32 to vector<16xf32>
      %get3A_1584 = arith.constant 48 : index
      %get3A_1585 = tpu.vector_load %arg8[%get3A_1584] {strides = array<i32>} : memref<96xf32, #tpu.memory_space<vmem>>, vector<16xf32>,
      %slice3A_1586 = vector.extract_strided_slice %get3A_1585 {offsets = [9], sizes = [1], strides = [1]} : vector<16xf32> to vector<1xf32>
      %squeeze3A_1587 = vector.extract %slice3A_1586[0] : f32 from vector<1xf32>
      %broadcast_in_dim3A_1588 = vector.broadcast %squeeze3A_1587 : f32 to vector<16xf32>
      %get3A_1589 = arith.constant 64 : index
      %get3A_1590 = tpu.vector_load %arg8[%get3A_1589] {strides = array<i32>} : memref<96xf32, #tpu.memory_space<vmem>>, vector<16xf32>,
      %slice3A_1591 = vector.extract_strided_slice %get3A_1590 {offsets = [13], sizes = [1], strides = [1]} : vector<16xf32> to vector<1xf32>
      %squeeze3A_1592 = vector.extract %slice3A_1591[0] : f32 from vector<1xf32>
      %broadcast_in_dim3A_1593 = vector.broadcast %squeeze3A_1592 : f32 to vector<16xf32>
      %get3A_1594 = arith.constant 64 : index
      %get3A_1595 = tpu.vector_load %arg8[%get3A_1594] {strides = array<i32>} : memref<96xf32, #tpu.memory_space<vmem>>, vector<16xf32>,
      %slice3A_1596 = vector.extract_strided_slice %get3A_1595 {offsets = [14], sizes = [1], strides = [1]} : vector<16xf32> to vector<1xf32>
      %squeeze3A_1597 = vector.extract %slice3A_1596[0] : f32 from vector<1xf32>
      %broadcast_in_dim3A_1598 = vector.broadcast %squeeze3A_1597 : f32 to vector<16xf32>
      %get3A_1599 = arith.constant 64 : index
      %get3A_1600 = tpu.vector_load %arg8[%get3A_1599] {strides = array<i32>} : memref<96xf32, #tpu.memory_space<vmem>>, vector<16xf32>,
      %slice3A_1601 = vector.extract_strided_slice %get3A_1600 {offsets = [15], sizes = [1], strides = [1]} : vector<16xf32> to vector<1xf32>
      %squeeze3A_1602 = vector.extract %slice3A_1601[0] : f32 from vector<1xf32>
      %broadcast_in_dim3A_1603 = vector.broadcast %squeeze3A_1602 : f32 to vector<16xf32>
      %get3A_1604 = arith.constant 80 : index
      %get3A_1605 = tpu.vector_load %arg8[%get3A_1604] {strides = array<i32>} : memref<96xf32, #tpu.memory_space<vmem>>, vector<16xf32>,
      %slice3A_1606 = vector.extract_strided_slice %get3A_1605 {offsets = [0], sizes = [1], strides = [1]} : vector<16xf32> to vector<1xf32>
      %squeeze3A_1607 = vector.extract %slice3A_1606[0] : f32 from vector<1xf32>
      %broadcast_in_dim3A_1608 = vector.broadcast %squeeze3A_1607 : f32 to vector<16xf32>
      %get3A_1609 = arith.constant 80 : index
      %get3A_1610 = tpu.vector_load %arg8[%get3A_1609] {strides = array<i32>} : memref<96xf32, #tpu.memory_space<vmem>>, vector<16xf32>,
      %slice3A_1611 = vector.extract_strided_slice %get3A_1610 {offsets = [1], sizes = [1], strides = [1]} : vector<16xf32> to vector<1xf32>
      %squeeze3A_1612 = vector.extract %slice3A_1611[0] : f32 from vector<1xf32>
      %broadcast_in_dim3A_1613 = vector.broadcast %squeeze3A_1612 : f32 to vector<16xf32>
      %get3A_1614 = arith.constant 80 : index
      %get3A_1615 = tpu.vector_load %arg8[%get3A_1614] {strides = array<i32>} : memref<96xf32, #tpu.memory_space<vmem>>, vector<16xf32>,
      %slice3A_1616 = vector.extract_strided_slice %get3A_1615 {offsets = [2], sizes = [1], strides = [1]} : vector<16xf32> to vector<1xf32>
      %squeeze3A_1617 = vector.extract %slice3A_1616[0] : f32 from vector<1xf32>
      %broadcast_in_dim3A_1618 = vector.broadcast %squeeze3A_1617 : f32 to vector<16xf32>
      %get3A_1619 = arith.constant 80 : index
      %get3A_1620 = tpu.vector_load %arg8[%get3A_1619] {strides = array<i32>} : memref<96xf32, #tpu.memory_space<vmem>>, vector<16xf32>,
      %slice3A_1621 = vector.extract_strided_slice %get3A_1620 {offsets = [3], sizes = [1], strides = [1]} : vector<16xf32> to vector<1xf32>
      %squeeze3A_1622 = vector.extract %slice3A_1621[0] : f32 from vector<1xf32>
      %broadcast_in_dim3A_1623 = vector.broadcast %squeeze3A_1622 : f32 to vector<16xf32>
      %get3A_1624 = arith.constant 80 : index
      %get3A_1625 = tpu.vector_load %arg8[%get3A_1624] {strides = array<i32>} : memref<96xf32, #tpu.memory_space<vmem>>, vector<16xf32>,
      %slice3A_1626 = vector.extract_strided_slice %get3A_1625 {offsets = [4], sizes = [1], strides = [1]} : vector<16xf32> to vector<1xf32>
      %squeeze3A_1627 = vector.extract %slice3A_1626[0] : f32 from vector<1xf32>
      %broadcast_in_dim3A_1628 = vector.broadcast %squeeze3A_1627 : f32 to vector<16xf32>
      %get3A_1629 = arith.constant 80 : index
      %get3A_1630 = tpu.vector_load %arg8[%get3A_1629] {strides = array<i32>} : memref<96xf32, #tpu.memory_space<vmem>>, vector<16xf32>,
      %slice3A_1631 = vector.extract_strided_slice %get3A_1630 {offsets = [5], sizes = [1], strides = [1]} : vector<16xf32> to vector<1xf32>
      %squeeze3A_1632 = vector.extract %slice3A_1631[0] : f32 from vector<1xf32>
      %broadcast_in_dim3A_1633 = vector.broadcast %squeeze3A_1632 : f32 to vector<16xf32>
      %get3A_1634 = arith.constant 80 : index
      %get3A_1635 = tpu.vector_load %arg8[%get3A_1634] {strides = array<i32>} : memref<96xf32, #tpu.memory_space<vmem>>, vector<16xf32>,
      %slice3A_1636 = vector.extract_strided_slice %get3A_1635 {offsets = [6], sizes = [1], strides = [1]} : vector<16xf32> to vector<1xf32>
      %squeeze3A_1637 = vector.extract %slice3A_1636[0] : f32 from vector<1xf32>
      %broadcast_in_dim3A_1638 = vector.broadcast %squeeze3A_1637 : f32 to vector<16xf32>
      %get3A_1639 = arith.constant 80 : index
      %get3A_1640 = tpu.vector_load %arg8[%get3A_1639] {strides = array<i32>} : memref<96xf32, #tpu.memory_space<vmem>>, vector<16xf32>,
      %slice3A_1641 = vector.extract_strided_slice %get3A_1640 {offsets = [7], sizes = [1], strides = [1]} : vector<16xf32> to vector<1xf32>
      %squeeze3A_1642 = vector.extract %slice3A_1641[0] : f32 from vector<1xf32>
      %broadcast_in_dim3A_1643 = vector.broadcast %squeeze3A_1642 : f32 to vector<16xf32>
      %get3A_1644 = arith.constant 80 : index
      %get3A_1645 = tpu.vector_load %arg8[%get3A_1644] {strides = array<i32>} : memref<96xf32, #tpu.memory_space<vmem>>, vector<16xf32>,
      %slice3A_1646 = vector.extract_strided_slice %get3A_1645 {offsets = [8], sizes = [1], strides = [1]} : vector<16xf32> to vector<1xf32>
      %squeeze3A_1647 = vector.extract %slice3A_1646[0] : f32 from vector<1xf32>
      %broadcast_in_dim3A_1648 = vector.broadcast %squeeze3A_1647 : f32 to vector<16xf32>
      %get3A_1649 = arith.constant 80 : index
      %get3A_1650 = tpu.vector_load %arg8[%get3A_1649] {strides = array<i32>} : memref<96xf32, #tpu.memory_space<vmem>>, vector<16xf32>,
      %slice3A_1651 = vector.extract_strided_slice %get3A_1650 {offsets = [9], sizes = [1], strides = [1]} : vector<16xf32> to vector<1xf32>
      %squeeze3A_1652 = vector.extract %slice3A_1651[0] : f32 from vector<1xf32>
      %broadcast_in_dim3A_1653 = vector.broadcast %squeeze3A_1652 : f32 to vector<16xf32>
      %mul3A_1654 = arith.constant 0 : i32
      %mul3A_1655 = vector.broadcast %mul3A_1654 : i32 to vector<16xi32>
      %mul3A_1656 = arith.muli %iota3A, %mul3A_1655 : vector<16xi32>
      %add3A_1657 = arith.constant 13 : i32
      %add3A_1658 = vector.broadcast %add3A_1657 : i32 to vector<16xi32>
      %add3A_1659 = arith.addi %mul3A_1656, %add3A_1658 : vector<16xi32>
      %mul3A_1660 = arith.constant 0 : i32
      %mul3A_1661 = vector.broadcast %mul3A_1660 : i32 to vector<16xi32>
      %mul3A_1662 = arith.muli %iota3A, %mul3A_1661 : vector<16xi32>
      %add3A_1663 = arith.constant 14 : i32
      %add3A_1664 = vector.broadcast %add3A_1663 : i32 to vector<16xi32>
      %add3A_1665 = arith.addi %mul3A_1662, %add3A_1664 : vector<16xi32>
      %mul3A_1666 = arith.constant 0 : i32
      %mul3A_1667 = vector.broadcast %mul3A_1666 : i32 to vector<16xi32>
      %mul3A_1668 = arith.muli %iota3A, %mul3A_1667 : vector<16xi32>
      %add3A_1669 = arith.constant 15 : i32
      %add3A_1670 = vector.broadcast %add3A_1669 : i32 to vector<16xi32>
      %add3A_1671 = arith.addi %mul3A_1668, %add3A_1670 : vector<16xi32>
      %mul3A_1672 = arith.constant 0 : i32
      %mul3A_1673 = vector.broadcast %mul3A_1672 : i32 to vector<16xi32>
      %mul3A_1674 = arith.muli %iota3A, %mul3A_1673 : vector<16xi32>
      %add3A_1675 = arith.constant 16 : i32
      %add3A_1676 = vector.broadcast %add3A_1675 : i32 to vector<16xi32>
      %add3A_1677 = arith.addi %mul3A_1674, %add3A_1676 : vector<16xi32>
      %mul3A_1678 = arith.constant 0 : i32
      %mul3A_1679 = vector.broadcast %mul3A_1678 : i32 to vector<16xi32>
      %mul3A_1680 = arith.muli %iota3A, %mul3A_1679 : vector<16xi32>
      %add3A_1681 = arith.constant 17 : i32
      %add3A_1682 = vector.broadcast %add3A_1681 : i32 to vector<16xi32>
      %add3A_1683 = arith.addi %mul3A_1680, %add3A_1682 : vector<16xi32>
      %mul3A_1684 = arith.constant 0 : i32
      %mul3A_1685 = vector.broadcast %mul3A_1684 : i32 to vector<16xi32>
      %mul3A_1686 = arith.muli %iota3A, %mul3A_1685 : vector<16xi32>
      %add3A_1687 = arith.constant 18 : i32
      %add3A_1688 = vector.broadcast %add3A_1687 : i32 to vector<16xi32>
      %add3A_1689 = arith.addi %mul3A_1686, %add3A_1688 : vector<16xi32>
      %mul3A_1690 = arith.constant 0 : i32
      %mul3A_1691 = vector.broadcast %mul3A_1690 : i32 to vector<16xi32>
      %mul3A_1692 = arith.muli %iota3A, %mul3A_1691 : vector<16xi32>
      %add3A_1693 = arith.constant 19 : i32
      %add3A_1694 = vector.broadcast %add3A_1693 : i32 to vector<16xi32>
      %add3A_1695 = arith.addi %mul3A_1692, %add3A_1694 : vector<16xi32>
      %mul3A_1696 = arith.constant 0 : i32
      %mul3A_1697 = vector.broadcast %mul3A_1696 : i32 to vector<16xi32>
      %mul3A_1698 = arith.muli %iota3A, %mul3A_1697 : vector<16xi32>
      %add3A_1699 = arith.constant 20 : i32
      %add3A_1700 = vector.broadcast %add3A_1699 : i32 to vector<16xi32>
      %add3A_1701 = arith.addi %mul3A_1698, %add3A_1700 : vector<16xi32>
      %mul3A_1702 = arith.constant 0 : i32
      %mul3A_1703 = vector.broadcast %mul3A_1702 : i32 to vector<16xi32>
      %mul3A_1704 = arith.muli %iota3A, %mul3A_1703 : vector<16xi32>
      %add3A_1705 = arith.constant 21 : i32
      %add3A_1706 = vector.broadcast %add3A_1705 : i32 to vector<16xi32>
      %add3A_1707 = arith.addi %mul3A_1704, %add3A_1706 : vector<16xi32>
      %mul3A_1708 = arith.constant 0 : i32
      %mul3A_1709 = vector.broadcast %mul3A_1708 : i32 to vector<16xi32>
      %mul3A_1710 = arith.muli %iota3A, %mul3A_1709 : vector<16xi32>
      %add3A_1711 = arith.constant 22 : i32
      %add3A_1712 = vector.broadcast %add3A_1711 : i32 to vector<16xi32>
      %add3A_1713 = arith.addi %mul3A_1710, %add3A_1712 : vector<16xi32>
      %mul3A_1714 = arith.constant 0 : i32
      %mul3A_1715 = vector.broadcast %mul3A_1714 : i32 to vector<16xi32>
      %mul3A_1716 = arith.muli %iota3A, %mul3A_1715 : vector<16xi32>
      %add3A_1717 = arith.constant 23 : i32
      %add3A_1718 = vector.broadcast %add3A_1717 : i32 to vector<16xi32>
      %add3A_1719 = arith.addi %mul3A_1716, %add3A_1718 : vector<16xi32>
      %mul3A_1720 = arith.constant 0 : i32
      %mul3A_1721 = vector.broadcast %mul3A_1720 : i32 to vector<16xi32>
      %mul3A_1722 = arith.muli %iota3A, %mul3A_1721 : vector<16xi32>
      %add3A_1723 = arith.constant 24 : i32
      %add3A_1724 = vector.broadcast %add3A_1723 : i32 to vector<16xi32>
      %add3A_1725 = arith.addi %mul3A_1722, %add3A_1724 : vector<16xi32>
      %mul3A_1726 = arith.constant 0 : i32
      %mul3A_1727 = vector.broadcast %mul3A_1726 : i32 to vector<16xi32>
      %mul3A_1728 = arith.muli %iota3A, %mul3A_1727 : vector<16xi32>
      %add3A_1729 = arith.constant 25 : i32
      %add3A_1730 = vector.broadcast %add3A_1729 : i32 to vector<16xi32>
      %add3A_1731 = arith.addi %mul3A_1728, %add3A_1730 : vector<16xi32>
      %scan3A_1732 = arith.constant 0 : i32
      %scan3A_1733 = arith.constant 0 : i32
      %scan3A_1734 = arith.constant 21 : i32
      %scan3A_1735 = arith.addi %scan3A_1733, %scan3A_1734 : i32
      %scan3A_1736 = arith.constant 1 : i32
      %scan3A_1737 = scf.for %scan3A_1740 = %scan3A_1733 to %scan3A_1735 step %scan3A_1736 iter_args(%scan3A_1741 = %scan3A_1732) -> (i32)  : i32 {
        %mul3A_1742 = arith.constant 16 : i32
        %mul3A_1743 = arith.muli %scan3A_1740, %mul3A_1742 : i32
        %add3A_1744 = vector.broadcast %mul3A_1743 : i32 to vector<16xi32>
        %add3A_1745 = arith.addi %iota3A, %add3A_1744 : vector<16xi32>
        %mul3A_1746 = arith.constant 16 : i32
        %mul3A_1747 = arith.muli %scan3A_1740, %mul3A_1746 : i32
        %get3A_1748 = arith.index_cast %mul3A_1747 : i32 to index
        %get3A_1749 = tpu.vector_load %arg9[%get3A_1748] {strides = array<i32>} : memref<336xf32, #tpu.memory_space<vmem>>, vector<16xf32>,
        %gather3A = tpu.vector_load_idx %arg6[%add3A_1745, %add3A_1659] : memref<336x26xf32, #tpu.memory_space<vmem>>[vector<16xi32>, vector<16xi32>], vector<16xf32>,
        %sub3A = arith.subf %broadcast_in_dim3A_1463, %gather3A : vector<16xf32>
        %sub3A_1750 = arith.subf %gather3A, %broadcast_in_dim3A_1528 : vector<16xf32>
        %min3A_1751 = arith.minimumf %sub3A, %sub3A_1750 : vector<16xf32>
        %mul3A_1752 = arith.mulf %min3A_1751, %broadcast_in_dim3A_1593 : vector<16xf32>
        %min3A_1753 = arith.minimumf %get3A_1749, %mul3A_1752 : vector<16xf32>
        %gather3A_1754 = tpu.vector_load_idx %arg6[%add3A_1745, %add3A_1665] : memref<336x26xf32, #tpu.memory_space<vmem>>[vector<16xi32>, vector<16xi32>], vector<16xf32>,
        %sub3A_1755 = arith.subf %broadcast_in_dim3A_1468, %gather3A_1754 : vector<16xf32>
        %sub3A_1756 = arith.subf %gather3A_1754, %broadcast_in_dim3A_1533 : vector<16xf32>
        %min3A_1757 = arith.minimumf %sub3A_1755, %sub3A_1756 : vector<16xf32>
        %mul3A_1758 = arith.mulf %min3A_1757, %broadcast_in_dim3A_1598 : vector<16xf32>
        %min3A_1759 = arith.minimumf %min3A_1753, %mul3A_1758 : vector<16xf32>
        %gather3A_1760 = tpu.vector_load_idx %arg6[%add3A_1745, %add3A_1671] : memref<336x26xf32, #tpu.memory_space<vmem>>[vector<16xi32>, vector<16xi32>], vector<16xf32>,
        %sub3A_1761 = arith.subf %broadcast_in_dim3A_1473, %gather3A_1760 : vector<16xf32>
        %sub3A_1762 = arith.subf %gather3A_1760, %broadcast_in_dim3A_1538 : vector<16xf32>
        %min3A_1763 = arith.minimumf %sub3A_1761, %sub3A_1762 : vector<16xf32>
        %mul3A_1764 = arith.mulf %min3A_1763, %broadcast_in_dim3A_1603 : vector<16xf32>
        %min3A_1765 = arith.minimumf %min3A_1759, %mul3A_1764 : vector<16xf32>
        %gather3A_1766 = tpu.vector_load_idx %arg6[%add3A_1745, %add3A_1677] : memref<336x26xf32, #tpu.memory_space<vmem>>[vector<16xi32>, vector<16xi32>], vector<16xf32>,
        %sub3A_1767 = arith.subf %broadcast_in_dim3A_1478, %gather3A_1766 : vector<16xf32>
        %sub3A_1768 = arith.subf %gather3A_1766, %broadcast_in_dim3A_1543 : vector<16xf32>
        %min3A_1769 = arith.minimumf %sub3A_1767, %sub3A_1768 : vector<16xf32>
        %mul3A_1770 = arith.mulf %min3A_1769, %broadcast_in_dim3A_1608 : vector<16xf32>
        %min3A_1771 = arith.minimumf %min3A_1765, %mul3A_1770 : vector<16xf32>
        %gather3A_1772 = tpu.vector_load_idx %arg6[%add3A_1745, %add3A_1683] : memref<336x26xf32, #tpu.memory_space<vmem>>[vector<16xi32>, vector<16xi32>], vector<16xf32>,
        %sub3A_1773 = arith.subf %broadcast_in_dim3A_1483, %gather3A_1772 : vector<16xf32>
        %sub3A_1774 = arith.subf %gather3A_1772, %broadcast_in_dim3A_1548 : vector<16xf32>
        %min3A_1775 = arith.minimumf %sub3A_1773, %sub3A_1774 : vector<16xf32>
        %mul3A_1776 = arith.mulf %min3A_1775, %broadcast_in_dim3A_1613 : vector<16xf32>
        %min3A_1777 = arith.minimumf %min3A_1771, %mul3A_1776 : vector<16xf32>
        %gather3A_1778 = tpu.vector_load_idx %arg6[%add3A_1745, %add3A_1689] : memref<336x26xf32, #tpu.memory_space<vmem>>[vector<16xi32>, vector<16xi32>], vector<16xf32>,
        %sub3A_1779 = arith.subf %broadcast_in_dim3A_1488, %gather3A_1778 : vector<16xf32>
        %sub3A_1780 = arith.subf %gather3A_1778, %broadcast_in_dim3A_1553 : vector<16xf32>
        %min3A_1781 = arith.minimumf %sub3A_1779, %sub3A_1780 : vector<16xf32>
        %mul3A_1782 = arith.mulf %min3A_1781, %broadcast_in_dim3A_1618 : vector<16xf32>
        %min3A_1783 = arith.minimumf %min3A_1777, %mul3A_1782 : vector<16xf32>
        %gather3A_1784 = tpu.vector_load_idx %arg6[%add3A_1745, %add3A_1695] : memref<336x26xf32, #tpu.memory_space<vmem>>[vector<16xi32>, vector<16xi32>], vector<16xf32>,
        %sub3A_1785 = arith.subf %broadcast_in_dim3A_1493, %gather3A_1784 : vector<16xf32>
        %sub3A_1786 = arith.subf %gather3A_1784, %broadcast_in_dim3A_1558 : vector<16xf32>
        %min3A_1787 = arith.minimumf %sub3A_1785, %sub3A_1786 : vector<16xf32>
        %mul3A_1788 = arith.mulf %min3A_1787, %broadcast_in_dim3A_1623 : vector<16xf32>
        %min3A_1789 = arith.minimumf %min3A_1783, %mul3A_1788 : vector<16xf32>
        %gather3A_1790 = tpu.vector_load_idx %arg6[%add3A_1745, %add3A_1701] : memref<336x26xf32, #tpu.memory_space<vmem>>[vector<16xi32>, vector<16xi32>], vector<16xf32>,
        %sub3A_1791 = arith.subf %broadcast_in_dim3A_1498, %gather3A_1790 : vector<16xf32>
        %sub3A_1792 = arith.subf %gather3A_1790, %broadcast_in_dim3A_1563 : vector<16xf32>
        %min3A_1793 = arith.minimumf %sub3A_1791, %sub3A_1792 : vector<16xf32>
        %mul3A_1794 = arith.mulf %min3A_1793, %broadcast_in_dim3A_1628 : vector<16xf32>
        %min3A_1795 = arith.minimumf %min3A_1789, %mul3A_1794 : vector<16xf32>
        %gather3A_1796 = tpu.vector_load_idx %arg6[%add3A_1745, %add3A_1707] : memref<336x26xf32, #tpu.memory_space<vmem>>[vector<16xi32>, vector<16xi32>], vector<16xf32>,
        %sub3A_1797 = arith.subf %broadcast_in_dim3A_1503, %gather3A_1796 : vector<16xf32>
        %sub3A_1798 = arith.subf %gather3A_1796, %broadcast_in_dim3A_1568 : vector<16xf32>
        %min3A_1799 = arith.minimumf %sub3A_1797, %sub3A_1798 : vector<16xf32>
        %mul3A_1800 = arith.mulf %min3A_1799, %broadcast_in_dim3A_1633 : vector<16xf32>
        %min3A_1801 = arith.minimumf %min3A_1795, %mul3A_1800 : vector<16xf32>
        %gather3A_1802 = tpu.vector_load_idx %arg6[%add3A_1745, %add3A_1713] : memref<336x26xf32, #tpu.memory_space<vmem>>[vector<16xi32>, vector<16xi32>], vector<16xf32>,
        %sub3A_1803 = arith.subf %broadcast_in_dim3A_1508, %gather3A_1802 : vector<16xf32>
        %sub3A_1804 = arith.subf %gather3A_1802, %broadcast_in_dim3A_1573 : vector<16xf32>
        %min3A_1805 = arith.minimumf %sub3A_1803, %sub3A_1804 : vector<16xf32>
        %mul3A_1806 = arith.mulf %min3A_1805, %broadcast_in_dim3A_1638 : vector<16xf32>
        %min3A_1807 = arith.minimumf %min3A_1801, %mul3A_1806 : vector<16xf32>
        %gather3A_1808 = tpu.vector_load_idx %arg6[%add3A_1745, %add3A_1719] : memref<336x26xf32, #tpu.memory_space<vmem>>[vector<16xi32>, vector<16xi32>], vector<16xf32>,
        %sub3A_1809 = arith.subf %broadcast_in_dim3A_1513, %gather3A_1808 : vector<16xf32>
        %sub3A_1810 = arith.subf %gather3A_1808, %broadcast_in_dim3A_1578 : vector<16xf32>
        %min3A_1811 = arith.minimumf %sub3A_1809, %sub3A_1810 : vector<16xf32>
        %mul3A_1812 = arith.mulf %min3A_1811, %broadcast_in_dim3A_1643 : vector<16xf32>
        %min3A_1813 = arith.minimumf %min3A_1807, %mul3A_1812 : vector<16xf32>
        %gather3A_1814 = tpu.vector_load_idx %arg6[%add3A_1745, %add3A_1725] : memref<336x26xf32, #tpu.memory_space<vmem>>[vector<16xi32>, vector<16xi32>], vector<16xf32>,
        %sub3A_1815 = arith.subf %broadcast_in_dim3A_1518, %gather3A_1814 : vector<16xf32>
        %sub3A_1816 = arith.subf %gather3A_1814, %broadcast_in_dim3A_1583 : vector<16xf32>
        %min3A_1817 = arith.minimumf %sub3A_1815, %sub3A_1816 : vector<16xf32>
        %mul3A_1818 = arith.mulf %min3A_1817, %broadcast_in_dim3A_1648 : vector<16xf32>
        %min3A_1819 = arith.minimumf %min3A_1813, %mul3A_1818 : vector<16xf32>
        %gather3A_1820 = tpu.vector_load_idx %arg6[%add3A_1745, %add3A_1731] : memref<336x26xf32, #tpu.memory_space<vmem>>[vector<16xi32>, vector<16xi32>], vector<16xf32>,
        %sub3A_1821 = arith.subf %broadcast_in_dim3A_1523, %gather3A_1820 : vector<16xf32>
        %sub3A_1822 = arith.subf %gather3A_1820, %broadcast_in_dim3A_1588 : vector<16xf32>
        %min3A_1823 = arith.minimumf %sub3A_1821, %sub3A_1822 : vector<16xf32>
        %mul3A_1824 = arith.mulf %min3A_1823, %broadcast_in_dim3A_1653 : vector<16xf32>
        %min3A_1825 = arith.minimumf %min3A_1819, %mul3A_1824 : vector<16xf32>
        %ge3A = arith.constant 0.000000e+00 : f32
        %ge3A_1826 = vector.broadcast %ge3A : f32 to vector<16xf32>
        %ge3A_1827 = arith.cmpf oge, %min3A_1825, %ge3A_1826 : vector<16xf32>
        %jit3A = arith.constant 1.000000e+00 : f32
        %jit3A_1828 = arith.constant 0.000000e+00 : f32
        %broadcast_in_dim3A_1829 = vector.broadcast %jit3A : f32 to vector<16xf32>
        %broadcast_in_dim3A_1830 = vector.broadcast %jit3A_1828 : f32 to vector<16xf32>
        %select_n3A = arith.select %ge3A_1827, %broadcast_in_dim3A_1829, %broadcast_in_dim3A_1830 : vector<16xi1>, vector<16xf32>
        %mul3A_1831 = arith.constant 16 : i32
        %mul3A_1832 = arith.muli %scan3A_1740, %mul3A_1831 : i32
        %swap3A = arith.index_cast %mul3A_1832 : i32 to index
        %swap3A_1833 = tpu.vector_load %arg7[%swap3A] {strides = array<i32>} : memref<336xf32, #tpu.memory_space<vmem>>, vector<16xf32>,
        tpu.vector_store %arg7[%swap3A], %select_n3A {strides = array<i32>} : memref<336xf32, #tpu.memory_space<vmem>>, vector<16xf32>,
        %scan3A_1834 = arith.constant 0 : i32
        scf.yield %scan3A_1834 : i32
      }
      %scan3A_1738 = arith.constant 21 : i32
      "tpu.region"() ({
        %run_scoped3A = tpu.sem_alloc : memref<!tpu.dma_semaphore, #tpu.memory_space<semaphore_mem>>
        %dma_start3A_1740 = tpu.memref_slice %arg4[%add3A_1174] : memref<1000000xf32, #tpu.memory_space<hbm>> -> memref<336xf32, #tpu.memory_space<hbm>>
        %dma_start3A_1741 = tpu.memref_slice %arg4[%add3A_1174] : memref<1000000xf32, #tpu.memory_space<hbm>> -> memref<336xf32, #tpu.memory_space<hbm>>
        tpu.enqueue_dma source(%arg7 : memref<336xf32, #tpu.memory_space<vmem>>) target(%dma_start3A_1741 : memref<336xf32, #tpu.memory_space<hbm>>) target_semaphore(%run_scoped3A : memref<!tpu.dma_semaphore, #tpu.memory_space<semaphore_mem>>)
        %dma_wait3A_1742 = tpu.memref_slice %arg4[%add3A_1174] : memref<1000000xf32, #tpu.memory_space<hbm>> -> memref<336xf32, #tpu.memory_space<hbm>>
        %dma_wait3A_1743 = tpu.memref_slice %arg4[%add3A_1174] : memref<1000000xf32, #tpu.memory_space<hbm>> -> memref<336xf32, #tpu.memory_space<hbm>>
        tpu.wait_dma2 semaphore(%run_scoped3A : memref<!tpu.dma_semaphore, #tpu.memory_space<semaphore_mem>>) src(%arg7 : memref<336xf32, #tpu.memory_space<vmem>>) dst(%dma_wait3A_1743 : memref<336xf32, #tpu.memory_space<hbm>>)
        tpu.yield
      }) : () -> ()
      %scan3A_1739 = arith.constant 0 : i32
      scf.yield %scan3A_1739 : i32
    }
    %scan3A_17 = arith.constant 46 : i32
    %add3A_18 = arith.constant 30912 : i32
    %add3A_19 = arith.addi %add3A_6, %add3A_18 : i32
    %dma_wait3A = arith.constant 0 : i32
    %dma_wait3A_20 = tpu.memref_slice %arg2[%add3A_19, %dma_wait3A] : memref<1000000x26xf32, #tpu.memory_space<hbm>> -> memref<336x26xf32, #tpu.memory_space<hbm>>
    %dma_wait3A_21 = arith.constant 0 : i32
    %dma_wait3A_22 = tpu.memref_slice %arg2[%add3A_19, %dma_wait3A_21] : memref<1000000x26xf32, #tpu.memory_space<hbm>> -> memref<336x26xf32, #tpu.memory_space<hbm>>
    tpu.wait_dma2 semaphore(%arg10 : memref<!tpu.dma_semaphore, #tpu.memory_space<semaphore_mem>>) src(%dma_wait3A_22 : memref<336x26xf32, #tpu.memory_space<hbm>>) dst(%arg5 : memref<336x26xf32, #tpu.memory_space<vmem>>)
    %get3A = arith.constant 0 : index
    %get3A_23 = tpu.vector_load %arg8[%get3A] {strides = array<i32>} : memref<96xf32, #tpu.memory_space<vmem>>, vector<16xf32>,
    %slice3A = vector.extract_strided_slice %get3A_23 {offsets = [0], sizes = [1], strides = [1]} : vector<16xf32> to vector<1xf32>
    %squeeze3A = vector.extract %slice3A[0] : f32 from vector<1xf32>
    %broadcast_in_dim3A = vector.broadcast %squeeze3A : f32 to vector<16xf32>
    %get3A_24 = arith.constant 0 : index
    %get3A_25 = tpu.vector_load %arg8[%get3A_24] {strides = array<i32>} : memref<96xf32, #tpu.memory_space<vmem>>, vector<16xf32>,
    %slice3A_26 = vector.extract_strided_slice %get3A_25 {offsets = [1], sizes = [1], strides = [1]} : vector<16xf32> to vector<1xf32>
    %squeeze3A_27 = vector.extract %slice3A_26[0] : f32 from vector<1xf32>
    %broadcast_in_dim3A_28 = vector.broadcast %squeeze3A_27 : f32 to vector<16xf32>
    %get3A_29 = arith.constant 0 : index
    %get3A_30 = tpu.vector_load %arg8[%get3A_29] {strides = array<i32>} : memref<96xf32, #tpu.memory_space<vmem>>, vector<16xf32>,
    %slice3A_31 = vector.extract_strided_slice %get3A_30 {offsets = [2], sizes = [1], strides = [1]} : vector<16xf32> to vector<1xf32>
    %squeeze3A_32 = vector.extract %slice3A_31[0] : f32 from vector<1xf32>
    %broadcast_in_dim3A_33 = vector.broadcast %squeeze3A_32 : f32 to vector<16xf32>
    %get3A_34 = arith.constant 0 : index
    %get3A_35 = tpu.vector_load %arg8[%get3A_34] {strides = array<i32>} : memref<96xf32, #tpu.memory_space<vmem>>, vector<16xf32>,
    %slice3A_36 = vector.extract_strided_slice %get3A_35 {offsets = [3], sizes = [1], strides = [1]} : vector<16xf32> to vector<1xf32>
    %squeeze3A_37 = vector.extract %slice3A_36[0] : f32 from vector<1xf32>
    %broadcast_in_dim3A_38 = vector.broadcast %squeeze3A_37 : f32 to vector<16xf32>
    %get3A_39 = arith.constant 0 : index
    %get3A_40 = tpu.vector_load %arg8[%get3A_39] {strides = array<i32>} : memref<96xf32, #tpu.memory_space<vmem>>, vector<16xf32>,
    %slice3A_41 = vector.extract_strided_slice %get3A_40 {offsets = [4], sizes = [1], strides = [1]} : vector<16xf32> to vector<1xf32>
    %squeeze3A_42 = vector.extract %slice3A_41[0] : f32 from vector<1xf32>
    %broadcast_in_dim3A_43 = vector.broadcast %squeeze3A_42 : f32 to vector<16xf32>
    %get3A_44 = arith.constant 0 : index
    %get3A_45 = tpu.vector_load %arg8[%get3A_44] {strides = array<i32>} : memref<96xf32, #tpu.memory_space<vmem>>, vector<16xf32>,
    %slice3A_46 = vector.extract_strided_slice %get3A_45 {offsets = [5], sizes = [1], strides = [1]} : vector<16xf32> to vector<1xf32>
    %squeeze3A_47 = vector.extract %slice3A_46[0] : f32 from vector<1xf32>
    %broadcast_in_dim3A_48 = vector.broadcast %squeeze3A_47 : f32 to vector<16xf32>
    %get3A_49 = arith.constant 0 : index
    %get3A_50 = tpu.vector_load %arg8[%get3A_49] {strides = array<i32>} : memref<96xf32, #tpu.memory_space<vmem>>, vector<16xf32>,
    %slice3A_51 = vector.extract_strided_slice %get3A_50 {offsets = [6], sizes = [1], strides = [1]} : vector<16xf32> to vector<1xf32>
    %squeeze3A_52 = vector.extract %slice3A_51[0] : f32 from vector<1xf32>
    %broadcast_in_dim3A_53 = vector.broadcast %squeeze3A_52 : f32 to vector<16xf32>
    %get3A_54 = arith.constant 0 : index
    %get3A_55 = tpu.vector_load %arg8[%get3A_54] {strides = array<i32>} : memref<96xf32, #tpu.memory_space<vmem>>, vector<16xf32>,
    %slice3A_56 = vector.extract_strided_slice %get3A_55 {offsets = [7], sizes = [1], strides = [1]} : vector<16xf32> to vector<1xf32>
    %squeeze3A_57 = vector.extract %slice3A_56[0] : f32 from vector<1xf32>
    %broadcast_in_dim3A_58 = vector.broadcast %squeeze3A_57 : f32 to vector<16xf32>
    %get3A_59 = arith.constant 0 : index
    %get3A_60 = tpu.vector_load %arg8[%get3A_59] {strides = array<i32>} : memref<96xf32, #tpu.memory_space<vmem>>, vector<16xf32>,
    %slice3A_61 = vector.extract_strided_slice %get3A_60 {offsets = [8], sizes = [1], strides = [1]} : vector<16xf32> to vector<1xf32>
    %squeeze3A_62 = vector.extract %slice3A_61[0] : f32 from vector<1xf32>
    %broadcast_in_dim3A_63 = vector.broadcast %squeeze3A_62 : f32 to vector<16xf32>
    %get3A_64 = arith.constant 0 : index
    %get3A_65 = tpu.vector_load %arg8[%get3A_64] {strides = array<i32>} : memref<96xf32, #tpu.memory_space<vmem>>, vector<16xf32>,
    %slice3A_66 = vector.extract_strided_slice %get3A_65 {offsets = [9], sizes = [1], strides = [1]} : vector<16xf32> to vector<1xf32>
    %squeeze3A_67 = vector.extract %slice3A_66[0] : f32 from vector<1xf32>
    %broadcast_in_dim3A_68 = vector.broadcast %squeeze3A_67 : f32 to vector<16xf32>
    %get3A_69 = arith.constant 0 : index
    %get3A_70 = tpu.vector_load %arg8[%get3A_69] {strides = array<i32>} : memref<96xf32, #tpu.memory_space<vmem>>, vector<16xf32>,
    %slice3A_71 = vector.extract_strided_slice %get3A_70 {offsets = [10], sizes = [1], strides = [1]} : vector<16xf32> to vector<1xf32>
    %squeeze3A_72 = vector.extract %slice3A_71[0] : f32 from vector<1xf32>
    %broadcast_in_dim3A_73 = vector.broadcast %squeeze3A_72 : f32 to vector<16xf32>
    %get3A_74 = arith.constant 0 : index
    %get3A_75 = tpu.vector_load %arg8[%get3A_74] {strides = array<i32>} : memref<96xf32, #tpu.memory_space<vmem>>, vector<16xf32>,
    %slice3A_76 = vector.extract_strided_slice %get3A_75 {offsets = [11], sizes = [1], strides = [1]} : vector<16xf32> to vector<1xf32>
    %squeeze3A_77 = vector.extract %slice3A_76[0] : f32 from vector<1xf32>
    %broadcast_in_dim3A_78 = vector.broadcast %squeeze3A_77 : f32 to vector<16xf32>
    %get3A_79 = arith.constant 0 : index
    %get3A_80 = tpu.vector_load %arg8[%get3A_79] {strides = array<i32>} : memref<96xf32, #tpu.memory_space<vmem>>, vector<16xf32>,
    %slice3A_81 = vector.extract_strided_slice %get3A_80 {offsets = [12], sizes = [1], strides = [1]} : vector<16xf32> to vector<1xf32>
    %squeeze3A_82 = vector.extract %slice3A_81[0] : f32 from vector<1xf32>
    %broadcast_in_dim3A_83 = vector.broadcast %squeeze3A_82 : f32 to vector<16xf32>
    %get3A_84 = arith.constant 32 : index
    %get3A_85 = tpu.vector_load %arg8[%get3A_84] {strides = array<i32>} : memref<96xf32, #tpu.memory_space<vmem>>, vector<16xf32>,
    %slice3A_86 = vector.extract_strided_slice %get3A_85 {offsets = [0], sizes = [1], strides = [1]} : vector<16xf32> to vector<1xf32>
    %squeeze3A_87 = vector.extract %slice3A_86[0] : f32 from vector<1xf32>
    %broadcast_in_dim3A_88 = vector.broadcast %squeeze3A_87 : f32 to vector<16xf32>
    %get3A_89 = arith.constant 32 : index
    %get3A_90 = tpu.vector_load %arg8[%get3A_89] {strides = array<i32>} : memref<96xf32, #tpu.memory_space<vmem>>, vector<16xf32>,
    %slice3A_91 = vector.extract_strided_slice %get3A_90 {offsets = [1], sizes = [1], strides = [1]} : vector<16xf32> to vector<1xf32>
    %squeeze3A_92 = vector.extract %slice3A_91[0] : f32 from vector<1xf32>
    %broadcast_in_dim3A_93 = vector.broadcast %squeeze3A_92 : f32 to vector<16xf32>
    %get3A_94 = arith.constant 32 : index
    %get3A_95 = tpu.vector_load %arg8[%get3A_94] {strides = array<i32>} : memref<96xf32, #tpu.memory_space<vmem>>, vector<16xf32>,
    %slice3A_96 = vector.extract_strided_slice %get3A_95 {offsets = [2], sizes = [1], strides = [1]} : vector<16xf32> to vector<1xf32>
    %squeeze3A_97 = vector.extract %slice3A_96[0] : f32 from vector<1xf32>
    %broadcast_in_dim3A_98 = vector.broadcast %squeeze3A_97 : f32 to vector<16xf32>
    %get3A_99 = arith.constant 32 : index
    %get3A_100 = tpu.vector_load %arg8[%get3A_99] {strides = array<i32>} : memref<96xf32, #tpu.memory_space<vmem>>, vector<16xf32>,
    %slice3A_101 = vector.extract_strided_slice %get3A_100 {offsets = [3], sizes = [1], strides = [1]} : vector<16xf32> to vector<1xf32>
    %squeeze3A_102 = vector.extract %slice3A_101[0] : f32 from vector<1xf32>
    %broadcast_in_dim3A_103 = vector.broadcast %squeeze3A_102 : f32 to vector<16xf32>
    %get3A_104 = arith.constant 32 : index
    %get3A_105 = tpu.vector_load %arg8[%get3A_104] {strides = array<i32>} : memref<96xf32, #tpu.memory_space<vmem>>, vector<16xf32>,
    %slice3A_106 = vector.extract_strided_slice %get3A_105 {offsets = [4], sizes = [1], strides = [1]} : vector<16xf32> to vector<1xf32>
    %squeeze3A_107 = vector.extract %slice3A_106[0] : f32 from vector<1xf32>
    %broadcast_in_dim3A_108 = vector.broadcast %squeeze3A_107 : f32 to vector<16xf32>
    %get3A_109 = arith.constant 32 : index
    %get3A_110 = tpu.vector_load %arg8[%get3A_109] {strides = array<i32>} : memref<96xf32, #tpu.memory_space<vmem>>, vector<16xf32>,
    %slice3A_111 = vector.extract_strided_slice %get3A_110 {offsets = [5], sizes = [1], strides = [1]} : vector<16xf32> to vector<1xf32>
    %squeeze3A_112 = vector.extract %slice3A_111[0] : f32 from vector<1xf32>
    %broadcast_in_dim3A_113 = vector.broadcast %squeeze3A_112 : f32 to vector<16xf32>
    %get3A_114 = arith.constant 32 : index
    %get3A_115 = tpu.vector_load %arg8[%get3A_114] {strides = array<i32>} : memref<96xf32, #tpu.memory_space<vmem>>, vector<16xf32>,
    %slice3A_116 = vector.extract_strided_slice %get3A_115 {offsets = [6], sizes = [1], strides = [1]} : vector<16xf32> to vector<1xf32>
    %squeeze3A_117 = vector.extract %slice3A_116[0] : f32 from vector<1xf32>
    %broadcast_in_dim3A_118 = vector.broadcast %squeeze3A_117 : f32 to vector<16xf32>
    %get3A_119 = arith.constant 32 : index
    %get3A_120 = tpu.vector_load %arg8[%get3A_119] {strides = array<i32>} : memref<96xf32, #tpu.memory_space<vmem>>, vector<16xf32>,
    %slice3A_121 = vector.extract_strided_slice %get3A_120 {offsets = [7], sizes = [1], strides = [1]} : vector<16xf32> to vector<1xf32>
    %squeeze3A_122 = vector.extract %slice3A_121[0] : f32 from vector<1xf32>
    %broadcast_in_dim3A_123 = vector.broadcast %squeeze3A_122 : f32 to vector<16xf32>
    %get3A_124 = arith.constant 32 : index
    %get3A_125 = tpu.vector_load %arg8[%get3A_124] {strides = array<i32>} : memref<96xf32, #tpu.memory_space<vmem>>, vector<16xf32>,
    %slice3A_126 = vector.extract_strided_slice %get3A_125 {offsets = [8], sizes = [1], strides = [1]} : vector<16xf32> to vector<1xf32>
    %squeeze3A_127 = vector.extract %slice3A_126[0] : f32 from vector<1xf32>
    %broadcast_in_dim3A_128 = vector.broadcast %squeeze3A_127 : f32 to vector<16xf32>
    %get3A_129 = arith.constant 32 : index
    %get3A_130 = tpu.vector_load %arg8[%get3A_129] {strides = array<i32>} : memref<96xf32, #tpu.memory_space<vmem>>, vector<16xf32>,
    %slice3A_131 = vector.extract_strided_slice %get3A_130 {offsets = [9], sizes = [1], strides = [1]} : vector<16xf32> to vector<1xf32>
    %squeeze3A_132 = vector.extract %slice3A_131[0] : f32 from vector<1xf32>
    %broadcast_in_dim3A_133 = vector.broadcast %squeeze3A_132 : f32 to vector<16xf32>
    %get3A_134 = arith.constant 32 : index
    %get3A_135 = tpu.vector_load %arg8[%get3A_134] {strides = array<i32>} : memref<96xf32, #tpu.memory_space<vmem>>, vector<16xf32>,
    %slice3A_136 = vector.extract_strided_slice %get3A_135 {offsets = [10], sizes = [1], strides = [1]} : vector<16xf32> to vector<1xf32>
    %squeeze3A_137 = vector.extract %slice3A_136[0] : f32 from vector<1xf32>
    %broadcast_in_dim3A_138 = vector.broadcast %squeeze3A_137 : f32 to vector<16xf32>
    %get3A_139 = arith.constant 32 : index
    %get3A_140 = tpu.vector_load %arg8[%get3A_139] {strides = array<i32>} : memref<96xf32, #tpu.memory_space<vmem>>, vector<16xf32>,
    %slice3A_141 = vector.extract_strided_slice %get3A_140 {offsets = [11], sizes = [1], strides = [1]} : vector<16xf32> to vector<1xf32>
    %squeeze3A_142 = vector.extract %slice3A_141[0] : f32 from vector<1xf32>
    %broadcast_in_dim3A_143 = vector.broadcast %squeeze3A_142 : f32 to vector<16xf32>
    %get3A_144 = arith.constant 32 : index
    %get3A_145 = tpu.vector_load %arg8[%get3A_144] {strides = array<i32>} : memref<96xf32, #tpu.memory_space<vmem>>, vector<16xf32>,
    %slice3A_146 = vector.extract_strided_slice %get3A_145 {offsets = [12], sizes = [1], strides = [1]} : vector<16xf32> to vector<1xf32>
    %squeeze3A_147 = vector.extract %slice3A_146[0] : f32 from vector<1xf32>
    %broadcast_in_dim3A_148 = vector.broadcast %squeeze3A_147 : f32 to vector<16xf32>
    %get3A_149 = arith.constant 64 : index
    %get3A_150 = tpu.vector_load %arg8[%get3A_149] {strides = array<i32>} : memref<96xf32, #tpu.memory_space<vmem>>, vector<16xf32>,
    %slice3A_151 = vector.extract_strided_slice %get3A_150 {offsets = [0], sizes = [1], strides = [1]} : vector<16xf32> to vector<1xf32>
    %squeeze3A_152 = vector.extract %slice3A_151[0] : f32 from vector<1xf32>
    %broadcast_in_dim3A_153 = vector.broadcast %squeeze3A_152 : f32 to vector<16xf32>
    %get3A_154 = arith.constant 64 : index
    %get3A_155 = tpu.vector_load %arg8[%get3A_154] {strides = array<i32>} : memref<96xf32, #tpu.memory_space<vmem>>, vector<16xf32>,
    %slice3A_156 = vector.extract_strided_slice %get3A_155 {offsets = [1], sizes = [1], strides = [1]} : vector<16xf32> to vector<1xf32>
    %squeeze3A_157 = vector.extract %slice3A_156[0] : f32 from vector<1xf32>
    %broadcast_in_dim3A_158 = vector.broadcast %squeeze3A_157 : f32 to vector<16xf32>
    %get3A_159 = arith.constant 64 : index
    %get3A_160 = tpu.vector_load %arg8[%get3A_159] {strides = array<i32>} : memref<96xf32, #tpu.memory_space<vmem>>, vector<16xf32>,
    %slice3A_161 = vector.extract_strided_slice %get3A_160 {offsets = [2], sizes = [1], strides = [1]} : vector<16xf32> to vector<1xf32>
    %squeeze3A_162 = vector.extract %slice3A_161[0] : f32 from vector<1xf32>
    %broadcast_in_dim3A_163 = vector.broadcast %squeeze3A_162 : f32 to vector<16xf32>
    %get3A_164 = arith.constant 64 : index
    %get3A_165 = tpu.vector_load %arg8[%get3A_164] {strides = array<i32>} : memref<96xf32, #tpu.memory_space<vmem>>, vector<16xf32>,
    %slice3A_166 = vector.extract_strided_slice %get3A_165 {offsets = [3], sizes = [1], strides = [1]} : vector<16xf32> to vector<1xf32>
    %squeeze3A_167 = vector.extract %slice3A_166[0] : f32 from vector<1xf32>
    %broadcast_in_dim3A_168 = vector.broadcast %squeeze3A_167 : f32 to vector<16xf32>
    %get3A_169 = arith.constant 64 : index
    %get3A_170 = tpu.vector_load %arg8[%get3A_169] {strides = array<i32>} : memref<96xf32, #tpu.memory_space<vmem>>, vector<16xf32>,
    %slice3A_171 = vector.extract_strided_slice %get3A_170 {offsets = [4], sizes = [1], strides = [1]} : vector<16xf32> to vector<1xf32>
    %squeeze3A_172 = vector.extract %slice3A_171[0] : f32 from vector<1xf32>
    %broadcast_in_dim3A_173 = vector.broadcast %squeeze3A_172 : f32 to vector<16xf32>
    %get3A_174 = arith.constant 64 : index
    %get3A_175 = tpu.vector_load %arg8[%get3A_174] {strides = array<i32>} : memref<96xf32, #tpu.memory_space<vmem>>, vector<16xf32>,
    %slice3A_176 = vector.extract_strided_slice %get3A_175 {offsets = [5], sizes = [1], strides = [1]} : vector<16xf32> to vector<1xf32>
    %squeeze3A_177 = vector.extract %slice3A_176[0] : f32 from vector<1xf32>
    %broadcast_in_dim3A_178 = vector.broadcast %squeeze3A_177 : f32 to vector<16xf32>
    %get3A_179 = arith.constant 64 : index
    %get3A_180 = tpu.vector_load %arg8[%get3A_179] {strides = array<i32>} : memref<96xf32, #tpu.memory_space<vmem>>, vector<16xf32>,
    %slice3A_181 = vector.extract_strided_slice %get3A_180 {offsets = [6], sizes = [1], strides = [1]} : vector<16xf32> to vector<1xf32>
    %squeeze3A_182 = vector.extract %slice3A_181[0] : f32 from vector<1xf32>
    %broadcast_in_dim3A_183 = vector.broadcast %squeeze3A_182 : f32 to vector<16xf32>
    %get3A_184 = arith.constant 64 : index
    %get3A_185 = tpu.vector_load %arg8[%get3A_184] {strides = array<i32>} : memref<96xf32, #tpu.memory_space<vmem>>, vector<16xf32>,
    %slice3A_186 = vector.extract_strided_slice %get3A_185 {offsets = [7], sizes = [1], strides = [1]} : vector<16xf32> to vector<1xf32>
    %squeeze3A_187 = vector.extract %slice3A_186[0] : f32 from vector<1xf32>
    %broadcast_in_dim3A_188 = vector.broadcast %squeeze3A_187 : f32 to vector<16xf32>
    %get3A_189 = arith.constant 64 : index
    %get3A_190 = tpu.vector_load %arg8[%get3A_189] {strides = array<i32>} : memref<96xf32, #tpu.memory_space<vmem>>, vector<16xf32>,
    %slice3A_191 = vector.extract_strided_slice %get3A_190 {offsets = [8], sizes = [1], strides = [1]} : vector<16xf32> to vector<1xf32>
    %squeeze3A_192 = vector.extract %slice3A_191[0] : f32 from vector<1xf32>
    %broadcast_in_dim3A_193 = vector.broadcast %squeeze3A_192 : f32 to vector<16xf32>
    %get3A_194 = arith.constant 64 : index
    %get3A_195 = tpu.vector_load %arg8[%get3A_194] {strides = array<i32>} : memref<96xf32, #tpu.memory_space<vmem>>, vector<16xf32>,
    %slice3A_196 = vector.extract_strided_slice %get3A_195 {offsets = [9], sizes = [1], strides = [1]} : vector<16xf32> to vector<1xf32>
    %squeeze3A_197 = vector.extract %slice3A_196[0] : f32 from vector<1xf32>
    %broadcast_in_dim3A_198 = vector.broadcast %squeeze3A_197 : f32 to vector<16xf32>
    %get3A_199 = arith.constant 64 : index
    %get3A_200 = tpu.vector_load %arg8[%get3A_199] {strides = array<i32>} : memref<96xf32, #tpu.memory_space<vmem>>, vector<16xf32>,
    %slice3A_201 = vector.extract_strided_slice %get3A_200 {offsets = [10], sizes = [1], strides = [1]} : vector<16xf32> to vector<1xf32>
    %squeeze3A_202 = vector.extract %slice3A_201[0] : f32 from vector<1xf32>
    %broadcast_in_dim3A_203 = vector.broadcast %squeeze3A_202 : f32 to vector<16xf32>
    %get3A_204 = arith.constant 64 : index
    %get3A_205 = tpu.vector_load %arg8[%get3A_204] {strides = array<i32>} : memref<96xf32, #tpu.memory_space<vmem>>, vector<16xf32>,
    %slice3A_206 = vector.extract_strided_slice %get3A_205 {offsets = [11], sizes = [1], strides = [1]} : vector<16xf32> to vector<1xf32>
    %squeeze3A_207 = vector.extract %slice3A_206[0] : f32 from vector<1xf32>
    %broadcast_in_dim3A_208 = vector.broadcast %squeeze3A_207 : f32 to vector<16xf32>
    %get3A_209 = arith.constant 64 : index
    %get3A_210 = tpu.vector_load %arg8[%get3A_209] {strides = array<i32>} : memref<96xf32, #tpu.memory_space<vmem>>, vector<16xf32>,
    %slice3A_211 = vector.extract_strided_slice %get3A_210 {offsets = [12], sizes = [1], strides = [1]} : vector<16xf32> to vector<1xf32>
    %squeeze3A_212 = vector.extract %slice3A_211[0] : f32 from vector<1xf32>
    %broadcast_in_dim3A_213 = vector.broadcast %squeeze3A_212 : f32 to vector<16xf32>
    %mul3A_214 = arith.constant 0 : i32
    %mul3A_215 = vector.broadcast %mul3A_214 : i32 to vector<16xi32>
    %mul3A_216 = arith.muli %iota3A, %mul3A_215 : vector<16xi32>
    %add3A_217 = arith.constant 0 : i32
    %add3A_218 = vector.broadcast %add3A_217 : i32 to vector<16xi32>
    %add3A_219 = arith.addi %mul3A_216, %add3A_218 : vector<16xi32>
    %mul3A_220 = arith.constant 0 : i32
    %mul3A_221 = vector.broadcast %mul3A_220 : i32 to vector<16xi32>
    %mul3A_222 = arith.muli %iota3A, %mul3A_221 : vector<16xi32>
    %add3A_223 = arith.constant 1 : i32
    %add3A_224 = vector.broadcast %add3A_223 : i32 to vector<16xi32>
    %add3A_225 = arith.addi %mul3A_222, %add3A_224 : vector<16xi32>
    %mul3A_226 = arith.constant 0 : i32
    %mul3A_227 = vector.broadcast %mul3A_226 : i32 to vector<16xi32>
    %mul3A_228 = arith.muli %iota3A, %mul3A_227 : vector<16xi32>
    %add3A_229 = arith.constant 2 : i32
    %add3A_230 = vector.broadcast %add3A_229 : i32 to vector<16xi32>
    %add3A_231 = arith.addi %mul3A_228, %add3A_230 : vector<16xi32>
    %mul3A_232 = arith.constant 0 : i32
    %mul3A_233 = vector.broadcast %mul3A_232 : i32 to vector<16xi32>
    %mul3A_234 = arith.muli %iota3A, %mul3A_233 : vector<16xi32>
    %add3A_235 = arith.constant 3 : i32
    %add3A_236 = vector.broadcast %add3A_235 : i32 to vector<16xi32>
    %add3A_237 = arith.addi %mul3A_234, %add3A_236 : vector<16xi32>
    %mul3A_238 = arith.constant 0 : i32
    %mul3A_239 = vector.broadcast %mul3A_238 : i32 to vector<16xi32>
    %mul3A_240 = arith.muli %iota3A, %mul3A_239 : vector<16xi32>
    %add3A_241 = arith.constant 4 : i32
    %add3A_242 = vector.broadcast %add3A_241 : i32 to vector<16xi32>
    %add3A_243 = arith.addi %mul3A_240, %add3A_242 : vector<16xi32>
    %mul3A_244 = arith.constant 0 : i32
    %mul3A_245 = vector.broadcast %mul3A_244 : i32 to vector<16xi32>
    %mul3A_246 = arith.muli %iota3A, %mul3A_245 : vector<16xi32>
    %add3A_247 = arith.constant 5 : i32
    %add3A_248 = vector.broadcast %add3A_247 : i32 to vector<16xi32>
    %add3A_249 = arith.addi %mul3A_246, %add3A_248 : vector<16xi32>
    %mul3A_250 = arith.constant 0 : i32
    %mul3A_251 = vector.broadcast %mul3A_250 : i32 to vector<16xi32>
    %mul3A_252 = arith.muli %iota3A, %mul3A_251 : vector<16xi32>
    %add3A_253 = arith.constant 6 : i32
    %add3A_254 = vector.broadcast %add3A_253 : i32 to vector<16xi32>
    %add3A_255 = arith.addi %mul3A_252, %add3A_254 : vector<16xi32>
    %mul3A_256 = arith.constant 0 : i32
    %mul3A_257 = vector.broadcast %mul3A_256 : i32 to vector<16xi32>
    %mul3A_258 = arith.muli %iota3A, %mul3A_257 : vector<16xi32>
    %add3A_259 = arith.constant 7 : i32
    %add3A_260 = vector.broadcast %add3A_259 : i32 to vector<16xi32>
    %add3A_261 = arith.addi %mul3A_258, %add3A_260 : vector<16xi32>
    %mul3A_262 = arith.constant 0 : i32
    %mul3A_263 = vector.broadcast %mul3A_262 : i32 to vector<16xi32>
    %mul3A_264 = arith.muli %iota3A, %mul3A_263 : vector<16xi32>
    %add3A_265 = arith.constant 8 : i32
    %add3A_266 = vector.broadcast %add3A_265 : i32 to vector<16xi32>
    %add3A_267 = arith.addi %mul3A_264, %add3A_266 : vector<16xi32>
    %mul3A_268 = arith.constant 0 : i32
    %mul3A_269 = vector.broadcast %mul3A_268 : i32 to vector<16xi32>
    %mul3A_270 = arith.muli %iota3A, %mul3A_269 : vector<16xi32>
    %add3A_271 = arith.constant 9 : i32
    %add3A_272 = vector.broadcast %add3A_271 : i32 to vector<16xi32>
    %add3A_273 = arith.addi %mul3A_270, %add3A_272 : vector<16xi32>
    %mul3A_274 = arith.constant 0 : i32
    %mul3A_275 = vector.broadcast %mul3A_274 : i32 to vector<16xi32>
    %mul3A_276 = arith.muli %iota3A, %mul3A_275 : vector<16xi32>
    %add3A_277 = arith.constant 10 : i32
    %add3A_278 = vector.broadcast %add3A_277 : i32 to vector<16xi32>
    %add3A_279 = arith.addi %mul3A_276, %add3A_278 : vector<16xi32>
    %mul3A_280 = arith.constant 0 : i32
    %mul3A_281 = vector.broadcast %mul3A_280 : i32 to vector<16xi32>
    %mul3A_282 = arith.muli %iota3A, %mul3A_281 : vector<16xi32>
    %add3A_283 = arith.constant 11 : i32
    %add3A_284 = vector.broadcast %add3A_283 : i32 to vector<16xi32>
    %add3A_285 = arith.addi %mul3A_282, %add3A_284 : vector<16xi32>
    %mul3A_286 = arith.constant 0 : i32
    %mul3A_287 = vector.broadcast %mul3A_286 : i32 to vector<16xi32>
    %mul3A_288 = arith.muli %iota3A, %mul3A_287 : vector<16xi32>
    %add3A_289 = arith.constant 12 : i32
    %add3A_290 = vector.broadcast %add3A_289 : i32 to vector<16xi32>
    %add3A_291 = arith.addi %mul3A_288, %add3A_290 : vector<16xi32>
    %scan3A_292 = arith.constant 0 : i32
    %scan3A_293 = arith.constant 0 : i32
    %scan3A_294 = arith.constant 21 : i32
    %scan3A_295 = arith.addi %scan3A_293, %scan3A_294 : i32
    %scan3A_296 = arith.constant 1 : i32
    %scan3A_297 = scf.for %scan3A_581 = %scan3A_293 to %scan3A_295 step %scan3A_296 iter_args(%scan3A_582 = %scan3A_292) -> (i32)  : i32 {
      %mul3A_583 = arith.constant 16 : i32
      %mul3A_584 = arith.muli %scan3A_581, %mul3A_583 : i32
      %add3A_585 = vector.broadcast %mul3A_584 : i32 to vector<16xi32>
      %add3A_586 = arith.addi %iota3A, %add3A_585 : vector<16xi32>
      %broadcast_in_dim3A_587 = arith.constant 1.000000e+30 : f32
      %broadcast_in_dim3A_588 = vector.broadcast %broadcast_in_dim3A_587 : f32 to vector<16xf32>
      %gather3A = tpu.vector_load_idx %arg5[%add3A_586, %add3A_219] : memref<336x26xf32, #tpu.memory_space<vmem>>[vector<16xi32>, vector<16xi32>], vector<16xf32>,
      %sub3A = arith.subf %broadcast_in_dim3A, %gather3A : vector<16xf32>
      %sub3A_589 = arith.subf %gather3A, %broadcast_in_dim3A_88 : vector<16xf32>
      %min3A_590 = arith.minimumf %sub3A, %sub3A_589 : vector<16xf32>
      %mul3A_591 = arith.mulf %min3A_590, %broadcast_in_dim3A_153 : vector<16xf32>
      %min3A_592 = arith.minimumf %broadcast_in_dim3A_588, %mul3A_591 : vector<16xf32>
      %gather3A_593 = tpu.vector_load_idx %arg5[%add3A_586, %add3A_225] : memref<336x26xf32, #tpu.memory_space<vmem>>[vector<16xi32>, vector<16xi32>], vector<16xf32>,
      %sub3A_594 = arith.subf %broadcast_in_dim3A_28, %gather3A_593 : vector<16xf32>
      %sub3A_595 = arith.subf %gather3A_593, %broadcast_in_dim3A_93 : vector<16xf32>
      %min3A_596 = arith.minimumf %sub3A_594, %sub3A_595 : vector<16xf32>
      %mul3A_597 = arith.mulf %min3A_596, %broadcast_in_dim3A_158 : vector<16xf32>
      %min3A_598 = arith.minimumf %min3A_592, %mul3A_597 : vector<16xf32>
      %gather3A_599 = tpu.vector_load_idx %arg5[%add3A_586, %add3A_231] : memref<336x26xf32, #tpu.memory_space<vmem>>[vector<16xi32>, vector<16xi32>], vector<16xf32>,
      %sub3A_600 = arith.subf %broadcast_in_dim3A_33, %gather3A_599 : vector<16xf32>
      %sub3A_601 = arith.subf %gather3A_599, %broadcast_in_dim3A_98 : vector<16xf32>
      %min3A_602 = arith.minimumf %sub3A_600, %sub3A_601 : vector<16xf32>
      %mul3A_603 = arith.mulf %min3A_602, %broadcast_in_dim3A_163 : vector<16xf32>
      %min3A_604 = arith.minimumf %min3A_598, %mul3A_603 : vector<16xf32>
      %gather3A_605 = tpu.vector_load_idx %arg5[%add3A_586, %add3A_237] : memref<336x26xf32, #tpu.memory_space<vmem>>[vector<16xi32>, vector<16xi32>], vector<16xf32>,
      %sub3A_606 = arith.subf %broadcast_in_dim3A_38, %gather3A_605 : vector<16xf32>
      %sub3A_607 = arith.subf %gather3A_605, %broadcast_in_dim3A_103 : vector<16xf32>
      %min3A_608 = arith.minimumf %sub3A_606, %sub3A_607 : vector<16xf32>
      %mul3A_609 = arith.mulf %min3A_608, %broadcast_in_dim3A_168 : vector<16xf32>
      %min3A_610 = arith.minimumf %min3A_604, %mul3A_609 : vector<16xf32>
      %gather3A_611 = tpu.vector_load_idx %arg5[%add3A_586, %add3A_243] : memref<336x26xf32, #tpu.memory_space<vmem>>[vector<16xi32>, vector<16xi32>], vector<16xf32>,
      %sub3A_612 = arith.subf %broadcast_in_dim3A_43, %gather3A_611 : vector<16xf32>
      %sub3A_613 = arith.subf %gather3A_611, %broadcast_in_dim3A_108 : vector<16xf32>
      %min3A_614 = arith.minimumf %sub3A_612, %sub3A_613 : vector<16xf32>
      %mul3A_615 = arith.mulf %min3A_614, %broadcast_in_dim3A_173 : vector<16xf32>
      %min3A_616 = arith.minimumf %min3A_610, %mul3A_615 : vector<16xf32>
      %gather3A_617 = tpu.vector_load_idx %arg5[%add3A_586, %add3A_249] : memref<336x26xf32, #tpu.memory_space<vmem>>[vector<16xi32>, vector<16xi32>], vector<16xf32>,
      %sub3A_618 = arith.subf %broadcast_in_dim3A_48, %gather3A_617 : vector<16xf32>
      %sub3A_619 = arith.subf %gather3A_617, %broadcast_in_dim3A_113 : vector<16xf32>
      %min3A_620 = arith.minimumf %sub3A_618, %sub3A_619 : vector<16xf32>
      %mul3A_621 = arith.mulf %min3A_620, %broadcast_in_dim3A_178 : vector<16xf32>
      %min3A_622 = arith.minimumf %min3A_616, %mul3A_621 : vector<16xf32>
      %gather3A_623 = tpu.vector_load_idx %arg5[%add3A_586, %add3A_255] : memref<336x26xf32, #tpu.memory_space<vmem>>[vector<16xi32>, vector<16xi32>], vector<16xf32>,
      %sub3A_624 = arith.subf %broadcast_in_dim3A_53, %gather3A_623 : vector<16xf32>
      %sub3A_625 = arith.subf %gather3A_623, %broadcast_in_dim3A_118 : vector<16xf32>
      %min3A_626 = arith.minimumf %sub3A_624, %sub3A_625 : vector<16xf32>
      %mul3A_627 = arith.mulf %min3A_626, %broadcast_in_dim3A_183 : vector<16xf32>
      %min3A_628 = arith.minimumf %min3A_622, %mul3A_627 : vector<16xf32>
      %gather3A_629 = tpu.vector_load_idx %arg5[%add3A_586, %add3A_261] : memref<336x26xf32, #tpu.memory_space<vmem>>[vector<16xi32>, vector<16xi32>], vector<16xf32>,
      %sub3A_630 = arith.subf %broadcast_in_dim3A_58, %gather3A_629 : vector<16xf32>
      %sub3A_631 = arith.subf %gather3A_629, %broadcast_in_dim3A_123 : vector<16xf32>
      %min3A_632 = arith.minimumf %sub3A_630, %sub3A_631 : vector<16xf32>
      %mul3A_633 = arith.mulf %min3A_632, %broadcast_in_dim3A_188 : vector<16xf32>
      %min3A_634 = arith.minimumf %min3A_628, %mul3A_633 : vector<16xf32>
      %gather3A_635 = tpu.vector_load_idx %arg5[%add3A_586, %add3A_267] : memref<336x26xf32, #tpu.memory_space<vmem>>[vector<16xi32>, vector<16xi32>], vector<16xf32>,
      %sub3A_636 = arith.subf %broadcast_in_dim3A_63, %gather3A_635 : vector<16xf32>
      %sub3A_637 = arith.subf %gather3A_635, %broadcast_in_dim3A_128 : vector<16xf32>
      %min3A_638 = arith.minimumf %sub3A_636, %sub3A_637 : vector<16xf32>
      %mul3A_639 = arith.mulf %min3A_638, %broadcast_in_dim3A_193 : vector<16xf32>
      %min3A_640 = arith.minimumf %min3A_634, %mul3A_639 : vector<16xf32>
      %gather3A_641 = tpu.vector_load_idx %arg5[%add3A_586, %add3A_273] : memref<336x26xf32, #tpu.memory_space<vmem>>[vector<16xi32>, vector<16xi32>], vector<16xf32>,
      %sub3A_642 = arith.subf %broadcast_in_dim3A_68, %gather3A_641 : vector<16xf32>
      %sub3A_643 = arith.subf %gather3A_641, %broadcast_in_dim3A_133 : vector<16xf32>
      %min3A_644 = arith.minimumf %sub3A_642, %sub3A_643 : vector<16xf32>
      %mul3A_645 = arith.mulf %min3A_644, %broadcast_in_dim3A_198 : vector<16xf32>
      %min3A_646 = arith.minimumf %min3A_640, %mul3A_645 : vector<16xf32>
      %gather3A_647 = tpu.vector_load_idx %arg5[%add3A_586, %add3A_279] : memref<336x26xf32, #tpu.memory_space<vmem>>[vector<16xi32>, vector<16xi32>], vector<16xf32>,
      %sub3A_648 = arith.subf %broadcast_in_dim3A_73, %gather3A_647 : vector<16xf32>
      %sub3A_649 = arith.subf %gather3A_647, %broadcast_in_dim3A_138 : vector<16xf32>
      %min3A_650 = arith.minimumf %sub3A_648, %sub3A_649 : vector<16xf32>
      %mul3A_651 = arith.mulf %min3A_650, %broadcast_in_dim3A_203 : vector<16xf32>
      %min3A_652 = arith.minimumf %min3A_646, %mul3A_651 : vector<16xf32>
      %gather3A_653 = tpu.vector_load_idx %arg5[%add3A_586, %add3A_285] : memref<336x26xf32, #tpu.memory_space<vmem>>[vector<16xi32>, vector<16xi32>], vector<16xf32>,
      %sub3A_654 = arith.subf %broadcast_in_dim3A_78, %gather3A_653 : vector<16xf32>
      %sub3A_655 = arith.subf %gather3A_653, %broadcast_in_dim3A_143 : vector<16xf32>
      %min3A_656 = arith.minimumf %sub3A_654, %sub3A_655 : vector<16xf32>
      %mul3A_657 = arith.mulf %min3A_656, %broadcast_in_dim3A_208 : vector<16xf32>
      %min3A_658 = arith.minimumf %min3A_652, %mul3A_657 : vector<16xf32>
      %gather3A_659 = tpu.vector_load_idx %arg5[%add3A_586, %add3A_291] : memref<336x26xf32, #tpu.memory_space<vmem>>[vector<16xi32>, vector<16xi32>], vector<16xf32>,
      %sub3A_660 = arith.subf %broadcast_in_dim3A_83, %gather3A_659 : vector<16xf32>
      %sub3A_661 = arith.subf %gather3A_659, %broadcast_in_dim3A_148 : vector<16xf32>
      %min3A_662 = arith.minimumf %sub3A_660, %sub3A_661 : vector<16xf32>
      %mul3A_663 = arith.mulf %min3A_662, %broadcast_in_dim3A_213 : vector<16xf32>
      %min3A_664 = arith.minimumf %min3A_658, %mul3A_663 : vector<16xf32>
      %mul3A_665 = arith.constant 16 : i32
      %mul3A_666 = arith.muli %scan3A_581, %mul3A_665 : i32
      %swap3A = arith.index_cast %mul3A_666 : i32 to index
      %swap3A_667 = tpu.vector_load %arg9[%swap3A] {strides = array<i32>} : memref<336xf32, #tpu.memory_space<vmem>>, vector<16xf32>,
      tpu.vector_store %arg9[%swap3A], %min3A_664 {strides = array<i32>} : memref<336xf32, #tpu.memory_space<vmem>>, vector<16xf32>,
      %scan3A_668 = arith.constant 0 : i32
      scf.yield %scan3A_668 : i32
    }
    %scan3A_298 = arith.constant 21 : i32
    %get3A_299 = arith.constant 0 : index
    %get3A_300 = tpu.vector_load %arg8[%get3A_299] {strides = array<i32>} : memref<96xf32, #tpu.memory_space<vmem>>, vector<16xf32>,
    %slice3A_301 = vector.extract_strided_slice %get3A_300 {offsets = [13], sizes = [1], strides = [1]} : vector<16xf32> to vector<1xf32>
    %squeeze3A_302 = vector.extract %slice3A_301[0] : f32 from vector<1xf32>
    %broadcast_in_dim3A_303 = vector.broadcast %squeeze3A_302 : f32 to vector<16xf32>
    %get3A_304 = arith.constant 0 : index
    %get3A_305 = tpu.vector_load %arg8[%get3A_304] {strides = array<i32>} : memref<96xf32, #tpu.memory_space<vmem>>, vector<16xf32>,
    %slice3A_306 = vector.extract_strided_slice %get3A_305 {offsets = [14], sizes = [1], strides = [1]} : vector<16xf32> to vector<1xf32>
    %squeeze3A_307 = vector.extract %slice3A_306[0] : f32 from vector<1xf32>
    %broadcast_in_dim3A_308 = vector.broadcast %squeeze3A_307 : f32 to vector<16xf32>
    %get3A_309 = arith.constant 0 : index
    %get3A_310 = tpu.vector_load %arg8[%get3A_309] {strides = array<i32>} : memref<96xf32, #tpu.memory_space<vmem>>, vector<16xf32>,
    %slice3A_311 = vector.extract_strided_slice %get3A_310 {offsets = [15], sizes = [1], strides = [1]} : vector<16xf32> to vector<1xf32>
    %squeeze3A_312 = vector.extract %slice3A_311[0] : f32 from vector<1xf32>
    %broadcast_in_dim3A_313 = vector.broadcast %squeeze3A_312 : f32 to vector<16xf32>
    %get3A_314 = arith.constant 16 : index
    %get3A_315 = tpu.vector_load %arg8[%get3A_314] {strides = array<i32>} : memref<96xf32, #tpu.memory_space<vmem>>, vector<16xf32>,
    %slice3A_316 = vector.extract_strided_slice %get3A_315 {offsets = [0], sizes = [1], strides = [1]} : vector<16xf32> to vector<1xf32>
    %squeeze3A_317 = vector.extract %slice3A_316[0] : f32 from vector<1xf32>
    %broadcast_in_dim3A_318 = vector.broadcast %squeeze3A_317 : f32 to vector<16xf32>
    %get3A_319 = arith.constant 16 : index
    %get3A_320 = tpu.vector_load %arg8[%get3A_319] {strides = array<i32>} : memref<96xf32, #tpu.memory_space<vmem>>, vector<16xf32>,
    %slice3A_321 = vector.extract_strided_slice %get3A_320 {offsets = [1], sizes = [1], strides = [1]} : vector<16xf32> to vector<1xf32>
    %squeeze3A_322 = vector.extract %slice3A_321[0] : f32 from vector<1xf32>
    %broadcast_in_dim3A_323 = vector.broadcast %squeeze3A_322 : f32 to vector<16xf32>
    %get3A_324 = arith.constant 16 : index
    %get3A_325 = tpu.vector_load %arg8[%get3A_324] {strides = array<i32>} : memref<96xf32, #tpu.memory_space<vmem>>, vector<16xf32>,
    %slice3A_326 = vector.extract_strided_slice %get3A_325 {offsets = [2], sizes = [1], strides = [1]} : vector<16xf32> to vector<1xf32>
    %squeeze3A_327 = vector.extract %slice3A_326[0] : f32 from vector<1xf32>
    %broadcast_in_dim3A_328 = vector.broadcast %squeeze3A_327 : f32 to vector<16xf32>
    %get3A_329 = arith.constant 16 : index
    %get3A_330 = tpu.vector_load %arg8[%get3A_329] {strides = array<i32>} : memref<96xf32, #tpu.memory_space<vmem>>, vector<16xf32>,
    %slice3A_331 = vector.extract_strided_slice %get3A_330 {offsets = [3], sizes = [1], strides = [1]} : vector<16xf32> to vector<1xf32>
    %squeeze3A_332 = vector.extract %slice3A_331[0] : f32 from vector<1xf32>
    %broadcast_in_dim3A_333 = vector.broadcast %squeeze3A_332 : f32 to vector<16xf32>
    %get3A_334 = arith.constant 16 : index
    %get3A_335 = tpu.vector_load %arg8[%get3A_334] {strides = array<i32>} : memref<96xf32, #tpu.memory_space<vmem>>, vector<16xf32>,
    %slice3A_336 = vector.extract_strided_slice %get3A_335 {offsets = [4], sizes = [1], strides = [1]} : vector<16xf32> to vector<1xf32>
    %squeeze3A_337 = vector.extract %slice3A_336[0] : f32 from vector<1xf32>
    %broadcast_in_dim3A_338 = vector.broadcast %squeeze3A_337 : f32 to vector<16xf32>
    %get3A_339 = arith.constant 16 : index
    %get3A_340 = tpu.vector_load %arg8[%get3A_339] {strides = array<i32>} : memref<96xf32, #tpu.memory_space<vmem>>, vector<16xf32>,
    %slice3A_341 = vector.extract_strided_slice %get3A_340 {offsets = [5], sizes = [1], strides = [1]} : vector<16xf32> to vector<1xf32>
    %squeeze3A_342 = vector.extract %slice3A_341[0] : f32 from vector<1xf32>
    %broadcast_in_dim3A_343 = vector.broadcast %squeeze3A_342 : f32 to vector<16xf32>
    %get3A_344 = arith.constant 16 : index
    %get3A_345 = tpu.vector_load %arg8[%get3A_344] {strides = array<i32>} : memref<96xf32, #tpu.memory_space<vmem>>, vector<16xf32>,
    %slice3A_346 = vector.extract_strided_slice %get3A_345 {offsets = [6], sizes = [1], strides = [1]} : vector<16xf32> to vector<1xf32>
    %squeeze3A_347 = vector.extract %slice3A_346[0] : f32 from vector<1xf32>
    %broadcast_in_dim3A_348 = vector.broadcast %squeeze3A_347 : f32 to vector<16xf32>
    %get3A_349 = arith.constant 16 : index
    %get3A_350 = tpu.vector_load %arg8[%get3A_349] {strides = array<i32>} : memref<96xf32, #tpu.memory_space<vmem>>, vector<16xf32>,
    %slice3A_351 = vector.extract_strided_slice %get3A_350 {offsets = [7], sizes = [1], strides = [1]} : vector<16xf32> to vector<1xf32>
    %squeeze3A_352 = vector.extract %slice3A_351[0] : f32 from vector<1xf32>
    %broadcast_in_dim3A_353 = vector.broadcast %squeeze3A_352 : f32 to vector<16xf32>
    %get3A_354 = arith.constant 16 : index
    %get3A_355 = tpu.vector_load %arg8[%get3A_354] {strides = array<i32>} : memref<96xf32, #tpu.memory_space<vmem>>, vector<16xf32>,
    %slice3A_356 = vector.extract_strided_slice %get3A_355 {offsets = [8], sizes = [1], strides = [1]} : vector<16xf32> to vector<1xf32>
    %squeeze3A_357 = vector.extract %slice3A_356[0] : f32 from vector<1xf32>
    %broadcast_in_dim3A_358 = vector.broadcast %squeeze3A_357 : f32 to vector<16xf32>
    %get3A_359 = arith.constant 16 : index
    %get3A_360 = tpu.vector_load %arg8[%get3A_359] {strides = array<i32>} : memref<96xf32, #tpu.memory_space<vmem>>, vector<16xf32>,
    %slice3A_361 = vector.extract_strided_slice %get3A_360 {offsets = [9], sizes = [1], strides = [1]} : vector<16xf32> to vector<1xf32>
    %squeeze3A_362 = vector.extract %slice3A_361[0] : f32 from vector<1xf32>
    %broadcast_in_dim3A_363 = vector.broadcast %squeeze3A_362 : f32 to vector<16xf32>
    %get3A_364 = arith.constant 32 : index
    %get3A_365 = tpu.vector_load %arg8[%get3A_364] {strides = array<i32>} : memref<96xf32, #tpu.memory_space<vmem>>, vector<16xf32>,
    %slice3A_366 = vector.extract_strided_slice %get3A_365 {offsets = [13], sizes = [1], strides = [1]} : vector<16xf32> to vector<1xf32>
    %squeeze3A_367 = vector.extract %slice3A_366[0] : f32 from vector<1xf32>
    %broadcast_in_dim3A_368 = vector.broadcast %squeeze3A_367 : f32 to vector<16xf32>
    %get3A_369 = arith.constant 32 : index
    %get3A_370 = tpu.vector_load %arg8[%get3A_369] {strides = array<i32>} : memref<96xf32, #tpu.memory_space<vmem>>, vector<16xf32>,
    %slice3A_371 = vector.extract_strided_slice %get3A_370 {offsets = [14], sizes = [1], strides = [1]} : vector<16xf32> to vector<1xf32>
    %squeeze3A_372 = vector.extract %slice3A_371[0] : f32 from vector<1xf32>
    %broadcast_in_dim3A_373 = vector.broadcast %squeeze3A_372 : f32 to vector<16xf32>
    %get3A_374 = arith.constant 32 : index
    %get3A_375 = tpu.vector_load %arg8[%get3A_374] {strides = array<i32>} : memref<96xf32, #tpu.memory_space<vmem>>, vector<16xf32>,
    %slice3A_376 = vector.extract_strided_slice %get3A_375 {offsets = [15], sizes = [1], strides = [1]} : vector<16xf32> to vector<1xf32>
    %squeeze3A_377 = vector.extract %slice3A_376[0] : f32 from vector<1xf32>
    %broadcast_in_dim3A_378 = vector.broadcast %squeeze3A_377 : f32 to vector<16xf32>
    %get3A_379 = arith.constant 48 : index
    %get3A_380 = tpu.vector_load %arg8[%get3A_379] {strides = array<i32>} : memref<96xf32, #tpu.memory_space<vmem>>, vector<16xf32>,
    %slice3A_381 = vector.extract_strided_slice %get3A_380 {offsets = [0], sizes = [1], strides = [1]} : vector<16xf32> to vector<1xf32>
    %squeeze3A_382 = vector.extract %slice3A_381[0] : f32 from vector<1xf32>
    %broadcast_in_dim3A_383 = vector.broadcast %squeeze3A_382 : f32 to vector<16xf32>
    %get3A_384 = arith.constant 48 : index
    %get3A_385 = tpu.vector_load %arg8[%get3A_384] {strides = array<i32>} : memref<96xf32, #tpu.memory_space<vmem>>, vector<16xf32>,
    %slice3A_386 = vector.extract_strided_slice %get3A_385 {offsets = [1], sizes = [1], strides = [1]} : vector<16xf32> to vector<1xf32>
    %squeeze3A_387 = vector.extract %slice3A_386[0] : f32 from vector<1xf32>
    %broadcast_in_dim3A_388 = vector.broadcast %squeeze3A_387 : f32 to vector<16xf32>
    %get3A_389 = arith.constant 48 : index
    %get3A_390 = tpu.vector_load %arg8[%get3A_389] {strides = array<i32>} : memref<96xf32, #tpu.memory_space<vmem>>, vector<16xf32>,
    %slice3A_391 = vector.extract_strided_slice %get3A_390 {offsets = [2], sizes = [1], strides = [1]} : vector<16xf32> to vector<1xf32>
    %squeeze3A_392 = vector.extract %slice3A_391[0] : f32 from vector<1xf32>
    %broadcast_in_dim3A_393 = vector.broadcast %squeeze3A_392 : f32 to vector<16xf32>
    %get3A_394 = arith.constant 48 : index
    %get3A_395 = tpu.vector_load %arg8[%get3A_394] {strides = array<i32>} : memref<96xf32, #tpu.memory_space<vmem>>, vector<16xf32>,
    %slice3A_396 = vector.extract_strided_slice %get3A_395 {offsets = [3], sizes = [1], strides = [1]} : vector<16xf32> to vector<1xf32>
    %squeeze3A_397 = vector.extract %slice3A_396[0] : f32 from vector<1xf32>
    %broadcast_in_dim3A_398 = vector.broadcast %squeeze3A_397 : f32 to vector<16xf32>
    %get3A_399 = arith.constant 48 : index
    %get3A_400 = tpu.vector_load %arg8[%get3A_399] {strides = array<i32>} : memref<96xf32, #tpu.memory_space<vmem>>, vector<16xf32>,
    %slice3A_401 = vector.extract_strided_slice %get3A_400 {offsets = [4], sizes = [1], strides = [1]} : vector<16xf32> to vector<1xf32>
    %squeeze3A_402 = vector.extract %slice3A_401[0] : f32 from vector<1xf32>
    %broadcast_in_dim3A_403 = vector.broadcast %squeeze3A_402 : f32 to vector<16xf32>
    %get3A_404 = arith.constant 48 : index
    %get3A_405 = tpu.vector_load %arg8[%get3A_404] {strides = array<i32>} : memref<96xf32, #tpu.memory_space<vmem>>, vector<16xf32>,
    %slice3A_406 = vector.extract_strided_slice %get3A_405 {offsets = [5], sizes = [1], strides = [1]} : vector<16xf32> to vector<1xf32>
    %squeeze3A_407 = vector.extract %slice3A_406[0] : f32 from vector<1xf32>
    %broadcast_in_dim3A_408 = vector.broadcast %squeeze3A_407 : f32 to vector<16xf32>
    %get3A_409 = arith.constant 48 : index
    %get3A_410 = tpu.vector_load %arg8[%get3A_409] {strides = array<i32>} : memref<96xf32, #tpu.memory_space<vmem>>, vector<16xf32>,
    %slice3A_411 = vector.extract_strided_slice %get3A_410 {offsets = [6], sizes = [1], strides = [1]} : vector<16xf32> to vector<1xf32>
    %squeeze3A_412 = vector.extract %slice3A_411[0] : f32 from vector<1xf32>
    %broadcast_in_dim3A_413 = vector.broadcast %squeeze3A_412 : f32 to vector<16xf32>
    %get3A_414 = arith.constant 48 : index
    %get3A_415 = tpu.vector_load %arg8[%get3A_414] {strides = array<i32>} : memref<96xf32, #tpu.memory_space<vmem>>, vector<16xf32>,
    %slice3A_416 = vector.extract_strided_slice %get3A_415 {offsets = [7], sizes = [1], strides = [1]} : vector<16xf32> to vector<1xf32>
    %squeeze3A_417 = vector.extract %slice3A_416[0] : f32 from vector<1xf32>
    %broadcast_in_dim3A_418 = vector.broadcast %squeeze3A_417 : f32 to vector<16xf32>
    %get3A_419 = arith.constant 48 : index
    %get3A_420 = tpu.vector_load %arg8[%get3A_419] {strides = array<i32>} : memref<96xf32, #tpu.memory_space<vmem>>, vector<16xf32>,
    %slice3A_421 = vector.extract_strided_slice %get3A_420 {offsets = [8], sizes = [1], strides = [1]} : vector<16xf32> to vector<1xf32>
    %squeeze3A_422 = vector.extract %slice3A_421[0] : f32 from vector<1xf32>
    %broadcast_in_dim3A_423 = vector.broadcast %squeeze3A_422 : f32 to vector<16xf32>
    %get3A_424 = arith.constant 48 : index
    %get3A_425 = tpu.vector_load %arg8[%get3A_424] {strides = array<i32>} : memref<96xf32, #tpu.memory_space<vmem>>, vector<16xf32>,
    %slice3A_426 = vector.extract_strided_slice %get3A_425 {offsets = [9], sizes = [1], strides = [1]} : vector<16xf32> to vector<1xf32>
    %squeeze3A_427 = vector.extract %slice3A_426[0] : f32 from vector<1xf32>
    %broadcast_in_dim3A_428 = vector.broadcast %squeeze3A_427 : f32 to vector<16xf32>
    %get3A_429 = arith.constant 64 : index
    %get3A_430 = tpu.vector_load %arg8[%get3A_429] {strides = array<i32>} : memref<96xf32, #tpu.memory_space<vmem>>, vector<16xf32>,
    %slice3A_431 = vector.extract_strided_slice %get3A_430 {offsets = [13], sizes = [1], strides = [1]} : vector<16xf32> to vector<1xf32>
    %squeeze3A_432 = vector.extract %slice3A_431[0] : f32 from vector<1xf32>
    %broadcast_in_dim3A_433 = vector.broadcast %squeeze3A_432 : f32 to vector<16xf32>
    %get3A_434 = arith.constant 64 : index
    %get3A_435 = tpu.vector_load %arg8[%get3A_434] {strides = array<i32>} : memref<96xf32, #tpu.memory_space<vmem>>, vector<16xf32>,
    %slice3A_436 = vector.extract_strided_slice %get3A_435 {offsets = [14], sizes = [1], strides = [1]} : vector<16xf32> to vector<1xf32>
    %squeeze3A_437 = vector.extract %slice3A_436[0] : f32 from vector<1xf32>
    %broadcast_in_dim3A_438 = vector.broadcast %squeeze3A_437 : f32 to vector<16xf32>
    %get3A_439 = arith.constant 64 : index
    %get3A_440 = tpu.vector_load %arg8[%get3A_439] {strides = array<i32>} : memref<96xf32, #tpu.memory_space<vmem>>, vector<16xf32>,
    %slice3A_441 = vector.extract_strided_slice %get3A_440 {offsets = [15], sizes = [1], strides = [1]} : vector<16xf32> to vector<1xf32>
    %squeeze3A_442 = vector.extract %slice3A_441[0] : f32 from vector<1xf32>
    %broadcast_in_dim3A_443 = vector.broadcast %squeeze3A_442 : f32 to vector<16xf32>
    %get3A_444 = arith.constant 80 : index
    %get3A_445 = tpu.vector_load %arg8[%get3A_444] {strides = array<i32>} : memref<96xf32, #tpu.memory_space<vmem>>, vector<16xf32>,
    %slice3A_446 = vector.extract_strided_slice %get3A_445 {offsets = [0], sizes = [1], strides = [1]} : vector<16xf32> to vector<1xf32>
    %squeeze3A_447 = vector.extract %slice3A_446[0] : f32 from vector<1xf32>
    %broadcast_in_dim3A_448 = vector.broadcast %squeeze3A_447 : f32 to vector<16xf32>
    %get3A_449 = arith.constant 80 : index
    %get3A_450 = tpu.vector_load %arg8[%get3A_449] {strides = array<i32>} : memref<96xf32, #tpu.memory_space<vmem>>, vector<16xf32>,
    %slice3A_451 = vector.extract_strided_slice %get3A_450 {offsets = [1], sizes = [1], strides = [1]} : vector<16xf32> to vector<1xf32>
    %squeeze3A_452 = vector.extract %slice3A_451[0] : f32 from vector<1xf32>
    %broadcast_in_dim3A_453 = vector.broadcast %squeeze3A_452 : f32 to vector<16xf32>
    %get3A_454 = arith.constant 80 : index
    %get3A_455 = tpu.vector_load %arg8[%get3A_454] {strides = array<i32>} : memref<96xf32, #tpu.memory_space<vmem>>, vector<16xf32>,
    %slice3A_456 = vector.extract_strided_slice %get3A_455 {offsets = [2], sizes = [1], strides = [1]} : vector<16xf32> to vector<1xf32>
    %squeeze3A_457 = vector.extract %slice3A_456[0] : f32 from vector<1xf32>
    %broadcast_in_dim3A_458 = vector.broadcast %squeeze3A_457 : f32 to vector<16xf32>
    %get3A_459 = arith.constant 80 : index
    %get3A_460 = tpu.vector_load %arg8[%get3A_459] {strides = array<i32>} : memref<96xf32, #tpu.memory_space<vmem>>, vector<16xf32>,
    %slice3A_461 = vector.extract_strided_slice %get3A_460 {offsets = [3], sizes = [1], strides = [1]} : vector<16xf32> to vector<1xf32>
    %squeeze3A_462 = vector.extract %slice3A_461[0] : f32 from vector<1xf32>
    %broadcast_in_dim3A_463 = vector.broadcast %squeeze3A_462 : f32 to vector<16xf32>
    %get3A_464 = arith.constant 80 : index
    %get3A_465 = tpu.vector_load %arg8[%get3A_464] {strides = array<i32>} : memref<96xf32, #tpu.memory_space<vmem>>, vector<16xf32>,
    %slice3A_466 = vector.extract_strided_slice %get3A_465 {offsets = [4], sizes = [1], strides = [1]} : vector<16xf32> to vector<1xf32>
    %squeeze3A_467 = vector.extract %slice3A_466[0] : f32 from vector<1xf32>
    %broadcast_in_dim3A_468 = vector.broadcast %squeeze3A_467 : f32 to vector<16xf32>
    %get3A_469 = arith.constant 80 : index
    %get3A_470 = tpu.vector_load %arg8[%get3A_469] {strides = array<i32>} : memref<96xf32, #tpu.memory_space<vmem>>, vector<16xf32>,
    %slice3A_471 = vector.extract_strided_slice %get3A_470 {offsets = [5], sizes = [1], strides = [1]} : vector<16xf32> to vector<1xf32>
    %squeeze3A_472 = vector.extract %slice3A_471[0] : f32 from vector<1xf32>
    %broadcast_in_dim3A_473 = vector.broadcast %squeeze3A_472 : f32 to vector<16xf32>
    %get3A_474 = arith.constant 80 : index
    %get3A_475 = tpu.vector_load %arg8[%get3A_474] {strides = array<i32>} : memref<96xf32, #tpu.memory_space<vmem>>, vector<16xf32>,
    %slice3A_476 = vector.extract_strided_slice %get3A_475 {offsets = [6], sizes = [1], strides = [1]} : vector<16xf32> to vector<1xf32>
    %squeeze3A_477 = vector.extract %slice3A_476[0] : f32 from vector<1xf32>
    %broadcast_in_dim3A_478 = vector.broadcast %squeeze3A_477 : f32 to vector<16xf32>
    %get3A_479 = arith.constant 80 : index
    %get3A_480 = tpu.vector_load %arg8[%get3A_479] {strides = array<i32>} : memref<96xf32, #tpu.memory_space<vmem>>, vector<16xf32>,
    %slice3A_481 = vector.extract_strided_slice %get3A_480 {offsets = [7], sizes = [1], strides = [1]} : vector<16xf32> to vector<1xf32>
    %squeeze3A_482 = vector.extract %slice3A_481[0] : f32 from vector<1xf32>
    %broadcast_in_dim3A_483 = vector.broadcast %squeeze3A_482 : f32 to vector<16xf32>
    %get3A_484 = arith.constant 80 : index
    %get3A_485 = tpu.vector_load %arg8[%get3A_484] {strides = array<i32>} : memref<96xf32, #tpu.memory_space<vmem>>, vector<16xf32>,
    %slice3A_486 = vector.extract_strided_slice %get3A_485 {offsets = [8], sizes = [1], strides = [1]} : vector<16xf32> to vector<1xf32>
    %squeeze3A_487 = vector.extract %slice3A_486[0] : f32 from vector<1xf32>
    %broadcast_in_dim3A_488 = vector.broadcast %squeeze3A_487 : f32 to vector<16xf32>
    %get3A_489 = arith.constant 80 : index
    %get3A_490 = tpu.vector_load %arg8[%get3A_489] {strides = array<i32>} : memref<96xf32, #tpu.memory_space<vmem>>, vector<16xf32>,
    %slice3A_491 = vector.extract_strided_slice %get3A_490 {offsets = [9], sizes = [1], strides = [1]} : vector<16xf32> to vector<1xf32>
    %squeeze3A_492 = vector.extract %slice3A_491[0] : f32 from vector<1xf32>
    %broadcast_in_dim3A_493 = vector.broadcast %squeeze3A_492 : f32 to vector<16xf32>
    %mul3A_494 = arith.constant 0 : i32
    %mul3A_495 = vector.broadcast %mul3A_494 : i32 to vector<16xi32>
    %mul3A_496 = arith.muli %iota3A, %mul3A_495 : vector<16xi32>
    %add3A_497 = arith.constant 13 : i32
    %add3A_498 = vector.broadcast %add3A_497 : i32 to vector<16xi32>
    %add3A_499 = arith.addi %mul3A_496, %add3A_498 : vector<16xi32>
    %mul3A_500 = arith.constant 0 : i32
    %mul3A_501 = vector.broadcast %mul3A_500 : i32 to vector<16xi32>
    %mul3A_502 = arith.muli %iota3A, %mul3A_501 : vector<16xi32>
    %add3A_503 = arith.constant 14 : i32
    %add3A_504 = vector.broadcast %add3A_503 : i32 to vector<16xi32>
    %add3A_505 = arith.addi %mul3A_502, %add3A_504 : vector<16xi32>
    %mul3A_506 = arith.constant 0 : i32
    %mul3A_507 = vector.broadcast %mul3A_506 : i32 to vector<16xi32>
    %mul3A_508 = arith.muli %iota3A, %mul3A_507 : vector<16xi32>
    %add3A_509 = arith.constant 15 : i32
    %add3A_510 = vector.broadcast %add3A_509 : i32 to vector<16xi32>
    %add3A_511 = arith.addi %mul3A_508, %add3A_510 : vector<16xi32>
    %mul3A_512 = arith.constant 0 : i32
    %mul3A_513 = vector.broadcast %mul3A_512 : i32 to vector<16xi32>
    %mul3A_514 = arith.muli %iota3A, %mul3A_513 : vector<16xi32>
    %add3A_515 = arith.constant 16 : i32
    %add3A_516 = vector.broadcast %add3A_515 : i32 to vector<16xi32>
    %add3A_517 = arith.addi %mul3A_514, %add3A_516 : vector<16xi32>
    %mul3A_518 = arith.constant 0 : i32
    %mul3A_519 = vector.broadcast %mul3A_518 : i32 to vector<16xi32>
    %mul3A_520 = arith.muli %iota3A, %mul3A_519 : vector<16xi32>
    %add3A_521 = arith.constant 17 : i32
    %add3A_522 = vector.broadcast %add3A_521 : i32 to vector<16xi32>
    %add3A_523 = arith.addi %mul3A_520, %add3A_522 : vector<16xi32>
    %mul3A_524 = arith.constant 0 : i32
    %mul3A_525 = vector.broadcast %mul3A_524 : i32 to vector<16xi32>
    %mul3A_526 = arith.muli %iota3A, %mul3A_525 : vector<16xi32>
    %add3A_527 = arith.constant 18 : i32
    %add3A_528 = vector.broadcast %add3A_527 : i32 to vector<16xi32>
    %add3A_529 = arith.addi %mul3A_526, %add3A_528 : vector<16xi32>
    %mul3A_530 = arith.constant 0 : i32
    %mul3A_531 = vector.broadcast %mul3A_530 : i32 to vector<16xi32>
    %mul3A_532 = arith.muli %iota3A, %mul3A_531 : vector<16xi32>
    %add3A_533 = arith.constant 19 : i32
    %add3A_534 = vector.broadcast %add3A_533 : i32 to vector<16xi32>
    %add3A_535 = arith.addi %mul3A_532, %add3A_534 : vector<16xi32>
    %mul3A_536 = arith.constant 0 : i32
    %mul3A_537 = vector.broadcast %mul3A_536 : i32 to vector<16xi32>
    %mul3A_538 = arith.muli %iota3A, %mul3A_537 : vector<16xi32>
    %add3A_539 = arith.constant 20 : i32
    %add3A_540 = vector.broadcast %add3A_539 : i32 to vector<16xi32>
    %add3A_541 = arith.addi %mul3A_538, %add3A_540 : vector<16xi32>
    %mul3A_542 = arith.constant 0 : i32
    %mul3A_543 = vector.broadcast %mul3A_542 : i32 to vector<16xi32>
    %mul3A_544 = arith.muli %iota3A, %mul3A_543 : vector<16xi32>
    %add3A_545 = arith.constant 21 : i32
    %add3A_546 = vector.broadcast %add3A_545 : i32 to vector<16xi32>
    %add3A_547 = arith.addi %mul3A_544, %add3A_546 : vector<16xi32>
    %mul3A_548 = arith.constant 0 : i32
    %mul3A_549 = vector.broadcast %mul3A_548 : i32 to vector<16xi32>
    %mul3A_550 = arith.muli %iota3A, %mul3A_549 : vector<16xi32>
    %add3A_551 = arith.constant 22 : i32
    %add3A_552 = vector.broadcast %add3A_551 : i32 to vector<16xi32>
    %add3A_553 = arith.addi %mul3A_550, %add3A_552 : vector<16xi32>
    %mul3A_554 = arith.constant 0 : i32
    %mul3A_555 = vector.broadcast %mul3A_554 : i32 to vector<16xi32>
    %mul3A_556 = arith.muli %iota3A, %mul3A_555 : vector<16xi32>
    %add3A_557 = arith.constant 23 : i32
    %add3A_558 = vector.broadcast %add3A_557 : i32 to vector<16xi32>
    %add3A_559 = arith.addi %mul3A_556, %add3A_558 : vector<16xi32>
    %mul3A_560 = arith.constant 0 : i32
    %mul3A_561 = vector.broadcast %mul3A_560 : i32 to vector<16xi32>
    %mul3A_562 = arith.muli %iota3A, %mul3A_561 : vector<16xi32>
    %add3A_563 = arith.constant 24 : i32
    %add3A_564 = vector.broadcast %add3A_563 : i32 to vector<16xi32>
    %add3A_565 = arith.addi %mul3A_562, %add3A_564 : vector<16xi32>
    %mul3A_566 = arith.constant 0 : i32
    %mul3A_567 = vector.broadcast %mul3A_566 : i32 to vector<16xi32>
    %mul3A_568 = arith.muli %iota3A, %mul3A_567 : vector<16xi32>
    %add3A_569 = arith.constant 25 : i32
    %add3A_570 = vector.broadcast %add3A_569 : i32 to vector<16xi32>
    %add3A_571 = arith.addi %mul3A_568, %add3A_570 : vector<16xi32>
    %scan3A_572 = arith.constant 0 : i32
    %scan3A_573 = arith.constant 0 : i32
    %scan3A_574 = arith.constant 21 : i32
    %scan3A_575 = arith.addi %scan3A_573, %scan3A_574 : i32
    %scan3A_576 = arith.constant 1 : i32
    %scan3A_577 = scf.for %scan3A_581 = %scan3A_573 to %scan3A_575 step %scan3A_576 iter_args(%scan3A_582 = %scan3A_572) -> (i32)  : i32 {
      %mul3A_583 = arith.constant 16 : i32
      %mul3A_584 = arith.muli %scan3A_581, %mul3A_583 : i32
      %add3A_585 = vector.broadcast %mul3A_584 : i32 to vector<16xi32>
      %add3A_586 = arith.addi %iota3A, %add3A_585 : vector<16xi32>
      %mul3A_587 = arith.constant 16 : i32
      %mul3A_588 = arith.muli %scan3A_581, %mul3A_587 : i32
      %get3A_589 = arith.index_cast %mul3A_588 : i32 to index
      %get3A_590 = tpu.vector_load %arg9[%get3A_589] {strides = array<i32>} : memref<336xf32, #tpu.memory_space<vmem>>, vector<16xf32>,
      %gather3A = tpu.vector_load_idx %arg5[%add3A_586, %add3A_499] : memref<336x26xf32, #tpu.memory_space<vmem>>[vector<16xi32>, vector<16xi32>], vector<16xf32>,
      %sub3A = arith.subf %broadcast_in_dim3A_303, %gather3A : vector<16xf32>
      %sub3A_591 = arith.subf %gather3A, %broadcast_in_dim3A_368 : vector<16xf32>
      %min3A_592 = arith.minimumf %sub3A, %sub3A_591 : vector<16xf32>
      %mul3A_593 = arith.mulf %min3A_592, %broadcast_in_dim3A_433 : vector<16xf32>
      %min3A_594 = arith.minimumf %get3A_590, %mul3A_593 : vector<16xf32>
      %gather3A_595 = tpu.vector_load_idx %arg5[%add3A_586, %add3A_505] : memref<336x26xf32, #tpu.memory_space<vmem>>[vector<16xi32>, vector<16xi32>], vector<16xf32>,
      %sub3A_596 = arith.subf %broadcast_in_dim3A_308, %gather3A_595 : vector<16xf32>
      %sub3A_597 = arith.subf %gather3A_595, %broadcast_in_dim3A_373 : vector<16xf32>
      %min3A_598 = arith.minimumf %sub3A_596, %sub3A_597 : vector<16xf32>
      %mul3A_599 = arith.mulf %min3A_598, %broadcast_in_dim3A_438 : vector<16xf32>
      %min3A_600 = arith.minimumf %min3A_594, %mul3A_599 : vector<16xf32>
      %gather3A_601 = tpu.vector_load_idx %arg5[%add3A_586, %add3A_511] : memref<336x26xf32, #tpu.memory_space<vmem>>[vector<16xi32>, vector<16xi32>], vector<16xf32>,
      %sub3A_602 = arith.subf %broadcast_in_dim3A_313, %gather3A_601 : vector<16xf32>
      %sub3A_603 = arith.subf %gather3A_601, %broadcast_in_dim3A_378 : vector<16xf32>
      %min3A_604 = arith.minimumf %sub3A_602, %sub3A_603 : vector<16xf32>
      %mul3A_605 = arith.mulf %min3A_604, %broadcast_in_dim3A_443 : vector<16xf32>
      %min3A_606 = arith.minimumf %min3A_600, %mul3A_605 : vector<16xf32>
      %gather3A_607 = tpu.vector_load_idx %arg5[%add3A_586, %add3A_517] : memref<336x26xf32, #tpu.memory_space<vmem>>[vector<16xi32>, vector<16xi32>], vector<16xf32>,
      %sub3A_608 = arith.subf %broadcast_in_dim3A_318, %gather3A_607 : vector<16xf32>
      %sub3A_609 = arith.subf %gather3A_607, %broadcast_in_dim3A_383 : vector<16xf32>
      %min3A_610 = arith.minimumf %sub3A_608, %sub3A_609 : vector<16xf32>
      %mul3A_611 = arith.mulf %min3A_610, %broadcast_in_dim3A_448 : vector<16xf32>
      %min3A_612 = arith.minimumf %min3A_606, %mul3A_611 : vector<16xf32>
      %gather3A_613 = tpu.vector_load_idx %arg5[%add3A_586, %add3A_523] : memref<336x26xf32, #tpu.memory_space<vmem>>[vector<16xi32>, vector<16xi32>], vector<16xf32>,
      %sub3A_614 = arith.subf %broadcast_in_dim3A_323, %gather3A_613 : vector<16xf32>
      %sub3A_615 = arith.subf %gather3A_613, %broadcast_in_dim3A_388 : vector<16xf32>
      %min3A_616 = arith.minimumf %sub3A_614, %sub3A_615 : vector<16xf32>
      %mul3A_617 = arith.mulf %min3A_616, %broadcast_in_dim3A_453 : vector<16xf32>
      %min3A_618 = arith.minimumf %min3A_612, %mul3A_617 : vector<16xf32>
      %gather3A_619 = tpu.vector_load_idx %arg5[%add3A_586, %add3A_529] : memref<336x26xf32, #tpu.memory_space<vmem>>[vector<16xi32>, vector<16xi32>], vector<16xf32>,
      %sub3A_620 = arith.subf %broadcast_in_dim3A_328, %gather3A_619 : vector<16xf32>
      %sub3A_621 = arith.subf %gather3A_619, %broadcast_in_dim3A_393 : vector<16xf32>
      %min3A_622 = arith.minimumf %sub3A_620, %sub3A_621 : vector<16xf32>
      %mul3A_623 = arith.mulf %min3A_622, %broadcast_in_dim3A_458 : vector<16xf32>
      %min3A_624 = arith.minimumf %min3A_618, %mul3A_623 : vector<16xf32>
      %gather3A_625 = tpu.vector_load_idx %arg5[%add3A_586, %add3A_535] : memref<336x26xf32, #tpu.memory_space<vmem>>[vector<16xi32>, vector<16xi32>], vector<16xf32>,
      %sub3A_626 = arith.subf %broadcast_in_dim3A_333, %gather3A_625 : vector<16xf32>
      %sub3A_627 = arith.subf %gather3A_625, %broadcast_in_dim3A_398 : vector<16xf32>
      %min3A_628 = arith.minimumf %sub3A_626, %sub3A_627 : vector<16xf32>
      %mul3A_629 = arith.mulf %min3A_628, %broadcast_in_dim3A_463 : vector<16xf32>
      %min3A_630 = arith.minimumf %min3A_624, %mul3A_629 : vector<16xf32>
      %gather3A_631 = tpu.vector_load_idx %arg5[%add3A_586, %add3A_541] : memref<336x26xf32, #tpu.memory_space<vmem>>[vector<16xi32>, vector<16xi32>], vector<16xf32>,
      %sub3A_632 = arith.subf %broadcast_in_dim3A_338, %gather3A_631 : vector<16xf32>
      %sub3A_633 = arith.subf %gather3A_631, %broadcast_in_dim3A_403 : vector<16xf32>
      %min3A_634 = arith.minimumf %sub3A_632, %sub3A_633 : vector<16xf32>
      %mul3A_635 = arith.mulf %min3A_634, %broadcast_in_dim3A_468 : vector<16xf32>
      %min3A_636 = arith.minimumf %min3A_630, %mul3A_635 : vector<16xf32>
      %gather3A_637 = tpu.vector_load_idx %arg5[%add3A_586, %add3A_547] : memref<336x26xf32, #tpu.memory_space<vmem>>[vector<16xi32>, vector<16xi32>], vector<16xf32>,
      %sub3A_638 = arith.subf %broadcast_in_dim3A_343, %gather3A_637 : vector<16xf32>
      %sub3A_639 = arith.subf %gather3A_637, %broadcast_in_dim3A_408 : vector<16xf32>
      %min3A_640 = arith.minimumf %sub3A_638, %sub3A_639 : vector<16xf32>
      %mul3A_641 = arith.mulf %min3A_640, %broadcast_in_dim3A_473 : vector<16xf32>
      %min3A_642 = arith.minimumf %min3A_636, %mul3A_641 : vector<16xf32>
      %gather3A_643 = tpu.vector_load_idx %arg5[%add3A_586, %add3A_553] : memref<336x26xf32, #tpu.memory_space<vmem>>[vector<16xi32>, vector<16xi32>], vector<16xf32>,
      %sub3A_644 = arith.subf %broadcast_in_dim3A_348, %gather3A_643 : vector<16xf32>
      %sub3A_645 = arith.subf %gather3A_643, %broadcast_in_dim3A_413 : vector<16xf32>
      %min3A_646 = arith.minimumf %sub3A_644, %sub3A_645 : vector<16xf32>
      %mul3A_647 = arith.mulf %min3A_646, %broadcast_in_dim3A_478 : vector<16xf32>
      %min3A_648 = arith.minimumf %min3A_642, %mul3A_647 : vector<16xf32>
      %gather3A_649 = tpu.vector_load_idx %arg5[%add3A_586, %add3A_559] : memref<336x26xf32, #tpu.memory_space<vmem>>[vector<16xi32>, vector<16xi32>], vector<16xf32>,
      %sub3A_650 = arith.subf %broadcast_in_dim3A_353, %gather3A_649 : vector<16xf32>
      %sub3A_651 = arith.subf %gather3A_649, %broadcast_in_dim3A_418 : vector<16xf32>
      %min3A_652 = arith.minimumf %sub3A_650, %sub3A_651 : vector<16xf32>
      %mul3A_653 = arith.mulf %min3A_652, %broadcast_in_dim3A_483 : vector<16xf32>
      %min3A_654 = arith.minimumf %min3A_648, %mul3A_653 : vector<16xf32>
      %gather3A_655 = tpu.vector_load_idx %arg5[%add3A_586, %add3A_565] : memref<336x26xf32, #tpu.memory_space<vmem>>[vector<16xi32>, vector<16xi32>], vector<16xf32>,
      %sub3A_656 = arith.subf %broadcast_in_dim3A_358, %gather3A_655 : vector<16xf32>
      %sub3A_657 = arith.subf %gather3A_655, %broadcast_in_dim3A_423 : vector<16xf32>
      %min3A_658 = arith.minimumf %sub3A_656, %sub3A_657 : vector<16xf32>
      %mul3A_659 = arith.mulf %min3A_658, %broadcast_in_dim3A_488 : vector<16xf32>
      %min3A_660 = arith.minimumf %min3A_654, %mul3A_659 : vector<16xf32>
      %gather3A_661 = tpu.vector_load_idx %arg5[%add3A_586, %add3A_571] : memref<336x26xf32, #tpu.memory_space<vmem>>[vector<16xi32>, vector<16xi32>], vector<16xf32>,
      %sub3A_662 = arith.subf %broadcast_in_dim3A_363, %gather3A_661 : vector<16xf32>
      %sub3A_663 = arith.subf %gather3A_661, %broadcast_in_dim3A_428 : vector<16xf32>
      %min3A_664 = arith.minimumf %sub3A_662, %sub3A_663 : vector<16xf32>
      %mul3A_665 = arith.mulf %min3A_664, %broadcast_in_dim3A_493 : vector<16xf32>
      %min3A_666 = arith.minimumf %min3A_660, %mul3A_665 : vector<16xf32>
      %ge3A = arith.constant 0.000000e+00 : f32
      %ge3A_667 = vector.broadcast %ge3A : f32 to vector<16xf32>
      %ge3A_668 = arith.cmpf oge, %min3A_666, %ge3A_667 : vector<16xf32>
      %jit3A = arith.constant 1.000000e+00 : f32
      %jit3A_669 = arith.constant 0.000000e+00 : f32
      %broadcast_in_dim3A_670 = vector.broadcast %jit3A : f32 to vector<16xf32>
      %broadcast_in_dim3A_671 = vector.broadcast %jit3A_669 : f32 to vector<16xf32>
      %select_n3A = arith.select %ge3A_668, %broadcast_in_dim3A_670, %broadcast_in_dim3A_671 : vector<16xi1>, vector<16xf32>
      %mul3A_672 = arith.constant 16 : i32
      %mul3A_673 = arith.muli %scan3A_581, %mul3A_672 : i32
      %swap3A = arith.index_cast %mul3A_673 : i32 to index
      %swap3A_674 = tpu.vector_load %arg7[%swap3A] {strides = array<i32>} : memref<336xf32, #tpu.memory_space<vmem>>, vector<16xf32>,
      tpu.vector_store %arg7[%swap3A], %select_n3A {strides = array<i32>} : memref<336xf32, #tpu.memory_space<vmem>>, vector<16xf32>,
      %scan3A_675 = arith.constant 0 : i32
      scf.yield %scan3A_675 : i32
    }
    %scan3A_578 = arith.constant 21 : i32
    "tpu.region"() ({
      %run_scoped3A = tpu.sem_alloc : memref<!tpu.dma_semaphore, #tpu.memory_space<semaphore_mem>>
      %dma_start3A_581 = tpu.memref_slice %arg4[%add3A_19] : memref<1000000xf32, #tpu.memory_space<hbm>> -> memref<336xf32, #tpu.memory_space<hbm>>
      %dma_start3A_582 = tpu.memref_slice %arg4[%add3A_19] : memref<1000000xf32, #tpu.memory_space<hbm>> -> memref<336xf32, #tpu.memory_space<hbm>>
      tpu.enqueue_dma source(%arg7 : memref<336xf32, #tpu.memory_space<vmem>>) target(%dma_start3A_582 : memref<336xf32, #tpu.memory_space<hbm>>) target_semaphore(%run_scoped3A : memref<!tpu.dma_semaphore, #tpu.memory_space<semaphore_mem>>)
      %dma_wait3A_583 = tpu.memref_slice %arg4[%add3A_19] : memref<1000000xf32, #tpu.memory_space<hbm>> -> memref<336xf32, #tpu.memory_space<hbm>>
      %dma_wait3A_584 = tpu.memref_slice %arg4[%add3A_19] : memref<1000000xf32, #tpu.memory_space<hbm>> -> memref<336xf32, #tpu.memory_space<hbm>>
      tpu.wait_dma2 semaphore(%run_scoped3A : memref<!tpu.dma_semaphore, #tpu.memory_space<semaphore_mem>>) src(%arg7 : memref<336xf32, #tpu.memory_space<vmem>>) dst(%dma_wait3A_584 : memref<336xf32, #tpu.memory_space<hbm>>)
      tpu.yield
    }) : () -> ()
    %lt3A = arith.constant 4 : i32
    %lt3A_579 = arith.cmpi slt, %add3A, %lt3A : i32
    %convert_element_type3A = arith.extui %lt3A_579 : i1 to i32
    %cond3A = arith.constant 0 : i32
    %cond3A_580 = arith.cmpi ne, %convert_element_type3A, %cond3A : i32
    scf.if %cond3A_580 {
      %add3A_581 = arith.constant 31248 : i32
      %add3A_582 = arith.addi %add3A_6, %add3A_581 : i32
      "tpu.region"() ({
        %run_scoped3A = tpu.sem_alloc : memref<!tpu.dma_semaphore, #tpu.memory_space<semaphore_mem>>
        %dma_start3A_1317 = arith.constant 0 : i32
        %dma_start3A_1318 = arith.constant 0 : i32
        %dma_start3A_1319 = tpu.memref_slice %arg6[%dma_start3A_1317, %dma_start3A_1318] : memref<336x26xf32, #tpu.memory_space<vmem>> -> memref<16x26xf32, #tpu.memory_space<vmem>>
        %dma_start3A_1320 = arith.constant 0 : i32
        %dma_start3A_1321 = tpu.memref_slice %arg2[%add3A_582, %dma_start3A_1320] : memref<1000000x26xf32, #tpu.memory_space<hbm>> -> memref<16x26xf32, #tpu.memory_space<hbm>>
        %dma_start3A_1322 = arith.constant 0 : i32
        %dma_start3A_1323 = arith.constant 0 : i32
        %dma_start3A_1324 = tpu.memref_slice %arg6[%dma_start3A_1322, %dma_start3A_1323] : memref<336x26xf32, #tpu.memory_space<vmem>> -> memref<16x26xf32, #tpu.memory_space<vmem>>
        %dma_start3A_1325 = arith.constant 0 : i32
        %dma_start3A_1326 = tpu.memref_slice %arg2[%add3A_582, %dma_start3A_1325] : memref<1000000x26xf32, #tpu.memory_space<hbm>> -> memref<16x26xf32, #tpu.memory_space<hbm>>
        tpu.enqueue_dma source(%dma_start3A_1326 : memref<16x26xf32, #tpu.memory_space<hbm>>) target(%dma_start3A_1324 : memref<16x26xf32, #tpu.memory_space<vmem>>) target_semaphore(%run_scoped3A : memref<!tpu.dma_semaphore, #tpu.memory_space<semaphore_mem>>)
        %dma_wait3A_1327 = arith.constant 0 : i32
        %dma_wait3A_1328 = arith.constant 0 : i32
        %dma_wait3A_1329 = tpu.memref_slice %arg6[%dma_wait3A_1327, %dma_wait3A_1328] : memref<336x26xf32, #tpu.memory_space<vmem>> -> memref<16x26xf32, #tpu.memory_space<vmem>>
        %dma_wait3A_1330 = arith.constant 0 : i32
        %dma_wait3A_1331 = tpu.memref_slice %arg2[%add3A_582, %dma_wait3A_1330] : memref<1000000x26xf32, #tpu.memory_space<hbm>> -> memref<16x26xf32, #tpu.memory_space<hbm>>
        %dma_wait3A_1332 = arith.constant 0 : i32
        %dma_wait3A_1333 = arith.constant 0 : i32
        %dma_wait3A_1334 = tpu.memref_slice %arg6[%dma_wait3A_1332, %dma_wait3A_1333] : memref<336x26xf32, #tpu.memory_space<vmem>> -> memref<16x26xf32, #tpu.memory_space<vmem>>
        %dma_wait3A_1335 = arith.constant 0 : i32
        %dma_wait3A_1336 = tpu.memref_slice %arg2[%add3A_582, %dma_wait3A_1335] : memref<1000000x26xf32, #tpu.memory_space<hbm>> -> memref<16x26xf32, #tpu.memory_space<hbm>>
        tpu.wait_dma2 semaphore(%run_scoped3A : memref<!tpu.dma_semaphore, #tpu.memory_space<semaphore_mem>>) src(%dma_wait3A_1336 : memref<16x26xf32, #tpu.memory_space<hbm>>) dst(%dma_wait3A_1334 : memref<16x26xf32, #tpu.memory_space<vmem>>)
        tpu.yield
      }) : () -> ()
      %get3A_583 = arith.constant 0 : index
      %get3A_584 = tpu.vector_load %arg8[%get3A_583] {strides = array<i32>} : memref<96xf32, #tpu.memory_space<vmem>>, vector<16xf32>,
      %slice3A_585 = vector.extract_strided_slice %get3A_584 {offsets = [0], sizes = [1], strides = [1]} : vector<16xf32> to vector<1xf32>
      %squeeze3A_586 = vector.extract %slice3A_585[0] : f32 from vector<1xf32>
      %broadcast_in_dim3A_587 = vector.broadcast %squeeze3A_586 : f32 to vector<16xf32>
      %get3A_588 = arith.constant 0 : index
      %get3A_589 = tpu.vector_load %arg8[%get3A_588] {strides = array<i32>} : memref<96xf32, #tpu.memory_space<vmem>>, vector<16xf32>,
      %slice3A_590 = vector.extract_strided_slice %get3A_589 {offsets = [1], sizes = [1], strides = [1]} : vector<16xf32> to vector<1xf32>
      %squeeze3A_591 = vector.extract %slice3A_590[0] : f32 from vector<1xf32>
      %broadcast_in_dim3A_592 = vector.broadcast %squeeze3A_591 : f32 to vector<16xf32>
      %get3A_593 = arith.constant 0 : index
      %get3A_594 = tpu.vector_load %arg8[%get3A_593] {strides = array<i32>} : memref<96xf32, #tpu.memory_space<vmem>>, vector<16xf32>,
      %slice3A_595 = vector.extract_strided_slice %get3A_594 {offsets = [2], sizes = [1], strides = [1]} : vector<16xf32> to vector<1xf32>
      %squeeze3A_596 = vector.extract %slice3A_595[0] : f32 from vector<1xf32>
      %broadcast_in_dim3A_597 = vector.broadcast %squeeze3A_596 : f32 to vector<16xf32>
      %get3A_598 = arith.constant 0 : index
      %get3A_599 = tpu.vector_load %arg8[%get3A_598] {strides = array<i32>} : memref<96xf32, #tpu.memory_space<vmem>>, vector<16xf32>,
      %slice3A_600 = vector.extract_strided_slice %get3A_599 {offsets = [3], sizes = [1], strides = [1]} : vector<16xf32> to vector<1xf32>
      %squeeze3A_601 = vector.extract %slice3A_600[0] : f32 from vector<1xf32>
      %broadcast_in_dim3A_602 = vector.broadcast %squeeze3A_601 : f32 to vector<16xf32>
      %get3A_603 = arith.constant 0 : index
      %get3A_604 = tpu.vector_load %arg8[%get3A_603] {strides = array<i32>} : memref<96xf32, #tpu.memory_space<vmem>>, vector<16xf32>,
      %slice3A_605 = vector.extract_strided_slice %get3A_604 {offsets = [4], sizes = [1], strides = [1]} : vector<16xf32> to vector<1xf32>
      %squeeze3A_606 = vector.extract %slice3A_605[0] : f32 from vector<1xf32>
      %broadcast_in_dim3A_607 = vector.broadcast %squeeze3A_606 : f32 to vector<16xf32>
      %get3A_608 = arith.constant 0 : index
      %get3A_609 = tpu.vector_load %arg8[%get3A_608] {strides = array<i32>} : memref<96xf32, #tpu.memory_space<vmem>>, vector<16xf32>,
      %slice3A_610 = vector.extract_strided_slice %get3A_609 {offsets = [5], sizes = [1], strides = [1]} : vector<16xf32> to vector<1xf32>
      %squeeze3A_611 = vector.extract %slice3A_610[0] : f32 from vector<1xf32>
      %broadcast_in_dim3A_612 = vector.broadcast %squeeze3A_611 : f32 to vector<16xf32>
      %get3A_613 = arith.constant 0 : index
      %get3A_614 = tpu.vector_load %arg8[%get3A_613] {strides = array<i32>} : memref<96xf32, #tpu.memory_space<vmem>>, vector<16xf32>,
      %slice3A_615 = vector.extract_strided_slice %get3A_614 {offsets = [6], sizes = [1], strides = [1]} : vector<16xf32> to vector<1xf32>
      %squeeze3A_616 = vector.extract %slice3A_615[0] : f32 from vector<1xf32>
      %broadcast_in_dim3A_617 = vector.broadcast %squeeze3A_616 : f32 to vector<16xf32>
      %get3A_618 = arith.constant 0 : index
      %get3A_619 = tpu.vector_load %arg8[%get3A_618] {strides = array<i32>} : memref<96xf32, #tpu.memory_space<vmem>>, vector<16xf32>,
      %slice3A_620 = vector.extract_strided_slice %get3A_619 {offsets = [7], sizes = [1], strides = [1]} : vector<16xf32> to vector<1xf32>
      %squeeze3A_621 = vector.extract %slice3A_620[0] : f32 from vector<1xf32>
      %broadcast_in_dim3A_622 = vector.broadcast %squeeze3A_621 : f32 to vector<16xf32>
      %get3A_623 = arith.constant 0 : index
      %get3A_624 = tpu.vector_load %arg8[%get3A_623] {strides = array<i32>} : memref<96xf32, #tpu.memory_space<vmem>>, vector<16xf32>,
      %slice3A_625 = vector.extract_strided_slice %get3A_624 {offsets = [8], sizes = [1], strides = [1]} : vector<16xf32> to vector<1xf32>
      %squeeze3A_626 = vector.extract %slice3A_625[0] : f32 from vector<1xf32>
      %broadcast_in_dim3A_627 = vector.broadcast %squeeze3A_626 : f32 to vector<16xf32>
      %get3A_628 = arith.constant 0 : index
      %get3A_629 = tpu.vector_load %arg8[%get3A_628] {strides = array<i32>} : memref<96xf32, #tpu.memory_space<vmem>>, vector<16xf32>,
      %slice3A_630 = vector.extract_strided_slice %get3A_629 {offsets = [9], sizes = [1], strides = [1]} : vector<16xf32> to vector<1xf32>
      %squeeze3A_631 = vector.extract %slice3A_630[0] : f32 from vector<1xf32>
      %broadcast_in_dim3A_632 = vector.broadcast %squeeze3A_631 : f32 to vector<16xf32>
      %get3A_633 = arith.constant 0 : index
      %get3A_634 = tpu.vector_load %arg8[%get3A_633] {strides = array<i32>} : memref<96xf32, #tpu.memory_space<vmem>>, vector<16xf32>,
      %slice3A_635 = vector.extract_strided_slice %get3A_634 {offsets = [10], sizes = [1], strides = [1]} : vector<16xf32> to vector<1xf32>
      %squeeze3A_636 = vector.extract %slice3A_635[0] : f32 from vector<1xf32>
      %broadcast_in_dim3A_637 = vector.broadcast %squeeze3A_636 : f32 to vector<16xf32>
      %get3A_638 = arith.constant 0 : index
      %get3A_639 = tpu.vector_load %arg8[%get3A_638] {strides = array<i32>} : memref<96xf32, #tpu.memory_space<vmem>>, vector<16xf32>,
      %slice3A_640 = vector.extract_strided_slice %get3A_639 {offsets = [11], sizes = [1], strides = [1]} : vector<16xf32> to vector<1xf32>
      %squeeze3A_641 = vector.extract %slice3A_640[0] : f32 from vector<1xf32>
      %broadcast_in_dim3A_642 = vector.broadcast %squeeze3A_641 : f32 to vector<16xf32>
      %get3A_643 = arith.constant 0 : index
      %get3A_644 = tpu.vector_load %arg8[%get3A_643] {strides = array<i32>} : memref<96xf32, #tpu.memory_space<vmem>>, vector<16xf32>,
      %slice3A_645 = vector.extract_strided_slice %get3A_644 {offsets = [12], sizes = [1], strides = [1]} : vector<16xf32> to vector<1xf32>
      %squeeze3A_646 = vector.extract %slice3A_645[0] : f32 from vector<1xf32>
      %broadcast_in_dim3A_647 = vector.broadcast %squeeze3A_646 : f32 to vector<16xf32>
      %get3A_648 = arith.constant 32 : index
      %get3A_649 = tpu.vector_load %arg8[%get3A_648] {strides = array<i32>} : memref<96xf32, #tpu.memory_space<vmem>>, vector<16xf32>,
      %slice3A_650 = vector.extract_strided_slice %get3A_649 {offsets = [0], sizes = [1], strides = [1]} : vector<16xf32> to vector<1xf32>
      %squeeze3A_651 = vector.extract %slice3A_650[0] : f32 from vector<1xf32>
      %broadcast_in_dim3A_652 = vector.broadcast %squeeze3A_651 : f32 to vector<16xf32>
      %get3A_653 = arith.constant 32 : index
      %get3A_654 = tpu.vector_load %arg8[%get3A_653] {strides = array<i32>} : memref<96xf32, #tpu.memory_space<vmem>>, vector<16xf32>,
      %slice3A_655 = vector.extract_strided_slice %get3A_654 {offsets = [1], sizes = [1], strides = [1]} : vector<16xf32> to vector<1xf32>
      %squeeze3A_656 = vector.extract %slice3A_655[0] : f32 from vector<1xf32>
      %broadcast_in_dim3A_657 = vector.broadcast %squeeze3A_656 : f32 to vector<16xf32>
      %get3A_658 = arith.constant 32 : index
      %get3A_659 = tpu.vector_load %arg8[%get3A_658] {strides = array<i32>} : memref<96xf32, #tpu.memory_space<vmem>>, vector<16xf32>,
      %slice3A_660 = vector.extract_strided_slice %get3A_659 {offsets = [2], sizes = [1], strides = [1]} : vector<16xf32> to vector<1xf32>
      %squeeze3A_661 = vector.extract %slice3A_660[0] : f32 from vector<1xf32>
      %broadcast_in_dim3A_662 = vector.broadcast %squeeze3A_661 : f32 to vector<16xf32>
      %get3A_663 = arith.constant 32 : index
      %get3A_664 = tpu.vector_load %arg8[%get3A_663] {strides = array<i32>} : memref<96xf32, #tpu.memory_space<vmem>>, vector<16xf32>,
      %slice3A_665 = vector.extract_strided_slice %get3A_664 {offsets = [3], sizes = [1], strides = [1]} : vector<16xf32> to vector<1xf32>
      %squeeze3A_666 = vector.extract %slice3A_665[0] : f32 from vector<1xf32>
      %broadcast_in_dim3A_667 = vector.broadcast %squeeze3A_666 : f32 to vector<16xf32>
      %get3A_668 = arith.constant 32 : index
      %get3A_669 = tpu.vector_load %arg8[%get3A_668] {strides = array<i32>} : memref<96xf32, #tpu.memory_space<vmem>>, vector<16xf32>,
      %slice3A_670 = vector.extract_strided_slice %get3A_669 {offsets = [4], sizes = [1], strides = [1]} : vector<16xf32> to vector<1xf32>
      %squeeze3A_671 = vector.extract %slice3A_670[0] : f32 from vector<1xf32>
      %broadcast_in_dim3A_672 = vector.broadcast %squeeze3A_671 : f32 to vector<16xf32>
      %get3A_673 = arith.constant 32 : index
      %get3A_674 = tpu.vector_load %arg8[%get3A_673] {strides = array<i32>} : memref<96xf32, #tpu.memory_space<vmem>>, vector<16xf32>,
      %slice3A_675 = vector.extract_strided_slice %get3A_674 {offsets = [5], sizes = [1], strides = [1]} : vector<16xf32> to vector<1xf32>
      %squeeze3A_676 = vector.extract %slice3A_675[0] : f32 from vector<1xf32>
      %broadcast_in_dim3A_677 = vector.broadcast %squeeze3A_676 : f32 to vector<16xf32>
      %get3A_678 = arith.constant 32 : index
      %get3A_679 = tpu.vector_load %arg8[%get3A_678] {strides = array<i32>} : memref<96xf32, #tpu.memory_space<vmem>>, vector<16xf32>,
      %slice3A_680 = vector.extract_strided_slice %get3A_679 {offsets = [6], sizes = [1], strides = [1]} : vector<16xf32> to vector<1xf32>
      %squeeze3A_681 = vector.extract %slice3A_680[0] : f32 from vector<1xf32>
      %broadcast_in_dim3A_682 = vector.broadcast %squeeze3A_681 : f32 to vector<16xf32>
      %get3A_683 = arith.constant 32 : index
      %get3A_684 = tpu.vector_load %arg8[%get3A_683] {strides = array<i32>} : memref<96xf32, #tpu.memory_space<vmem>>, vector<16xf32>,
      %slice3A_685 = vector.extract_strided_slice %get3A_684 {offsets = [7], sizes = [1], strides = [1]} : vector<16xf32> to vector<1xf32>
      %squeeze3A_686 = vector.extract %slice3A_685[0] : f32 from vector<1xf32>
      %broadcast_in_dim3A_687 = vector.broadcast %squeeze3A_686 : f32 to vector<16xf32>
      %get3A_688 = arith.constant 32 : index
      %get3A_689 = tpu.vector_load %arg8[%get3A_688] {strides = array<i32>} : memref<96xf32, #tpu.memory_space<vmem>>, vector<16xf32>,
      %slice3A_690 = vector.extract_strided_slice %get3A_689 {offsets = [8], sizes = [1], strides = [1]} : vector<16xf32> to vector<1xf32>
      %squeeze3A_691 = vector.extract %slice3A_690[0] : f32 from vector<1xf32>
      %broadcast_in_dim3A_692 = vector.broadcast %squeeze3A_691 : f32 to vector<16xf32>
      %get3A_693 = arith.constant 32 : index
      %get3A_694 = tpu.vector_load %arg8[%get3A_693] {strides = array<i32>} : memref<96xf32, #tpu.memory_space<vmem>>, vector<16xf32>,
      %slice3A_695 = vector.extract_strided_slice %get3A_694 {offsets = [9], sizes = [1], strides = [1]} : vector<16xf32> to vector<1xf32>
      %squeeze3A_696 = vector.extract %slice3A_695[0] : f32 from vector<1xf32>
      %broadcast_in_dim3A_697 = vector.broadcast %squeeze3A_696 : f32 to vector<16xf32>
      %get3A_698 = arith.constant 32 : index
      %get3A_699 = tpu.vector_load %arg8[%get3A_698] {strides = array<i32>} : memref<96xf32, #tpu.memory_space<vmem>>, vector<16xf32>,
      %slice3A_700 = vector.extract_strided_slice %get3A_699 {offsets = [10], sizes = [1], strides = [1]} : vector<16xf32> to vector<1xf32>
      %squeeze3A_701 = vector.extract %slice3A_700[0] : f32 from vector<1xf32>
      %broadcast_in_dim3A_702 = vector.broadcast %squeeze3A_701 : f32 to vector<16xf32>
      %get3A_703 = arith.constant 32 : index
      %get3A_704 = tpu.vector_load %arg8[%get3A_703] {strides = array<i32>} : memref<96xf32, #tpu.memory_space<vmem>>, vector<16xf32>,
      %slice3A_705 = vector.extract_strided_slice %get3A_704 {offsets = [11], sizes = [1], strides = [1]} : vector<16xf32> to vector<1xf32>
      %squeeze3A_706 = vector.extract %slice3A_705[0] : f32 from vector<1xf32>
      %broadcast_in_dim3A_707 = vector.broadcast %squeeze3A_706 : f32 to vector<16xf32>
      %get3A_708 = arith.constant 32 : index
      %get3A_709 = tpu.vector_load %arg8[%get3A_708] {strides = array<i32>} : memref<96xf32, #tpu.memory_space<vmem>>, vector<16xf32>,
      %slice3A_710 = vector.extract_strided_slice %get3A_709 {offsets = [12], sizes = [1], strides = [1]} : vector<16xf32> to vector<1xf32>
      %squeeze3A_711 = vector.extract %slice3A_710[0] : f32 from vector<1xf32>
      %broadcast_in_dim3A_712 = vector.broadcast %squeeze3A_711 : f32 to vector<16xf32>
      %get3A_713 = arith.constant 64 : index
      %get3A_714 = tpu.vector_load %arg8[%get3A_713] {strides = array<i32>} : memref<96xf32, #tpu.memory_space<vmem>>, vector<16xf32>,
      %slice3A_715 = vector.extract_strided_slice %get3A_714 {offsets = [0], sizes = [1], strides = [1]} : vector<16xf32> to vector<1xf32>
      %squeeze3A_716 = vector.extract %slice3A_715[0] : f32 from vector<1xf32>
      %broadcast_in_dim3A_717 = vector.broadcast %squeeze3A_716 : f32 to vector<16xf32>
      %get3A_718 = arith.constant 64 : index
      %get3A_719 = tpu.vector_load %arg8[%get3A_718] {strides = array<i32>} : memref<96xf32, #tpu.memory_space<vmem>>, vector<16xf32>,
      %slice3A_720 = vector.extract_strided_slice %get3A_719 {offsets = [1], sizes = [1], strides = [1]} : vector<16xf32> to vector<1xf32>
      %squeeze3A_721 = vector.extract %slice3A_720[0] : f32 from vector<1xf32>
      %broadcast_in_dim3A_722 = vector.broadcast %squeeze3A_721 : f32 to vector<16xf32>
      %get3A_723 = arith.constant 64 : index
      %get3A_724 = tpu.vector_load %arg8[%get3A_723] {strides = array<i32>} : memref<96xf32, #tpu.memory_space<vmem>>, vector<16xf32>,
      %slice3A_725 = vector.extract_strided_slice %get3A_724 {offsets = [2], sizes = [1], strides = [1]} : vector<16xf32> to vector<1xf32>
      %squeeze3A_726 = vector.extract %slice3A_725[0] : f32 from vector<1xf32>
      %broadcast_in_dim3A_727 = vector.broadcast %squeeze3A_726 : f32 to vector<16xf32>
      %get3A_728 = arith.constant 64 : index
      %get3A_729 = tpu.vector_load %arg8[%get3A_728] {strides = array<i32>} : memref<96xf32, #tpu.memory_space<vmem>>, vector<16xf32>,
      %slice3A_730 = vector.extract_strided_slice %get3A_729 {offsets = [3], sizes = [1], strides = [1]} : vector<16xf32> to vector<1xf32>
      %squeeze3A_731 = vector.extract %slice3A_730[0] : f32 from vector<1xf32>
      %broadcast_in_dim3A_732 = vector.broadcast %squeeze3A_731 : f32 to vector<16xf32>
      %get3A_733 = arith.constant 64 : index
      %get3A_734 = tpu.vector_load %arg8[%get3A_733] {strides = array<i32>} : memref<96xf32, #tpu.memory_space<vmem>>, vector<16xf32>,
      %slice3A_735 = vector.extract_strided_slice %get3A_734 {offsets = [4], sizes = [1], strides = [1]} : vector<16xf32> to vector<1xf32>
      %squeeze3A_736 = vector.extract %slice3A_735[0] : f32 from vector<1xf32>
      %broadcast_in_dim3A_737 = vector.broadcast %squeeze3A_736 : f32 to vector<16xf32>
      %get3A_738 = arith.constant 64 : index
      %get3A_739 = tpu.vector_load %arg8[%get3A_738] {strides = array<i32>} : memref<96xf32, #tpu.memory_space<vmem>>, vector<16xf32>,
      %slice3A_740 = vector.extract_strided_slice %get3A_739 {offsets = [5], sizes = [1], strides = [1]} : vector<16xf32> to vector<1xf32>
      %squeeze3A_741 = vector.extract %slice3A_740[0] : f32 from vector<1xf32>
      %broadcast_in_dim3A_742 = vector.broadcast %squeeze3A_741 : f32 to vector<16xf32>
      %get3A_743 = arith.constant 64 : index
      %get3A_744 = tpu.vector_load %arg8[%get3A_743] {strides = array<i32>} : memref<96xf32, #tpu.memory_space<vmem>>, vector<16xf32>,
      %slice3A_745 = vector.extract_strided_slice %get3A_744 {offsets = [6], sizes = [1], strides = [1]} : vector<16xf32> to vector<1xf32>
      %squeeze3A_746 = vector.extract %slice3A_745[0] : f32 from vector<1xf32>
      %broadcast_in_dim3A_747 = vector.broadcast %squeeze3A_746 : f32 to vector<16xf32>
      %get3A_748 = arith.constant 64 : index
      %get3A_749 = tpu.vector_load %arg8[%get3A_748] {strides = array<i32>} : memref<96xf32, #tpu.memory_space<vmem>>, vector<16xf32>,
      %slice3A_750 = vector.extract_strided_slice %get3A_749 {offsets = [7], sizes = [1], strides = [1]} : vector<16xf32> to vector<1xf32>
      %squeeze3A_751 = vector.extract %slice3A_750[0] : f32 from vector<1xf32>
      %broadcast_in_dim3A_752 = vector.broadcast %squeeze3A_751 : f32 to vector<16xf32>
      %get3A_753 = arith.constant 64 : index
      %get3A_754 = tpu.vector_load %arg8[%get3A_753] {strides = array<i32>} : memref<96xf32, #tpu.memory_space<vmem>>, vector<16xf32>,
      %slice3A_755 = vector.extract_strided_slice %get3A_754 {offsets = [8], sizes = [1], strides = [1]} : vector<16xf32> to vector<1xf32>
      %squeeze3A_756 = vector.extract %slice3A_755[0] : f32 from vector<1xf32>
      %broadcast_in_dim3A_757 = vector.broadcast %squeeze3A_756 : f32 to vector<16xf32>
      %get3A_758 = arith.constant 64 : index
      %get3A_759 = tpu.vector_load %arg8[%get3A_758] {strides = array<i32>} : memref<96xf32, #tpu.memory_space<vmem>>, vector<16xf32>,
      %slice3A_760 = vector.extract_strided_slice %get3A_759 {offsets = [9], sizes = [1], strides = [1]} : vector<16xf32> to vector<1xf32>
      %squeeze3A_761 = vector.extract %slice3A_760[0] : f32 from vector<1xf32>
      %broadcast_in_dim3A_762 = vector.broadcast %squeeze3A_761 : f32 to vector<16xf32>
      %get3A_763 = arith.constant 64 : index
      %get3A_764 = tpu.vector_load %arg8[%get3A_763] {strides = array<i32>} : memref<96xf32, #tpu.memory_space<vmem>>, vector<16xf32>,
      %slice3A_765 = vector.extract_strided_slice %get3A_764 {offsets = [10], sizes = [1], strides = [1]} : vector<16xf32> to vector<1xf32>
      %squeeze3A_766 = vector.extract %slice3A_765[0] : f32 from vector<1xf32>
      %broadcast_in_dim3A_767 = vector.broadcast %squeeze3A_766 : f32 to vector<16xf32>
      %get3A_768 = arith.constant 64 : index
      %get3A_769 = tpu.vector_load %arg8[%get3A_768] {strides = array<i32>} : memref<96xf32, #tpu.memory_space<vmem>>, vector<16xf32>,
      %slice3A_770 = vector.extract_strided_slice %get3A_769 {offsets = [11], sizes = [1], strides = [1]} : vector<16xf32> to vector<1xf32>
      %squeeze3A_771 = vector.extract %slice3A_770[0] : f32 from vector<1xf32>
      %broadcast_in_dim3A_772 = vector.broadcast %squeeze3A_771 : f32 to vector<16xf32>
      %get3A_773 = arith.constant 64 : index
      %get3A_774 = tpu.vector_load %arg8[%get3A_773] {strides = array<i32>} : memref<96xf32, #tpu.memory_space<vmem>>, vector<16xf32>,
      %slice3A_775 = vector.extract_strided_slice %get3A_774 {offsets = [12], sizes = [1], strides = [1]} : vector<16xf32> to vector<1xf32>
      %squeeze3A_776 = vector.extract %slice3A_775[0] : f32 from vector<1xf32>
      %broadcast_in_dim3A_777 = vector.broadcast %squeeze3A_776 : f32 to vector<16xf32>
      %mul3A_778 = arith.constant 0 : i32
      %mul3A_779 = vector.broadcast %mul3A_778 : i32 to vector<16xi32>
      %mul3A_780 = arith.muli %iota3A, %mul3A_779 : vector<16xi32>
      %add3A_781 = arith.constant 0 : i32
      %add3A_782 = vector.broadcast %add3A_781 : i32 to vector<16xi32>
      %add3A_783 = arith.addi %mul3A_780, %add3A_782 : vector<16xi32>
      %mul3A_784 = arith.constant 0 : i32
      %mul3A_785 = vector.broadcast %mul3A_784 : i32 to vector<16xi32>
      %mul3A_786 = arith.muli %iota3A, %mul3A_785 : vector<16xi32>
      %add3A_787 = arith.constant 1 : i32
      %add3A_788 = vector.broadcast %add3A_787 : i32 to vector<16xi32>
      %add3A_789 = arith.addi %mul3A_786, %add3A_788 : vector<16xi32>
      %mul3A_790 = arith.constant 0 : i32
      %mul3A_791 = vector.broadcast %mul3A_790 : i32 to vector<16xi32>
      %mul3A_792 = arith.muli %iota3A, %mul3A_791 : vector<16xi32>
      %add3A_793 = arith.constant 2 : i32
      %add3A_794 = vector.broadcast %add3A_793 : i32 to vector<16xi32>
      %add3A_795 = arith.addi %mul3A_792, %add3A_794 : vector<16xi32>
      %mul3A_796 = arith.constant 0 : i32
      %mul3A_797 = vector.broadcast %mul3A_796 : i32 to vector<16xi32>
      %mul3A_798 = arith.muli %iota3A, %mul3A_797 : vector<16xi32>
      %add3A_799 = arith.constant 3 : i32
      %add3A_800 = vector.broadcast %add3A_799 : i32 to vector<16xi32>
      %add3A_801 = arith.addi %mul3A_798, %add3A_800 : vector<16xi32>
      %mul3A_802 = arith.constant 0 : i32
      %mul3A_803 = vector.broadcast %mul3A_802 : i32 to vector<16xi32>
      %mul3A_804 = arith.muli %iota3A, %mul3A_803 : vector<16xi32>
      %add3A_805 = arith.constant 4 : i32
      %add3A_806 = vector.broadcast %add3A_805 : i32 to vector<16xi32>
      %add3A_807 = arith.addi %mul3A_804, %add3A_806 : vector<16xi32>
      %mul3A_808 = arith.constant 0 : i32
      %mul3A_809 = vector.broadcast %mul3A_808 : i32 to vector<16xi32>
      %mul3A_810 = arith.muli %iota3A, %mul3A_809 : vector<16xi32>
      %add3A_811 = arith.constant 5 : i32
      %add3A_812 = vector.broadcast %add3A_811 : i32 to vector<16xi32>
      %add3A_813 = arith.addi %mul3A_810, %add3A_812 : vector<16xi32>
      %mul3A_814 = arith.constant 0 : i32
      %mul3A_815 = vector.broadcast %mul3A_814 : i32 to vector<16xi32>
      %mul3A_816 = arith.muli %iota3A, %mul3A_815 : vector<16xi32>
      %add3A_817 = arith.constant 6 : i32
      %add3A_818 = vector.broadcast %add3A_817 : i32 to vector<16xi32>
      %add3A_819 = arith.addi %mul3A_816, %add3A_818 : vector<16xi32>
      %mul3A_820 = arith.constant 0 : i32
      %mul3A_821 = vector.broadcast %mul3A_820 : i32 to vector<16xi32>
      %mul3A_822 = arith.muli %iota3A, %mul3A_821 : vector<16xi32>
      %add3A_823 = arith.constant 7 : i32
      %add3A_824 = vector.broadcast %add3A_823 : i32 to vector<16xi32>
      %add3A_825 = arith.addi %mul3A_822, %add3A_824 : vector<16xi32>
      %mul3A_826 = arith.constant 0 : i32
      %mul3A_827 = vector.broadcast %mul3A_826 : i32 to vector<16xi32>
      %mul3A_828 = arith.muli %iota3A, %mul3A_827 : vector<16xi32>
      %add3A_829 = arith.constant 8 : i32
      %add3A_830 = vector.broadcast %add3A_829 : i32 to vector<16xi32>
      %add3A_831 = arith.addi %mul3A_828, %add3A_830 : vector<16xi32>
      %mul3A_832 = arith.constant 0 : i32
      %mul3A_833 = vector.broadcast %mul3A_832 : i32 to vector<16xi32>
      %mul3A_834 = arith.muli %iota3A, %mul3A_833 : vector<16xi32>
      %add3A_835 = arith.constant 9 : i32
      %add3A_836 = vector.broadcast %add3A_835 : i32 to vector<16xi32>
      %add3A_837 = arith.addi %mul3A_834, %add3A_836 : vector<16xi32>
      %mul3A_838 = arith.constant 0 : i32
      %mul3A_839 = vector.broadcast %mul3A_838 : i32 to vector<16xi32>
      %mul3A_840 = arith.muli %iota3A, %mul3A_839 : vector<16xi32>
      %add3A_841 = arith.constant 10 : i32
      %add3A_842 = vector.broadcast %add3A_841 : i32 to vector<16xi32>
      %add3A_843 = arith.addi %mul3A_840, %add3A_842 : vector<16xi32>
      %mul3A_844 = arith.constant 0 : i32
      %mul3A_845 = vector.broadcast %mul3A_844 : i32 to vector<16xi32>
      %mul3A_846 = arith.muli %iota3A, %mul3A_845 : vector<16xi32>
      %add3A_847 = arith.constant 11 : i32
      %add3A_848 = vector.broadcast %add3A_847 : i32 to vector<16xi32>
      %add3A_849 = arith.addi %mul3A_846, %add3A_848 : vector<16xi32>
      %mul3A_850 = arith.constant 0 : i32
      %mul3A_851 = vector.broadcast %mul3A_850 : i32 to vector<16xi32>
      %mul3A_852 = arith.muli %iota3A, %mul3A_851 : vector<16xi32>
      %add3A_853 = arith.constant 12 : i32
      %add3A_854 = vector.broadcast %add3A_853 : i32 to vector<16xi32>
      %add3A_855 = arith.addi %mul3A_852, %add3A_854 : vector<16xi32>
      %scan3A_856 = arith.constant 0 : i32
      %scan3A_857 = arith.constant 0 : i32
      %mul3A_858 = arith.constant 16 : i32
      %mul3A_859 = arith.muli %scan3A_857, %mul3A_858 : i32
      %add3A_860 = vector.broadcast %mul3A_859 : i32 to vector<16xi32>
      %add3A_861 = arith.addi %iota3A, %add3A_860 : vector<16xi32>
      %broadcast_in_dim3A_862 = arith.constant 1.000000e+30 : f32
      %broadcast_in_dim3A_863 = vector.broadcast %broadcast_in_dim3A_862 : f32 to vector<16xf32>
      %gather3A = tpu.vector_load_idx %arg6[%add3A_861, %add3A_783] : memref<336x26xf32, #tpu.memory_space<vmem>>[vector<16xi32>, vector<16xi32>], vector<16xf32>,
      %sub3A = arith.subf %broadcast_in_dim3A_587, %gather3A : vector<16xf32>
      %sub3A_864 = arith.subf %gather3A, %broadcast_in_dim3A_652 : vector<16xf32>
      %min3A_865 = arith.minimumf %sub3A, %sub3A_864 : vector<16xf32>
      %mul3A_866 = arith.mulf %min3A_865, %broadcast_in_dim3A_717 : vector<16xf32>
      %min3A_867 = arith.minimumf %broadcast_in_dim3A_863, %mul3A_866 : vector<16xf32>
      %gather3A_868 = tpu.vector_load_idx %arg6[%add3A_861, %add3A_789] : memref<336x26xf32, #tpu.memory_space<vmem>>[vector<16xi32>, vector<16xi32>], vector<16xf32>,
      %sub3A_869 = arith.subf %broadcast_in_dim3A_592, %gather3A_868 : vector<16xf32>
      %sub3A_870 = arith.subf %gather3A_868, %broadcast_in_dim3A_657 : vector<16xf32>
      %min3A_871 = arith.minimumf %sub3A_869, %sub3A_870 : vector<16xf32>
      %mul3A_872 = arith.mulf %min3A_871, %broadcast_in_dim3A_722 : vector<16xf32>
      %min3A_873 = arith.minimumf %min3A_867, %mul3A_872 : vector<16xf32>
      %gather3A_874 = tpu.vector_load_idx %arg6[%add3A_861, %add3A_795] : memref<336x26xf32, #tpu.memory_space<vmem>>[vector<16xi32>, vector<16xi32>], vector<16xf32>,
      %sub3A_875 = arith.subf %broadcast_in_dim3A_597, %gather3A_874 : vector<16xf32>
      %sub3A_876 = arith.subf %gather3A_874, %broadcast_in_dim3A_662 : vector<16xf32>
      %min3A_877 = arith.minimumf %sub3A_875, %sub3A_876 : vector<16xf32>
      %mul3A_878 = arith.mulf %min3A_877, %broadcast_in_dim3A_727 : vector<16xf32>
      %min3A_879 = arith.minimumf %min3A_873, %mul3A_878 : vector<16xf32>
      %gather3A_880 = tpu.vector_load_idx %arg6[%add3A_861, %add3A_801] : memref<336x26xf32, #tpu.memory_space<vmem>>[vector<16xi32>, vector<16xi32>], vector<16xf32>,
      %sub3A_881 = arith.subf %broadcast_in_dim3A_602, %gather3A_880 : vector<16xf32>
      %sub3A_882 = arith.subf %gather3A_880, %broadcast_in_dim3A_667 : vector<16xf32>
      %min3A_883 = arith.minimumf %sub3A_881, %sub3A_882 : vector<16xf32>
      %mul3A_884 = arith.mulf %min3A_883, %broadcast_in_dim3A_732 : vector<16xf32>
      %min3A_885 = arith.minimumf %min3A_879, %mul3A_884 : vector<16xf32>
      %gather3A_886 = tpu.vector_load_idx %arg6[%add3A_861, %add3A_807] : memref<336x26xf32, #tpu.memory_space<vmem>>[vector<16xi32>, vector<16xi32>], vector<16xf32>,
      %sub3A_887 = arith.subf %broadcast_in_dim3A_607, %gather3A_886 : vector<16xf32>
      %sub3A_888 = arith.subf %gather3A_886, %broadcast_in_dim3A_672 : vector<16xf32>
      %min3A_889 = arith.minimumf %sub3A_887, %sub3A_888 : vector<16xf32>
      %mul3A_890 = arith.mulf %min3A_889, %broadcast_in_dim3A_737 : vector<16xf32>
      %min3A_891 = arith.minimumf %min3A_885, %mul3A_890 : vector<16xf32>
      %gather3A_892 = tpu.vector_load_idx %arg6[%add3A_861, %add3A_813] : memref<336x26xf32, #tpu.memory_space<vmem>>[vector<16xi32>, vector<16xi32>], vector<16xf32>,
      %sub3A_893 = arith.subf %broadcast_in_dim3A_612, %gather3A_892 : vector<16xf32>
      %sub3A_894 = arith.subf %gather3A_892, %broadcast_in_dim3A_677 : vector<16xf32>
      %min3A_895 = arith.minimumf %sub3A_893, %sub3A_894 : vector<16xf32>
      %mul3A_896 = arith.mulf %min3A_895, %broadcast_in_dim3A_742 : vector<16xf32>
      %min3A_897 = arith.minimumf %min3A_891, %mul3A_896 : vector<16xf32>
      %gather3A_898 = tpu.vector_load_idx %arg6[%add3A_861, %add3A_819] : memref<336x26xf32, #tpu.memory_space<vmem>>[vector<16xi32>, vector<16xi32>], vector<16xf32>,
      %sub3A_899 = arith.subf %broadcast_in_dim3A_617, %gather3A_898 : vector<16xf32>
      %sub3A_900 = arith.subf %gather3A_898, %broadcast_in_dim3A_682 : vector<16xf32>
      %min3A_901 = arith.minimumf %sub3A_899, %sub3A_900 : vector<16xf32>
      %mul3A_902 = arith.mulf %min3A_901, %broadcast_in_dim3A_747 : vector<16xf32>
      %min3A_903 = arith.minimumf %min3A_897, %mul3A_902 : vector<16xf32>
      %gather3A_904 = tpu.vector_load_idx %arg6[%add3A_861, %add3A_825] : memref<336x26xf32, #tpu.memory_space<vmem>>[vector<16xi32>, vector<16xi32>], vector<16xf32>,
      %sub3A_905 = arith.subf %broadcast_in_dim3A_622, %gather3A_904 : vector<16xf32>
      %sub3A_906 = arith.subf %gather3A_904, %broadcast_in_dim3A_687 : vector<16xf32>
      %min3A_907 = arith.minimumf %sub3A_905, %sub3A_906 : vector<16xf32>
      %mul3A_908 = arith.mulf %min3A_907, %broadcast_in_dim3A_752 : vector<16xf32>
      %min3A_909 = arith.minimumf %min3A_903, %mul3A_908 : vector<16xf32>
      %gather3A_910 = tpu.vector_load_idx %arg6[%add3A_861, %add3A_831] : memref<336x26xf32, #tpu.memory_space<vmem>>[vector<16xi32>, vector<16xi32>], vector<16xf32>,
      %sub3A_911 = arith.subf %broadcast_in_dim3A_627, %gather3A_910 : vector<16xf32>
      %sub3A_912 = arith.subf %gather3A_910, %broadcast_in_dim3A_692 : vector<16xf32>
      %min3A_913 = arith.minimumf %sub3A_911, %sub3A_912 : vector<16xf32>
      %mul3A_914 = arith.mulf %min3A_913, %broadcast_in_dim3A_757 : vector<16xf32>
      %min3A_915 = arith.minimumf %min3A_909, %mul3A_914 : vector<16xf32>
      %gather3A_916 = tpu.vector_load_idx %arg6[%add3A_861, %add3A_837] : memref<336x26xf32, #tpu.memory_space<vmem>>[vector<16xi32>, vector<16xi32>], vector<16xf32>,
      %sub3A_917 = arith.subf %broadcast_in_dim3A_632, %gather3A_916 : vector<16xf32>
      %sub3A_918 = arith.subf %gather3A_916, %broadcast_in_dim3A_697 : vector<16xf32>
      %min3A_919 = arith.minimumf %sub3A_917, %sub3A_918 : vector<16xf32>
      %mul3A_920 = arith.mulf %min3A_919, %broadcast_in_dim3A_762 : vector<16xf32>
      %min3A_921 = arith.minimumf %min3A_915, %mul3A_920 : vector<16xf32>
      %gather3A_922 = tpu.vector_load_idx %arg6[%add3A_861, %add3A_843] : memref<336x26xf32, #tpu.memory_space<vmem>>[vector<16xi32>, vector<16xi32>], vector<16xf32>,
      %sub3A_923 = arith.subf %broadcast_in_dim3A_637, %gather3A_922 : vector<16xf32>
      %sub3A_924 = arith.subf %gather3A_922, %broadcast_in_dim3A_702 : vector<16xf32>
      %min3A_925 = arith.minimumf %sub3A_923, %sub3A_924 : vector<16xf32>
      %mul3A_926 = arith.mulf %min3A_925, %broadcast_in_dim3A_767 : vector<16xf32>
      %min3A_927 = arith.minimumf %min3A_921, %mul3A_926 : vector<16xf32>
      %gather3A_928 = tpu.vector_load_idx %arg6[%add3A_861, %add3A_849] : memref<336x26xf32, #tpu.memory_space<vmem>>[vector<16xi32>, vector<16xi32>], vector<16xf32>,
      %sub3A_929 = arith.subf %broadcast_in_dim3A_642, %gather3A_928 : vector<16xf32>
      %sub3A_930 = arith.subf %gather3A_928, %broadcast_in_dim3A_707 : vector<16xf32>
      %min3A_931 = arith.minimumf %sub3A_929, %sub3A_930 : vector<16xf32>
      %mul3A_932 = arith.mulf %min3A_931, %broadcast_in_dim3A_772 : vector<16xf32>
      %min3A_933 = arith.minimumf %min3A_927, %mul3A_932 : vector<16xf32>
      %gather3A_934 = tpu.vector_load_idx %arg6[%add3A_861, %add3A_855] : memref<336x26xf32, #tpu.memory_space<vmem>>[vector<16xi32>, vector<16xi32>], vector<16xf32>,
      %sub3A_935 = arith.subf %broadcast_in_dim3A_647, %gather3A_934 : vector<16xf32>
      %sub3A_936 = arith.subf %gather3A_934, %broadcast_in_dim3A_712 : vector<16xf32>
      %min3A_937 = arith.minimumf %sub3A_935, %sub3A_936 : vector<16xf32>
      %mul3A_938 = arith.mulf %min3A_937, %broadcast_in_dim3A_777 : vector<16xf32>
      %min3A_939 = arith.minimumf %min3A_933, %mul3A_938 : vector<16xf32>
      %mul3A_940 = arith.constant 16 : i32
      %mul3A_941 = arith.muli %scan3A_857, %mul3A_940 : i32
      %swap3A = arith.index_cast %mul3A_941 : i32 to index
      %swap3A_942 = tpu.vector_load %arg9[%swap3A] {strides = array<i32>} : memref<336xf32, #tpu.memory_space<vmem>>, vector<16xf32>,
      tpu.vector_store %arg9[%swap3A], %min3A_939 {strides = array<i32>} : memref<336xf32, #tpu.memory_space<vmem>>, vector<16xf32>,
      %scan3A_943 = arith.constant 0 : i32
      %scan3A_944 = arith.constant 1 : i32
      %get3A_945 = arith.constant 0 : index
      %get3A_946 = tpu.vector_load %arg8[%get3A_945] {strides = array<i32>} : memref<96xf32, #tpu.memory_space<vmem>>, vector<16xf32>,
      %slice3A_947 = vector.extract_strided_slice %get3A_946 {offsets = [13], sizes = [1], strides = [1]} : vector<16xf32> to vector<1xf32>
      %squeeze3A_948 = vector.extract %slice3A_947[0] : f32 from vector<1xf32>
      %broadcast_in_dim3A_949 = vector.broadcast %squeeze3A_948 : f32 to vector<16xf32>
      %get3A_950 = arith.constant 0 : index
      %get3A_951 = tpu.vector_load %arg8[%get3A_950] {strides = array<i32>} : memref<96xf32, #tpu.memory_space<vmem>>, vector<16xf32>,
      %slice3A_952 = vector.extract_strided_slice %get3A_951 {offsets = [14], sizes = [1], strides = [1]} : vector<16xf32> to vector<1xf32>
      %squeeze3A_953 = vector.extract %slice3A_952[0] : f32 from vector<1xf32>
      %broadcast_in_dim3A_954 = vector.broadcast %squeeze3A_953 : f32 to vector<16xf32>
      %get3A_955 = arith.constant 0 : index
      %get3A_956 = tpu.vector_load %arg8[%get3A_955] {strides = array<i32>} : memref<96xf32, #tpu.memory_space<vmem>>, vector<16xf32>,
      %slice3A_957 = vector.extract_strided_slice %get3A_956 {offsets = [15], sizes = [1], strides = [1]} : vector<16xf32> to vector<1xf32>
      %squeeze3A_958 = vector.extract %slice3A_957[0] : f32 from vector<1xf32>
      %broadcast_in_dim3A_959 = vector.broadcast %squeeze3A_958 : f32 to vector<16xf32>
      %get3A_960 = arith.constant 16 : index
      %get3A_961 = tpu.vector_load %arg8[%get3A_960] {strides = array<i32>} : memref<96xf32, #tpu.memory_space<vmem>>, vector<16xf32>,
      %slice3A_962 = vector.extract_strided_slice %get3A_961 {offsets = [0], sizes = [1], strides = [1]} : vector<16xf32> to vector<1xf32>
      %squeeze3A_963 = vector.extract %slice3A_962[0] : f32 from vector<1xf32>
      %broadcast_in_dim3A_964 = vector.broadcast %squeeze3A_963 : f32 to vector<16xf32>
      %get3A_965 = arith.constant 16 : index
      %get3A_966 = tpu.vector_load %arg8[%get3A_965] {strides = array<i32>} : memref<96xf32, #tpu.memory_space<vmem>>, vector<16xf32>,
      %slice3A_967 = vector.extract_strided_slice %get3A_966 {offsets = [1], sizes = [1], strides = [1]} : vector<16xf32> to vector<1xf32>
      %squeeze3A_968 = vector.extract %slice3A_967[0] : f32 from vector<1xf32>
      %broadcast_in_dim3A_969 = vector.broadcast %squeeze3A_968 : f32 to vector<16xf32>
      %get3A_970 = arith.constant 16 : index
      %get3A_971 = tpu.vector_load %arg8[%get3A_970] {strides = array<i32>} : memref<96xf32, #tpu.memory_space<vmem>>, vector<16xf32>,
      %slice3A_972 = vector.extract_strided_slice %get3A_971 {offsets = [2], sizes = [1], strides = [1]} : vector<16xf32> to vector<1xf32>
      %squeeze3A_973 = vector.extract %slice3A_972[0] : f32 from vector<1xf32>
      %broadcast_in_dim3A_974 = vector.broadcast %squeeze3A_973 : f32 to vector<16xf32>
      %get3A_975 = arith.constant 16 : index
      %get3A_976 = tpu.vector_load %arg8[%get3A_975] {strides = array<i32>} : memref<96xf32, #tpu.memory_space<vmem>>, vector<16xf32>,
      %slice3A_977 = vector.extract_strided_slice %get3A_976 {offsets = [3], sizes = [1], strides = [1]} : vector<16xf32> to vector<1xf32>
      %squeeze3A_978 = vector.extract %slice3A_977[0] : f32 from vector<1xf32>
      %broadcast_in_dim3A_979 = vector.broadcast %squeeze3A_978 : f32 to vector<16xf32>
      %get3A_980 = arith.constant 16 : index
      %get3A_981 = tpu.vector_load %arg8[%get3A_980] {strides = array<i32>} : memref<96xf32, #tpu.memory_space<vmem>>, vector<16xf32>,
      %slice3A_982 = vector.extract_strided_slice %get3A_981 {offsets = [4], sizes = [1], strides = [1]} : vector<16xf32> to vector<1xf32>
      %squeeze3A_983 = vector.extract %slice3A_982[0] : f32 from vector<1xf32>
      %broadcast_in_dim3A_984 = vector.broadcast %squeeze3A_983 : f32 to vector<16xf32>
      %get3A_985 = arith.constant 16 : index
      %get3A_986 = tpu.vector_load %arg8[%get3A_985] {strides = array<i32>} : memref<96xf32, #tpu.memory_space<vmem>>, vector<16xf32>,
      %slice3A_987 = vector.extract_strided_slice %get3A_986 {offsets = [5], sizes = [1], strides = [1]} : vector<16xf32> to vector<1xf32>
      %squeeze3A_988 = vector.extract %slice3A_987[0] : f32 from vector<1xf32>
      %broadcast_in_dim3A_989 = vector.broadcast %squeeze3A_988 : f32 to vector<16xf32>
      %get3A_990 = arith.constant 16 : index
      %get3A_991 = tpu.vector_load %arg8[%get3A_990] {strides = array<i32>} : memref<96xf32, #tpu.memory_space<vmem>>, vector<16xf32>,
      %slice3A_992 = vector.extract_strided_slice %get3A_991 {offsets = [6], sizes = [1], strides = [1]} : vector<16xf32> to vector<1xf32>
      %squeeze3A_993 = vector.extract %slice3A_992[0] : f32 from vector<1xf32>
      %broadcast_in_dim3A_994 = vector.broadcast %squeeze3A_993 : f32 to vector<16xf32>
      %get3A_995 = arith.constant 16 : index
      %get3A_996 = tpu.vector_load %arg8[%get3A_995] {strides = array<i32>} : memref<96xf32, #tpu.memory_space<vmem>>, vector<16xf32>,
      %slice3A_997 = vector.extract_strided_slice %get3A_996 {offsets = [7], sizes = [1], strides = [1]} : vector<16xf32> to vector<1xf32>
      %squeeze3A_998 = vector.extract %slice3A_997[0] : f32 from vector<1xf32>
      %broadcast_in_dim3A_999 = vector.broadcast %squeeze3A_998 : f32 to vector<16xf32>
      %get3A_1000 = arith.constant 16 : index
      %get3A_1001 = tpu.vector_load %arg8[%get3A_1000] {strides = array<i32>} : memref<96xf32, #tpu.memory_space<vmem>>, vector<16xf32>,
      %slice3A_1002 = vector.extract_strided_slice %get3A_1001 {offsets = [8], sizes = [1], strides = [1]} : vector<16xf32> to vector<1xf32>
      %squeeze3A_1003 = vector.extract %slice3A_1002[0] : f32 from vector<1xf32>
      %broadcast_in_dim3A_1004 = vector.broadcast %squeeze3A_1003 : f32 to vector<16xf32>
      %get3A_1005 = arith.constant 16 : index
      %get3A_1006 = tpu.vector_load %arg8[%get3A_1005] {strides = array<i32>} : memref<96xf32, #tpu.memory_space<vmem>>, vector<16xf32>,
      %slice3A_1007 = vector.extract_strided_slice %get3A_1006 {offsets = [9], sizes = [1], strides = [1]} : vector<16xf32> to vector<1xf32>
      %squeeze3A_1008 = vector.extract %slice3A_1007[0] : f32 from vector<1xf32>
      %broadcast_in_dim3A_1009 = vector.broadcast %squeeze3A_1008 : f32 to vector<16xf32>
      %get3A_1010 = arith.constant 32 : index
      %get3A_1011 = tpu.vector_load %arg8[%get3A_1010] {strides = array<i32>} : memref<96xf32, #tpu.memory_space<vmem>>, vector<16xf32>,
      %slice3A_1012 = vector.extract_strided_slice %get3A_1011 {offsets = [13], sizes = [1], strides = [1]} : vector<16xf32> to vector<1xf32>
      %squeeze3A_1013 = vector.extract %slice3A_1012[0] : f32 from vector<1xf32>
      %broadcast_in_dim3A_1014 = vector.broadcast %squeeze3A_1013 : f32 to vector<16xf32>
      %get3A_1015 = arith.constant 32 : index
      %get3A_1016 = tpu.vector_load %arg8[%get3A_1015] {strides = array<i32>} : memref<96xf32, #tpu.memory_space<vmem>>, vector<16xf32>,
      %slice3A_1017 = vector.extract_strided_slice %get3A_1016 {offsets = [14], sizes = [1], strides = [1]} : vector<16xf32> to vector<1xf32>
      %squeeze3A_1018 = vector.extract %slice3A_1017[0] : f32 from vector<1xf32>
      %broadcast_in_dim3A_1019 = vector.broadcast %squeeze3A_1018 : f32 to vector<16xf32>
      %get3A_1020 = arith.constant 32 : index
      %get3A_1021 = tpu.vector_load %arg8[%get3A_1020] {strides = array<i32>} : memref<96xf32, #tpu.memory_space<vmem>>, vector<16xf32>,
      %slice3A_1022 = vector.extract_strided_slice %get3A_1021 {offsets = [15], sizes = [1], strides = [1]} : vector<16xf32> to vector<1xf32>
      %squeeze3A_1023 = vector.extract %slice3A_1022[0] : f32 from vector<1xf32>
      %broadcast_in_dim3A_1024 = vector.broadcast %squeeze3A_1023 : f32 to vector<16xf32>
      %get3A_1025 = arith.constant 48 : index
      %get3A_1026 = tpu.vector_load %arg8[%get3A_1025] {strides = array<i32>} : memref<96xf32, #tpu.memory_space<vmem>>, vector<16xf32>,
      %slice3A_1027 = vector.extract_strided_slice %get3A_1026 {offsets = [0], sizes = [1], strides = [1]} : vector<16xf32> to vector<1xf32>
      %squeeze3A_1028 = vector.extract %slice3A_1027[0] : f32 from vector<1xf32>
      %broadcast_in_dim3A_1029 = vector.broadcast %squeeze3A_1028 : f32 to vector<16xf32>
      %get3A_1030 = arith.constant 48 : index
      %get3A_1031 = tpu.vector_load %arg8[%get3A_1030] {strides = array<i32>} : memref<96xf32, #tpu.memory_space<vmem>>, vector<16xf32>,
      %slice3A_1032 = vector.extract_strided_slice %get3A_1031 {offsets = [1], sizes = [1], strides = [1]} : vector<16xf32> to vector<1xf32>
      %squeeze3A_1033 = vector.extract %slice3A_1032[0] : f32 from vector<1xf32>
      %broadcast_in_dim3A_1034 = vector.broadcast %squeeze3A_1033 : f32 to vector<16xf32>
      %get3A_1035 = arith.constant 48 : index
      %get3A_1036 = tpu.vector_load %arg8[%get3A_1035] {strides = array<i32>} : memref<96xf32, #tpu.memory_space<vmem>>, vector<16xf32>,
      %slice3A_1037 = vector.extract_strided_slice %get3A_1036 {offsets = [2], sizes = [1], strides = [1]} : vector<16xf32> to vector<1xf32>
      %squeeze3A_1038 = vector.extract %slice3A_1037[0] : f32 from vector<1xf32>
      %broadcast_in_dim3A_1039 = vector.broadcast %squeeze3A_1038 : f32 to vector<16xf32>
      %get3A_1040 = arith.constant 48 : index
      %get3A_1041 = tpu.vector_load %arg8[%get3A_1040] {strides = array<i32>} : memref<96xf32, #tpu.memory_space<vmem>>, vector<16xf32>,
      %slice3A_1042 = vector.extract_strided_slice %get3A_1041 {offsets = [3], sizes = [1], strides = [1]} : vector<16xf32> to vector<1xf32>
      %squeeze3A_1043 = vector.extract %slice3A_1042[0] : f32 from vector<1xf32>
      %broadcast_in_dim3A_1044 = vector.broadcast %squeeze3A_1043 : f32 to vector<16xf32>
      %get3A_1045 = arith.constant 48 : index
      %get3A_1046 = tpu.vector_load %arg8[%get3A_1045] {strides = array<i32>} : memref<96xf32, #tpu.memory_space<vmem>>, vector<16xf32>,
      %slice3A_1047 = vector.extract_strided_slice %get3A_1046 {offsets = [4], sizes = [1], strides = [1]} : vector<16xf32> to vector<1xf32>
      %squeeze3A_1048 = vector.extract %slice3A_1047[0] : f32 from vector<1xf32>
      %broadcast_in_dim3A_1049 = vector.broadcast %squeeze3A_1048 : f32 to vector<16xf32>
      %get3A_1050 = arith.constant 48 : index
      %get3A_1051 = tpu.vector_load %arg8[%get3A_1050] {strides = array<i32>} : memref<96xf32, #tpu.memory_space<vmem>>, vector<16xf32>,
      %slice3A_1052 = vector.extract_strided_slice %get3A_1051 {offsets = [5], sizes = [1], strides = [1]} : vector<16xf32> to vector<1xf32>
      %squeeze3A_1053 = vector.extract %slice3A_1052[0] : f32 from vector<1xf32>
      %broadcast_in_dim3A_1054 = vector.broadcast %squeeze3A_1053 : f32 to vector<16xf32>
      %get3A_1055 = arith.constant 48 : index
      %get3A_1056 = tpu.vector_load %arg8[%get3A_1055] {strides = array<i32>} : memref<96xf32, #tpu.memory_space<vmem>>, vector<16xf32>,
      %slice3A_1057 = vector.extract_strided_slice %get3A_1056 {offsets = [6], sizes = [1], strides = [1]} : vector<16xf32> to vector<1xf32>
      %squeeze3A_1058 = vector.extract %slice3A_1057[0] : f32 from vector<1xf32>
      %broadcast_in_dim3A_1059 = vector.broadcast %squeeze3A_1058 : f32 to vector<16xf32>
      %get3A_1060 = arith.constant 48 : index
      %get3A_1061 = tpu.vector_load %arg8[%get3A_1060] {strides = array<i32>} : memref<96xf32, #tpu.memory_space<vmem>>, vector<16xf32>,
      %slice3A_1062 = vector.extract_strided_slice %get3A_1061 {offsets = [7], sizes = [1], strides = [1]} : vector<16xf32> to vector<1xf32>
      %squeeze3A_1063 = vector.extract %slice3A_1062[0] : f32 from vector<1xf32>
      %broadcast_in_dim3A_1064 = vector.broadcast %squeeze3A_1063 : f32 to vector<16xf32>
      %get3A_1065 = arith.constant 48 : index
      %get3A_1066 = tpu.vector_load %arg8[%get3A_1065] {strides = array<i32>} : memref<96xf32, #tpu.memory_space<vmem>>, vector<16xf32>,
      %slice3A_1067 = vector.extract_strided_slice %get3A_1066 {offsets = [8], sizes = [1], strides = [1]} : vector<16xf32> to vector<1xf32>
      %squeeze3A_1068 = vector.extract %slice3A_1067[0] : f32 from vector<1xf32>
      %broadcast_in_dim3A_1069 = vector.broadcast %squeeze3A_1068 : f32 to vector<16xf32>
      %get3A_1070 = arith.constant 48 : index
      %get3A_1071 = tpu.vector_load %arg8[%get3A_1070] {strides = array<i32>} : memref<96xf32, #tpu.memory_space<vmem>>, vector<16xf32>,
      %slice3A_1072 = vector.extract_strided_slice %get3A_1071 {offsets = [9], sizes = [1], strides = [1]} : vector<16xf32> to vector<1xf32>
      %squeeze3A_1073 = vector.extract %slice3A_1072[0] : f32 from vector<1xf32>
      %broadcast_in_dim3A_1074 = vector.broadcast %squeeze3A_1073 : f32 to vector<16xf32>
      %get3A_1075 = arith.constant 64 : index
      %get3A_1076 = tpu.vector_load %arg8[%get3A_1075] {strides = array<i32>} : memref<96xf32, #tpu.memory_space<vmem>>, vector<16xf32>,
      %slice3A_1077 = vector.extract_strided_slice %get3A_1076 {offsets = [13], sizes = [1], strides = [1]} : vector<16xf32> to vector<1xf32>
      %squeeze3A_1078 = vector.extract %slice3A_1077[0] : f32 from vector<1xf32>
      %broadcast_in_dim3A_1079 = vector.broadcast %squeeze3A_1078 : f32 to vector<16xf32>
      %get3A_1080 = arith.constant 64 : index
      %get3A_1081 = tpu.vector_load %arg8[%get3A_1080] {strides = array<i32>} : memref<96xf32, #tpu.memory_space<vmem>>, vector<16xf32>,
      %slice3A_1082 = vector.extract_strided_slice %get3A_1081 {offsets = [14], sizes = [1], strides = [1]} : vector<16xf32> to vector<1xf32>
      %squeeze3A_1083 = vector.extract %slice3A_1082[0] : f32 from vector<1xf32>
      %broadcast_in_dim3A_1084 = vector.broadcast %squeeze3A_1083 : f32 to vector<16xf32>
      %get3A_1085 = arith.constant 64 : index
      %get3A_1086 = tpu.vector_load %arg8[%get3A_1085] {strides = array<i32>} : memref<96xf32, #tpu.memory_space<vmem>>, vector<16xf32>,
      %slice3A_1087 = vector.extract_strided_slice %get3A_1086 {offsets = [15], sizes = [1], strides = [1]} : vector<16xf32> to vector<1xf32>
      %squeeze3A_1088 = vector.extract %slice3A_1087[0] : f32 from vector<1xf32>
      %broadcast_in_dim3A_1089 = vector.broadcast %squeeze3A_1088 : f32 to vector<16xf32>
      %get3A_1090 = arith.constant 80 : index
      %get3A_1091 = tpu.vector_load %arg8[%get3A_1090] {strides = array<i32>} : memref<96xf32, #tpu.memory_space<vmem>>, vector<16xf32>,
      %slice3A_1092 = vector.extract_strided_slice %get3A_1091 {offsets = [0], sizes = [1], strides = [1]} : vector<16xf32> to vector<1xf32>
      %squeeze3A_1093 = vector.extract %slice3A_1092[0] : f32 from vector<1xf32>
      %broadcast_in_dim3A_1094 = vector.broadcast %squeeze3A_1093 : f32 to vector<16xf32>
      %get3A_1095 = arith.constant 80 : index
      %get3A_1096 = tpu.vector_load %arg8[%get3A_1095] {strides = array<i32>} : memref<96xf32, #tpu.memory_space<vmem>>, vector<16xf32>,
      %slice3A_1097 = vector.extract_strided_slice %get3A_1096 {offsets = [1], sizes = [1], strides = [1]} : vector<16xf32> to vector<1xf32>
      %squeeze3A_1098 = vector.extract %slice3A_1097[0] : f32 from vector<1xf32>
      %broadcast_in_dim3A_1099 = vector.broadcast %squeeze3A_1098 : f32 to vector<16xf32>
      %get3A_1100 = arith.constant 80 : index
      %get3A_1101 = tpu.vector_load %arg8[%get3A_1100] {strides = array<i32>} : memref<96xf32, #tpu.memory_space<vmem>>, vector<16xf32>,
      %slice3A_1102 = vector.extract_strided_slice %get3A_1101 {offsets = [2], sizes = [1], strides = [1]} : vector<16xf32> to vector<1xf32>
      %squeeze3A_1103 = vector.extract %slice3A_1102[0] : f32 from vector<1xf32>
      %broadcast_in_dim3A_1104 = vector.broadcast %squeeze3A_1103 : f32 to vector<16xf32>
      %get3A_1105 = arith.constant 80 : index
      %get3A_1106 = tpu.vector_load %arg8[%get3A_1105] {strides = array<i32>} : memref<96xf32, #tpu.memory_space<vmem>>, vector<16xf32>,
      %slice3A_1107 = vector.extract_strided_slice %get3A_1106 {offsets = [3], sizes = [1], strides = [1]} : vector<16xf32> to vector<1xf32>
      %squeeze3A_1108 = vector.extract %slice3A_1107[0] : f32 from vector<1xf32>
      %broadcast_in_dim3A_1109 = vector.broadcast %squeeze3A_1108 : f32 to vector<16xf32>
      %get3A_1110 = arith.constant 80 : index
      %get3A_1111 = tpu.vector_load %arg8[%get3A_1110] {strides = array<i32>} : memref<96xf32, #tpu.memory_space<vmem>>, vector<16xf32>,
      %slice3A_1112 = vector.extract_strided_slice %get3A_1111 {offsets = [4], sizes = [1], strides = [1]} : vector<16xf32> to vector<1xf32>
      %squeeze3A_1113 = vector.extract %slice3A_1112[0] : f32 from vector<1xf32>
      %broadcast_in_dim3A_1114 = vector.broadcast %squeeze3A_1113 : f32 to vector<16xf32>
      %get3A_1115 = arith.constant 80 : index
      %get3A_1116 = tpu.vector_load %arg8[%get3A_1115] {strides = array<i32>} : memref<96xf32, #tpu.memory_space<vmem>>, vector<16xf32>,
      %slice3A_1117 = vector.extract_strided_slice %get3A_1116 {offsets = [5], sizes = [1], strides = [1]} : vector<16xf32> to vector<1xf32>
      %squeeze3A_1118 = vector.extract %slice3A_1117[0] : f32 from vector<1xf32>
      %broadcast_in_dim3A_1119 = vector.broadcast %squeeze3A_1118 : f32 to vector<16xf32>
      %get3A_1120 = arith.constant 80 : index
      %get3A_1121 = tpu.vector_load %arg8[%get3A_1120] {strides = array<i32>} : memref<96xf32, #tpu.memory_space<vmem>>, vector<16xf32>,
      %slice3A_1122 = vector.extract_strided_slice %get3A_1121 {offsets = [6], sizes = [1], strides = [1]} : vector<16xf32> to vector<1xf32>
      %squeeze3A_1123 = vector.extract %slice3A_1122[0] : f32 from vector<1xf32>
      %broadcast_in_dim3A_1124 = vector.broadcast %squeeze3A_1123 : f32 to vector<16xf32>
      %get3A_1125 = arith.constant 80 : index
      %get3A_1126 = tpu.vector_load %arg8[%get3A_1125] {strides = array<i32>} : memref<96xf32, #tpu.memory_space<vmem>>, vector<16xf32>,
      %slice3A_1127 = vector.extract_strided_slice %get3A_1126 {offsets = [7], sizes = [1], strides = [1]} : vector<16xf32> to vector<1xf32>
      %squeeze3A_1128 = vector.extract %slice3A_1127[0] : f32 from vector<1xf32>
      %broadcast_in_dim3A_1129 = vector.broadcast %squeeze3A_1128 : f32 to vector<16xf32>
      %get3A_1130 = arith.constant 80 : index
      %get3A_1131 = tpu.vector_load %arg8[%get3A_1130] {strides = array<i32>} : memref<96xf32, #tpu.memory_space<vmem>>, vector<16xf32>,
      %slice3A_1132 = vector.extract_strided_slice %get3A_1131 {offsets = [8], sizes = [1], strides = [1]} : vector<16xf32> to vector<1xf32>
      %squeeze3A_1133 = vector.extract %slice3A_1132[0] : f32 from vector<1xf32>
      %broadcast_in_dim3A_1134 = vector.broadcast %squeeze3A_1133 : f32 to vector<16xf32>
      %get3A_1135 = arith.constant 80 : index
      %get3A_1136 = tpu.vector_load %arg8[%get3A_1135] {strides = array<i32>} : memref<96xf32, #tpu.memory_space<vmem>>, vector<16xf32>,
      %slice3A_1137 = vector.extract_strided_slice %get3A_1136 {offsets = [9], sizes = [1], strides = [1]} : vector<16xf32> to vector<1xf32>
      %squeeze3A_1138 = vector.extract %slice3A_1137[0] : f32 from vector<1xf32>
      %broadcast_in_dim3A_1139 = vector.broadcast %squeeze3A_1138 : f32 to vector<16xf32>
      %mul3A_1140 = arith.constant 0 : i32
      %mul3A_1141 = vector.broadcast %mul3A_1140 : i32 to vector<16xi32>
      %mul3A_1142 = arith.muli %iota3A, %mul3A_1141 : vector<16xi32>
      %add3A_1143 = arith.constant 13 : i32
      %add3A_1144 = vector.broadcast %add3A_1143 : i32 to vector<16xi32>
      %add3A_1145 = arith.addi %mul3A_1142, %add3A_1144 : vector<16xi32>
      %mul3A_1146 = arith.constant 0 : i32
      %mul3A_1147 = vector.broadcast %mul3A_1146 : i32 to vector<16xi32>
      %mul3A_1148 = arith.muli %iota3A, %mul3A_1147 : vector<16xi32>
      %add3A_1149 = arith.constant 14 : i32
      %add3A_1150 = vector.broadcast %add3A_1149 : i32 to vector<16xi32>
      %add3A_1151 = arith.addi %mul3A_1148, %add3A_1150 : vector<16xi32>
      %mul3A_1152 = arith.constant 0 : i32
      %mul3A_1153 = vector.broadcast %mul3A_1152 : i32 to vector<16xi32>
      %mul3A_1154 = arith.muli %iota3A, %mul3A_1153 : vector<16xi32>
      %add3A_1155 = arith.constant 15 : i32
      %add3A_1156 = vector.broadcast %add3A_1155 : i32 to vector<16xi32>
      %add3A_1157 = arith.addi %mul3A_1154, %add3A_1156 : vector<16xi32>
      %mul3A_1158 = arith.constant 0 : i32
      %mul3A_1159 = vector.broadcast %mul3A_1158 : i32 to vector<16xi32>
      %mul3A_1160 = arith.muli %iota3A, %mul3A_1159 : vector<16xi32>
      %add3A_1161 = arith.constant 16 : i32
      %add3A_1162 = vector.broadcast %add3A_1161 : i32 to vector<16xi32>
      %add3A_1163 = arith.addi %mul3A_1160, %add3A_1162 : vector<16xi32>
      %mul3A_1164 = arith.constant 0 : i32
      %mul3A_1165 = vector.broadcast %mul3A_1164 : i32 to vector<16xi32>
      %mul3A_1166 = arith.muli %iota3A, %mul3A_1165 : vector<16xi32>
      %add3A_1167 = arith.constant 17 : i32
      %add3A_1168 = vector.broadcast %add3A_1167 : i32 to vector<16xi32>
      %add3A_1169 = arith.addi %mul3A_1166, %add3A_1168 : vector<16xi32>
      %mul3A_1170 = arith.constant 0 : i32
      %mul3A_1171 = vector.broadcast %mul3A_1170 : i32 to vector<16xi32>
      %mul3A_1172 = arith.muli %iota3A, %mul3A_1171 : vector<16xi32>
      %add3A_1173 = arith.constant 18 : i32
      %add3A_1174 = vector.broadcast %add3A_1173 : i32 to vector<16xi32>
      %add3A_1175 = arith.addi %mul3A_1172, %add3A_1174 : vector<16xi32>
      %mul3A_1176 = arith.constant 0 : i32
      %mul3A_1177 = vector.broadcast %mul3A_1176 : i32 to vector<16xi32>
      %mul3A_1178 = arith.muli %iota3A, %mul3A_1177 : vector<16xi32>
      %add3A_1179 = arith.constant 19 : i32
      %add3A_1180 = vector.broadcast %add3A_1179 : i32 to vector<16xi32>
      %add3A_1181 = arith.addi %mul3A_1178, %add3A_1180 : vector<16xi32>
      %mul3A_1182 = arith.constant 0 : i32
      %mul3A_1183 = vector.broadcast %mul3A_1182 : i32 to vector<16xi32>
      %mul3A_1184 = arith.muli %iota3A, %mul3A_1183 : vector<16xi32>
      %add3A_1185 = arith.constant 20 : i32
      %add3A_1186 = vector.broadcast %add3A_1185 : i32 to vector<16xi32>
      %add3A_1187 = arith.addi %mul3A_1184, %add3A_1186 : vector<16xi32>
      %mul3A_1188 = arith.constant 0 : i32
      %mul3A_1189 = vector.broadcast %mul3A_1188 : i32 to vector<16xi32>
      %mul3A_1190 = arith.muli %iota3A, %mul3A_1189 : vector<16xi32>
      %add3A_1191 = arith.constant 21 : i32
      %add3A_1192 = vector.broadcast %add3A_1191 : i32 to vector<16xi32>
      %add3A_1193 = arith.addi %mul3A_1190, %add3A_1192 : vector<16xi32>
      %mul3A_1194 = arith.constant 0 : i32
      %mul3A_1195 = vector.broadcast %mul3A_1194 : i32 to vector<16xi32>
      %mul3A_1196 = arith.muli %iota3A, %mul3A_1195 : vector<16xi32>
      %add3A_1197 = arith.constant 22 : i32
      %add3A_1198 = vector.broadcast %add3A_1197 : i32 to vector<16xi32>
      %add3A_1199 = arith.addi %mul3A_1196, %add3A_1198 : vector<16xi32>
      %mul3A_1200 = arith.constant 0 : i32
      %mul3A_1201 = vector.broadcast %mul3A_1200 : i32 to vector<16xi32>
      %mul3A_1202 = arith.muli %iota3A, %mul3A_1201 : vector<16xi32>
      %add3A_1203 = arith.constant 23 : i32
      %add3A_1204 = vector.broadcast %add3A_1203 : i32 to vector<16xi32>
      %add3A_1205 = arith.addi %mul3A_1202, %add3A_1204 : vector<16xi32>
      %mul3A_1206 = arith.constant 0 : i32
      %mul3A_1207 = vector.broadcast %mul3A_1206 : i32 to vector<16xi32>
      %mul3A_1208 = arith.muli %iota3A, %mul3A_1207 : vector<16xi32>
      %add3A_1209 = arith.constant 24 : i32
      %add3A_1210 = vector.broadcast %add3A_1209 : i32 to vector<16xi32>
      %add3A_1211 = arith.addi %mul3A_1208, %add3A_1210 : vector<16xi32>
      %mul3A_1212 = arith.constant 0 : i32
      %mul3A_1213 = vector.broadcast %mul3A_1212 : i32 to vector<16xi32>
      %mul3A_1214 = arith.muli %iota3A, %mul3A_1213 : vector<16xi32>
      %add3A_1215 = arith.constant 25 : i32
      %add3A_1216 = vector.broadcast %add3A_1215 : i32 to vector<16xi32>
      %add3A_1217 = arith.addi %mul3A_1214, %add3A_1216 : vector<16xi32>
      %scan3A_1218 = arith.constant 0 : i32
      %scan3A_1219 = arith.constant 0 : i32
      %mul3A_1220 = arith.constant 16 : i32
      %mul3A_1221 = arith.muli %scan3A_1219, %mul3A_1220 : i32
      %add3A_1222 = vector.broadcast %mul3A_1221 : i32 to vector<16xi32>
      %add3A_1223 = arith.addi %iota3A, %add3A_1222 : vector<16xi32>
      %mul3A_1224 = arith.constant 16 : i32
      %mul3A_1225 = arith.muli %scan3A_1219, %mul3A_1224 : i32
      %get3A_1226 = arith.index_cast %mul3A_1225 : i32 to index
      %get3A_1227 = tpu.vector_load %arg9[%get3A_1226] {strides = array<i32>} : memref<336xf32, #tpu.memory_space<vmem>>, vector<16xf32>,
      %gather3A_1228 = tpu.vector_load_idx %arg6[%add3A_1223, %add3A_1145] : memref<336x26xf32, #tpu.memory_space<vmem>>[vector<16xi32>, vector<16xi32>], vector<16xf32>,
      %sub3A_1229 = arith.subf %broadcast_in_dim3A_949, %gather3A_1228 : vector<16xf32>
      %sub3A_1230 = arith.subf %gather3A_1228, %broadcast_in_dim3A_1014 : vector<16xf32>
      %min3A_1231 = arith.minimumf %sub3A_1229, %sub3A_1230 : vector<16xf32>
      %mul3A_1232 = arith.mulf %min3A_1231, %broadcast_in_dim3A_1079 : vector<16xf32>
      %min3A_1233 = arith.minimumf %get3A_1227, %mul3A_1232 : vector<16xf32>
      %gather3A_1234 = tpu.vector_load_idx %arg6[%add3A_1223, %add3A_1151] : memref<336x26xf32, #tpu.memory_space<vmem>>[vector<16xi32>, vector<16xi32>], vector<16xf32>,
      %sub3A_1235 = arith.subf %broadcast_in_dim3A_954, %gather3A_1234 : vector<16xf32>
      %sub3A_1236 = arith.subf %gather3A_1234, %broadcast_in_dim3A_1019 : vector<16xf32>
      %min3A_1237 = arith.minimumf %sub3A_1235, %sub3A_1236 : vector<16xf32>
      %mul3A_1238 = arith.mulf %min3A_1237, %broadcast_in_dim3A_1084 : vector<16xf32>
      %min3A_1239 = arith.minimumf %min3A_1233, %mul3A_1238 : vector<16xf32>
      %gather3A_1240 = tpu.vector_load_idx %arg6[%add3A_1223, %add3A_1157] : memref<336x26xf32, #tpu.memory_space<vmem>>[vector<16xi32>, vector<16xi32>], vector<16xf32>,
      %sub3A_1241 = arith.subf %broadcast_in_dim3A_959, %gather3A_1240 : vector<16xf32>
      %sub3A_1242 = arith.subf %gather3A_1240, %broadcast_in_dim3A_1024 : vector<16xf32>
      %min3A_1243 = arith.minimumf %sub3A_1241, %sub3A_1242 : vector<16xf32>
      %mul3A_1244 = arith.mulf %min3A_1243, %broadcast_in_dim3A_1089 : vector<16xf32>
      %min3A_1245 = arith.minimumf %min3A_1239, %mul3A_1244 : vector<16xf32>
      %gather3A_1246 = tpu.vector_load_idx %arg6[%add3A_1223, %add3A_1163] : memref<336x26xf32, #tpu.memory_space<vmem>>[vector<16xi32>, vector<16xi32>], vector<16xf32>,
      %sub3A_1247 = arith.subf %broadcast_in_dim3A_964, %gather3A_1246 : vector<16xf32>
      %sub3A_1248 = arith.subf %gather3A_1246, %broadcast_in_dim3A_1029 : vector<16xf32>
      %min3A_1249 = arith.minimumf %sub3A_1247, %sub3A_1248 : vector<16xf32>
      %mul3A_1250 = arith.mulf %min3A_1249, %broadcast_in_dim3A_1094 : vector<16xf32>
      %min3A_1251 = arith.minimumf %min3A_1245, %mul3A_1250 : vector<16xf32>
      %gather3A_1252 = tpu.vector_load_idx %arg6[%add3A_1223, %add3A_1169] : memref<336x26xf32, #tpu.memory_space<vmem>>[vector<16xi32>, vector<16xi32>], vector<16xf32>,
      %sub3A_1253 = arith.subf %broadcast_in_dim3A_969, %gather3A_1252 : vector<16xf32>
      %sub3A_1254 = arith.subf %gather3A_1252, %broadcast_in_dim3A_1034 : vector<16xf32>
      %min3A_1255 = arith.minimumf %sub3A_1253, %sub3A_1254 : vector<16xf32>
      %mul3A_1256 = arith.mulf %min3A_1255, %broadcast_in_dim3A_1099 : vector<16xf32>
      %min3A_1257 = arith.minimumf %min3A_1251, %mul3A_1256 : vector<16xf32>
      %gather3A_1258 = tpu.vector_load_idx %arg6[%add3A_1223, %add3A_1175] : memref<336x26xf32, #tpu.memory_space<vmem>>[vector<16xi32>, vector<16xi32>], vector<16xf32>,
      %sub3A_1259 = arith.subf %broadcast_in_dim3A_974, %gather3A_1258 : vector<16xf32>
      %sub3A_1260 = arith.subf %gather3A_1258, %broadcast_in_dim3A_1039 : vector<16xf32>
      %min3A_1261 = arith.minimumf %sub3A_1259, %sub3A_1260 : vector<16xf32>
      %mul3A_1262 = arith.mulf %min3A_1261, %broadcast_in_dim3A_1104 : vector<16xf32>
      %min3A_1263 = arith.minimumf %min3A_1257, %mul3A_1262 : vector<16xf32>
      %gather3A_1264 = tpu.vector_load_idx %arg6[%add3A_1223, %add3A_1181] : memref<336x26xf32, #tpu.memory_space<vmem>>[vector<16xi32>, vector<16xi32>], vector<16xf32>,
      %sub3A_1265 = arith.subf %broadcast_in_dim3A_979, %gather3A_1264 : vector<16xf32>
      %sub3A_1266 = arith.subf %gather3A_1264, %broadcast_in_dim3A_1044 : vector<16xf32>
      %min3A_1267 = arith.minimumf %sub3A_1265, %sub3A_1266 : vector<16xf32>
      %mul3A_1268 = arith.mulf %min3A_1267, %broadcast_in_dim3A_1109 : vector<16xf32>
      %min3A_1269 = arith.minimumf %min3A_1263, %mul3A_1268 : vector<16xf32>
      %gather3A_1270 = tpu.vector_load_idx %arg6[%add3A_1223, %add3A_1187] : memref<336x26xf32, #tpu.memory_space<vmem>>[vector<16xi32>, vector<16xi32>], vector<16xf32>,
      %sub3A_1271 = arith.subf %broadcast_in_dim3A_984, %gather3A_1270 : vector<16xf32>
      %sub3A_1272 = arith.subf %gather3A_1270, %broadcast_in_dim3A_1049 : vector<16xf32>
      %min3A_1273 = arith.minimumf %sub3A_1271, %sub3A_1272 : vector<16xf32>
      %mul3A_1274 = arith.mulf %min3A_1273, %broadcast_in_dim3A_1114 : vector<16xf32>
      %min3A_1275 = arith.minimumf %min3A_1269, %mul3A_1274 : vector<16xf32>
      %gather3A_1276 = tpu.vector_load_idx %arg6[%add3A_1223, %add3A_1193] : memref<336x26xf32, #tpu.memory_space<vmem>>[vector<16xi32>, vector<16xi32>], vector<16xf32>,
      %sub3A_1277 = arith.subf %broadcast_in_dim3A_989, %gather3A_1276 : vector<16xf32>
      %sub3A_1278 = arith.subf %gather3A_1276, %broadcast_in_dim3A_1054 : vector<16xf32>
      %min3A_1279 = arith.minimumf %sub3A_1277, %sub3A_1278 : vector<16xf32>
      %mul3A_1280 = arith.mulf %min3A_1279, %broadcast_in_dim3A_1119 : vector<16xf32>
      %min3A_1281 = arith.minimumf %min3A_1275, %mul3A_1280 : vector<16xf32>
      %gather3A_1282 = tpu.vector_load_idx %arg6[%add3A_1223, %add3A_1199] : memref<336x26xf32, #tpu.memory_space<vmem>>[vector<16xi32>, vector<16xi32>], vector<16xf32>,
      %sub3A_1283 = arith.subf %broadcast_in_dim3A_994, %gather3A_1282 : vector<16xf32>
      %sub3A_1284 = arith.subf %gather3A_1282, %broadcast_in_dim3A_1059 : vector<16xf32>
      %min3A_1285 = arith.minimumf %sub3A_1283, %sub3A_1284 : vector<16xf32>
      %mul3A_1286 = arith.mulf %min3A_1285, %broadcast_in_dim3A_1124 : vector<16xf32>
      %min3A_1287 = arith.minimumf %min3A_1281, %mul3A_1286 : vector<16xf32>
      %gather3A_1288 = tpu.vector_load_idx %arg6[%add3A_1223, %add3A_1205] : memref<336x26xf32, #tpu.memory_space<vmem>>[vector<16xi32>, vector<16xi32>], vector<16xf32>,
      %sub3A_1289 = arith.subf %broadcast_in_dim3A_999, %gather3A_1288 : vector<16xf32>
      %sub3A_1290 = arith.subf %gather3A_1288, %broadcast_in_dim3A_1064 : vector<16xf32>
      %min3A_1291 = arith.minimumf %sub3A_1289, %sub3A_1290 : vector<16xf32>
      %mul3A_1292 = arith.mulf %min3A_1291, %broadcast_in_dim3A_1129 : vector<16xf32>
      %min3A_1293 = arith.minimumf %min3A_1287, %mul3A_1292 : vector<16xf32>
      %gather3A_1294 = tpu.vector_load_idx %arg6[%add3A_1223, %add3A_1211] : memref<336x26xf32, #tpu.memory_space<vmem>>[vector<16xi32>, vector<16xi32>], vector<16xf32>,
      %sub3A_1295 = arith.subf %broadcast_in_dim3A_1004, %gather3A_1294 : vector<16xf32>
      %sub3A_1296 = arith.subf %gather3A_1294, %broadcast_in_dim3A_1069 : vector<16xf32>
      %min3A_1297 = arith.minimumf %sub3A_1295, %sub3A_1296 : vector<16xf32>
      %mul3A_1298 = arith.mulf %min3A_1297, %broadcast_in_dim3A_1134 : vector<16xf32>
      %min3A_1299 = arith.minimumf %min3A_1293, %mul3A_1298 : vector<16xf32>
      %gather3A_1300 = tpu.vector_load_idx %arg6[%add3A_1223, %add3A_1217] : memref<336x26xf32, #tpu.memory_space<vmem>>[vector<16xi32>, vector<16xi32>], vector<16xf32>,
      %sub3A_1301 = arith.subf %broadcast_in_dim3A_1009, %gather3A_1300 : vector<16xf32>
      %sub3A_1302 = arith.subf %gather3A_1300, %broadcast_in_dim3A_1074 : vector<16xf32>
      %min3A_1303 = arith.minimumf %sub3A_1301, %sub3A_1302 : vector<16xf32>
      %mul3A_1304 = arith.mulf %min3A_1303, %broadcast_in_dim3A_1139 : vector<16xf32>
      %min3A_1305 = arith.minimumf %min3A_1299, %mul3A_1304 : vector<16xf32>
      %ge3A = arith.constant 0.000000e+00 : f32
      %ge3A_1306 = vector.broadcast %ge3A : f32 to vector<16xf32>
      %ge3A_1307 = arith.cmpf oge, %min3A_1305, %ge3A_1306 : vector<16xf32>
      %jit3A = arith.constant 1.000000e+00 : f32
      %jit3A_1308 = arith.constant 0.000000e+00 : f32
      %broadcast_in_dim3A_1309 = vector.broadcast %jit3A : f32 to vector<16xf32>
      %broadcast_in_dim3A_1310 = vector.broadcast %jit3A_1308 : f32 to vector<16xf32>
      %select_n3A = arith.select %ge3A_1307, %broadcast_in_dim3A_1309, %broadcast_in_dim3A_1310 : vector<16xi1>, vector<16xf32>
      %mul3A_1311 = arith.constant 16 : i32
      %mul3A_1312 = arith.muli %scan3A_1219, %mul3A_1311 : i32
      %swap3A_1313 = arith.index_cast %mul3A_1312 : i32 to index
      %swap3A_1314 = tpu.vector_load %arg7[%swap3A_1313] {strides = array<i32>} : memref<336xf32, #tpu.memory_space<vmem>>, vector<16xf32>,
      tpu.vector_store %arg7[%swap3A_1313], %select_n3A {strides = array<i32>} : memref<336xf32, #tpu.memory_space<vmem>>, vector<16xf32>,
      %scan3A_1315 = arith.constant 0 : i32
      %scan3A_1316 = arith.constant 1 : i32
      "tpu.region"() ({
        %run_scoped3A = tpu.sem_alloc : memref<!tpu.dma_semaphore, #tpu.memory_space<semaphore_mem>>
        %dma_start3A_1317 = arith.constant 0 : i32
        %dma_start3A_1318 = tpu.memref_slice %arg7[%dma_start3A_1317] : memref<336xf32, #tpu.memory_space<vmem>> -> memref<16xf32, #tpu.memory_space<vmem>>
        %dma_start3A_1319 = tpu.memref_slice %arg4[%add3A_582] : memref<1000000xf32, #tpu.memory_space<hbm>> -> memref<16xf32, #tpu.memory_space<hbm>>
        %dma_start3A_1320 = tpu.memref_slice %arg4[%add3A_582] : memref<1000000xf32, #tpu.memory_space<hbm>> -> memref<16xf32, #tpu.memory_space<hbm>>
        %dma_start3A_1321 = arith.constant 0 : i32
        %dma_start3A_1322 = tpu.memref_slice %arg7[%dma_start3A_1321] : memref<336xf32, #tpu.memory_space<vmem>> -> memref<16xf32, #tpu.memory_space<vmem>>
        tpu.enqueue_dma source(%dma_start3A_1322 : memref<16xf32, #tpu.memory_space<vmem>>) target(%dma_start3A_1320 : memref<16xf32, #tpu.memory_space<hbm>>) target_semaphore(%run_scoped3A : memref<!tpu.dma_semaphore, #tpu.memory_space<semaphore_mem>>)
        %dma_wait3A_1323 = arith.constant 0 : i32
        %dma_wait3A_1324 = tpu.memref_slice %arg7[%dma_wait3A_1323] : memref<336xf32, #tpu.memory_space<vmem>> -> memref<16xf32, #tpu.memory_space<vmem>>
        %dma_wait3A_1325 = tpu.memref_slice %arg4[%add3A_582] : memref<1000000xf32, #tpu.memory_space<hbm>> -> memref<16xf32, #tpu.memory_space<hbm>>
        %dma_wait3A_1326 = tpu.memref_slice %arg4[%add3A_582] : memref<1000000xf32, #tpu.memory_space<hbm>> -> memref<16xf32, #tpu.memory_space<hbm>>
        %dma_wait3A_1327 = arith.constant 0 : i32
        %dma_wait3A_1328 = tpu.memref_slice %arg7[%dma_wait3A_1327] : memref<336xf32, #tpu.memory_space<vmem>> -> memref<16xf32, #tpu.memory_space<vmem>>
        tpu.wait_dma2 semaphore(%run_scoped3A : memref<!tpu.dma_semaphore, #tpu.memory_space<semaphore_mem>>) src(%dma_wait3A_1328 : memref<16xf32, #tpu.memory_space<vmem>>) dst(%dma_wait3A_1326 : memref<16xf32, #tpu.memory_space<hbm>>)
        tpu.yield
      }) : () -> ()
    } else {
    }
    return
  }
}

</mosaic_0001>

<sc_bundles>
// kernel: kernel.3.cloned.1.call-start
scs
__scs_entry_jumppad:
0x0: {  	(pc) =	sbr.rel $0x88, $3  }
0x1: {  	(tag) =	ssettag $0x0;
	lr =	simm.s32 $0x1  }
0x2: {  	[smem:$0x3F9E] =	sst lr;
	_ =	strace $0xD0000000  }
0x3: {  	_ = 	snop  }
0x4: {  	_ = 	snop  }
0x5: {  	_ = 	snop  }
0x6: {  	_ = 	snop  }
0x7: {  	_ = 	snop  }
__scs_overlays_trampoline_lowered:
0x8: {  	[smem:$0x3FAD] =	sst s0  }
0x9: {  	[smem:$0x3FAE] =	sst s1  }
0xa: {  	[smem:$0x3FAF] =	sst s2  }
0xb: {  	[smem:$0x3FB0] =	sst s3  }
0xc: {  	[smem:$0x3FB1] =	sst s4  }
0xd: {  	[smem:$0x3FB2] =	sst s5  }
0xe: {  	[smem:$0x3FB3] =	sst s6  }
0xf: {  	[smem:$0x3FB4] =	sst s7  }
0x10: {  	[smem:$0x3FB5] =	sst s8  }
0x11: {  	[smem:$0x3FB6] =	sst s9;
	s0 =	simm.s32 @!p0 $0x0  }
0x12: {  	s1 =	sld [smem:$0x3F9C];
	s0 =	simm.s32 @p0 $0x1  }
0x13: {  	[smem:$0x3FB7] =	sst s0;
	s0 =	simm.s32 @!p1 $0x0  }
0x14: {  	s2 =	sld [smem:$0x3F9B];
	s0 =	simm.s32 @p1 $0x1  }
0x15: {  	[smem:$0x3FB8] =	sst s0;
	s0 =	simm.s32 @!p2 $0x0  }
0x16: {  	s3 =	sld [smem:$0x3FDB];
	s0 =	simm.s32 @p2 $0x1  }
0x17: {  	s4 =	simm.s32 $0x1BF5;
	[smem:$0x3FBA] =	sst s0  }
0x18: {  	s0 =	sld [smem:$0x3F9D];
	_ =	swait.ge [sflag:s4], $0x0  }
0x19: {  	s7 =	sld [smem:$0x3F9E]  }
0x1a: {  	s8 =	sadd.s32 $0xFFFFE003, lr  }
0x1b: {  	s9 =	sadd.s32 $0xFFFFFEF7, lr;
	s5 =	simm.s32 $0xFFFFFFFF;
	p2 =	slt.u32 s8, $0xFFFFF086  }
0x1c: {  	p1 =	slt.u32 s9, $0xF7A;
	s5 =	simm.s32 @!p2 $0x0  }
0x1d: {  	s5 =	simm.s32 @p1 $0x1;
	p0 =	seq.s32 s7, s2  }
0x1e: {  	s7 =	smul.u32 @!p0 $0xF7A, s2;
	p2 =	seq.s32 @!p0 s5, $0x0  }
0x1f: {  	s9 =	smul.u32 $0xF7A, s1;
	s8 =	simm.s32 @!p0 $0x1BF5;
	p2 =	por !p2, p0  }
0x20: {  	[sflag:s8] =	ssyncset.s32 @!p0 $0xFFFFF086;
	s6 =	sadd.s32 @!p0 s3, s7;
	s7 =	simm.s32 @!p0 $0x108  }
0x21: {  	s3 =	sadd.s32 s3, s9;
	s6 =	sadd.s32 @!p0 $0x88, s6;
	s7 =	simm.s32 @p2 $0x1082  }
0x22: {  	[simem:s7], [sflag:s8] =	dma.local @!p0 [hbm:s6], $0xF7A  }
0x23: {  	s9 =	sor.u32 $0xD0000000, s2;
	s6 =	simm.s32 $0x108;
	_ =	swait.ge @!p0 [sflag:s8], $0x0  }
0x24: {  	s3 =	sadd.s32 $0x88, s3;
	s6 =	simm.s32 @!p1 $0x1082;
	[sflag:s4] =	ssyncset.s32 $0xFFFFF086  }
0x25: {  	[simem:s6], [sflag:s4] =	dma.local [hbm:s3], $0xF7A  }
0x26: {  	[smem:$0x3F9E] =	sst s1;
	(tag) =	ssettag s2;
	_ =	strace s9  }
0x27: {  	s1 =	sld [smem:$0x3FAE]  }
0x28: {  	s2 =	sld [smem:$0x3FAF]  }
0x29: {  	s4 =	sld [smem:$0x3FB1]  }
0x2a: {  	p0 =	seq.s32 s5, $0x0;
	s5 =	sld [smem:$0x3FB2]  }
0x2b: {  	s6 =	sld [smem:$0x3FB3]  }
0x2c: {  	s7 =	sld [smem:$0x3FB4]  }
0x2d: {  	s3 =	simm.s32 $0x108;
	s8 =	sld [smem:$0x3FB5]  }
0x2e: {  	s3 =	simm.s32 @!p0 $0x1082;
	s9 =	sld [smem:$0x3FB6]  }
0x2f: {  	lr =	sadd.s32 s0, s3;
	s0 =	sld [smem:$0x3FAD]  }
0x30: {  	s3 =	sld [smem:$0x3FB0]  }
0x31: {  	[smem:$0x3FB9] =	sst s10  }
0x32: {  	s10 =	sld [smem:$0x3FB7];
	_ =	sdelay $0x3  }
0x33: {  	p0 =	seq.s32 s10, $0x1;
	s10 =	sld [smem:$0x3FB9];
	_ =	sdelay $0x3  }
0x34: {  	[smem:$0x3FB9] =	sst s10  }
0x35: {  	s10 =	sld [smem:$0x3FB8];
	_ =	sdelay $0x3  }
0x36: {  	p1 =	seq.s32 s10, $0x1;
	s10 =	sld [smem:$0x3FB9];
	_ =	sdelay $0x3  }
0x37: {  	[smem:$0x3FB9] =	sst s10  }
0x38: {  	s10 =	sld [smem:$0x3FBA]  }
0x39: {  	_ = 	snop;
	(pc) =	sbr.ind lr, $3  }
0x3a: {  	_ = 	snop  }
0x3b: {  	_ = 	snop  }
0x3c: {  	p2 =	seq.s32 s10, $0x1;
	s10 =	sld [smem:$0x3FB9]  }
0x3d: {  	_ =	shalt  }
0x3e: {  	_ =	shalt  }
0x3f: {  	_ =	shalt  }
0x40: {  	_ =	shalt  }
0x41: {  	_ =	shalt  }
0x42: {  	_ =	shalt  }
0x43: {  	_ =	shalt  }
0x44: {  	_ =	shalt  }
0x45: {  	_ =	shalt  }
0x46: {  	_ =	shalt  }
0x47: {  	_ =	shalt  }
0x48: {  	_ =	shalt  }
0x49: {  	_ =	shalt  }
0x4a: {  	_ =	shalt  }
0x4b: {  	_ =	shalt  }
0x4c: {  	_ =	shalt  }
0x4d: {  	_ =	shalt  }
0x4e: {  	_ =	shalt  }
0x4f: {  	_ =	shalt  }
0x50: {  	_ =	shalt  }
0x51: {  	_ =	shalt  }
0x52: {  	_ =	shalt  }
0x53: {  	_ =	shalt  }
0x54: {  	_ =	shalt  }
0x55: {  	_ =	shalt  }
0x56: {  	_ =	shalt  }
0x57: {  	_ =	shalt  }
0x58: {  	_ =	shalt  }
0x59: {  	_ =	shalt  }
0x5a: {  	_ =	shalt  }
0x5b: {  	_ =	shalt  }
0x5c: {  	_ =	shalt  }
0x5d: {  	_ =	shalt  }
0x5e: {  	_ =	shalt  }
0x5f: {  	_ =	shalt  }
0x60: {  	_ =	shalt  }
0x61: {  	_ =	shalt  }
0x62: {  	_ =	shalt  }
0x63: {  	_ =	shalt  }
0x64: {  	_ =	shalt  }
0x65: {  	_ =	shalt  }
0x66: {  	_ =	shalt  }
0x67: {  	_ =	shalt  }
0x68: {  	_ =	shalt  }
0x69: {  	_ =	shalt  }
0x6a: {  	_ =	shalt  }
0x6b: {  	_ =	shalt  }
0x6c: {  	_ =	shalt  }
0x6d: {  	_ =	shalt  }
0x6e: {  	_ =	shalt  }
0x6f: {  	_ =	shalt  }
0x70: {  	_ =	shalt  }
0x71: {  	_ =	shalt  }
0x72: {  	_ =	shalt  }
0x73: {  	_ =	shalt  }
0x74: {  	_ =	shalt  }
0x75: {  	_ =	shalt  }
0x76: {  	_ =	shalt  }
0x77: {  	_ =	shalt  }
0x78: {  	_ =	shalt  }
0x79: {  	_ =	shalt  }
0x7a: {  	_ =	shalt  }
0x7b: {  	_ =	shalt  }
0x7c: {  	_ =	shalt  }
0x7d: {  	_ =	shalt  }
0x7e: {  	_ =	shalt  }
0x7f: {  	_ =	shalt  }
0x80: {  	_ =	shalt  }
0x81: {  	_ =	shalt  }
0x82: {  	_ =	shalt  }
0x83: {  	_ =	shalt  }
0x84: {  	_ =	shalt  }
0x85: {  	_ =	shalt  }
0x86: {  	_ =	shalt  }
0x87: {  	_ =	shalt  }
.Lfunc_end0:
.L_simem_size_0:
called_computation_lowered:
.L_overlay_start_0:
0x88: {  	s2 =	sld [smem:$0x3FD9]  }
0x89: {  	s3 =	sld [smem:$0x3FFE];
	_ =	sdelay $0x1  }
0x8a: {  	s1 =	srdreg.scid  }
0x8b: {  	s0 =	sand.u32 $0x1, s1  }
0x8c: {  	s17 =	sshll.u32 s0, $0xA;
	s2 =	sadd.s32 s3, s2  }
0x8d: {  	s2 =	sadd.s32 s2, s17  }
0x8e: {  	[smem:$0x3FC5] =	sst s2  }
0x8f: {  	_ = 	snop  }
0x90: {  	s2 =	sld [smem:$0x3FD0];
	(tm) =	ssettm $0x1  }
0x91: {  	s18 =	sld [smem:$0x3FFB];
	_ =	sdelay $0x3  }
0x92: {  	_ =	strace s18  }
0x93: {  	s3 =	sld [smem:$0x3FFC];
	_ =	sdelay $0x3  }
0x94: {  	_ =	strace s3  }
0x95: {  	s3 =	sld [smem:$0x3FFD];
	_ =	sdelay $0x3  }
0x96: {  	_ =	strace s3  }
0x97: {  	_ =	strace $0x8FFFFFFF  }
0x98: {  	s19 =	sld [smem:$0x3FDB];
	_ =	sdelay $0x1  }
0x99: {  	s4 =	simm.s32 $_scs_section_size  }
0x9a: {  	s5 =	simm.s32 $_size__tile_overlayer_lowered;
	s6 =	simm.s32 $_tile_overlayer_lowered  }
0x9b: {  	s22 =	simm.s32 $0x1BFF;
	s21 =	sshll.u32 s6, $0x1;
	s3 =	sadd.s32 s4, s19  }
0x9c: {  	s7 =	simm.s32 $0x0;
	s20 =	sshll.u32 s5, $0x1;
	s5 =	sadd.s32 s21, s3  }
0x9d: {  	[timem:s7], [sflag:s22] =	dma.local [hbm:s5], s20  }
0x9e: {  	_ =	swait.ge [sflag:s22], s20  }
0x9f: {  	s4 =	ssub.s32 $0x0, s20;
	[sflag:s22] =	ssyncset.done $0x0  }
0xa0: {  	[sflag:s22] =	ssyncadd.s32 s4;
	_ =	sdelay $0x1  }
0xa1: {  	s23 =	simm.s32 $0x1B8B  }
0xa2: {  	_ =	swait.ge [sflag:s23], $0x1  }
0xa3: {  	[sflag:s23] =	ssyncset.done $0x0  }
0xa4: {  	s25 =	simm.s32 $0x1B8E;
	s24 =	sld [smem:$0x3FFE];
	[sflag:s23] =	ssyncadd.s32 $0xFFFFFFFF  }
0xa5: {  	s26 =	simm.s32 $execute0_lowered;
	[smem:$0x3FD2] =	sst s25  }
0xa6: {  	s5 =	sshll.u32 s26, $0x1;
	_ =	strace $0x80000046;
	[dreg:$0x1] =	wrdreg $0xFFFFFFFF  }
0xa7: {  	s28 =	simm.s32 $_size_execute0_lowered;
	s3 =	sadd.s32 s3, s5;
	[dreg:$0x0] =	wrdreg $0x0  }
0xa8: {  	s5 =	sshll.u32 s28, $0x1;
	[dreg:$0x2] =	wrdreg s3  }
0xa9: {  	[dreg:$0x3] =	wrdreg s5  }
0xaa: {  	[dreg:$0x4] =	wrdreg $0xC0  }
0xab: {  	_ =	task [dreg:s7], $0x5FFFF  }
0xac: {  	[dreg:$0x1] =	wrdreg $0xFFFFFFFF  }
0xad: {  	[dreg:$0x0] =	wrdreg $0x60  }
0xae: {  	[dreg:$0x2] =	wrdreg s24  }
0xaf: {  	[dreg:$0x3] =	wrdreg s2  }
0xb0: {  	[dreg:$0x4] =	wrdreg $0x9  }
0xb1: {  	_ =	task.clear_ibuf [dreg:s7], $0x5FFFF;
	_ =	strace $0x90000046  }
0xb2: {  	s29 =	simm.s32 $0x9;
	_ =	strace $0x80000048  }
0xb3: {  	_ =	swait.ge [sflag:s29], $0x1  }
0xb4: {  	[sflag:s29] =	ssyncadd.s32 $0xFFFFFFFF  }
0xb5: {  	_ =	strace $0x90000048  }
0xb6: {  	_ =	sfence  }
0xb7: {  	s30 =	sld [smem:$0x0];
	_ =	sdelay $0x2  }
0xb8: {  	s31 =	sshll.u32 s1, $0xD;
	s1 =	sshrl.u32 s1, $0x2  }
0xb9: {  	s3 =	sand.u32 $0x4000, s31;
	s1 =	sadd.s32 s1, s30  }
0xba: {  	s0 =	sor.u32 s3, s0;
	s1 =	sshll.u32 s1, $0x11  }
0xbb: {  	s0 =	sor.u32 s1, s0  }
0xbc: {  	s0 =	sadd.s32 $0x8F2B, s0  }
0xbd: {  	[sflag:s0] =	ssyncadd.remote.s32 $0x1  }
0xbe: {  	_ =	sfence.sel $0xFFFF  }
0xbf: {  	[dreg:$0x0] =	wrdreg $0xFFFFFFFF;
	(pc) =	sbr.abs _section_cstart, $3  }
0xc0: {  	[dreg:$0x1] =	wrdreg $0xFFFFFFFF  }
0xc1: {  	_ =	task.clear_ibuf [dreg:s7], $0x2FFFF;
	_ =	strace $0x9FFFFFFF  }
0xc2: {  	(tm) =	ssettm $0x7FFFFFFF  }
0xc3: {  	_ =	shalt  }
tec
execute0_lowered:
.L_overlay_start_1:
0x0: {  	(tag) =	ssettag $0x1  }
0x1: {  	s6 =	rddreg [dreg:$0x0]  }
0x2: {  	s1 =	srdreg.scid;
	s0 =	stileid.u32  }
0x3: {  	s2 =	rddreg [dreg:$0x1];
	s3 =	simm.s32 $0x0;
	s15 =	simm.s32 $0x3  }
0x4: {  	s16 =	simm.s32 $0xA800;
	s17 =	simm.s32 $0x1;
	s18 =	simm.s32 $0x15000  }
0x5: {  	s19 =	simm.s32 $0x2;
	s5 =	sand.u32 $0x1, s1;
	s1 =	rddreg [dreg:$0x2]  }
0x6: {  	s20 =	simm.s32 $0x0;
	s4 =	sshll.u32 s0, $0x1;
	[smem:$0x7FF] =	sst s3  }
0x7: {  	p0 =	sgt.u32 s0, $0x1;
	s4 =	sor.u32 s5, s4;
	_ =	strace $0x80000047  }
0x8: {  	s9 =	ssub.s32 $0x2, s5;
	s7 =	smul.u32 $0x7A10, s4;
	s4 =	smin.u32 s4, $0x4  }
0x9: {  	s31 =	sshrl.u32 s9, $0x1;
	s8 =	sshll.u32 s4, $0x4;
	s4 =	sadd.s32 $0x800, s6  }
0xa: {  	s6 =	sadd.s32 $0x600, s6;
	s13 =	ssub.s32 s9, s31;
	s5 =	sadd.s32 s7, s8  }
.Ltmp0:
0xb: {  	s13 =	smax.u32 s13, $0x1;
	s8 =	sshll.u32 s5, $0x4;
	(pc) =	sbr.rel .LBB2_1-.Ltmp0, $4  }
0xc: {  	v0 =	vlaneseq.u32;
	s9 =	sadd.s32 $0x2A0, s5;
	s10 =	sshrl.u32 s5, $0x3;
	s11 =	sadd.s32 $0x7A10, s5  }
0xd: {  	v59 =	vmul.u32 $0x80, v0;
	s7 =	sadd.s32 s4, s8;
	s8 =	sadd.s32 $0x150, s5;
	s10 =	sadd.s32 s2, s10  }
0xe: {  	s12 =	sshll.u32 s11, $0x4;
	s14 =	sshrl.u32 s11, $0x3;
	s10 =	sadd.s32 $0xF18, s10  }
0xf: {  	[tilespmem:$0x1FFF0] =	vst v59;
	s11 =	sadd.s32 s4, s12;
	s12 =	sadd.s32 s2, s14;
	s14 =	simm.s32 $0x15180  }
.LBB2_17:
0x10: {  	s20 =	sadd.s32 $0x1, s20  }
0x11: {  	p1 =	sne.s32 s20, s13  }
.Ltmp1:
0x12: {  	_ = 	snop;
	(pc) =	sbr.rel @!p1 .LBB2_18-.Ltmp1, $1  }
0x13: {  	_ =	sdelay $0x3  }
.LBB2_1:
0x14: {  	[tilespmem:s14], [sflag:$0x3] =	stream.linear.gather [hbm4b:s6+s3], $0x80, $0x38;
	[tilespmem:$0x15380] =	vst v63  }
0x15: {  	_ =	swait.ge [sflag:s15], $0x80  }
0x16: {  	[sflag:s15] =	ssyncset.done $0x0  }
0x17: {  	s21 =	simm.s32 $0x0;
	[sflag:s15] =	ssyncadd.s32 $0xFFFFFF80  }
0x18: {  	[tilespmem:s3], [sflag:$0x1] =	stream.linear.gather [hbm4b:s7+s3], $0xA800, $0x38;
	[tilespmem:$0x15380] =	vst v63  }
.LBB2_2:
0x19: {  	s23 =	smul.u32 $0x2A0, s21;
	_ =	sdelay $0x1  }
0x1a: {  	s22 =	sadd.s32 s23, s8  }
0x1b: {  	s24 =	sshll.u32 s22, $0x4  }
0x1c: {  	s25 =	simm.s32 $0x0;
	s24 =	sadd.s32 s4, s24  }
0x1d: {  	[tilespmem:s16], [sflag:$0x2] =	stream.linear.gather [hbm4b:s24+s25], $0xA800, $0x38;
	[tilespmem:$0x15380] =	vst v63  }
0x1e: {  	_ =	swait.ge [sflag:s17], $0xA800  }
0x1f: {  	[sflag:s17] =	ssyncset.done $0x0  }
0x20: {  	[sflag:s17] =	ssyncadd.s32 $0xFFFF5800  }
0x21: {  	v2 =	vld [tilespmem:$0x15180];
	_ =	sdelay $0x4  }
0x22: {  	v19 =	vbroadcast v2, $0x0;
	v21 =	vbroadcast v2, $0x1  }
0x23: {  	v6 =	vld [tilespmem:$0x151A0];
	v16 =	vbroadcast v2, $0x2;
	v5 =	vbroadcast v2, $0x3  }
0x24: {  	s31 =	simm.s32 $0x10;
	v8 =	vmov s25;
	v9 =	vbroadcast v2, $0x4;
	v4 =	vbroadcast v2, $0x5  }
0x25: {  	v57 =	vmov s31;
	v23 =	vbroadcast v2, $0x6;
	v24 =	vbroadcast v2, $0x7  }
0x26: {  	v8 =	vshll.u32 v8, $0x7;
	v58 =	vbroadcast v2, $0x8;
	v12 =	vbroadcast v2, $0x9  }
0x27: {  	v43 =	vor.u32 v59, v8;
	v3 =	vbroadcast v2, $0xA;
	v1 =	vbroadcast v2, $0xB  }
0x28: {  	v13 =	vor.u32 $0x7, v43;
	v0 =	vbroadcast v2, $0xC;
	v25 =	vbroadcast v6, $0x0  }
0x29: {  	v14 =	vor.u32 $0x6, v43;
	v28 =	vbroadcast v6, $0x1;
	v29 =	vbroadcast v6, $0x2  }
0x2a: {  	v18 =	vor.u32 $0x1, v43;
	v11 =	vld [tilespmem:$0x151C0];
	v20 =	vbroadcast v6, $0x3;
	v27 =	vbroadcast v6, $0x4  }
0x2b: {  	v41 =	vor.u32 $0x2, v43;
	v17 =	vbroadcast v6, $0x5;
	v30 =	vbroadcast v6, $0x6  }
0x2c: {  	v44 =	vor.u32 $0x4, v43;
	v33 =	vbroadcast v6, $0x7;
	v63 =	vbroadcast v6, $0x8  }
0x2d: {  	v48 =	vor.u32 $0x3, v43;
	v42 =	vld.idx.msk [tilespmem:v13+s3+$0x0], $0xffff;
	v31 =	vbroadcast v6, $0x9;
	v10 =	vbroadcast v6, $0xA  }
0x2e: {  	v49 =	vor.u32 $0x9, v43;
	v45 =	vld.idx.msk [tilespmem:v14+s3+$0x0], $0xffff;
	v7 =	vbroadcast v6, $0xB;
	v2 =	vbroadcast v6, $0xC  }
0x2f: {  	v51 =	vor.u32 $0x5, v43;
	v46 =	vld.idx.msk [tilespmem:v18+s3+$0x0], $0xffff;
	v34 =	vbroadcast v11, $0x0;
	v62 =	vbroadcast v11, $0x1  }
0x30: {  	v52 =	vor.u32 $0x8, v43;
	v47 =	vld.idx.msk [tilespmem:v43+s3+$0x0], $0xffff;
	v40 =	vbroadcast v11, $0x2;
	v61 =	vbroadcast v11, $0x3  }
0x31: {  	v53 =	vor.u32 $0xA, v43;
	v50 =	vld.idx.msk [tilespmem:v41+s3+$0x0], $0xffff;
	v26 =	vbroadcast v11, $0x4;
	v8 =	vbroadcast v11, $0x5  }
0x32: {  	v44 =	vld.idx.msk [tilespmem:v44+s3+$0x0], $0xffff;
	v41 =	vshll.u32 v57, $0x7;
	v13 =	vbroadcast v11, $0x7;
	v22 =	vbroadcast v11, $0x8  }
0x33: {  	v48 =	vld.idx.msk [tilespmem:v48+s3+$0x0], $0xffff;
	v41 =	vor.u32 v59, v41;
	v6 =	vbroadcast v11, $0x9;
	v60 =	vbroadcast v11, $0xA  }
0x34: {  	v49 =	vld.idx.msk [tilespmem:v49+s3+$0x0], $0xffff;
	v18 =	vbroadcast v11, $0xB;
	v54 =	vsub.f32 v23, v45;
	v45 =	vsub.f32 v45, v30  }
0x35: {  	v51 =	vld.idx.msk [tilespmem:v51+s3+$0x0], $0xffff;
	v15 =	vbroadcast v11, $0xC;
	v55 =	vsub.f32 v21, v46;
	v46 =	vsub.f32 v46, v28  }
0x36: {  	v52 =	vld.idx.msk [tilespmem:v52+s3+$0x0], $0xffff;
	[tilespmem:$0x1FFE0] =	vst v0;
	v0 =	vbroadcast v11, $0x6;
	v56 =	vsub.f32 v19, v47;
	v36 =	vsub.f32 v42, v33  }
0x37: {  	v38 =	vmovc v23;
	v32 =	vmov v30;
	v37 =	vsub.f32 v16, v50;
	v42 =	vsub.f32 v24, v42;
	[tilespmem:$0x1FFA0] =	vst v9  }
0x38: {  	v39 =	vmovc v28;
	v14 =	vmov v33;
	v50 =	vsub.f32 v50, v29;
	v47 =	vsub.f32 v47, v25;
	[tilespmem:$0x1FFB0] =	vst v27  }
0x39: {  	v35 =	vmovc v29;
	v33 =	vsub.f32 v9, v44;
	v44 =	vsub.f32 v44, v27;
	[tilespmem:$0x1FFC0] =	vst v5;
	v11 =	vmov v40  }
0x3a: {  	v30 =	vmovc v21;
	v54 =	vmin.f32 v54, v45;
	v46 =	vmin.f32 v55, v46;
	v57 =	vmin.f32 v42, v36  }
0x3b: {  	v23 =	vmovc v19;
	v21 =	vmovc v16;
	v50 =	vmin.f32 v37, v50;
	v42 =	vor.u32 $0x1, v41;
	v47 =	vmin.f32 v56, v47  }
0x3c: {  	v28 =	vmovc v24;
	v55 =	vsub.f32 v48, v20;
	v48 =	vsub.f32 v5, v48;
	v56 =	vmin.f32 v33, v44  }
0x3d: {  	v29 =	vmovc v25;
	v44 =	vsub.f32 v12, v49;
	v45 =	vsub.f32 v49, v31;
	v47 =	vmul.f32 v47, v34  }
0x3e: {  	v25 =	vmovc v20;
	v16 =	vmovc v12;
	v49 =	vor.u32 $0xB, v43;
	v46 =	vmul.f32 v46, v62;
	v50 =	vmul.f32 v50, v40  }
0x3f: {  	v19 =	vmovc v17;
	v36 =	vmovc v34;
	v48 =	vmin.f32 v48, v55;
	v55 =	vmin.f32 v44, v45;
	v34 =	vmin.f32 v47, $1.000000020e+30  }
0x40: {  	v20 =	vmovc v58;
	v47 =	vsub.f32 v51, v17;
	v51 =	vsub.f32 v4, v51;
	v40 =	vmin.f32 v34, v46  }
0x41: {  	[tilespmem:$0x1FFD0] =	vst v4;
	v24 =	vmovc v8;
	v37 =	vmovc v62;
	v44 =	vor.u32 $0x2, v41;
	v62 =	vmin.f32 v40, v50;
	v50 =	vor.u32 $0xC, v43  }
0x42: {  	v9 =	vmovc v0;
	v45 =	vor.u32 $0x4, v41;
	v47 =	vmin.f32 v51, v47;
	v34 =	vmovc v61;
	v61 =	vmul.f32 v48, v61  }
0x43: {  	v27 =	vmovc v22;
	v43 =	vor.u32 $0x5, v41;
	v51 =	vld.idx.msk [tilespmem:v53+s3+$0x0], $0xffff;
	v53 =	vmul.f32 v56, v26;
	v47 =	vmul.f32 v47, v8  }
0x44: {  	v12 =	vmovc v7;
	v48 =	vor.u32 $0x8, v41;
	v46 =	vmin.f32 v62, v61;
	v61 =	vsub.f32 v52, v63;
	v62 =	vld.idx.msk [tilespmem:v49+s3+$0x0], $0xffff  }
0x45: {  	v40 =	vmovc v63;
	v52 =	vsub.f32 v58, v52;
	v63 =	vmul.f32 v54, v0;
	v46 =	vmin.f32 v46, v53  }
0x46: {  	v33 =	vmovc v31;
	v49 =	vor.u32 $0x7, v41;
	v0 =	vmul.f32 v57, v13;
	v46 =	vmin.f32 v46, v47;
	v54 =	vld.idx.msk [tilespmem:v50+s3+$0x0], $0xffff  }
0x47: {  	v31 =	vmovc v26;
	v17 =	vmovc v60;
	v52 =	vmin.f32 v52, v61;
	v47 =	vor.u32 $0x9, v41;
	v46 =	vmin.f32 v46, v63;
	v63 =	vld [tilespmem:$0x1FFE0]  }
0x48: {  	v8 =	vmovc v3;
	v3 =	vsub.f32 v3, v51;
	v51 =	vsub.f32 v51, v10;
	v52 =	vmul.f32 v52, v22  }
0x49: {  	v26 =	vmovc v13;
	v50 =	vmin.f32 v46, v0;
	v61 =	vsub.f32 v62, v7;
	v56 =	vsub.f32 v1, v62  }
0x4a: {  	v13 =	vmovc v10;
	v10 =	vmovc v2;
	v46 =	vor.u32 $0xA, v41;
	v62 =	vmin.f32 v3, v51;
	v52 =	vmin.f32 v50, v52  }
0x4b: {  	s26 =	simm.s32 $0x20;
	v22 =	vmovc v6;
	v7 =	vmovc v1;
	v50 =	vor.u32 $0x6, v41;
	v51 =	vmul.f32 v55, v6;
	v56 =	vmin.f32 v56, v61  }
0x4c: {  	s28 =	simm.s32 $0x15210;
	s25 =	simm.s32 $0x15200;
	s24 =	simm.s32 $0x15210;
	v55 =	vsub.f32 v54, v2;
	v6 =	vmovc v63;
	v53 =	vsub.f32 v63, v54;
	v54 =	vmul.f32 v62, v60  }
.LBB2_3:
0x4d: {  	_ = 	snop  }
0x4e: {  	v63 =	vmul.f32 v56, v18;
	v51 =	vmin.f32 v52, v51;
	v53 =	vmin.f32 v53, v55  }
0x4f: {  	v51 =	vmin.f32 v51, v54;
	v53 =	vmul.f32 v53, v15  }
0x50: {  	v51 =	vmin.f32 v51, v63  }
0x51: {  	s29 =	smov.u32 s26;
	v51 =	vmin.f32 v51, v53  }
0x52: {  	v5 =	vld [tilespmem:$0x1FFA0];
	v0 =	vmov s29;
	[tilespmem:s25+$0x0] =	vst v51  }
0x53: {  	v1 =	vshll.u32 v0, $0x7;
	v58 =	vld.idx.msk [tilespmem:v50+s3+$0x0], $0xffff  }
0x54: {  	v52 =	vor.u32 v59, v1;
	v56 =	vld.idx.msk [tilespmem:v49+s3+$0x0], $0xffff  }
0x55: {  	v54 =	vor.u32 $0x2, v52;
	v63 =	vld.idx.msk [tilespmem:v44+s3+$0x0], $0xffff  }
0x56: {  	v57 =	vor.u32 $0x8, v52;
	v44 =	vmov v54;
	v54 =	vld.idx.msk [tilespmem:v48+s3+$0x0], $0xffff  }
0x57: {  	v62 =	vor.u32 $0x3, v41;
	v48 =	vmov v57;
	v57 =	vld.idx.msk [tilespmem:v45+s3+$0x0], $0xffff  }
0x58: {  	v0 =	vor.u32 $0xC, v41;
	v53 =	vld.idx.msk [tilespmem:v41+s3+$0x0], $0xffff;
	v51 =	vsub.f32 v38, v58;
	v58 =	vsub.f32 v58, v32  }
0x59: {  	v2 =	vor.u32 $0x1, v52;
	v3 =	vor.u32 $0x4, v52;
	v55 =	vor.u32 $0x5, v52  }
0x5a: {  	v61 =	vld.idx.msk [tilespmem:v42+s3+$0x0], $0xffff;
	v51 =	vmin.f32 v51, v58;
	v58 =	vsub.f32 v56, v14;
	v56 =	vsub.f32 v28, v56  }
0x5b: {  	v59 =	vor.u32 $0x9, v52;
	v60 =	vor.u32 $0xA, v52;
	v49 =	vor.u32 $0x7, v52  }
0x5c: {  	v42 =	vmovc v2;
	v50 =	vor.u32 $0x6, v52;
	v56 =	vmin.f32 v56, v58;
	v58 =	vsub.f32 v5, v57;
	v5 =	vld [tilespmem:$0x1FFB0]  }
0x5d: {  	v1 =	vld.idx.msk [tilespmem:v47+s3+$0x0], $0xffff;
	v2 =	vor.u32 $0xB, v41;
	v41 =	vmovc v52;
	v52 =	vsub.f32 v23, v53;
	v53 =	vsub.f32 v53, v29  }
0x5e: {  	v62 =	vld.idx.msk [tilespmem:v62+s3+$0x0], $0xffff  }
0x5f: {  	v47 =	vmovc v59;
	v59 =	vsub.f32 v30, v61;
	v61 =	vsub.f32 v61, v39;
	v52 =	vmin.f32 v52, v53;
	v53 =	vld [tilespmem:$0x1FFC0]  }
0x60: {  	v45 =	vmov v3;
	v3 =	vld.idx.msk [tilespmem:v43+s3+$0x0], $0xffff;
	v4 =	vsub.f32 v54, v40  }
0x61: {  	v54 =	vsub.f32 v20, v54;
	v59 =	vmin.f32 v59, v61;
	v57 =	vsub.f32 v57, v5;
	v5 =	vld.idx.msk [tilespmem:v46+s3+$0x0], $0xffff  }
0x62: {  	v61 =	vsub.f32 v21, v63;
	v63 =	vsub.f32 v63, v35;
	v51 =	vmul.f32 v51, v9;
	v46 =	vmovc v60;
	v60 =	vld [tilespmem:$0x1FFD0]  }
0x63: {  	v4 =	vmin.f32 v54, v4;
	v52 =	vmul.f32 v52, v36;
	v59 =	vmul.f32 v59, v37  }
0x64: {  	v43 =	vmovc v55;
	v63 =	vmin.f32 v61, v63;
	v61 =	vsub.f32 v62, v25;
	v62 =	vsub.f32 v53, v62  }
0x65: {  	v2 =	vld.idx.msk [tilespmem:v2+s3+$0x0], $0xffff;
	v4 =	vmul.f32 v4, v27;
	v55 =	vmul.f32 v63, v11;
	v63 =	vsub.f32 v16, v1  }
0x66: {  	v1 =	vsub.f32 v1, v33;
	v52 =	vmin.f32 v52, $1.000000020e+30;
	v53 =	vmin.f32 v62, v61  }
0x67: {  	v57 =	vmin.f32 v58, v57;
	v58 =	vsub.f32 v3, v19;
	v3 =	vsub.f32 v60, v3  }
0x68: {  	v0 =	vld.idx.msk [tilespmem:v0+s3+$0x0], $0xffff;
	v52 =	vmin.f32 v52, v59;
	v1 =	vmin.f32 v63, v1;
	v53 =	vmul.f32 v53, v34  }
0x69: {  	v52 =	vmin.f32 v52, v55;
	v57 =	vmul.f32 v57, v31;
	v3 =	vmin.f32 v3, v58  }
0x6a: {  	p1 =	sne.s32 s26, $0x140;
	v61 =	vsub.f32 v2, v12;
	v52 =	vmin.f32 v52, v53;
	v3 =	vmul.f32 v3, v24  }
.Ltmp2:
0x6b: {  	v62 =	vsub.f32 v7, v2;
	v52 =	vmin.f32 v52, v57;
	v60 =	vmul.f32 v56, v26;
	(pc) =	sbr.rel @p1 .LBB2_3-.Ltmp2, $4  }
0x6c: {  	v58 =	vsub.f32 v8, v5;
	v5 =	vsub.f32 v5, v13;
	v3 =	vmin.f32 v52, v3  }
0x6d: {  	v55 =	vsub.f32 v0, v10;
	v53 =	vsub.f32 v6, v0;
	v3 =	vmin.f32 v3, v51  }
0x6e: {  	s28 =	sadd.s32 $0x10, s28;
	v56 =	vmin.f32 v62, v61;
	v5 =	vmin.f32 v58, v5;
	v63 =	vmin.f32 v3, v60  }
0x6f: {  	s26 =	sadd.s32 $0x10, s26;
	s25 =	smov.u32 s24;
	s24 =	smov.u32 s28;
	v59 =	vld [tilespmem:$0x1FFF0];
	v54 =	vmul.f32 v5, v17;
	v51 =	vmul.f32 v1, v22;
	v52 =	vmin.f32 v63, v4  }
0x70: {  	_ = 	snop  }
0x71: {  	v1 =	vmul.f32 v56, v18;
	v2 =	vmin.f32 v53, v55;
	v0 =	vmin.f32 v52, v51  }
0x72: {  	v2 =	vmul.f32 v2, v15;
	v0 =	vmin.f32 v0, v54  }
0x73: {  	v0 =	vmin.f32 v0, v1  }
0x74: {  	v0 =	vmin.f32 v0, v2  }
0x75: {  	[tilespmem:s25+$0x0] =	vst v0  }
0x76: {  	v0 =	vld.idx.msk [tilespmem:v49+s3+$0x0], $0xffff  }
0x77: {  	v2 =	vld.idx.msk [tilespmem:v42+s3+$0x0], $0xffff;
	_ =	sdelay $0x1  }
0x78: {  	v1 =	vld.idx.msk [tilespmem:v50+s3+$0x0], $0xffff  }
0x79: {  	v5 =	vld.idx.msk [tilespmem:v44+s3+$0x0], $0xffff  }
0x7a: {  	v4 =	vor.u32 $0x3, v41;
	v58 =	vld.idx.msk [tilespmem:v45+s3+$0x0], $0xffff  }
0x7b: {  	v56 =	vmov v15;
	v15 =	vsub.f32 v30, v2;
	v30 =	vsub.f32 v0, v14;
	v14 =	vld [tilespmem:$0x1FFA0]  }
0x7c: {  	v3 =	vld.idx.msk [tilespmem:v41+s3+$0x0], $0xffff;
	v2 =	vsub.f32 v2, v39  }
0x7d: {  	v57 =	vld.idx.msk [tilespmem:v48+s3+$0x0], $0xffff  }
0x7e: {  	v62 =	vld.idx.msk [tilespmem:v47+s3+$0x0], $0xffff;
	v2 =	vmin.f32 v15, v2;
	v15 =	vsub.f32 v21, v5;
	v5 =	vsub.f32 v5, v35  }
0x7f: {  	v4 =	vld.idx.msk [tilespmem:v4+s3+$0x0], $0xffff  }
0x80: {  	v61 =	vor.u32 $0xC, v41;
	v5 =	vmin.f32 v15, v5;
	v15 =	vsub.f32 v14, v58;
	v14 =	vld [tilespmem:$0x1FFB0]  }
0x81: {  	v60 =	vsub.f32 v38, v1;
	v1 =	vsub.f32 v1, v32;
	v5 =	vmul.f32 v5, v11;
	v11 =	vld [tilespmem:$0x1FFC0]  }
0x82: {  	v63 =	vor.u32 $0xB, v41;
	v50 =	vsub.f32 v23, v3;
	v3 =	vsub.f32 v3, v29  }
0x83: {  	v52 =	vld.idx.msk [tilespmem:v43+s3+$0x0], $0xffff;
	v0 =	vsub.f32 v28, v0;
	v23 =	vsub.f32 v57, v40;
	v1 =	vmin.f32 v60, v1  }
0x84: {  	v20 =	vsub.f32 v20, v57;
	v3 =	vmin.f32 v50, v3;
	v1 =	vmul.f32 v1, v9;
	v9 =	vld [tilespmem:$0x1FFD0]  }
0x85: {  	v16 =	vsub.f32 v16, v62;
	v21 =	vsub.f32 v4, v25;
	v3 =	vmul.f32 v3, v36  }
0x86: {  	v25 =	vld.idx.msk [tilespmem:v46+s3+$0x0], $0xffff;
	v2 =	vmul.f32 v2, v37;
	v14 =	vsub.f32 v58, v14;
	v4 =	vsub.f32 v11, v4  }
0x87: {  	v0 =	vmin.f32 v0, v30;
	v3 =	vmin.f32 v3, $1.000000020e+30;
	v11 =	vsub.f32 v62, v33  }
0x88: {  	v2 =	vmin.f32 v3, v2;
	v28 =	vmin.f32 v15, v14;
	v4 =	vmin.f32 v4, v21  }
0x89: {  	v15 =	vsub.f32 v52, v19;
	v19 =	vmin.f32 v16, v11;
	v11 =	vld.idx.msk [tilespmem:v63+s3+$0x0], $0xffff;
	v14 =	vsub.f32 v9, v52  }
0x8a: {  	v2 =	vmin.f32 v2, v5;
	v9 =	vmin.f32 v20, v23;
	v4 =	vmul.f32 v4, v34  }
0x8b: {  	v16 =	vld.idx.msk [tilespmem:v61+s3+$0x0], $0xffff;
	v3 =	vmul.f32 v28, v31;
	v5 =	vmin.f32 v14, v15;
	v15 =	vsub.f32 v8, v25  }
0x8c: {  	v2 =	vmin.f32 v2, v4;
	v4 =	vmul.f32 v5, v24;
	v5 =	vsub.f32 v25, v13  }
0x8d: {  	v0 =	vmul.f32 v0, v26;
	v2 =	vmin.f32 v2, v3;
	v3 =	vmul.f32 v9, v27  }
0x8e: {  	v2 =	vmin.f32 v2, v4;
	v4 =	vmin.f32 v15, v5;
	v5 =	vsub.f32 v11, v12  }
0x8f: {  	v7 =	vsub.f32 v7, v11;
	v1 =	vmin.f32 v2, v1;
	v2 =	vmul.f32 v19, v22  }
0x90: {  	v0 =	vmin.f32 v1, v0;
	v1 =	vsub.f32 v6, v16;
	v6 =	vsub.f32 v16, v10  }
0x91: {  	v0 =	vmin.f32 v0, v3;
	v3 =	vmul.f32 v4, v17;
	v4 =	vmin.f32 v7, v5  }
0x92: {  	v0 =	vmin.f32 v0, v2;
	v2 =	vmul.f32 v4, v18;
	v1 =	vmin.f32 v1, v6  }
0x93: {  	v0 =	vmin.f32 v0, v3;
	v1 =	vmul.f32 v1, v56  }
0x94: {  	v0 =	vmin.f32 v0, v2  }
0x95: {  	v0 =	vmin.f32 v0, v1  }
0x96: {  	[tilespmem:s24+$0x0] =	vst v0  }
0x97: {  	v0 =	vld [tilespmem:$0x15180];
	_ =	sdelay $0x1  }
0x98: {  	v1 =	vld [tilespmem:$0x15190];
	_ =	sdelay $0x2  }
0x99: {  	v2 =	vbroadcast v0, $0xD  }
0x9a: {  	v3 =	vbroadcast v0, $0xE;
	v4 =	vbroadcast v0, $0xF;
	v0 =	vld [tilespmem:$0x151A0]  }
0x9b: {  	v5 =	vbroadcast v1, $0x0  }
0x9c: {  	v6 =	vbroadcast v1, $0x1;
	v7 =	vbroadcast v1, $0x2  }
0x9d: {  	v8 =	vbroadcast v1, $0x3;
	v9 =	vbroadcast v1, $0x4  }
0x9e: {  	v26 =	vld [tilespmem:$0x151B0];
	v10 =	vbroadcast v1, $0x5;
	v11 =	vbroadcast v1, $0x6  }
0x9f: {  	s31 =	simm.s32 $0x0;
	v12 =	vbroadcast v1, $0x7;
	v15 =	vbroadcast v0, $0xD  }
0xa0: {  	v16 =	vbroadcast v0, $0xE;
	v17 =	vbroadcast v0, $0xF;
	v0 =	vmov s31  }
0xa1: {  	v13 =	vbroadcast v1, $0x8;
	v14 =	vbroadcast v1, $0x9;
	v1 =	vld [tilespmem:$0x151C0];
	v0 =	vshll.u32 v0, $0x7  }
0xa2: {  	v0 =	vor.u32 v59, v0  }
0xa3: {  	v18 =	vbroadcast v26, $0x0;
	v19 =	vbroadcast v26, $0x1;
	v54 =	vor.u32 $0xD, v0  }
0xa4: {  	v53 =	vld [tilespmem:$0x151D0];
	v20 =	vbroadcast v26, $0x2;
	v21 =	vbroadcast v26, $0x3;
	v55 =	vor.u32 $0xE, v0  }
0xa5: {  	v22 =	vbroadcast v26, $0x4;
	v23 =	vbroadcast v26, $0x5;
	v56 =	vor.u32 $0xF, v0  }
0xa6: {  	v24 =	vbroadcast v26, $0x6;
	v28 =	vbroadcast v1, $0xD;
	v57 =	vor.u32 $0x10, v0  }
0xa7: {  	v29 =	vbroadcast v1, $0xE;
	v30 =	vbroadcast v1, $0xF;
	v1 =	vor.u32 $0x11, v0  }
0xa8: {  	v25 =	vbroadcast v26, $0x7;
	v27 =	vbroadcast v26, $0x8;
	v60 =	vor.u32 $0x18, v0;
	v58 =	vld.idx.msk [tilespmem:v54+s3+$0x0], $0xffff  }
0xa9: {  	v26 =	vbroadcast v26, $0x9;
	v31 =	vbroadcast v53, $0x0;
	v61 =	vld.idx.msk [tilespmem:v55+s3+$0x0], $0xffff  }
0xaa: {  	v32 =	vbroadcast v53, $0x1;
	v33 =	vbroadcast v53, $0x2;
	v62 =	vor.u32 $0x12, v0;
	v45 =	vld.idx.msk [tilespmem:v56+s3+$0x0], $0xffff  }
0xab: {  	v34 =	vbroadcast v53, $0x3;
	v35 =	vbroadcast v53, $0x4;
	v63 =	vor.u32 $0x13, v0;
	v41 =	vld.idx.msk [tilespmem:v57+s3+$0x0], $0xffff  }
0xac: {  	v36 =	vbroadcast v53, $0x5;
	v37 =	vbroadcast v53, $0x6;
	v48 =	vor.u32 $0x14, v0;
	v1 =	vld.idx.msk [tilespmem:v1+s3+$0x0], $0xffff  }
0xad: {  	v38 =	vbroadcast v53, $0x7;
	v40 =	vbroadcast v53, $0x8;
	v43 =	vld.idx.msk [tilespmem:v60+s3+$0x0], $0xffff  }
0xae: {  	v39 =	vbroadcast v53, $0x9;
	v57 =	vsub.f32 v2, v58;
	v42 =	vsub.f32 v58, v15  }
0xaf: {  	v49 =	vor.u32 $0x16, v0;
	v46 =	vld.idx.msk [tilespmem:v62+s3+$0x0], $0xffff;
	v60 =	vsub.f32 v3, v61;
	v44 =	vsub.f32 v61, v16  }
0xb0: {  	v50 =	vor.u32 $0x17, v0;
	v47 =	vld.idx.msk [tilespmem:v63+s3+$0x0], $0xffff;
	v61 =	vsub.f32 v4, v45;
	v45 =	vsub.f32 v45, v17  }
0xb1: {  	v48 =	vld.idx.msk [tilespmem:v48+s3+$0x0], $0xffff;
	v58 =	vor.u32 $0x15, v0;
	v62 =	vsub.f32 v5, v41;
	v63 =	vsub.f32 v1, v19  }
0xb2: {  	s24 =	simm.s32 $0x15200;
	v0 =	vor.u32 $0x19, v0;
	v56 =	vsub.f32 v13, v43;
	v1 =	vsub.f32 v6, v1  }
0xb3: {  	v51 =	vld [tilespmem:s24+$0x0];
	v43 =	vsub.f32 v43, v27;
	v41 =	vsub.f32 v41, v18;
	v42 =	vmin.f32 v57, v42  }
0xb4: {  	v44 =	vmin.f32 v60, v44;
	v45 =	vmin.f32 v61, v45;
	v1 =	vmin.f32 v1, v63  }
0xb5: {  	v49 =	vld.idx.msk [tilespmem:v49+s3+$0x0], $0xffff;
	v60 =	vsub.f32 v47, v21;
	v41 =	vmin.f32 v62, v41;
	v61 =	vsub.f32 v8, v47  }
0xb6: {  	v50 =	vld.idx.msk [tilespmem:v50+s3+$0x0], $0xffff;
	v62 =	vsub.f32 v9, v48;
	v42 =	vmul.f32 v42, v28;
	v44 =	vmul.f32 v44, v29  }
0xb7: {  	v48 =	vsub.f32 v48, v22;
	v45 =	vmul.f32 v45, v30;
	v1 =	vmul.f32 v1, v32  }
0xb8: {  	v41 =	vmul.f32 v41, v31;
	v42 =	vmin.f32 v51, v42;
	v57 =	vld.idx.msk [tilespmem:v58+s3+$0x0], $0xffff;
	v58 =	vsub.f32 v7, v46  }
0xb9: {  	v51 =	vmin.f32 v56, v43;
	v46 =	vsub.f32 v46, v20;
	v42 =	vmin.f32 v42, v44  }
0xba: {  	v43 =	vmin.f32 v61, v60;
	v60 =	vsub.f32 v49, v24;
	v42 =	vmin.f32 v42, v45  }
0xbb: {  	v61 =	vsub.f32 v12, v50;
	v54 =	vmul.f32 v43, v34;
	v41 =	vmin.f32 v42, v41  }
0xbc: {  	v56 =	vmin.f32 v58, v46;
	v58 =	vsub.f32 v11, v49;
	v1 =	vmin.f32 v41, v1  }
0xbd: {  	v41 =	vld.idx.msk [tilespmem:v0+s3+$0x0], $0xffff;
	v0 =	vmul.f32 v56, v33;
	v63 =	vsub.f32 v57, v23;
	v55 =	vsub.f32 v10, v57  }
0xbe: {  	v42 =	vmul.f32 v51, v40;
	v57 =	vmin.f32 v62, v48;
	v62 =	vmin.f32 v58, v60  }
0xbf: {  	v45 =	vmul.f32 v57, v35;
	v0 =	vmin.f32 v1, v0;
	v43 =	vmin.f32 v55, v63  }
0xc0: {  	v0 =	vmin.f32 v0, v54;
	v63 =	vsub.f32 v50, v25;
	v1 =	vmul.f32 v43, v36  }
0xc1: {  	v55 =	vimm.f32 $0.0e+00;
	v43 =	vmul.f32 v62, v37;
	v0 =	vmin.f32 v0, v45  }
0xc2: {  	s26 =	simm.s32 $0x15000;
	s28 =	simm.s32 $0x10;
	s25 =	simm.s32 $0x15000;
	v46 =	vmin.f32 v61, v63;
	v44 =	vsub.f32 v14, v41;
	v45 =	vmin.f32 v0, v1  }
.LBB2_5:
0xc3: {  	p1 =	sne.s32 s28, $0x140;
	v0 =	vmul.f32 v46, v38;
	v1 =	vsub.f32 v41, v26;
	s24 =	sadd.s32 $0x10, s24;
	s26 =	sadd.s32 $0x10, s26  }
0xc4: {  	v41 =	vmov s28;
	s28 =	sadd.s32 $0x10, s28;
	v43 =	vmin.f32 v45, v43  }
0xc5: {  	v41 =	vshll.u32 v41, $0x7;
	v0 =	vmin.f32 v43, v0;
	v1 =	vmin.f32 v44, v1  }
0xc6: {  	v0 =	vmin.f32 v0, v42;
	v1 =	vmul.f32 v1, v39;
	v41 =	vor.u32 v59, v41  }
0xc7: {  	v42 =	vor.u32 $0xD, v41;
	v43 =	vor.u32 $0xE, v41;
	v44 =	vor.u32 $0xF, v41  }
0xc8: {  	v45 =	vor.u32 $0x10, v41;
	v46 =	vor.u32 $0x11, v41;
	v0 =	vmin.f32 v0, v1  }
0xc9: {  	v1 =	vor.u32 $0x13, v41;
	v47 =	vor.u32 $0x14, v41;
	vm0 =	vge.f32 v0, $0.0e+00  }
0xca: {  	v48 =	vor.u32 $0x17, v41;
	v0 =	vor.u32 $0x16, v41;
	v49 =	vsel vm0, $0x3F800000, v55  }
0xcb: {  	v50 =	vor.u32 $0x19, v41;
	[tilespmem:s25+$0x0] =	vst v49;
	s25 =	smov.u32 s26  }
0xcc: {  	v49 =	vor.u32 $0x18, v41;
	v42 =	vld.idx.msk [tilespmem:v42+s3+$0x0], $0xffff  }
0xcd: {  	v43 =	vld.idx.msk [tilespmem:v43+s3+$0x0], $0xffff  }
0xce: {  	v51 =	vor.u32 $0x12, v41;
	v44 =	vld.idx.msk [tilespmem:v44+s3+$0x0], $0xffff  }
0xcf: {  	v45 =	vld.idx.msk [tilespmem:v45+s3+$0x0], $0xffff  }
0xd0: {  	v46 =	vld.idx.msk [tilespmem:v46+s3+$0x0], $0xffff  }
0xd1: {  	v49 =	vld.idx.msk [tilespmem:v49+s3+$0x0], $0xffff  }
0xd2: {  	v41 =	vor.u32 $0x15, v41;
	v53 =	vsub.f32 v2, v42;
	v42 =	vsub.f32 v42, v15;
	v52 =	vld [tilespmem:s24+$0x0]  }
0xd3: {  	v54 =	vsub.f32 v3, v43;
	v43 =	vsub.f32 v43, v16;
	v51 =	vld.idx.msk [tilespmem:v51+s3+$0x0], $0xffff  }
0xd4: {  	v42 =	vmin.f32 v53, v42;
	v53 =	vsub.f32 v4, v44;
	v44 =	vsub.f32 v44, v17;
	v1 =	vld.idx.msk [tilespmem:v1+s3+$0x0], $0xffff  }
0xd5: {  	v42 =	vmul.f32 v42, v28;
	v43 =	vmin.f32 v54, v43;
	v54 =	vsub.f32 v5, v45  }
0xd6: {  	v43 =	vmul.f32 v43, v29;
	v44 =	vmin.f32 v53, v44;
	v53 =	vsub.f32 v46, v19;
	v47 =	vld.idx.msk [tilespmem:v47+s3+$0x0], $0xffff  }
0xd7: {  	v44 =	vmul.f32 v44, v30;
	v42 =	vmin.f32 v52, v42;
	v41 =	vld.idx.msk [tilespmem:v41+s3+$0x0], $0xffff;
	v52 =	vsub.f32 v13, v49  }
0xd8: {  	v42 =	vmin.f32 v42, v43;
	v43 =	vsub.f32 v6, v46;
	v46 =	vsub.f32 v49, v27  }
0xd9: {  	v42 =	vmin.f32 v42, v44;
	v44 =	vsub.f32 v45, v18;
	v45 =	vsub.f32 v7, v51  }
0xda: {  	v49 =	vsub.f32 v1, v21;
	v43 =	vmin.f32 v43, v53;
	v0 =	vld.idx.msk [tilespmem:v0+s3+$0x0], $0xffff;
	v46 =	vmin.f32 v52, v46  }
0xdb: {  	v1 =	vsub.f32 v8, v1;
	v44 =	vmin.f32 v54, v44;
	v43 =	vmul.f32 v43, v32;
	v48 =	vld.idx.msk [tilespmem:v48+s3+$0x0], $0xffff  }
0xdc: {  	v52 =	vsub.f32 v9, v47;
	v47 =	vsub.f32 v47, v22;
	v44 =	vmul.f32 v44, v31  }
0xdd: {  	v51 =	vsub.f32 v51, v20;
	v1 =	vmin.f32 v1, v49;
	v49 =	vsub.f32 v41, v23  }
0xde: {  	v1 =	vmul.f32 v1, v34;
	v42 =	vmin.f32 v42, v44;
	v44 =	vsub.f32 v10, v41  }
0xdf: {  	v42 =	vmin.f32 v42, v43;
	v43 =	vmin.f32 v45, v51;
	v45 =	vmin.f32 v52, v47;
	v41 =	vld.idx.msk [tilespmem:v50+s3+$0x0], $0xffff  }
0xe0: {  	v47 =	vsub.f32 v11, v0;
	v0 =	vsub.f32 v0, v24;
	v43 =	vmul.f32 v43, v33  }
.Ltmp3:
0xe1: {  	v45 =	vmul.f32 v45, v35;
	v44 =	vmin.f32 v44, v49;
	v49 =	vsub.f32 v12, v48;
	(pc) =	sbr.rel @p1 .LBB2_5-.Ltmp3, $4  }
0xe2: {  	v44 =	vmul.f32 v44, v36;
	v0 =	vmin.f32 v47, v0;
	v42 =	vmin.f32 v42, v43  }
0xe3: {  	v43 =	vmul.f32 v0, v37;
	v0 =	vsub.f32 v48, v25;
	v1 =	vmin.f32 v42, v1  }
0xe4: {  	v42 =	vmul.f32 v46, v40;
	v1 =	vmin.f32 v1, v45  }
0xe5: {  	v46 =	vmin.f32 v49, v0;
	v45 =	vmin.f32 v1, v44;
	v44 =	vsub.f32 v14, v41  }
0xe6: {  	v0 =	vsub.f32 v41, v26  }
0xe7: {  	v1 =	vmul.f32 v46, v38  }
0xe8: {  	v2 =	vmin.f32 v45, v43;
	v0 =	vmin.f32 v44, v0  }
0xe9: {  	v1 =	vmin.f32 v2, v1;
	v0 =	vmul.f32 v0, v39  }
0xea: {  	v1 =	vmin.f32 v1, v42  }
0xeb: {  	v0 =	vmin.f32 v1, v0  }
0xec: {  	s24 =	sadd.s32 s5, s23;
	vm0 =	vge.f32 v0, $0.0e+00  }
0xed: {  	s24 =	sshrl.u32 s24, $0x3;
	v0 =	vsel vm0, $0x3F800000, v55  }
0xee: {  	s29 =	simm.s32 $0x0;
	s24 =	sadd.s32 s2, s24;
	[tilespmem:s25+$0x0] =	vst v0  }
0xef: {  	[hbm4b:s24+s29] =	stream.linear.scatter [tilespmem:s18], [sflag:$0x3], $0x150, $0x38;
	[tilespmem:$0x15380] =	vst v63  }
0xf0: {  	s30 =	sadd.s32 s23, s9;
	_ =	swait.ge [sflag:s15], $0x150  }
0xf1: {  	s23 =	sshll.u32 s30, $0x4;
	[sflag:s15] =	ssyncset.done $0x0  }
0xf2: {  	s23 =	sadd.s32 s4, s23;
	[sflag:s15] =	ssyncadd.s32 $0xFFFFFEB0  }
0xf3: {  	[tilespmem:s29], [sflag:$0x1] =	stream.linear.gather [hbm4b:s23+s29], $0xA800, $0x38;
	[tilespmem:$0x15380] =	vst v63  }
0xf4: {  	_ =	swait.ge [sflag:s19], $0xA800  }
0xf5: {  	[sflag:s19] =	ssyncset.done $0x0  }
0xf6: {  	[sflag:s19] =	ssyncadd.s32 $0xFFFF5800  }
0xf7: {  	v57 =	vld [tilespmem:$0x15180];
	_ =	sdelay $0x4  }
0xf8: {  	v19 =	vbroadcast v57, $0x0  }
0xf9: {  	v21 =	vbroadcast v57, $0x1;
	v16 =	vbroadcast v57, $0x2  }
0xfa: {  	v58 =	vld [tilespmem:$0x151A0];
	v6 =	vbroadcast v57, $0x3;
	v8 =	vbroadcast v57, $0x4  }
0xfb: {  	v5 =	vbroadcast v57, $0x5;
	v23 =	vbroadcast v57, $0x6  }
0xfc: {  	v24 =	vbroadcast v57, $0x7;
	v17 =	vbroadcast v57, $0x8  }
0xfd: {  	s31 =	simm.s32 $0x10;
	v34 =	vmov s29;
	v9 =	vbroadcast v57, $0x9;
	v0 =	vbroadcast v57, $0xC  }
0xfe: {  	v51 =	vmov s31;
	v4 =	vbroadcast v57, $0xA;
	v3 =	vbroadcast v57, $0xB  }
0xff: {  	v25 =	vbroadcast v58, $0x0;
	v28 =	vbroadcast v58, $0x1;
	[tilespmem:$0x1FF90] =	vst v0;
	v0 =	vshll.u32 v34, $0x7  }
0x100: {  	v11 =	vld [tilespmem:$0x151C0];
	v29 =	vbroadcast v58, $0x2;
	v20 =	vbroadcast v58, $0x3;
	v0 =	vor.u32 v59, v0  }
0x101: {  	v27 =	vbroadcast v58, $0x4;
	v12 =	vbroadcast v58, $0x5;
	v13 =	vor.u32 $0x7, v0  }
0x102: {  	v30 =	vbroadcast v58, $0x6;
	v33 =	vbroadcast v58, $0x7;
	v14 =	vor.u32 $0x6, v0  }
0x103: {  	v63 =	vbroadcast v58, $0x8;
	v31 =	vbroadcast v58, $0x9;
	v18 =	vor.u32 $0x1, v0  }
0x104: {  	v10 =	vbroadcast v58, $0xA;
	v7 =	vbroadcast v58, $0xB;
	v35 =	vor.u32 $0x2, v0  }
0x105: {  	v58 =	vbroadcast v58, $0xC;
	v62 =	vbroadcast v11, $0x1;
	v36 =	vor.u32 $0x4, v0;
	v45 =	vld.idx.msk [tilespmem:v0+s16+$0x0], $0xffff  }
0x106: {  	v40 =	vbroadcast v11, $0x2;
	v57 =	vbroadcast v11, $0x3;
	v46 =	vor.u32 $0x3, v0;
	v41 =	vld.idx.msk [tilespmem:v13+s16+$0x0], $0xffff  }
0x107: {  	v26 =	vbroadcast v11, $0x4;
	v2 =	vbroadcast v11, $0x6;
	v47 =	vor.u32 $0x9, v0;
	v43 =	vld.idx.msk [tilespmem:v14+s16+$0x0], $0xffff  }
0x108: {  	v22 =	vbroadcast v11, $0x7;
	v56 =	vbroadcast v11, $0x8;
	v48 =	vor.u32 $0x5, v0;
	v44 =	vld.idx.msk [tilespmem:v18+s16+$0x0], $0xffff  }
0x109: {  	v61 =	vbroadcast v11, $0x9;
	v60 =	vbroadcast v11, $0xA;
	v49 =	vor.u32 $0x8, v0;
	v1 =	vld.idx.msk [tilespmem:v35+s16+$0x0], $0xffff  }
0x10a: {  	v51 =	vshll.u32 v51, $0x7;
	v15 =	vbroadcast v11, $0xC;
	v34 =	vbroadcast v11, $0x0;
	v42 =	vld.idx.msk [tilespmem:v36+s16+$0x0], $0xffff  }
0x10b: {  	v38 =	vmovc v23;
	v32 =	vmovc v30;
	v39 =	vmov v28;
	v50 =	vor.u32 $0xA, v0;
	v46 =	vld.idx.msk [tilespmem:v46+s16+$0x0], $0xffff;
	v54 =	vsub.f32 v19, v45  }
0x10c: {  	[tilespmem:$0x1FF50] =	vst v8;
	v13 =	vbroadcast v11, $0x5;
	v47 =	vld.idx.msk [tilespmem:v47+s16+$0x0], $0xffff;
	v45 =	vsub.f32 v45, v25;
	v52 =	vsub.f32 v23, v43  }
0x10d: {  	[tilespmem:$0x1FF60] =	vst v27;
	v18 =	vbroadcast v11, $0xB;
	v48 =	vld.idx.msk [tilespmem:v48+s16+$0x0], $0xffff;
	v43 =	vsub.f32 v43, v30;
	v53 =	vsub.f32 v21, v44  }
0x10e: {  	v14 =	vmovc v33;
	v35 =	vmov v29;
	v49 =	vld.idx.msk [tilespmem:v49+s16+$0x0], $0xffff;
	v44 =	vsub.f32 v44, v28;
	v37 =	vsub.f32 v41, v33  }
0x10f: {  	v11 =	vmovc v40;
	v36 =	vsub.f32 v24, v41;
	v41 =	vor.u32 v59, v51;
	v33 =	vsub.f32 v42, v27  }
0x110: {  	v50 =	vld.idx.msk [tilespmem:v50+s16+$0x0], $0xffff;
	v45 =	vmin.f32 v54, v45;
	v52 =	vmin.f32 v52, v43;
	v44 =	vmin.f32 v53, v44  }
0x111: {  	v30 =	vmovc v21;
	v53 =	vsub.f32 v16, v1;
	v1 =	vsub.f32 v1, v29;
	v51 =	vmin.f32 v36, v37  }
0x112: {  	v23 =	vmovc v19;
	v21 =	vmovc v16;
	v37 =	vsub.f32 v8, v42;
	v42 =	vor.u32 $0x1, v41;
	v43 =	vsub.f32 v9, v47  }
0x113: {  	v28 =	vmovc v24;
	v47 =	vsub.f32 v47, v31;
	v45 =	vmul.f32 v45, v34;
	v44 =	vmul.f32 v44, v62  }
0x114: {  	v19 =	vmovc v12;
	v52 =	vmul.f32 v52, v2;
	v51 =	vmul.f32 v51, v22;
	v1 =	vmin.f32 v53, v1  }
0x115: {  	v24 =	vmovc v13;
	v53 =	vsub.f32 v46, v20;
	v46 =	vsub.f32 v6, v46;
	v54 =	vmin.f32 v37, v33  }
0x116: {  	[tilespmem:$0x1FF70] =	vst v6;
	v27 =	vmovc v56;
	v36 =	vmovc v34;
	v55 =	vmin.f32 v43, v47;
	v34 =	vmin.f32 v45, $1.000000020e+30;
	v45 =	vor.u32 $0x4, v41  }
0x117: {  	v29 =	vmovc v25;
	v25 =	vmovc v20;
	v1 =	vmul.f32 v1, v40;
	v46 =	vmin.f32 v46, v53;
	v53 =	vor.u32 $0xB, v0  }
0x118: {  	v16 =	vmovc v9;
	v43 =	vmin.f32 v34, v44;
	v44 =	vor.u32 $0x2, v41;
	v37 =	vmovc v62;
	v62 =	vsub.f32 v48, v12  }
0x119: {  	v9 =	vmovc v2;
	v40 =	vmovc v63;
	v48 =	vsub.f32 v5, v48;
	v0 =	vor.u32 $0xC, v0;
	v46 =	vmul.f32 v46, v57  }
0x11a: {  	v34 =	vmovc v57;
	v1 =	vmin.f32 v43, v1;
	v57 =	vsub.f32 v49, v63;
	v63 =	vsub.f32 v4, v50  }
0x11b: {  	v8 =	vmovc v4;
	v50 =	vsub.f32 v50, v10;
	v47 =	vmin.f32 v48, v62;
	v62 =	vsub.f32 v17, v49  }
0x11c: {  	v33 =	vmovc v31;
	v43 =	vor.u32 $0x5, v41;
	v48 =	vmul.f32 v54, v26;
	v1 =	vmin.f32 v1, v46;
	v53 =	vld.idx.msk [tilespmem:v53+s16+$0x0], $0xffff  }
0x11d: {  	v31 =	vmovc v26;
	v47 =	vmul.f32 v47, v13;
	v46 =	vmin.f32 v62, v57;
	v62 =	vmin.f32 v63, v50;
	v63 =	vld [tilespmem:$0x1FF90]  }
0x11e: {  	v20 =	vmovc v17;
	v12 =	vmovc v7;
	v49 =	vor.u32 $0x7, v41;
	v1 =	vmin.f32 v1, v48;
	v48 =	vor.u32 $0x8, v41;
	v0 =	vld.idx.msk [tilespmem:v0+s16+$0x0], $0xffff  }
0x11f: {  	[tilespmem:$0x1FF80] =	vst v5;
	v26 =	vmovc v22;
	v22 =	vmovc v61;
	v50 =	vor.u32 $0x6, v41;
	v1 =	vmin.f32 v1, v47;
	v47 =	vor.u32 $0x9, v41  }
0x120: {  	v17 =	vmovc v60;
	v13 =	vmovc v10;
	v54 =	vmul.f32 v46, v56;
	v46 =	vor.u32 $0xA, v41;
	v1 =	vmin.f32 v1, v52  }
0x121: {  	v10 =	vmovc v58;
	v1 =	vmin.f32 v1, v51;
	v2 =	vsub.f32 v53, v7;
	v53 =	vsub.f32 v3, v53  }
0x122: {  	s26 =	simm.s32 $0x15210;
	v51 =	vmul.f32 v55, v61;
	v52 =	vmin.f32 v1, v54;
	v54 =	vmul.f32 v62, v60;
	v6 =	vmovc v63  }
0x123: {  	s25 =	simm.s32 $0x20;
	s24 =	simm.s32 $0x15200;
	s23 =	simm.s32 $0x15210;
	v7 =	vmovc v3;
	v55 =	vsub.f32 v0, v58;
	v56 =	vmin.f32 v53, v2;
	v53 =	vsub.f32 v63, v0  }
.LBB2_7:
0x124: {  	_ = 	snop  }
0x125: {  	v1 =	vmul.f32 v56, v18;
	v0 =	vmin.f32 v52, v51;
	v61 =	vmin.f32 v53, v55  }
0x126: {  	v0 =	vmin.f32 v0, v54;
	v51 =	vmul.f32 v61, v15  }
0x127: {  	v0 =	vmin.f32 v0, v1  }
0x128: {  	s28 =	smov.u32 s25;
	v0 =	vmin.f32 v0, v51  }
0x129: {  	v5 =	vld [tilespmem:$0x1FF50];
	v62 =	vmov s28;
	[tilespmem:s24+$0x0] =	vst v0  }
0x12a: {  	v52 =	vshll.u32 v62, $0x7;
	v56 =	vld.idx.msk [tilespmem:v50+s16+$0x0], $0xffff  }
0x12b: {  	v1 =	vor.u32 v59, v52;
	v59 =	vld.idx.msk [tilespmem:v42+s16+$0x0], $0xffff  }
0x12c: {  	v60 =	vor.u32 $0x3, v41;
	v2 =	vor.u32 $0xB, v41;
	v63 =	vor.u32 $0x1, v1;
	v51 =	vld.idx.msk [tilespmem:v41+s16+$0x0], $0xffff  }
0x12d: {  	v52 =	vor.u32 $0x2, v1;
	v0 =	vor.u32 $0x4, v1;
	v53 =	vor.u32 $0x5, v1;
	v54 =	vld.idx.msk [tilespmem:v49+s16+$0x0], $0xffff  }
0x12e: {  	v3 =	vor.u32 $0x8, v1;
	v57 =	vor.u32 $0x9, v1;
	v58 =	vor.u32 $0xA, v1;
	v61 =	vld.idx.msk [tilespmem:v44+s16+$0x0], $0xffff  }
0x12f: {  	v49 =	vor.u32 $0x7, v1;
	v55 =	vld.idx.msk [tilespmem:v45+s16+$0x0], $0xffff;
	v45 =	vmovc v0;
	v0 =	vsub.f32 v38, v56;
	v56 =	vsub.f32 v56, v32  }
0x130: {  	v50 =	vor.u32 $0x6, v1;
	v62 =	vld.idx.msk [tilespmem:v47+s16+$0x0], $0xffff;
	v47 =	vmovc v57;
	v57 =	vsub.f32 v30, v59;
	v59 =	vsub.f32 v59, v39  }
0x131: {  	v42 =	vmovc v63;
	v63 =	vor.u32 $0xC, v41;
	v41 =	vmovc v1;
	v1 =	vsub.f32 v23, v51;
	v51 =	vsub.f32 v51, v29  }
0x132: {  	v60 =	vld.idx.msk [tilespmem:v60+s16+$0x0], $0xffff;
	v0 =	vmin.f32 v0, v56;
	v56 =	vsub.f32 v54, v14;
	v54 =	vsub.f32 v28, v54  }
0x133: {  	v57 =	vmin.f32 v57, v59;
	v59 =	vsub.f32 v21, v61;
	v1 =	vmin.f32 v1, v51;
	v51 =	vld [tilespmem:$0x1FF70]  }
0x134: {  	v61 =	vsub.f32 v61, v35;
	v54 =	vmin.f32 v54, v56;
	v56 =	vsub.f32 v5, v55;
	v5 =	vld [tilespmem:$0x1FF60]  }
0x135: {  	v44 =	vmov v52;
	v52 =	vld.idx.msk [tilespmem:v48+s16+$0x0], $0xffff  }
0x136: {  	v48 =	vmov v3;
	v3 =	vld.idx.msk [tilespmem:v43+s16+$0x0], $0xffff;
	v61 =	vmin.f32 v59, v61  }
0x137: {  	v43 =	vmovc v53;
	v59 =	vsub.f32 v60, v25;
	v53 =	vmul.f32 v61, v11;
	v61 =	vsub.f32 v16, v62  }
0x138: {  	v51 =	vsub.f32 v51, v60;
	v60 =	vsub.f32 v62, v33  }
0x139: {  	v55 =	vsub.f32 v55, v5;
	v5 =	vld.idx.msk [tilespmem:v46+s16+$0x0], $0xffff  }
0x13a: {  	v46 =	vmov v58;
	v58 =	vmin.f32 v61, v60;
	v60 =	vld [tilespmem:$0x1FF80]  }
0x13b: {  	v1 =	vmul.f32 v1, v36  }
0x13c: {  	v57 =	vmul.f32 v57, v37  }
0x13d: {  	v4 =	vsub.f32 v52, v40;
	v1 =	vmin.f32 v1, $1.000000020e+30;
	v51 =	vmin.f32 v51, v59  }
0x13e: {  	v2 =	vld.idx.msk [tilespmem:v2+s16+$0x0], $0xffff;
	v52 =	vsub.f32 v20, v52;
	v1 =	vmin.f32 v1, v57;
	v51 =	vmul.f32 v51, v34  }
0x13f: {  	v55 =	vmin.f32 v56, v55;
	v56 =	vsub.f32 v3, v19;
	v3 =	vsub.f32 v60, v3  }
0x140: {  	v4 =	vmin.f32 v52, v4;
	v0 =	vmul.f32 v0, v9;
	v1 =	vmin.f32 v1, v53  }
0x141: {  	v55 =	vmul.f32 v55, v31;
	v1 =	vmin.f32 v1, v51;
	v60 =	vld.idx.msk [tilespmem:v63+s16+$0x0], $0xffff;
	v3 =	vmin.f32 v3, v56  }
0x142: {  	p1 =	sne.s32 s25, $0x140;
	v61 =	vsub.f32 v8, v5;
	v5 =	vsub.f32 v5, v13;
	v3 =	vmul.f32 v3, v24  }
.Ltmp4:
0x143: {  	v54 =	vmul.f32 v54, v26;
	v1 =	vmin.f32 v1, v55;
	v63 =	vsub.f32 v7, v2;
	(pc) =	sbr.rel @p1 .LBB2_7-.Ltmp4, $4  }
0x144: {  	v62 =	vmin.f32 v61, v5;
	v5 =	vsub.f32 v2, v12;
	v1 =	vmin.f32 v1, v3  }
0x145: {  	v4 =	vmul.f32 v4, v27;
	v51 =	vmul.f32 v58, v22;
	v0 =	vmin.f32 v1, v0  }
0x146: {  	s26 =	sadd.s32 $0x10, s26;
	v56 =	vmin.f32 v63, v5;
	v53 =	vsub.f32 v6, v60;
	v0 =	vmin.f32 v0, v54  }
0x147: {  	s25 =	sadd.s32 $0x10, s25;
	s24 =	smov.u32 s23;
	s23 =	smov.u32 s26;
	v59 =	vld [tilespmem:$0x1FFF0];
	v55 =	vsub.f32 v60, v10;
	v54 =	vmul.f32 v62, v17;
	v52 =	vmin.f32 v0, v4  }
0x148: {  	_ = 	snop  }
0x149: {  	v0 =	vmin.f32 v52, v51;
	v1 =	vmul.f32 v56, v18;
	v2 =	vmin.f32 v53, v55  }
0x14a: {  	v0 =	vmin.f32 v0, v54;
	v2 =	vmul.f32 v2, v15  }
0x14b: {  	v0 =	vmin.f32 v0, v1  }
0x14c: {  	v0 =	vmin.f32 v0, v2  }
0x14d: {  	[tilespmem:s24+$0x0] =	vst v0  }
0x14e: {  	v0 =	vld.idx.msk [tilespmem:v49+s16+$0x0], $0xffff  }
0x14f: {  	v2 =	vld.idx.msk [tilespmem:v42+s16+$0x0], $0xffff;
	_ =	sdelay $0x1  }
0x150: {  	v1 =	vld.idx.msk [tilespmem:v50+s16+$0x0], $0xffff  }
0x151: {  	v5 =	vld.idx.msk [tilespmem:v44+s16+$0x0], $0xffff  }
0x152: {  	v4 =	vor.u32 $0x3, v41;
	v58 =	vld.idx.msk [tilespmem:v45+s16+$0x0], $0xffff  }
0x153: {  	v56 =	vmov v15;
	v15 =	vsub.f32 v30, v2;
	v30 =	vsub.f32 v0, v14;
	v14 =	vld [tilespmem:$0x1FF50]  }
0x154: {  	v3 =	vld.idx.msk [tilespmem:v41+s16+$0x0], $0xffff;
	v2 =	vsub.f32 v2, v39  }
0x155: {  	v57 =	vld.idx.msk [tilespmem:v48+s16+$0x0], $0xffff  }
0x156: {  	v62 =	vld.idx.msk [tilespmem:v47+s16+$0x0], $0xffff;
	v2 =	vmin.f32 v15, v2;
	v15 =	vsub.f32 v21, v5;
	v5 =	vsub.f32 v5, v35  }
0x157: {  	v4 =	vld.idx.msk [tilespmem:v4+s16+$0x0], $0xffff  }
0x158: {  	v61 =	vor.u32 $0xC, v41;
	v5 =	vmin.f32 v15, v5;
	v15 =	vsub.f32 v14, v58;
	v14 =	vld [tilespmem:$0x1FF60]  }
0x159: {  	v60 =	vsub.f32 v38, v1;
	v1 =	vsub.f32 v1, v32;
	v5 =	vmul.f32 v5, v11;
	v11 =	vld [tilespmem:$0x1FF70]  }
0x15a: {  	v63 =	vor.u32 $0xB, v41;
	v50 =	vsub.f32 v23, v3;
	v3 =	vsub.f32 v3, v29  }
0x15b: {  	v52 =	vld.idx.msk [tilespmem:v43+s16+$0x0], $0xffff;
	v0 =	vsub.f32 v28, v0;
	v23 =	vsub.f32 v57, v40;
	v1 =	vmin.f32 v60, v1  }
0x15c: {  	v20 =	vsub.f32 v20, v57;
	v3 =	vmin.f32 v50, v3;
	v1 =	vmul.f32 v1, v9;
	v9 =	vld [tilespmem:$0x1FF80]  }
0x15d: {  	v16 =	vsub.f32 v16, v62;
	v21 =	vsub.f32 v4, v25;
	v3 =	vmul.f32 v3, v36  }
0x15e: {  	v25 =	vld.idx.msk [tilespmem:v46+s16+$0x0], $0xffff;
	v2 =	vmul.f32 v2, v37;
	v14 =	vsub.f32 v58, v14;
	v4 =	vsub.f32 v11, v4  }
0x15f: {  	v0 =	vmin.f32 v0, v30;
	v3 =	vmin.f32 v3, $1.000000020e+30;
	v11 =	vsub.f32 v62, v33  }
0x160: {  	v2 =	vmin.f32 v3, v2;
	v28 =	vmin.f32 v15, v14;
	v4 =	vmin.f32 v4, v21  }
0x161: {  	v15 =	vsub.f32 v52, v19;
	v19 =	vmin.f32 v16, v11;
	v11 =	vld.idx.msk [tilespmem:v63+s16+$0x0], $0xffff;
	v14 =	vsub.f32 v9, v52  }
0x162: {  	v2 =	vmin.f32 v2, v5;
	v9 =	vmin.f32 v20, v23;
	v4 =	vmul.f32 v4, v34  }
0x163: {  	v16 =	vld.idx.msk [tilespmem:v61+s16+$0x0], $0xffff;
	v3 =	vmul.f32 v28, v31;
	v5 =	vmin.f32 v14, v15;
	v15 =	vsub.f32 v8, v25  }
0x164: {  	v2 =	vmin.f32 v2, v4;
	v4 =	vmul.f32 v5, v24;
	v5 =	vsub.f32 v25, v13  }
0x165: {  	v0 =	vmul.f32 v0, v26;
	v2 =	vmin.f32 v2, v3;
	v3 =	vmul.f32 v9, v27  }
0x166: {  	v2 =	vmin.f32 v2, v4;
	v4 =	vmin.f32 v15, v5;
	v5 =	vsub.f32 v11, v12  }
0x167: {  	v7 =	vsub.f32 v7, v11;
	v1 =	vmin.f32 v2, v1;
	v2 =	vmul.f32 v19, v22  }
0x168: {  	v0 =	vmin.f32 v1, v0;
	v1 =	vsub.f32 v6, v16;
	v6 =	vsub.f32 v16, v10  }
0x169: {  	v0 =	vmin.f32 v0, v3;
	v3 =	vmul.f32 v4, v17;
	v4 =	vmin.f32 v7, v5  }
0x16a: {  	v0 =	vmin.f32 v0, v2;
	v2 =	vmul.f32 v4, v18;
	v1 =	vmin.f32 v1, v6  }
0x16b: {  	v0 =	vmin.f32 v0, v3;
	v1 =	vmul.f32 v1, v56  }
0x16c: {  	v0 =	vmin.f32 v0, v2  }
0x16d: {  	v0 =	vmin.f32 v0, v1  }
0x16e: {  	[tilespmem:s23+$0x0] =	vst v0  }
0x16f: {  	v0 =	vld [tilespmem:$0x15180];
	_ =	sdelay $0x1  }
0x170: {  	v1 =	vld [tilespmem:$0x15190];
	_ =	sdelay $0x2  }
0x171: {  	v2 =	vbroadcast v0, $0xD  }
0x172: {  	v3 =	vbroadcast v0, $0xE;
	v4 =	vbroadcast v0, $0xF;
	v0 =	vld [tilespmem:$0x151A0]  }
0x173: {  	v5 =	vbroadcast v1, $0x0  }
0x174: {  	v6 =	vbroadcast v1, $0x1;
	v7 =	vbroadcast v1, $0x2  }
0x175: {  	v8 =	vbroadcast v1, $0x3;
	v9 =	vbroadcast v1, $0x4  }
0x176: {  	v26 =	vld [tilespmem:$0x151B0];
	v10 =	vbroadcast v1, $0x5;
	v11 =	vbroadcast v1, $0x6  }
0x177: {  	s31 =	simm.s32 $0x0;
	v12 =	vbroadcast v1, $0x7;
	v15 =	vbroadcast v0, $0xD  }
0x178: {  	v16 =	vbroadcast v0, $0xE;
	v17 =	vbroadcast v0, $0xF;
	v0 =	vmov s31  }
0x179: {  	v13 =	vbroadcast v1, $0x8;
	v14 =	vbroadcast v1, $0x9;
	v1 =	vld [tilespmem:$0x151C0];
	v0 =	vshll.u32 v0, $0x7  }
0x17a: {  	v0 =	vor.u32 v59, v0  }
0x17b: {  	v18 =	vbroadcast v26, $0x0;
	v19 =	vbroadcast v26, $0x1;
	v54 =	vor.u32 $0xD, v0  }
0x17c: {  	v53 =	vld [tilespmem:$0x151D0];
	v20 =	vbroadcast v26, $0x2;
	v21 =	vbroadcast v26, $0x3;
	v55 =	vor.u32 $0xE, v0  }
0x17d: {  	v22 =	vbroadcast v26, $0x4;
	v23 =	vbroadcast v26, $0x5;
	v56 =	vor.u32 $0xF, v0  }
0x17e: {  	v24 =	vbroadcast v26, $0x6;
	v28 =	vbroadcast v1, $0xD;
	v57 =	vor.u32 $0x10, v0  }
0x17f: {  	v29 =	vbroadcast v1, $0xE;
	v30 =	vbroadcast v1, $0xF;
	v1 =	vor.u32 $0x11, v0  }
0x180: {  	v25 =	vbroadcast v26, $0x7;
	v27 =	vbroadcast v26, $0x8;
	v60 =	vor.u32 $0x18, v0;
	v58 =	vld.idx.msk [tilespmem:v54+s16+$0x0], $0xffff  }
0x181: {  	v26 =	vbroadcast v26, $0x9;
	v31 =	vbroadcast v53, $0x0;
	v61 =	vld.idx.msk [tilespmem:v55+s16+$0x0], $0xffff  }
0x182: {  	v32 =	vbroadcast v53, $0x1;
	v33 =	vbroadcast v53, $0x2;
	v62 =	vor.u32 $0x12, v0;
	v45 =	vld.idx.msk [tilespmem:v56+s16+$0x0], $0xffff  }
0x183: {  	v34 =	vbroadcast v53, $0x3;
	v35 =	vbroadcast v53, $0x4;
	v63 =	vor.u32 $0x13, v0;
	v41 =	vld.idx.msk [tilespmem:v57+s16+$0x0], $0xffff  }
0x184: {  	v36 =	vbroadcast v53, $0x5;
	v37 =	vbroadcast v53, $0x6;
	v48 =	vor.u32 $0x14, v0;
	v1 =	vld.idx.msk [tilespmem:v1+s16+$0x0], $0xffff  }
0x185: {  	v38 =	vbroadcast v53, $0x7;
	v40 =	vbroadcast v53, $0x8;
	v43 =	vld.idx.msk [tilespmem:v60+s16+$0x0], $0xffff  }
0x186: {  	v39 =	vbroadcast v53, $0x9;
	v57 =	vsub.f32 v2, v58;
	v42 =	vsub.f32 v58, v15  }
0x187: {  	v49 =	vor.u32 $0x16, v0;
	v46 =	vld.idx.msk [tilespmem:v62+s16+$0x0], $0xffff;
	v60 =	vsub.f32 v3, v61;
	v44 =	vsub.f32 v61, v16  }
0x188: {  	v50 =	vor.u32 $0x17, v0;
	v47 =	vld.idx.msk [tilespmem:v63+s16+$0x0], $0xffff;
	v61 =	vsub.f32 v4, v45;
	v45 =	vsub.f32 v45, v17  }
0x189: {  	v48 =	vld.idx.msk [tilespmem:v48+s16+$0x0], $0xffff;
	v58 =	vor.u32 $0x15, v0;
	v62 =	vsub.f32 v5, v41;
	v63 =	vsub.f32 v1, v19  }
0x18a: {  	s23 =	simm.s32 $0x15200;
	v0 =	vor.u32 $0x19, v0;
	v56 =	vsub.f32 v13, v43;
	v1 =	vsub.f32 v6, v1  }
0x18b: {  	v51 =	vld [tilespmem:s23+$0x0];
	v43 =	vsub.f32 v43, v27;
	v41 =	vsub.f32 v41, v18;
	v42 =	vmin.f32 v57, v42  }
0x18c: {  	v44 =	vmin.f32 v60, v44;
	v45 =	vmin.f32 v61, v45;
	v1 =	vmin.f32 v1, v63  }
0x18d: {  	v49 =	vld.idx.msk [tilespmem:v49+s16+$0x0], $0xffff;
	v60 =	vsub.f32 v47, v21;
	v41 =	vmin.f32 v62, v41;
	v61 =	vsub.f32 v8, v47  }
0x18e: {  	v50 =	vld.idx.msk [tilespmem:v50+s16+$0x0], $0xffff;
	v62 =	vsub.f32 v9, v48;
	v42 =	vmul.f32 v42, v28;
	v44 =	vmul.f32 v44, v29  }
0x18f: {  	v48 =	vsub.f32 v48, v22;
	v45 =	vmul.f32 v45, v30;
	v1 =	vmul.f32 v1, v32  }
0x190: {  	v41 =	vmul.f32 v41, v31;
	v42 =	vmin.f32 v51, v42;
	v57 =	vld.idx.msk [tilespmem:v58+s16+$0x0], $0xffff;
	v58 =	vsub.f32 v7, v46  }
0x191: {  	v51 =	vmin.f32 v56, v43;
	v46 =	vsub.f32 v46, v20;
	v42 =	vmin.f32 v42, v44  }
0x192: {  	v43 =	vmin.f32 v61, v60;
	v60 =	vsub.f32 v49, v24;
	v42 =	vmin.f32 v42, v45  }
0x193: {  	v61 =	vsub.f32 v12, v50;
	v54 =	vmul.f32 v43, v34;
	v41 =	vmin.f32 v42, v41  }
0x194: {  	v56 =	vmin.f32 v58, v46;
	v58 =	vsub.f32 v11, v49;
	v1 =	vmin.f32 v41, v1  }
0x195: {  	v41 =	vld.idx.msk [tilespmem:v0+s16+$0x0], $0xffff;
	v0 =	vmul.f32 v56, v33;
	v63 =	vsub.f32 v57, v23;
	v55 =	vsub.f32 v10, v57  }
0x196: {  	v42 =	vmul.f32 v51, v40;
	v57 =	vmin.f32 v62, v48;
	v62 =	vmin.f32 v58, v60  }
0x197: {  	v45 =	vmul.f32 v57, v35;
	v0 =	vmin.f32 v1, v0;
	v43 =	vmin.f32 v55, v63  }
0x198: {  	v0 =	vmin.f32 v0, v54;
	v63 =	vsub.f32 v50, v25;
	v1 =	vmul.f32 v43, v36  }
0x199: {  	v55 =	vimm.f32 $0.0e+00;
	v43 =	vmul.f32 v62, v37;
	v0 =	vmin.f32 v0, v45  }
0x19a: {  	s25 =	simm.s32 $0x15000;
	s26 =	simm.s32 $0x10;
	s24 =	simm.s32 $0x15000;
	v46 =	vmin.f32 v61, v63;
	v44 =	vsub.f32 v14, v41;
	v45 =	vmin.f32 v0, v1  }
.LBB2_9:
0x19b: {  	p1 =	sne.s32 s26, $0x140;
	v0 =	vmul.f32 v46, v38;
	v1 =	vsub.f32 v41, v26;
	s23 =	sadd.s32 $0x10, s23;
	s25 =	sadd.s32 $0x10, s25  }
0x19c: {  	v41 =	vmov s26;
	s26 =	sadd.s32 $0x10, s26;
	v43 =	vmin.f32 v45, v43  }
0x19d: {  	v41 =	vshll.u32 v41, $0x7;
	v0 =	vmin.f32 v43, v0;
	v1 =	vmin.f32 v44, v1  }
0x19e: {  	v0 =	vmin.f32 v0, v42;
	v1 =	vmul.f32 v1, v39;
	v41 =	vor.u32 v59, v41  }
0x19f: {  	v42 =	vor.u32 $0xD, v41;
	v43 =	vor.u32 $0xE, v41;
	v44 =	vor.u32 $0xF, v41  }
0x1a0: {  	v45 =	vor.u32 $0x10, v41;
	v46 =	vor.u32 $0x11, v41;
	v0 =	vmin.f32 v0, v1  }
0x1a1: {  	v1 =	vor.u32 $0x13, v41;
	v47 =	vor.u32 $0x14, v41;
	vm0 =	vge.f32 v0, $0.0e+00  }
0x1a2: {  	v48 =	vor.u32 $0x17, v41;
	v0 =	vor.u32 $0x16, v41;
	v49 =	vsel vm0, $0x3F800000, v55  }
0x1a3: {  	v50 =	vor.u32 $0x19, v41;
	[tilespmem:s24+$0x0] =	vst v49;
	s24 =	smov.u32 s25  }
0x1a4: {  	v49 =	vor.u32 $0x18, v41;
	v42 =	vld.idx.msk [tilespmem:v42+s16+$0x0], $0xffff  }
0x1a5: {  	v43 =	vld.idx.msk [tilespmem:v43+s16+$0x0], $0xffff  }
0x1a6: {  	v51 =	vor.u32 $0x12, v41;
	v44 =	vld.idx.msk [tilespmem:v44+s16+$0x0], $0xffff  }
0x1a7: {  	v45 =	vld.idx.msk [tilespmem:v45+s16+$0x0], $0xffff  }
0x1a8: {  	v46 =	vld.idx.msk [tilespmem:v46+s16+$0x0], $0xffff  }
0x1a9: {  	v49 =	vld.idx.msk [tilespmem:v49+s16+$0x0], $0xffff  }
0x1aa: {  	v41 =	vor.u32 $0x15, v41;
	v53 =	vsub.f32 v2, v42;
	v42 =	vsub.f32 v42, v15;
	v52 =	vld [tilespmem:s23+$0x0]  }
0x1ab: {  	v54 =	vsub.f32 v3, v43;
	v43 =	vsub.f32 v43, v16;
	v51 =	vld.idx.msk [tilespmem:v51+s16+$0x0], $0xffff  }
0x1ac: {  	v42 =	vmin.f32 v53, v42;
	v53 =	vsub.f32 v4, v44;
	v44 =	vsub.f32 v44, v17;
	v1 =	vld.idx.msk [tilespmem:v1+s16+$0x0], $0xffff  }
0x1ad: {  	v42 =	vmul.f32 v42, v28;
	v43 =	vmin.f32 v54, v43;
	v54 =	vsub.f32 v5, v45  }
0x1ae: {  	v43 =	vmul.f32 v43, v29;
	v44 =	vmin.f32 v53, v44;
	v53 =	vsub.f32 v46, v19;
	v47 =	vld.idx.msk [tilespmem:v47+s16+$0x0], $0xffff  }
0x1af: {  	v44 =	vmul.f32 v44, v30;
	v42 =	vmin.f32 v52, v42;
	v41 =	vld.idx.msk [tilespmem:v41+s16+$0x0], $0xffff;
	v52 =	vsub.f32 v13, v49  }
0x1b0: {  	v42 =	vmin.f32 v42, v43;
	v43 =	vsub.f32 v6, v46;
	v46 =	vsub.f32 v49, v27  }
0x1b1: {  	v42 =	vmin.f32 v42, v44;
	v44 =	vsub.f32 v45, v18;
	v45 =	vsub.f32 v7, v51  }
0x1b2: {  	v49 =	vsub.f32 v1, v21;
	v43 =	vmin.f32 v43, v53;
	v0 =	vld.idx.msk [tilespmem:v0+s16+$0x0], $0xffff;
	v46 =	vmin.f32 v52, v46  }
0x1b3: {  	v1 =	vsub.f32 v8, v1;
	v44 =	vmin.f32 v54, v44;
	v43 =	vmul.f32 v43, v32;
	v48 =	vld.idx.msk [tilespmem:v48+s16+$0x0], $0xffff  }
0x1b4: {  	v52 =	vsub.f32 v9, v47;
	v47 =	vsub.f32 v47, v22;
	v44 =	vmul.f32 v44, v31  }
0x1b5: {  	v51 =	vsub.f32 v51, v20;
	v1 =	vmin.f32 v1, v49;
	v49 =	vsub.f32 v41, v23  }
0x1b6: {  	v1 =	vmul.f32 v1, v34;
	v42 =	vmin.f32 v42, v44;
	v44 =	vsub.f32 v10, v41  }
0x1b7: {  	v42 =	vmin.f32 v42, v43;
	v43 =	vmin.f32 v45, v51;
	v45 =	vmin.f32 v52, v47;
	v41 =	vld.idx.msk [tilespmem:v50+s16+$0x0], $0xffff  }
0x1b8: {  	v47 =	vsub.f32 v11, v0;
	v0 =	vsub.f32 v0, v24;
	v43 =	vmul.f32 v43, v33  }
.Ltmp5:
0x1b9: {  	v45 =	vmul.f32 v45, v35;
	v44 =	vmin.f32 v44, v49;
	v49 =	vsub.f32 v12, v48;
	(pc) =	sbr.rel @p1 .LBB2_9-.Ltmp5, $4  }
0x1ba: {  	v44 =	vmul.f32 v44, v36;
	v0 =	vmin.f32 v47, v0;
	v42 =	vmin.f32 v42, v43  }
0x1bb: {  	v43 =	vmul.f32 v0, v37;
	v0 =	vsub.f32 v48, v25;
	v1 =	vmin.f32 v42, v1  }
0x1bc: {  	v42 =	vmul.f32 v46, v40;
	v1 =	vmin.f32 v1, v45  }
0x1bd: {  	v46 =	vmin.f32 v49, v0;
	v45 =	vmin.f32 v1, v44;
	v44 =	vsub.f32 v14, v41  }
0x1be: {  	v0 =	vsub.f32 v41, v26  }
0x1bf: {  	v1 =	vmul.f32 v46, v38  }
0x1c0: {  	v2 =	vmin.f32 v45, v43;
	v0 =	vmin.f32 v44, v0  }
0x1c1: {  	v1 =	vmin.f32 v2, v1;
	v0 =	vmul.f32 v0, v39  }
0x1c2: {  	v1 =	vmin.f32 v1, v42  }
0x1c3: {  	v0 =	vmin.f32 v1, v0  }
0x1c4: {  	s21 =	sadd.s32 $0x1, s21;
	vm0 =	vge.f32 v0, $0.0e+00  }
0x1c5: {  	s22 =	sshrl.u32 s22, $0x3;
	p1 =	sne.s32 s21, $0x2E;
	v0 =	vsel vm0, $0x3F800000, v55  }
.Ltmp6:
0x1c6: {  	s22 =	sadd.s32 s2, s22;
	[tilespmem:s24+$0x0] =	vst v0;
	(pc) =	sbr.rel @p1 .LBB2_2-.Ltmp6, $4  }
0x1c7: {  	[hbm4b:s22+s3] =	stream.linear.scatter [tilespmem:s18], [sflag:$0x3], $0x150, $0x38;
	[tilespmem:$0x15380] =	vst v63  }
0x1c8: {  	_ =	swait.ge [sflag:s15], $0x150  }
0x1c9: {  	[sflag:s15] =	ssyncset.done $0x0  }
0x1ca: {  	[sflag:s15] =	ssyncadd.s32 $0xFFFFFEB0  }
0x1cb: {  	_ =	swait.ge [sflag:s17], $0xA800  }
0x1cc: {  	[sflag:s17] =	ssyncset.done $0x0  }
0x1cd: {  	[sflag:s17] =	ssyncadd.s32 $0xFFFF5800  }
0x1ce: {  	v0 =	vld [tilespmem:$0x15180];
	_ =	sdelay $0x4  }
0x1cf: {  	v15 =	vbroadcast v0, $0x0  }
0x1d0: {  	v21 =	vbroadcast v0, $0x1;
	v11 =	vbroadcast v0, $0x2  }
0x1d1: {  	v1 =	vld [tilespmem:$0x151A0];
	v6 =	vbroadcast v0, $0x3;
	v8 =	vbroadcast v0, $0x4  }
0x1d2: {  	v5 =	vbroadcast v0, $0x5;
	v23 =	vbroadcast v0, $0x6  }
0x1d3: {  	s21 =	simm.s32 $0x0;
	v20 =	vbroadcast v0, $0x7;
	v56 =	vbroadcast v0, $0x8  }
0x1d4: {  	s31 =	simm.s32 $0x10;
	v35 =	vmov s21;
	v9 =	vbroadcast v0, $0x9;
	v4 =	vbroadcast v0, $0xA  }
0x1d5: {  	v51 =	vmov s31;
	v3 =	vbroadcast v0, $0xB;
	v0 =	vbroadcast v0, $0xC  }
0x1d6: {  	v51 =	vshll.u32 v51, $0x7;
	v24 =	vbroadcast v1, $0x0;
	v28 =	vbroadcast v1, $0x1  }
0x1d7: {  	v12 =	vld [tilespmem:$0x151C0];
	v30 =	vbroadcast v1, $0x2;
	v19 =	vbroadcast v1, $0x3;
	[tilespmem:$0x1FF40] =	vst v0;
	v0 =	vshll.u32 v35, $0x7  }
0x1d8: {  	v25 =	vbroadcast v1, $0x4;
	v17 =	vbroadcast v1, $0x5;
	v0 =	vor.u32 v59, v0  }
0x1d9: {  	v29 =	vbroadcast v1, $0x6;
	v33 =	vbroadcast v1, $0x7;
	v14 =	vor.u32 $0x6, v0  }
0x1da: {  	v63 =	vbroadcast v1, $0x8;
	v27 =	vbroadcast v1, $0x9;
	v18 =	vor.u32 $0x1, v0  }
0x1db: {  	v10 =	vbroadcast v1, $0xA;
	v7 =	vbroadcast v1, $0xB;
	v13 =	vor.u32 $0x7, v0  }
0x1dc: {  	v58 =	vbroadcast v1, $0xC;
	v34 =	vbroadcast v12, $0x0;
	v36 =	vor.u32 $0x2, v0  }
0x1dd: {  	v62 =	vbroadcast v12, $0x1;
	v40 =	vbroadcast v12, $0x2;
	v42 =	vor.u32 $0x4, v0;
	v45 =	vld.idx.msk [tilespmem:v0+s3+$0x0], $0xffff  }
0x1de: {  	v31 =	vbroadcast v12, $0x3;
	v26 =	vbroadcast v12, $0x4;
	v46 =	vor.u32 $0x3, v0;
	v43 =	vld.idx.msk [tilespmem:v14+s3+$0x0], $0xffff  }
0x1df: {  	v2 =	vbroadcast v12, $0x6;
	v22 =	vbroadcast v12, $0x7;
	v47 =	vor.u32 $0x9, v0;
	v44 =	vld.idx.msk [tilespmem:v18+s3+$0x0], $0xffff  }
0x1e0: {  	v57 =	vbroadcast v12, $0x8;
	v61 =	vbroadcast v12, $0x9;
	v48 =	vor.u32 $0x5, v0;
	v41 =	vld.idx.msk [tilespmem:v13+s3+$0x0], $0xffff  }
0x1e1: {  	v60 =	vbroadcast v12, $0xA;
	v16 =	vbroadcast v12, $0xC;
	v38 =	vmovc v23;
	v49 =	vor.u32 $0x8, v0;
	v1 =	vld.idx.msk [tilespmem:v36+s3+$0x0], $0xffff  }
0x1e2: {  	v32 =	vmovc v29;
	v39 =	vmov v28;
	v35 =	vmov v30;
	[tilespmem:$0x1FF00] =	vst v8;
	v42 =	vld.idx.msk [tilespmem:v42+s3+$0x0], $0xffff;
	v54 =	vsub.f32 v15, v45  }
0x1e3: {  	[tilespmem:$0x1FF10] =	vst v25;
	v50 =	vor.u32 $0xA, v0;
	v46 =	vld.idx.msk [tilespmem:v46+s3+$0x0], $0xffff;
	v45 =	vsub.f32 v45, v24;
	v52 =	vsub.f32 v23, v43  }
0x1e4: {  	[tilespmem:$0x1FF20] =	vst v6;
	v13 =	vbroadcast v12, $0x5;
	v47 =	vld.idx.msk [tilespmem:v47+s3+$0x0], $0xffff;
	v43 =	vsub.f32 v43, v29;
	v53 =	vsub.f32 v21, v44  }
0x1e5: {  	v18 =	vbroadcast v12, $0xB;
	v14 =	vmovc v33;
	v48 =	vld.idx.msk [tilespmem:v48+s3+$0x0], $0xffff;
	v44 =	vsub.f32 v44, v28;
	v37 =	vsub.f32 v41, v33  }
0x1e6: {  	v49 =	vld.idx.msk [tilespmem:v49+s3+$0x0], $0xffff;
	v36 =	vsub.f32 v11, v1;
	v55 =	vsub.f32 v20, v41;
	v41 =	vor.u32 v59, v51  }
0x1e7: {  	v12 =	vmovc v7;
	v1 =	vsub.f32 v1, v30;
	v33 =	vsub.f32 v42, v25;
	v45 =	vmin.f32 v54, v45  }
0x1e8: {  	v29 =	vmovc v21;
	v52 =	vmin.f32 v52, v43;
	v44 =	vmin.f32 v53, v44;
	v51 =	vmin.f32 v55, v37  }
0x1e9: {  	v23 =	vmovc v15;
	v37 =	vsub.f32 v8, v42;
	v1 =	vmin.f32 v36, v1;
	v53 =	vsub.f32 v46, v19  }
0x1ea: {  	v21 =	vmovc v11;
	v28 =	vmovc v20;
	v42 =	vor.u32 $0x1, v41;
	v46 =	vsub.f32 v6, v46;
	v43 =	vsub.f32 v9, v47  }
0x1eb: {  	v11 =	vmovc v40;
	v47 =	vsub.f32 v47, v27;
	v45 =	vmul.f32 v45, v34;
	v44 =	vmul.f32 v44, v62  }
0x1ec: {  	v1 =	vmul.f32 v1, v40;
	v40 =	vmovc v63;
	v63 =	vsub.f32 v49, v63;
	v52 =	vmul.f32 v52, v2  }
0x1ed: {  	v30 =	vmovc v24;
	v51 =	vmul.f32 v51, v22;
	v54 =	vmin.f32 v37, v33;
	v46 =	vmin.f32 v46, v53  }
0x1ee: {  	v50 =	vld.idx.msk [tilespmem:v50+s3+$0x0], $0xffff;
	v25 =	vmovc v19;
	v36 =	vmovc v34;
	v53 =	vor.u32 $0xB, v0;
	v55 =	vmin.f32 v43, v47;
	v34 =	vmin.f32 v45, $1.000000020e+30  }
0x1ef: {  	v15 =	vmovc v9;
	v0 =	vor.u32 $0xC, v0;
	v37 =	vmovc v62;
	v62 =	vsub.f32 v48, v17;
	v48 =	vsub.f32 v5, v48  }
0x1f0: {  	v20 =	vmovc v56;
	v24 =	vmovc v13;
	v45 =	vor.u32 $0x4, v41;
	v43 =	vmin.f32 v34, v44;
	v46 =	vmul.f32 v46, v31  }
0x1f1: {  	v19 =	vmovc v17;
	v1 =	vmin.f32 v43, v1;
	v47 =	vmin.f32 v48, v62;
	v62 =	vsub.f32 v56, v49  }
0x1f2: {  	v9 =	vmovc v2;
	v8 =	vmovc v4;
	v44 =	vor.u32 $0x2, v41;
	v1 =	vmin.f32 v1, v46;
	v48 =	vmul.f32 v54, v26  }
0x1f3: {  	v53 =	vld.idx.msk [tilespmem:v53+s3+$0x0], $0xffff;
	v46 =	vmin.f32 v62, v63;
	v63 =	vsub.f32 v4, v50;
	v50 =	vsub.f32 v50, v10  }
0x1f4: {  	v33 =	vmovc v27;
	v27 =	vmovc v57;
	v43 =	vor.u32 $0x5, v41;
	v49 =	vor.u32 $0x7, v41;
	v47 =	vmul.f32 v47, v13;
	v0 =	vld.idx.msk [tilespmem:v0+s3+$0x0], $0xffff  }
0x1f5: {  	v17 =	vmovc v60;
	v34 =	vmovc v31;
	v1 =	vmin.f32 v1, v48;
	v48 =	vor.u32 $0x8, v41;
	v62 =	vmin.f32 v63, v50;
	v63 =	vld [tilespmem:$0x1FF40]  }
0x1f6: {  	v31 =	vmovc v26;
	v26 =	vmovc v22;
	v1 =	vmin.f32 v1, v47;
	v47 =	vor.u32 $0x9, v41;
	v54 =	vmul.f32 v46, v57  }
0x1f7: {  	[tilespmem:$0x1FF30] =	vst v5;
	v22 =	vmovc v61;
	v13 =	vmovc v10;
	v46 =	vor.u32 $0xA, v41;
	v1 =	vmin.f32 v1, v52;
	v50 =	vor.u32 $0x6, v41  }
0x1f8: {  	v10 =	vmovc v58;
	v1 =	vmin.f32 v1, v51;
	v2 =	vsub.f32 v53, v7;
	v53 =	vsub.f32 v3, v53  }
0x1f9: {  	s22 =	simm.s32 $0x15200;
	v51 =	vmul.f32 v55, v61;
	v7 =	vmovc v3;
	v52 =	vmin.f32 v1, v54;
	v55 =	vsub.f32 v0, v58  }
0x1fa: {  	s23 =	simm.s32 $0x20;
	s24 =	simm.s32 $0x15210;
	s21 =	simm.s32 $0x15210;
	v54 =	vmul.f32 v62, v60;
	v56 =	vmin.f32 v53, v2;
	v6 =	vmovc v63;
	v53 =	vsub.f32 v63, v0  }
.LBB2_12:
0x1fb: {  	_ = 	snop  }
0x1fc: {  	v1 =	vmul.f32 v56, v18;
	v0 =	vmin.f32 v52, v51;
	v61 =	vmin.f32 v53, v55  }
0x1fd: {  	v0 =	vmin.f32 v0, v54;
	v51 =	vmul.f32 v61, v16  }
0x1fe: {  	v0 =	vmin.f32 v0, v1  }
0x1ff: {  	s25 =	smov.u32 s23;
	v0 =	vmin.f32 v0, v51  }
0x200: {  	v5 =	vld [tilespmem:$0x1FF00];
	v62 =	vmov s25;
	[tilespmem:s22+$0x0] =	vst v0  }
0x201: {  	v52 =	vshll.u32 v62, $0x7;
	v56 =	vld.idx.msk [tilespmem:v50+s3+$0x0], $0xffff  }
0x202: {  	v1 =	vor.u32 v59, v52;
	v59 =	vld.idx.msk [tilespmem:v42+s3+$0x0], $0xffff  }
0x203: {  	v60 =	vor.u32 $0x3, v41;
	v2 =	vor.u32 $0xB, v41;
	v63 =	vor.u32 $0x1, v1;
	v51 =	vld.idx.msk [tilespmem:v41+s3+$0x0], $0xffff  }
0x204: {  	v52 =	vor.u32 $0x2, v1;
	v0 =	vor.u32 $0x4, v1;
	v53 =	vor.u32 $0x5, v1;
	v54 =	vld.idx.msk [tilespmem:v49+s3+$0x0], $0xffff  }
0x205: {  	v3 =	vor.u32 $0x8, v1;
	v57 =	vor.u32 $0x9, v1;
	v58 =	vor.u32 $0xA, v1;
	v61 =	vld.idx.msk [tilespmem:v44+s3+$0x0], $0xffff  }
0x206: {  	v49 =	vor.u32 $0x7, v1;
	v55 =	vld.idx.msk [tilespmem:v45+s3+$0x0], $0xffff;
	v45 =	vmovc v0;
	v0 =	vsub.f32 v38, v56;
	v56 =	vsub.f32 v56, v32  }
0x207: {  	v50 =	vor.u32 $0x6, v1;
	v62 =	vld.idx.msk [tilespmem:v47+s3+$0x0], $0xffff;
	v47 =	vmovc v57;
	v57 =	vsub.f32 v29, v59;
	v59 =	vsub.f32 v59, v39  }
0x208: {  	v42 =	vmovc v63;
	v63 =	vor.u32 $0xC, v41;
	v41 =	vmovc v1;
	v1 =	vsub.f32 v23, v51;
	v51 =	vsub.f32 v51, v30  }
0x209: {  	v60 =	vld.idx.msk [tilespmem:v60+s3+$0x0], $0xffff;
	v0 =	vmin.f32 v0, v56;
	v56 =	vsub.f32 v54, v14;
	v54 =	vsub.f32 v28, v54  }
0x20a: {  	v57 =	vmin.f32 v57, v59;
	v59 =	vsub.f32 v21, v61;
	v1 =	vmin.f32 v1, v51;
	v51 =	vld [tilespmem:$0x1FF20]  }
0x20b: {  	v61 =	vsub.f32 v61, v35;
	v54 =	vmin.f32 v54, v56;
	v56 =	vsub.f32 v5, v55;
	v5 =	vld [tilespmem:$0x1FF10]  }
0x20c: {  	v44 =	vmov v52;
	v52 =	vld.idx.msk [tilespmem:v48+s3+$0x0], $0xffff  }
0x20d: {  	v48 =	vmov v3;
	v3 =	vld.idx.msk [tilespmem:v43+s3+$0x0], $0xffff;
	v61 =	vmin.f32 v59, v61  }
0x20e: {  	v43 =	vmovc v53;
	v59 =	vsub.f32 v60, v25;
	v53 =	vmul.f32 v61, v11;
	v61 =	vsub.f32 v15, v62  }
0x20f: {  	v51 =	vsub.f32 v51, v60;
	v60 =	vsub.f32 v62, v33  }
0x210: {  	v55 =	vsub.f32 v55, v5;
	v5 =	vld.idx.msk [tilespmem:v46+s3+$0x0], $0xffff  }
0x211: {  	v46 =	vmov v58;
	v58 =	vmin.f32 v61, v60;
	v60 =	vld [tilespmem:$0x1FF30]  }
0x212: {  	v1 =	vmul.f32 v1, v36  }
0x213: {  	v57 =	vmul.f32 v57, v37  }
0x214: {  	v4 =	vsub.f32 v52, v40;
	v1 =	vmin.f32 v1, $1.000000020e+30;
	v51 =	vmin.f32 v51, v59  }
0x215: {  	v2 =	vld.idx.msk [tilespmem:v2+s3+$0x0], $0xffff;
	v52 =	vsub.f32 v20, v52;
	v1 =	vmin.f32 v1, v57;
	v51 =	vmul.f32 v51, v34  }
0x216: {  	v55 =	vmin.f32 v56, v55;
	v56 =	vsub.f32 v3, v19;
	v3 =	vsub.f32 v60, v3  }
0x217: {  	v4 =	vmin.f32 v52, v4;
	v0 =	vmul.f32 v0, v9;
	v1 =	vmin.f32 v1, v53  }
0x218: {  	v55 =	vmul.f32 v55, v31;
	v1 =	vmin.f32 v1, v51;
	v60 =	vld.idx.msk [tilespmem:v63+s3+$0x0], $0xffff;
	v3 =	vmin.f32 v3, v56  }
0x219: {  	p1 =	sne.s32 s23, $0x140;
	v61 =	vsub.f32 v8, v5;
	v5 =	vsub.f32 v5, v13;
	v3 =	vmul.f32 v3, v24  }
.Ltmp7:
0x21a: {  	v54 =	vmul.f32 v54, v26;
	v1 =	vmin.f32 v1, v55;
	v63 =	vsub.f32 v7, v2;
	(pc) =	sbr.rel @p1 .LBB2_12-.Ltmp7, $4  }
0x21b: {  	v62 =	vmin.f32 v61, v5;
	v5 =	vsub.f32 v2, v12;
	v1 =	vmin.f32 v1, v3  }
0x21c: {  	v4 =	vmul.f32 v4, v27;
	v51 =	vmul.f32 v58, v22;
	v0 =	vmin.f32 v1, v0  }
0x21d: {  	s24 =	sadd.s32 $0x10, s24;
	v56 =	vmin.f32 v63, v5;
	v53 =	vsub.f32 v6, v60;
	v0 =	vmin.f32 v0, v54  }
0x21e: {  	s23 =	sadd.s32 $0x10, s23;
	s22 =	smov.u32 s21;
	s21 =	smov.u32 s24;
	v59 =	vld [tilespmem:$0x1FFF0];
	v55 =	vsub.f32 v60, v10;
	v54 =	vmul.f32 v62, v17;
	v52 =	vmin.f32 v0, v4  }
0x21f: {  	_ = 	snop  }
0x220: {  	v0 =	vmin.f32 v52, v51;
	v1 =	vmul.f32 v56, v18;
	v2 =	vmin.f32 v53, v55  }
0x221: {  	v0 =	vmin.f32 v0, v54;
	v2 =	vmul.f32 v2, v16  }
0x222: {  	v0 =	vmin.f32 v0, v1  }
0x223: {  	v0 =	vmin.f32 v0, v2  }
0x224: {  	[tilespmem:s22+$0x0] =	vst v0  }
0x225: {  	v0 =	vld.idx.msk [tilespmem:v49+s3+$0x0], $0xffff  }
0x226: {  	v1 =	vld.idx.msk [tilespmem:v50+s3+$0x0], $0xffff  }
0x227: {  	v2 =	vld.idx.msk [tilespmem:v42+s3+$0x0], $0xffff  }
0x228: {  	v4 =	vor.u32 $0x3, v41;
	v5 =	vld.idx.msk [tilespmem:v44+s3+$0x0], $0xffff  }
0x229: {  	v3 =	vld.idx.msk [tilespmem:v41+s3+$0x0], $0xffff  }
0x22a: {  	v56 =	vld.idx.msk [tilespmem:v48+s3+$0x0], $0xffff  }
0x22b: {  	v57 =	vld.idx.msk [tilespmem:v45+s3+$0x0], $0xffff  }
0x22c: {  	v55 =	vmov v16;
	v16 =	vsub.f32 v29, v2;
	v29 =	vsub.f32 v0, v14;
	v14 =	vld [tilespmem:$0x1FF00]  }
0x22d: {  	v4 =	vld.idx.msk [tilespmem:v4+s3+$0x0], $0xffff;
	v50 =	vsub.f32 v21, v5;
	v5 =	vsub.f32 v5, v35  }
0x22e: {  	v60 =	vor.u32 $0xC, v41;
	v61 =	vld.idx.msk [tilespmem:v47+s3+$0x0], $0xffff;
	v58 =	vsub.f32 v38, v1  }
0x22f: {  	v52 =	vld.idx.msk [tilespmem:v43+s3+$0x0], $0xffff;
	v1 =	vsub.f32 v1, v32;
	v2 =	vsub.f32 v2, v39;
	v5 =	vmin.f32 v50, v5  }
0x230: {  	v63 =	vsub.f32 v23, v3;
	v0 =	vsub.f32 v28, v0;
	v5 =	vmul.f32 v5, v11;
	v11 =	vld [tilespmem:$0x1FF20]  }
0x231: {  	v62 =	vor.u32 $0xB, v41;
	v3 =	vsub.f32 v3, v30;
	v28 =	vsub.f32 v14, v57;
	v14 =	vld [tilespmem:$0x1FF10]  }
0x232: {  	v23 =	vsub.f32 v56, v40;
	v21 =	vsub.f32 v4, v25;
	v1 =	vmin.f32 v58, v1  }
0x233: {  	v25 =	vsub.f32 v15, v61;
	v3 =	vmin.f32 v63, v3;
	v1 =	vmul.f32 v1, v9;
	v9 =	vld [tilespmem:$0x1FF30]  }
0x234: {  	v15 =	vsub.f32 v52, v19;
	v2 =	vmin.f32 v16, v2;
	v3 =	vmul.f32 v3, v36  }
0x235: {  	v2 =	vmul.f32 v2, v37;
	v4 =	vsub.f32 v11, v4;
	v11 =	vsub.f32 v61, v33  }
0x236: {  	v16 =	vsub.f32 v20, v56;
	v20 =	vld.idx.msk [tilespmem:v46+s3+$0x0], $0xffff;
	v3 =	vmin.f32 v3, $1.000000020e+30;
	v14 =	vsub.f32 v57, v14  }
0x237: {  	v2 =	vmin.f32 v3, v2;
	v4 =	vmin.f32 v4, v21;
	v19 =	vmin.f32 v25, v11  }
0x238: {  	v11 =	vld.idx.msk [tilespmem:v62+s3+$0x0], $0xffff;
	v4 =	vmul.f32 v4, v34;
	v28 =	vmin.f32 v28, v14;
	v14 =	vsub.f32 v9, v52  }
0x239: {  	v0 =	vmin.f32 v0, v29;
	v2 =	vmin.f32 v2, v5;
	v9 =	vmin.f32 v16, v23  }
0x23a: {  	v16 =	vld.idx.msk [tilespmem:v60+s3+$0x0], $0xffff;
	v3 =	vmul.f32 v28, v31;
	v2 =	vmin.f32 v2, v4;
	v5 =	vmin.f32 v14, v15  }
0x23b: {  	v15 =	vsub.f32 v8, v20;
	v4 =	vmul.f32 v5, v24;
	v5 =	vsub.f32 v20, v13  }
0x23c: {  	v0 =	vmul.f32 v0, v26;
	v2 =	vmin.f32 v2, v3;
	v3 =	vmul.f32 v9, v27  }
0x23d: {  	v7 =	vsub.f32 v7, v11;
	v2 =	vmin.f32 v2, v4;
	v4 =	vmin.f32 v15, v5  }
0x23e: {  	v5 =	vsub.f32 v11, v12;
	v1 =	vmin.f32 v2, v1;
	v2 =	vmul.f32 v19, v22  }
0x23f: {  	v0 =	vmin.f32 v1, v0;
	v1 =	vsub.f32 v6, v16;
	v6 =	vsub.f32 v16, v10  }
0x240: {  	v0 =	vmin.f32 v0, v3;
	v3 =	vmul.f32 v4, v17;
	v4 =	vmin.f32 v7, v5  }
0x241: {  	v0 =	vmin.f32 v0, v2;
	v2 =	vmul.f32 v4, v18;
	v1 =	vmin.f32 v1, v6  }
0x242: {  	v0 =	vmin.f32 v0, v3;
	v1 =	vmul.f32 v1, v55  }
0x243: {  	v0 =	vmin.f32 v0, v2  }
0x244: {  	v0 =	vmin.f32 v0, v1  }
0x245: {  	[tilespmem:s21+$0x0] =	vst v0  }
0x246: {  	v0 =	vld [tilespmem:$0x15180];
	_ =	sdelay $0x1  }
0x247: {  	v1 =	vld [tilespmem:$0x15190];
	_ =	sdelay $0x2  }
0x248: {  	v2 =	vbroadcast v0, $0xD  }
0x249: {  	v3 =	vbroadcast v0, $0xE;
	v4 =	vbroadcast v0, $0xF;
	v0 =	vld [tilespmem:$0x151A0]  }
0x24a: {  	v5 =	vbroadcast v1, $0x0  }
0x24b: {  	v6 =	vbroadcast v1, $0x1;
	v7 =	vbroadcast v1, $0x2  }
0x24c: {  	v8 =	vbroadcast v1, $0x3;
	v9 =	vbroadcast v1, $0x4  }
0x24d: {  	v26 =	vld [tilespmem:$0x151B0];
	v10 =	vbroadcast v1, $0x5;
	v11 =	vbroadcast v1, $0x6  }
0x24e: {  	s31 =	simm.s32 $0x0;
	v12 =	vbroadcast v1, $0x7;
	v15 =	vbroadcast v0, $0xD  }
0x24f: {  	v16 =	vbroadcast v0, $0xE;
	v17 =	vbroadcast v0, $0xF;
	v0 =	vmov s31  }
0x250: {  	v13 =	vbroadcast v1, $0x8;
	v14 =	vbroadcast v1, $0x9;
	v1 =	vld [tilespmem:$0x151C0];
	v0 =	vshll.u32 v0, $0x7  }
0x251: {  	v0 =	vor.u32 v59, v0  }
0x252: {  	v18 =	vbroadcast v26, $0x0;
	v19 =	vbroadcast v26, $0x1;
	v54 =	vor.u32 $0xD, v0  }
0x253: {  	v53 =	vld [tilespmem:$0x151D0];
	v20 =	vbroadcast v26, $0x2;
	v21 =	vbroadcast v26, $0x3;
	v55 =	vor.u32 $0xE, v0  }
0x254: {  	v22 =	vbroadcast v26, $0x4;
	v23 =	vbroadcast v26, $0x5;
	v56 =	vor.u32 $0xF, v0  }
0x255: {  	v24 =	vbroadcast v26, $0x6;
	v28 =	vbroadcast v1, $0xD;
	v57 =	vor.u32 $0x10, v0  }
0x256: {  	v29 =	vbroadcast v1, $0xE;
	v30 =	vbroadcast v1, $0xF;
	v1 =	vor.u32 $0x11, v0  }
0x257: {  	v25 =	vbroadcast v26, $0x7;
	v27 =	vbroadcast v26, $0x8;
	v60 =	vor.u32 $0x18, v0;
	v58 =	vld.idx.msk [tilespmem:v54+s3+$0x0], $0xffff  }
0x258: {  	v26 =	vbroadcast v26, $0x9;
	v31 =	vbroadcast v53, $0x0;
	v61 =	vld.idx.msk [tilespmem:v55+s3+$0x0], $0xffff  }
0x259: {  	v32 =	vbroadcast v53, $0x1;
	v33 =	vbroadcast v53, $0x2;
	v62 =	vor.u32 $0x12, v0;
	v45 =	vld.idx.msk [tilespmem:v56+s3+$0x0], $0xffff  }
0x25a: {  	v34 =	vbroadcast v53, $0x3;
	v35 =	vbroadcast v53, $0x4;
	v63 =	vor.u32 $0x13, v0;
	v41 =	vld.idx.msk [tilespmem:v57+s3+$0x0], $0xffff  }
0x25b: {  	v36 =	vbroadcast v53, $0x5;
	v37 =	vbroadcast v53, $0x6;
	v48 =	vor.u32 $0x14, v0;
	v1 =	vld.idx.msk [tilespmem:v1+s3+$0x0], $0xffff  }
0x25c: {  	v38 =	vbroadcast v53, $0x7;
	v40 =	vbroadcast v53, $0x8;
	v43 =	vld.idx.msk [tilespmem:v60+s3+$0x0], $0xffff  }
0x25d: {  	v39 =	vbroadcast v53, $0x9;
	v57 =	vsub.f32 v2, v58;
	v42 =	vsub.f32 v58, v15  }
0x25e: {  	v49 =	vor.u32 $0x16, v0;
	v46 =	vld.idx.msk [tilespmem:v62+s3+$0x0], $0xffff;
	v60 =	vsub.f32 v3, v61;
	v44 =	vsub.f32 v61, v16  }
0x25f: {  	v50 =	vor.u32 $0x17, v0;
	v47 =	vld.idx.msk [tilespmem:v63+s3+$0x0], $0xffff;
	v61 =	vsub.f32 v4, v45;
	v45 =	vsub.f32 v45, v17  }
0x260: {  	v48 =	vld.idx.msk [tilespmem:v48+s3+$0x0], $0xffff;
	v58 =	vor.u32 $0x15, v0;
	v62 =	vsub.f32 v5, v41;
	v63 =	vsub.f32 v1, v19  }
0x261: {  	s21 =	simm.s32 $0x15200;
	v0 =	vor.u32 $0x19, v0;
	v56 =	vsub.f32 v13, v43;
	v1 =	vsub.f32 v6, v1  }
0x262: {  	v51 =	vld [tilespmem:s21+$0x0];
	v43 =	vsub.f32 v43, v27;
	v41 =	vsub.f32 v41, v18;
	v42 =	vmin.f32 v57, v42  }
0x263: {  	v44 =	vmin.f32 v60, v44;
	v45 =	vmin.f32 v61, v45;
	v1 =	vmin.f32 v1, v63  }
0x264: {  	v49 =	vld.idx.msk [tilespmem:v49+s3+$0x0], $0xffff;
	v60 =	vsub.f32 v47, v21;
	v41 =	vmin.f32 v62, v41;
	v61 =	vsub.f32 v8, v47  }
0x265: {  	v50 =	vld.idx.msk [tilespmem:v50+s3+$0x0], $0xffff;
	v62 =	vsub.f32 v9, v48;
	v42 =	vmul.f32 v42, v28;
	v44 =	vmul.f32 v44, v29  }
0x266: {  	v48 =	vsub.f32 v48, v22;
	v45 =	vmul.f32 v45, v30;
	v1 =	vmul.f32 v1, v32  }
0x267: {  	v41 =	vmul.f32 v41, v31;
	v42 =	vmin.f32 v51, v42;
	v57 =	vld.idx.msk [tilespmem:v58+s3+$0x0], $0xffff;
	v58 =	vsub.f32 v7, v46  }
0x268: {  	v51 =	vmin.f32 v56, v43;
	v46 =	vsub.f32 v46, v20;
	v42 =	vmin.f32 v42, v44  }
0x269: {  	v43 =	vmin.f32 v61, v60;
	v60 =	vsub.f32 v49, v24;
	v42 =	vmin.f32 v42, v45  }
0x26a: {  	v61 =	vsub.f32 v12, v50;
	v54 =	vmul.f32 v43, v34;
	v41 =	vmin.f32 v42, v41  }
0x26b: {  	v56 =	vmin.f32 v58, v46;
	v58 =	vsub.f32 v11, v49;
	v1 =	vmin.f32 v41, v1  }
0x26c: {  	v41 =	vld.idx.msk [tilespmem:v0+s3+$0x0], $0xffff;
	v0 =	vmul.f32 v56, v33;
	v63 =	vsub.f32 v57, v23;
	v55 =	vsub.f32 v10, v57  }
0x26d: {  	v42 =	vmul.f32 v51, v40;
	v57 =	vmin.f32 v62, v48;
	v62 =	vmin.f32 v58, v60  }
0x26e: {  	v45 =	vmul.f32 v57, v35;
	v0 =	vmin.f32 v1, v0;
	v43 =	vmin.f32 v55, v63  }
0x26f: {  	v0 =	vmin.f32 v0, v54;
	v63 =	vsub.f32 v50, v25;
	v1 =	vmul.f32 v43, v36  }
0x270: {  	v55 =	vimm.f32 $0.0e+00;
	v43 =	vmul.f32 v62, v37;
	v0 =	vmin.f32 v0, v45  }
0x271: {  	s23 =	simm.s32 $0x15000;
	s24 =	simm.s32 $0x10;
	s22 =	simm.s32 $0x15000;
	v46 =	vmin.f32 v61, v63;
	v44 =	vsub.f32 v14, v41;
	v45 =	vmin.f32 v0, v1  }
.LBB2_14:
0x272: {  	p1 =	sne.s32 s24, $0x140;
	v0 =	vmul.f32 v46, v38;
	v1 =	vsub.f32 v41, v26;
	s21 =	sadd.s32 $0x10, s21;
	s23 =	sadd.s32 $0x10, s23  }
0x273: {  	v41 =	vmov s24;
	s24 =	sadd.s32 $0x10, s24;
	v43 =	vmin.f32 v45, v43  }
0x274: {  	v41 =	vshll.u32 v41, $0x7;
	v0 =	vmin.f32 v43, v0;
	v1 =	vmin.f32 v44, v1  }
0x275: {  	v0 =	vmin.f32 v0, v42;
	v1 =	vmul.f32 v1, v39;
	v41 =	vor.u32 v59, v41  }
0x276: {  	v42 =	vor.u32 $0xD, v41;
	v43 =	vor.u32 $0xE, v41;
	v44 =	vor.u32 $0xF, v41  }
0x277: {  	v45 =	vor.u32 $0x10, v41;
	v46 =	vor.u32 $0x11, v41;
	v0 =	vmin.f32 v0, v1  }
0x278: {  	v1 =	vor.u32 $0x13, v41;
	v47 =	vor.u32 $0x14, v41;
	vm0 =	vge.f32 v0, $0.0e+00  }
0x279: {  	v48 =	vor.u32 $0x17, v41;
	v0 =	vor.u32 $0x16, v41;
	v49 =	vsel vm0, $0x3F800000, v55  }
0x27a: {  	v50 =	vor.u32 $0x19, v41;
	[tilespmem:s22+$0x0] =	vst v49;
	s22 =	smov.u32 s23  }
0x27b: {  	v49 =	vor.u32 $0x18, v41;
	v42 =	vld.idx.msk [tilespmem:v42+s3+$0x0], $0xffff  }
0x27c: {  	v43 =	vld.idx.msk [tilespmem:v43+s3+$0x0], $0xffff  }
0x27d: {  	v51 =	vor.u32 $0x12, v41;
	v44 =	vld.idx.msk [tilespmem:v44+s3+$0x0], $0xffff  }
0x27e: {  	v45 =	vld.idx.msk [tilespmem:v45+s3+$0x0], $0xffff  }
0x27f: {  	v46 =	vld.idx.msk [tilespmem:v46+s3+$0x0], $0xffff  }
0x280: {  	v49 =	vld.idx.msk [tilespmem:v49+s3+$0x0], $0xffff  }
0x281: {  	v41 =	vor.u32 $0x15, v41;
	v53 =	vsub.f32 v2, v42;
	v42 =	vsub.f32 v42, v15;
	v52 =	vld [tilespmem:s21+$0x0]  }
0x282: {  	v54 =	vsub.f32 v3, v43;
	v43 =	vsub.f32 v43, v16;
	v51 =	vld.idx.msk [tilespmem:v51+s3+$0x0], $0xffff  }
0x283: {  	v42 =	vmin.f32 v53, v42;
	v53 =	vsub.f32 v4, v44;
	v44 =	vsub.f32 v44, v17;
	v1 =	vld.idx.msk [tilespmem:v1+s3+$0x0], $0xffff  }
0x284: {  	v42 =	vmul.f32 v42, v28;
	v43 =	vmin.f32 v54, v43;
	v54 =	vsub.f32 v5, v45  }
0x285: {  	v43 =	vmul.f32 v43, v29;
	v44 =	vmin.f32 v53, v44;
	v53 =	vsub.f32 v46, v19;
	v47 =	vld.idx.msk [tilespmem:v47+s3+$0x0], $0xffff  }
0x286: {  	v44 =	vmul.f32 v44, v30;
	v42 =	vmin.f32 v52, v42;
	v41 =	vld.idx.msk [tilespmem:v41+s3+$0x0], $0xffff;
	v52 =	vsub.f32 v13, v49  }
0x287: {  	v42 =	vmin.f32 v42, v43;
	v43 =	vsub.f32 v6, v46;
	v46 =	vsub.f32 v49, v27  }
0x288: {  	v42 =	vmin.f32 v42, v44;
	v44 =	vsub.f32 v45, v18;
	v45 =	vsub.f32 v7, v51  }
0x289: {  	v49 =	vsub.f32 v1, v21;
	v43 =	vmin.f32 v43, v53;
	v0 =	vld.idx.msk [tilespmem:v0+s3+$0x0], $0xffff;
	v46 =	vmin.f32 v52, v46  }
0x28a: {  	v1 =	vsub.f32 v8, v1;
	v44 =	vmin.f32 v54, v44;
	v43 =	vmul.f32 v43, v32;
	v48 =	vld.idx.msk [tilespmem:v48+s3+$0x0], $0xffff  }
0x28b: {  	v52 =	vsub.f32 v9, v47;
	v47 =	vsub.f32 v47, v22;
	v44 =	vmul.f32 v44, v31  }
0x28c: {  	v51 =	vsub.f32 v51, v20;
	v1 =	vmin.f32 v1, v49;
	v49 =	vsub.f32 v41, v23  }
0x28d: {  	v1 =	vmul.f32 v1, v34;
	v42 =	vmin.f32 v42, v44;
	v44 =	vsub.f32 v10, v41  }
0x28e: {  	v42 =	vmin.f32 v42, v43;
	v43 =	vmin.f32 v45, v51;
	v45 =	vmin.f32 v52, v47;
	v41 =	vld.idx.msk [tilespmem:v50+s3+$0x0], $0xffff  }
0x28f: {  	v47 =	vsub.f32 v11, v0;
	v0 =	vsub.f32 v0, v24;
	v43 =	vmul.f32 v43, v33  }
.Ltmp8:
0x290: {  	v45 =	vmul.f32 v45, v35;
	v44 =	vmin.f32 v44, v49;
	v49 =	vsub.f32 v12, v48;
	(pc) =	sbr.rel @p1 .LBB2_14-.Ltmp8, $4  }
0x291: {  	v44 =	vmul.f32 v44, v36;
	v0 =	vmin.f32 v47, v0;
	v42 =	vmin.f32 v42, v43  }
0x292: {  	v43 =	vmul.f32 v0, v37;
	v0 =	vsub.f32 v48, v25;
	v1 =	vmin.f32 v42, v1  }
0x293: {  	v42 =	vmul.f32 v46, v40;
	v1 =	vmin.f32 v1, v45  }
0x294: {  	v46 =	vmin.f32 v49, v0;
	v45 =	vmin.f32 v1, v44;
	v44 =	vsub.f32 v14, v41  }
0x295: {  	v0 =	vsub.f32 v41, v26  }
0x296: {  	v1 =	vmul.f32 v46, v38  }
0x297: {  	v2 =	vmin.f32 v45, v43;
	v0 =	vmin.f32 v44, v0  }
0x298: {  	v1 =	vmin.f32 v2, v1;
	v0 =	vmul.f32 v0, v39  }
0x299: {  	v1 =	vmin.f32 v1, v42  }
0x29a: {  	v0 =	vmin.f32 v1, v0  }
0x29b: {  	vm0 =	vge.f32 v0, $0.0e+00  }
0x29c: {  	v0 =	vsel vm0, $0x3F800000, v55  }
.Ltmp9:
0x29d: {  	[tilespmem:s22+$0x0] =	vst v0;
	(pc) =	sbr.rel @p0 .LBB2_17-.Ltmp9, $4  }
0x29e: {  	[hbm4b:s10+s3] =	stream.linear.scatter [tilespmem:s18], [sflag:$0x3], $0x150, $0x38;
	[tilespmem:$0x15380] =	vst v63  }
0x29f: {  	_ =	swait.ge [sflag:s15], $0x150  }
0x2a0: {  	[sflag:s15] =	ssyncset.done $0x0  }
0x2a1: {  	[sflag:s15] =	ssyncadd.s32 $0xFFFFFEB0  }
0x2a2: {  	[tilespmem:s16], [sflag:$0x3] =	stream.linear.gather [hbm4b:s11+s3], $0x800, $0x38;
	[tilespmem:$0x15380] =	vst v63  }
0x2a3: {  	_ =	swait.ge [sflag:s15], $0x800  }
0x2a4: {  	[sflag:s15] =	ssyncset.done $0x0  }
0x2a5: {  	[sflag:s15] =	ssyncadd.s32 $0xFFFFF800  }
0x2a6: {  	v0 =	vld [tilespmem:$0x15180];
	_ =	sdelay $0x4  }
0x2a7: {  	v1 =	vbroadcast v0, $0x0  }
0x2a8: {  	v2 =	vbroadcast v0, $0x1;
	v3 =	vbroadcast v0, $0x2  }
0x2a9: {  	v5 =	vld [tilespmem:$0x151A0];
	v4 =	vbroadcast v0, $0x3;
	v6 =	vbroadcast v0, $0x4  }
0x2aa: {  	v22 =	vor.u32 $0x1, v59;
	v7 =	vbroadcast v0, $0x5;
	v8 =	vbroadcast v0, $0x6  }
0x2ab: {  	v25 =	vor.u32 $0x2, v59;
	v9 =	vbroadcast v0, $0x7;
	v10 =	vbroadcast v0, $0x8  }
0x2ac: {  	v34 =	vor.u32 $0x3, v59;
	v11 =	vbroadcast v0, $0x9;
	v12 =	vbroadcast v0, $0xA  }
0x2ad: {  	v39 =	vor.u32 $0x4, v59;
	v13 =	vbroadcast v0, $0xB;
	v0 =	vbroadcast v0, $0xC  }
0x2ae: {  	v45 =	vor.u32 $0x5, v59;
	v14 =	vbroadcast v5, $0x0;
	v15 =	vbroadcast v5, $0x1  }
0x2af: {  	v47 =	vor.u32 $0x6, v59;
	v19 =	vld [tilespmem:$0x151C0];
	v16 =	vbroadcast v5, $0x2;
	v17 =	vbroadcast v5, $0x3  }
0x2b0: {  	v48 =	vor.u32 $0x7, v59;
	v28 =	vld.idx.msk [tilespmem:v59+s16+$0x0], $0xffff;
	v18 =	vbroadcast v5, $0x4;
	v20 =	vbroadcast v5, $0x5  }
0x2b1: {  	v60 =	vor.u32 $0xC, v59;
	v22 =	vld.idx.msk [tilespmem:v22+s16+$0x0], $0xffff;
	v21 =	vbroadcast v5, $0x6;
	v23 =	vbroadcast v5, $0x7  }
0x2b2: {  	v51 =	vor.u32 $0x8, v59;
	v25 =	vld.idx.msk [tilespmem:v25+s16+$0x0], $0xffff;
	v24 =	vbroadcast v5, $0x8;
	v26 =	vbroadcast v5, $0x9  }
0x2b3: {  	v53 =	vor.u32 $0x9, v59;
	v46 =	vld.idx.msk [tilespmem:v34+s16+$0x0], $0xffff;
	v27 =	vbroadcast v5, $0xA;
	v29 =	vbroadcast v5, $0xB  }
0x2b4: {  	v54 =	vor.u32 $0xA, v59;
	v50 =	vld.idx.msk [tilespmem:v39+s16+$0x0], $0xffff;
	v5 =	vbroadcast v5, $0xC;
	v30 =	vbroadcast v19, $0x0  }
0x2b5: {  	v58 =	vor.u32 $0xB, v59;
	v52 =	vld.idx.msk [tilespmem:v47+s16+$0x0], $0xffff;
	v31 =	vbroadcast v19, $0x1;
	v32 =	vbroadcast v19, $0x2  }
0x2b6: {  	v41 =	vld.idx.msk [tilespmem:v60+s16+$0x0], $0xffff;
	v60 =	vor.u32 $0xF, v59;
	v33 =	vbroadcast v19, $0x3;
	v35 =	vbroadcast v19, $0x4  }
0x2b7: {  	v57 =	vld.idx.msk [tilespmem:v48+s16+$0x0], $0xffff;
	v36 =	vbroadcast v19, $0x5;
	v1 =	vsub.f32 v1, v28;
	v14 =	vsub.f32 v28, v14  }
0x2b8: {  	v61 =	vld.idx.msk [tilespmem:v51+s16+$0x0], $0xffff;
	v37 =	vbroadcast v19, $0x6;
	v2 =	vsub.f32 v2, v22;
	v15 =	vsub.f32 v22, v15  }
0x2b9: {  	v63 =	vld.idx.msk [tilespmem:v53+s16+$0x0], $0xffff;
	v44 =	vbroadcast v19, $0x7;
	v3 =	vsub.f32 v3, v25;
	v16 =	vsub.f32 v25, v16  }
0x2ba: {  	v47 =	vld [tilespmem:$0x15190];
	v38 =	vbroadcast v19, $0x8;
	v4 =	vsub.f32 v4, v46;
	v17 =	vsub.f32 v46, v17  }
0x2bb: {  	v51 =	vld [tilespmem:$0x151B0];
	v40 =	vbroadcast v19, $0x9;
	v6 =	vsub.f32 v6, v50;
	v8 =	vsub.f32 v8, v52  }
0x2bc: {  	v49 =	vbroadcast v19, $0xB;
	v62 =	vsub.f32 v52, v21;
	v34 =	vsub.f32 v9, v57  }
0x2bd: {  	v25 =	vbroadcast v19, $0xA;
	v42 =	vsub.f32 v10, v61;
	v43 =	vsub.f32 v61, v24  }
0x2be: {  	v19 =	vbroadcast v19, $0xC;
	v11 =	vsub.f32 v11, v63;
	v0 =	vsub.f32 v0, v41  }
0x2bf: {  	v5 =	vsub.f32 v41, v5;
	v10 =	vbroadcast v47, $0x1;
	v52 =	vor.u32 $0xD, v59  }
0x2c0: {  	v24 =	vbroadcast v51, $0x3;
	v28 =	vbroadcast v51, $0x5;
	v61 =	vor.u32 $0x10, v59  }
0x2c1: {  	v1 =	vmin.f32 v1, v14;
	v2 =	vmin.f32 v2, v15;
	v3 =	vmin.f32 v3, v16  }
0x2c2: {  	v56 =	vmin.f32 v4, v17;
	v16 =	vsub.f32 v50, v18;
	v15 =	vbroadcast v47, $0x5  }
0x2c3: {  	v46 =	vld [tilespmem:$0x15180];
	v4 =	vsub.f32 v57, v23;
	v17 =	vbroadcast v47, $0x8;
	v23 =	vbroadcast v51, $0x2  }
0x2c4: {  	v0 =	vmin.f32 v0, v5;
	v1 =	vmul.f32 v1, v30;
	v2 =	vmul.f32 v2, v31  }
0x2c5: {  	v14 =	vld.idx.msk [tilespmem:v45+s16+$0x0], $0xffff;
	v3 =	vmul.f32 v3, v32;
	v0 =	vmul.f32 v0, v19;
	v6 =	vmin.f32 v6, v16  }
0x2c6: {  	v50 =	vld [tilespmem:$0x151A0];
	v4 =	vmin.f32 v34, v4;
	v16 =	vbroadcast v47, $0x7;
	v1 =	vmin.f32 v1, $1.000000020e+30  }
0x2c7: {  	v57 =	vld [tilespmem:$0x151C0];
	v31 =	vmul.f32 v6, v35;
	v4 =	vmul.f32 v4, v44;
	v44 =	vsub.f32 v63, v26  }
0x2c8: {  	v48 =	vbroadcast v46, $0xD;
	v6 =	vbroadcast v46, $0xF;
	v1 =	vmin.f32 v1, v2  }
0x2c9: {  	v35 =	vld.idx.msk [tilespmem:v58+s16+$0x0], $0xffff;
	v58 =	vor.u32 $0xE, v59;
	v1 =	vmin.f32 v1, v3;
	v3 =	vmul.f32 v56, v33  }
0x2ca: {  	v7 =	vsub.f32 v7, v14;
	v14 =	vsub.f32 v14, v20;
	v33 =	vmin.f32 v8, v62  }
0x2cb: {  	v2 =	vld.idx.msk [tilespmem:v54+s16+$0x0], $0xffff;
	v8 =	vmin.f32 v42, v43;
	v53 =	vbroadcast v50, $0xD;
	v54 =	vbroadcast v50, $0xE  }
0x2cc: {  	v11 =	vmin.f32 v11, v44;
	v56 =	vbroadcast v51, $0x0;
	v62 =	vbroadcast v57, $0xD  }
0x2cd: {  	v63 =	vbroadcast v57, $0xE;
	v21 =	vbroadcast v57, $0xF;
	v32 =	vmin.f32 v7, v14  }
0x2ce: {  	v39 =	vmul.f32 v33, v37;
	v1 =	vmin.f32 v1, v3;
	v36 =	vmul.f32 v32, v36  }
0x2cf: {  	v8 =	vmul.f32 v8, v38;
	v11 =	vmul.f32 v11, v40;
	v1 =	vmin.f32 v1, v31  }
0x2d0: {  	v45 =	vsub.f32 v12, v2;
	v2 =	vsub.f32 v2, v27;
	v1 =	vmin.f32 v1, v36  }
0x2d1: {  	v26 =	vld [tilespmem:$0x151D0];
	v13 =	vsub.f32 v13, v35;
	v9 =	vsub.f32 v35, v29;
	v1 =	vmin.f32 v1, v39  }
0x2d2: {  	v7 =	vbroadcast v47, $0x9;
	v2 =	vmin.f32 v45, v2;
	v1 =	vmin.f32 v1, v4  }
0x2d3: {  	v9 =	vmin.f32 v13, v9;
	v2 =	vmul.f32 v2, v25;
	v1 =	vmin.f32 v1, v8  }
0x2d4: {  	v14 =	vbroadcast v51, $0x9;
	v9 =	vmul.f32 v9, v49;
	v1 =	vmin.f32 v1, v11  }
0x2d5: {  	v29 =	vbroadcast v51, $0x6;
	v31 =	vbroadcast v51, $0x7;
	v1 =	vmin.f32 v1, v2  }
0x2d6: {  	v32 =	vbroadcast v51, $0x8;
	v42 =	vbroadcast v26, $0x0;
	v1 =	vmin.f32 v1, v9  }
0x2d7: {  	v43 =	vbroadcast v26, $0x1;
	v57 =	vbroadcast v26, $0x5;
	v0 =	vmin.f32 v1, v0  }
0x2d8: {  	v40 =	vbroadcast v26, $0x6;
	v12 =	vbroadcast v50, $0xF;
	[tilespmem:$0x15200] =	vst v0  }
0x2d9: {  	v34 =	vor.u32 $0x17, v59;
	v50 =	vbroadcast v26, $0x4;
	v13 =	vbroadcast v47, $0x3;
	v18 =	vld.idx.msk [tilespmem:v52+s16+$0x0], $0xffff  }
0x2da: {  	v44 =	vor.u32 $0x11, v59;
	v49 =	vbroadcast v46, $0xE;
	v4 =	vbroadcast v47, $0x0;
	v22 =	vld.idx.msk [tilespmem:v58+s16+$0x0], $0xffff  }
0x2db: {  	v37 =	vor.u32 $0x19, v59;
	v25 =	vbroadcast v51, $0x4;
	v8 =	vbroadcast v47, $0x2;
	v27 =	vld.idx.msk [tilespmem:v60+s16+$0x0], $0xffff  }
0x2dc: {  	v46 =	vor.u32 $0x12, v59;
	v11 =	vbroadcast v47, $0x4;
	v2 =	vbroadcast v47, $0x6;
	v45 =	vld.idx.msk [tilespmem:v61+s16+$0x0], $0xffff  }
0x2dd: {  	v35 =	vor.u32 $0x18, v59;
	v47 =	vbroadcast v26, $0x2;
	v1 =	vbroadcast v51, $0x1  }
0x2de: {  	v51 =	vor.u32 $0x13, v59;
	v3 =	vsub.f32 v48, v18;
	v9 =	vsub.f32 v18, v53  }
0x2df: {  	v61 =	vor.u32 $0x15, v59;
	v5 =	vsub.f32 v49, v22;
	v49 =	vsub.f32 v22, v54  }
0x2e0: {  	v48 =	vbroadcast v26, $0x3;
	v6 =	vsub.f32 v6, v27;
	v52 =	vsub.f32 v27, v12;
	v53 =	vld.idx.msk [tilespmem:v44+s16+$0x0], $0xffff  }
0x2e1: {  	v4 =	vsub.f32 v4, v45;
	v18 =	vsub.f32 v45, v56;
	v54 =	vld.idx.msk [tilespmem:v46+s16+$0x0], $0xffff;
	v56 =	vor.u32 $0x14, v59  }
0x2e2: {  	v45 =	vbroadcast v26, $0x7;
	v3 =	vmin.f32 v3, v9;
	v5 =	vmin.f32 v5, v49  }
0x2e3: {  	v60 =	vmin.f32 v6, v52;
	v49 =	vbroadcast v26, $0x8;
	v3 =	vmul.f32 v3, v62  }
0x2e4: {  	v4 =	vmin.f32 v4, v18;
	v58 =	vmul.f32 v5, v63;
	v62 =	vmul.f32 v60, v21;
	v63 =	vld.idx.msk [tilespmem:v51+s16+$0x0], $0xffff  }
0x2e5: {  	v21 =	vor.u32 $0x16, v59;
	v18 =	vsub.f32 v10, v53;
	v1 =	vsub.f32 v53, v1  }
0x2e6: {  	v0 =	vmin.f32 v0, v3;
	v22 =	vsub.f32 v8, v54;
	v23 =	vsub.f32 v54, v23;
	v33 =	vld.idx.msk [tilespmem:v56+s16+$0x0], $0xffff  }
0x2e7: {  	v4 =	vmul.f32 v4, v42;
	v8 =	vld.idx.msk [tilespmem:v35+s16+$0x0], $0xffff;
	v0 =	vmin.f32 v0, v58;
	v1 =	vmin.f32 v18, v1  }
0x2e8: {  	v6 =	vld.idx.msk [tilespmem:v61+s16+$0x0], $0xffff;
	v0 =	vmin.f32 v0, v62;
	v3 =	vmin.f32 v22, v23;
	v1 =	vmul.f32 v1, v43  }
0x2e9: {  	v51 =	vld.idx.msk [tilespmem:v37+s16+$0x0], $0xffff;
	v0 =	vmin.f32 v0, v4;
	v36 =	vsub.f32 v13, v63;
	v5 =	vsub.f32 v63, v24  }
0x2ea: {  	v52 =	vbroadcast v26, $0x9;
	v41 =	vmul.f32 v3, v47;
	v42 =	vld.idx.msk [tilespmem:v21+s16+$0x0], $0xffff;
	v0 =	vmin.f32 v0, v1  }
0x2eb: {  	v4 =	vld.idx.msk [tilespmem:v34+s16+$0x0], $0xffff;
	v5 =	vmin.f32 v36, v5;
	v43 =	vsub.f32 v11, v33;
	v44 =	vsub.f32 v33, v25  }
0x2ec: {  	v56 =	vsub.f32 v17, v8;
	v8 =	vsub.f32 v8, v32;
	v46 =	vmul.f32 v5, v48  }
0x2ed: {  	v0 =	vmin.f32 v0, v41;
	v48 =	vsub.f32 v15, v6;
	v6 =	vsub.f32 v6, v28  }
0x2ee: {  	v5 =	vsub.f32 v51, v14;
	v47 =	vmin.f32 v43, v44;
	v0 =	vmin.f32 v0, v46  }
0x2ef: {  	v50 =	vmul.f32 v47, v50;
	v2 =	vsub.f32 v2, v42;
	v3 =	vsub.f32 v42, v29  }
0x2f0: {  	v6 =	vmin.f32 v48, v6;
	v54 =	vsub.f32 v16, v4;
	v4 =	vsub.f32 v4, v31  }
0x2f1: {  	v53 =	vmul.f32 v6, v57;
	v57 =	vsub.f32 v7, v51;
	v2 =	vmin.f32 v2, v3  }
0x2f2: {  	v0 =	vmin.f32 v0, v50;
	v3 =	vmin.f32 v54, v4;
	v2 =	vmul.f32 v2, v40  }
0x2f3: {  	v60 =	vmin.f32 v56, v8;
	v0 =	vmin.f32 v0, v53;
	v58 =	vmul.f32 v3, v45  }
0x2f4: {  	v61 =	vmul.f32 v60, v49;
	v62 =	vmin.f32 v57, v5;
	v0 =	vmin.f32 v0, v2  }
0x2f5: {  	v63 =	vmul.f32 v62, v52;
	v0 =	vmin.f32 v0, v58  }
0x2f6: {  	v0 =	vmin.f32 v0, v61  }
0x2f7: {  	v0 =	vmin.f32 v0, v63  }
0x2f8: {  	vm0 =	vge.f32 v0, $0.0e+00  }
0x2f9: {  	v0 =	vsel vm0, $0x3F800000, v55  }
.Ltmp10:
0x2fa: {  	[tilespmem:$0x15000] =	vst v0;
	(pc) =	sbr.rel .LBB2_17-.Ltmp10, $4  }
0x2fb: {  	[hbm4b:s12+s3] =	stream.linear.scatter [tilespmem:s18], [sflag:$0x3], $0x10, $0x38;
	[tilespmem:$0x15380] =	vst v63  }
0x2fc: {  	_ =	swait.ge [sflag:s15], $0x10  }
0x2fd: {  	[sflag:s15] =	ssyncset.done $0x0  }
0x2fe: {  	[sflag:s15] =	ssyncadd.s32 $0xFFFFFFF0  }
.LBB2_18:
0x2ff: {  	_ =	sfence.sel $0x180000  }
0x300: {  	[bflag:$0x0] =	sbarrier.arrive $0xFFFF  }
0x301: {  	p0 =	sne.s32 s0, $0x0;
	_ =	strace $0x90000047  }
0x302: {  	s0 =	sadd.s32 @!p0 $0x100000, s1;
	[bflag:$0x2] =	sbarrier.arrive $0xFFFF  }
0x303: {  	[sflag:s0] =	ssyncadd.tile.s32 @!p0 $0x1;
	_ =	shalt  }
.Lfunc_end2:
_tile_overlayer_lowered:
.L_overlay_start_2:
0x304: {  	(tag) =	ssettag $0x2  }
0x305: {  	s0 =	rddreg [dreg:$0x0];
	s2 =	stileid.u32  }
0x306: {  	s1 =	rddreg [dreg:$0x1];
	p0 =	sne.s32 s2, $0x0  }
0x307: {  	s3 =	rddreg [dreg:$0x2];
	[bflag:$0x3] =	sbarrier.arrive $0xFFFF;
	s2 =	simm.s32 @!p0 $0x1C03  }
0x308: {  	[timem:s3], [sflag:s2] =	dma.local @!p0 [hbm:s0], s1  }
0x309: {  	s0 =	simm.s32 @!p0 $0x3  }
0x30a: {  	_ =	swait.ge @!p0 [sflag:s0], s1  }
0x30b: {  	s1 =	ssub.s32 @!p0 $0x0, s1;
	[sflag:s0] =	ssyncset.done @!p0 $0x0  }
0x30c: {  	[sflag:s0] =	ssyncadd.s32 @!p0 s1  }
0x30d: {  	[bflag:$0x3] =	sbarrier.arrive $0xFFFF  }
0x30e: {  	_ =	shalt  }

</sc_bundles>
